<compile_context>
chip_gen: v7x
topology: tpu7x:2x2x1
jax: 0.10.2.dev20260603
libtpu: 0.0.44.dev20260713+nightly
codegen_flags: <defaults>
</compile_context>

<pallas_src>
import functools

import jax
import jax.numpy as jnp
from jax import lax
from jax.experimental import pallas as pl
from jax.experimental.pallas import tpu as pltpu
from jax.experimental.pallas import tpu_sc as plsc

NN = 10000
NE = 320000
NG = 16
NC, NS, LANES = 2, 16, 16
NW = NC * NS
CHUNK = 128
ROWS_PT = 81
EPAD = NW * ROWS_PT * CHUNK
EREAL = NE + NN
NNP = 10240
FW = 128
BLK = 1000


def _fold(W, a_src, a_dst, heads, ch):
    Wh = W.reshape(W.shape[0], heads, ch)
    ws = jnp.einsum("khc,hc->kh", Wh, a_src)
    wd = jnp.einsum("khc,hc->kh", Wh, a_dst)
    return jnp.concatenate([W, ws, wd], axis=1)


def _mm_call(x, w):
    n, kk = x.shape
    m = w.shape[1]
    grid = n // BLK

    def body(x_ref, w_ref, y_ref, mx_ref):
        i = pl.program_id(0)
        y = jnp.dot(x_ref[...], w_ref[...], preferred_element_type=jnp.float32)
        y_ref[...] = y
        bm = jnp.max(y, axis=0, keepdims=True)

        @pl.when(i == 0)
        def _():
            mx_ref[...] = bm

        @pl.when(i > 0)
        def _():
            mx_ref[...] = jnp.maximum(mx_ref[...], bm)

    return pl.pallas_call(
        body,
        grid=(grid,),
        in_specs=[pl.BlockSpec((BLK, kk), lambda i: (i, 0)),
                  pl.BlockSpec((kk, m), lambda i: (0, 0))],
        out_specs=[pl.BlockSpec((BLK, m), lambda i: (i, 0)),
                   pl.BlockSpec((1, m), lambda i: (0, 0))],
        out_shape=[jax.ShapeDtypeStruct((n, m), jnp.float32),
                   jax.ShapeDtypeStruct((1, m), jnp.float32)],
    )(x, w)


def _gat_epilogue(accs, b_ref, heads, ch):
    sums = [a[0] + a[1] for a in accs]
    if len(sums) == 1:
        feat = sums[0][:, :64]
    else:
        feat = jnp.concatenate([s[:, :64] for s in sums], axis=1)
    rec = 1.0 / (sums[0][:, 64:64 + heads] + 1e-16)
    pieces = [feat[:, h * ch:(h + 1) * ch] * rec[:, h:h + 1]
              for h in range(heads)]
    return jnp.concatenate(pieces, axis=1) + b_ref[...]


def _mid_call(acc_list, b, w, heads, ch):
    f = heads * ch
    m = w.shape[1]
    kk = w.shape[0]
    grid = NN // BLK
    nacc = len(acc_list)

    def body(*refs):
        acc_refs = refs[:nacc]
        b_ref, w_ref, y_ref, mx_ref = refs[nacc:]
        i = pl.program_id(0)
        accs = [r[...] for r in acc_refs]
        xx = jnp.maximum(_gat_epilogue(accs, b_ref, heads, ch), 0.0)
        y = jnp.dot(xx, w_ref[...], preferred_element_type=jnp.float32)
        y_ref[...] = y
        bm = jnp.max(y, axis=0, keepdims=True)

        @pl.when(i == 0)
        def _():
            mx_ref[...] = bm

        @pl.when(i > 0)
        def _():
            mx_ref[...] = jnp.maximum(mx_ref[...], bm)

    return pl.pallas_call(
        body,
        grid=(grid,),
        in_specs=[pl.BlockSpec((2, BLK, FW), lambda i: (0, i, 0))
                  for _ in range(nacc)]
                 + [pl.BlockSpec((1, f), lambda i: (0, 0)),
                    pl.BlockSpec((kk, m), lambda i: (0, 0))],
        out_specs=[pl.BlockSpec((BLK, m), lambda i: (i, 0)),
                   pl.BlockSpec((1, m), lambda i: (0, 0))],
        out_shape=[jax.ShapeDtypeStruct((NN, m), jnp.float32),
                   jax.ShapeDtypeStruct((1, m), jnp.float32)],
    )(*acc_list, b, w)


def _final_call(acc_list, b, oh):
    grid = NN // BLK
    nacc = len(acc_list)

    def body(*refs):
        acc_refs = refs[:nacc]
        b_ref, oh_ref, out_ref, ps, pc = refs[nacc:]
        i = pl.program_id(0)
        accs = [r[...] for r in acc_refs]
        xx = _gat_epilogue(accs, b_ref, 1, 128)
        oh = oh_ref[...]
        bsum = lax.dot_general(oh, xx, (((0,), (0,)), ((), ())),
                               preferred_element_type=jnp.float32)
        bcnt = jnp.broadcast_to(jnp.sum(oh, axis=0)[:, None], (NG, 128))

        @pl.when(i == 0)
        def _():
            ps[...] = bsum
            pc[...] = bcnt

        @pl.when(i > 0)
        def _():
            ps[...] = ps[...] + bsum
            pc[...] = pc[...] + bcnt

        @pl.when(i == grid - 1)
        def _():
            out_ref[...] = jax.nn.sigmoid(ps[...] / jnp.maximum(pc[...], 1.0))

    return pl.pallas_call(
        body,
        grid=(grid,),
        in_specs=[pl.BlockSpec((2, BLK, FW), lambda i: (0, i, 0))
                  for _ in range(nacc)]
                 + [pl.BlockSpec((1, 128), lambda i: (0, 0)),
                    pl.BlockSpec((BLK, NG), lambda i: (i, 0))],
        out_specs=pl.BlockSpec((NG, 128), lambda i: (0, 0)),
        out_shape=jax.ShapeDtypeStruct((NG, 128), jnp.float32),
        scratch_shapes=[pltpu.VMEM((NG, 128), jnp.float32),
                        pltpu.VMEM((NG, 128), jnp.float32)],
    )(*acc_list, b, oh)


def _sc_mesh():
    return plsc.VectorSubcoreMesh(core_axis_name="c", subcore_axis_name="s",
                                  num_cores=NC, num_subcores=NS)


_SC_PARAMS = pltpu.CompilerParams(needs_layout_passes=False)


def _sc_ex(sidx3, didx3, als, ald, atile, heads):
    nh = NN * heads
    ch_sz = CHUNK * heads

    @functools.partial(
        pl.kernel,
        out_type=jax.ShapeDtypeStruct((EPAD * heads,), jnp.float32),
        mesh=_sc_mesh(),
        compiler_params=_SC_PARAMS,
        scratch_types=[
            pltpu.VMEM((ROWS_PT, CHUNK), jnp.int32),
            pltpu.VMEM((ROWS_PT, CHUNK), jnp.int32),
            pltpu.VMEM((nh,), jnp.float32),
            pltpu.VMEM((nh,), jnp.float32),
            pltpu.VMEM((heads, 16), jnp.float32),
            pltpu.VMEM((ch_sz,), jnp.float32),
        ],
    )
    def k(sidx_h, didx_h, als_h, ald_h, atile_h, out_h,
          sidx_v, didx_v, als_v, ald_v, atile_v, exflat):
        cid = lax.axis_index("c")
        sid = lax.axis_index("s")
        wid = cid * NS + sid
        iota = lax.iota(jnp.int32, LANES)

        pltpu.sync_copy(sidx_h.at[wid], sidx_v)
        pltpu.sync_copy(didx_h.at[wid], didx_v)
        pltpu.sync_copy(als_h, als_v)
        pltpu.sync_copy(ald_h, ald_v)
        pltpu.sync_copy(atile_h, atile_v)

        ebase = wid * ROWS_PT * CHUNK

        @pl.loop(0, ROWS_PT)
        def _(j):
            @pl.loop(0, CHUNK // 16)
            def _(kk):
                srcv = sidx_v[j, pl.ds(kk * 16, 16)]
                dstv = didx_v[j, pl.ds(kk * 16, 16)]
                eid = ebase + j * CHUNK + kk * 16 + iota
                emask = eid < EREAL
                for h in range(heads):
                    a_s = plsc.load_gather(als_v, [srcv * heads + h])
                    a_d = plsc.load_gather(ald_v, [dstv * heads + h])
                    t = a_s + a_d
                    e = jnp.maximum(t, 0.0) + 0.2 * jnp.minimum(t, 0.0)
                    t2 = atile_v[h, :] + a_d
                    c = jnp.maximum(t2, 0.0) + 0.2 * jnp.minimum(t2, 0.0)
                    ex = jnp.where(emask, jnp.exp(e - c), 0.0)
                    exflat[pl.ds(h * CHUNK + kk * 16, 16)] = ex

            pltpu.sync_copy(
                exflat, out_h.at[pl.ds((wid * ROWS_PT + j) * ch_sz, ch_sz)])

    return k(sidx3, didx3, als, ald, atile)


def _sc_scatter(sidx3, didx3, htab, exout, heads, ghead, with_denom):
    ch_sz = CHUNK * heads
    rps = NNP // NS

    @functools.partial(
        pl.kernel,
        out_type=jax.ShapeDtypeStruct((NC, NNP, FW), jnp.float32),
        mesh=_sc_mesh(),
        compiler_params=_SC_PARAMS,
        scratch_types=[
            pltpu.VMEM((ROWS_PT, CHUNK), jnp.int32),
            pltpu.VMEM((ROWS_PT, CHUNK), jnp.int32),
            pltpu.VMEM((CHUNK, FW), jnp.float32),
            pltpu.VMEM((ch_sz,), jnp.float32),
            pltpu.VMEM_SHARED((NNP, FW), jnp.float32),
            pltpu.SemaphoreType.DMA,
        ],
    )
    def k(sidx_h, didx_h, htab_h, ex_h, out_h,
          sidx_v, didx_v, hbuf, exv, accs, gsem):
        cid = lax.axis_index("c")
        sid = lax.axis_index("s")
        wid = cid * NS + sid
        iota = lax.iota(jnp.int32, LANES)
        hvec = iota & (heads - 1)

        pltpu.sync_copy(sidx_h.at[wid], sidx_v)
        pltpu.sync_copy(didx_h.at[wid], didx_v)

        zv = jnp.zeros((LANES,), jnp.float32)

        @pl.loop(0, CHUNK)
        def _(e):
            for g in range(FW // 16):
                hbuf[e, pl.ds(g * 16, 16)] = zv

        r0 = sid * rps
        for i in range(rps // CHUNK):
            pltpu.sync_copy(hbuf, accs.at[pl.ds(r0 + i * CHUNK, CHUNK)])
        plsc.subcore_barrier()

        @pl.loop(0, ROWS_PT)
        def _(j):
            pltpu.async_copy(htab_h.at[sidx_v.at[j]], hbuf, gsem).wait()
            pltpu.sync_copy(
                ex_h.at[pl.ds((wid * ROWS_PT + j) * ch_sz, ch_sz)], exv)

            @pl.loop(0, CHUNK)
            def _(e):
                for g in range(4):
                    sv = plsc.load_gather(
                        exv,
                        [jnp.full((LANES,), ghead[g] * CHUNK + e, jnp.int32)])
                    hbuf[e, pl.ds(g * 16, 16)] = hbuf[e, pl.ds(g * 16, 16)] * sv
                if with_denom:
                    svx = plsc.load_gather(exv, [hvec * CHUNK + e])
                    hbuf[e, pl.ds(64, 16)] = hbuf[e, pl.ds(64, 16)] * svx

            pltpu.sync_copy(hbuf, accs.at[didx_v.at[j]], add=True)

        plsc.subcore_barrier()
        pltpu.sync_copy(accs.at[pl.ds(r0, rps)],
                        out_h.at[cid, pl.ds(r0, rps)])

    return k(sidx3, didx3, htab, exout)


def kernel(x, edge_index, batch, W1, a_src1, a_dst1, b1,
           W2, a_src2, a_dst2, b2, W3, a_src3, a_dst3, b3):
    ar = jnp.arange(NN, dtype=jnp.int32)
    src = jnp.concatenate([edge_index[0], ar])
    dst = jnp.concatenate([edge_index[1], ar])
    z = jnp.zeros((EPAD - EREAL,), jnp.int32)
    sidx3 = jnp.concatenate([src, z]).reshape(NW, ROWS_PT, CHUNK)
    didx3 = jnp.concatenate([dst, z]).reshape(NW, ROWS_PT, CHUNK)
    onehot = (batch[:, None] == jnp.arange(NG, dtype=batch.dtype)[None, :]
              ).astype(jnp.float32)
    ones4 = jnp.ones((NN, 4), jnp.float32)
    zer60 = jnp.zeros((NN, 60), jnp.float32)
    zer64 = jnp.zeros((NN, 64), jnp.float32)

    def atab(mx_row):
        return jnp.repeat(mx_row[:, None], 16, axis=1)

    y1, mx1 = _mm_call(x, _fold(W1, a_src1, a_dst1, 4, 16))
    htab1 = jnp.concatenate([y1[:, :64], ones4, zer60], axis=1)
    als1 = y1[:, 64:68].reshape(-1)
    ald1 = y1[:, 68:72].reshape(-1)
    ex1 = _sc_ex(sidx3, didx3, als1, ald1, atab(mx1[0, 64:68]), 4)
    acc1 = _sc_scatter(sidx3, didx3, htab1, ex1, 4, (0, 1, 2, 3), True)

    y2, mx2 = _mid_call([acc1], b1.reshape(1, 64),
                        _fold(W2, a_src2, a_dst2, 4, 32), 4, 16)
    als2 = y2[:, 128:132].reshape(-1)
    ald2 = y2[:, 132:136].reshape(-1)
    at2 = atab(mx2[0, 128:132])
    htab2a = jnp.concatenate([y2[:, :64], ones4, zer60], axis=1)
    htab2b = jnp.concatenate([y2[:, 64:128], zer64], axis=1)
    ex2 = _sc_ex(sidx3, didx3, als2, ald2, at2, 4)
    acc2a = _sc_scatter(sidx3, didx3, htab2a, ex2, 4, (0, 0, 1, 1), True)
    ex2b = ex2 + 0.0 * acc2a[0, 0, 0]
    acc2b = _sc_scatter(sidx3, didx3, htab2b, ex2b, 4, (2, 2, 3, 3), False)

    y3, mx3 = _mid_call([acc2a, acc2b], b2.reshape(1, 128),
                        _fold(W3, a_src3, a_dst3, 1, 128), 4, 32)
    als3 = y3[:, 128]
    ald3 = y3[:, 129]
    at3 = atab(mx3[0, 128:129])
    htab3a = jnp.concatenate([y3[:, :64], ones4[:, :1], zer60,
                              jnp.zeros((NN, 3), jnp.float32)], axis=1)
    htab3b = jnp.concatenate([y3[:, 64:128], zer64], axis=1)
    ex3 = _sc_ex(sidx3, didx3, als3, ald3, at3, 1)
    acc3a = _sc_scatter(sidx3, didx3, htab3a, ex3, 1, (0, 0, 0, 0), True)
    ex3b = ex3 + 0.0 * acc3a[0, 0, 0]
    acc3b = _sc_scatter(sidx3, didx3, htab3b, ex3b, 1, (0, 0, 0, 0), False)

    return _final_call([acc3a, acc3b], b3.reshape(1, 128), onehot)

# --- scband reference (transcript-rebuilt; emitter-appended) ---
"""Pipeline reference for scband-gatnet-38508676776213 (READ-ONLY COPY).

The authoritative reference and input builder live on the scoring server;
editing this copy changes nothing except your own understanding.
"""

import jax, jax.numpy as jnp
import numpy as np

N = 10000
E = 320000
NUM_GRAPHS = 16


def _glorot(k, shape):
    return jax.random.normal(k, shape, dtype=jnp.float32) * (1.0 / np.sqrt(shape[0]))


def setup_inputs(seed: int = 0) -> dict:
    key = jax.random.key(seed)
    ks = jax.random.split(key, 16)
    x = jax.random.normal(ks[0], (N, 128), dtype=jnp.float32)
    edge_index = jax.random.randint(ks[1], (2, E), 0, N, dtype=jnp.int32)
    batch = jnp.sort(jax.random.randint(ks[2], (N,), 0, NUM_GRAPHS, dtype=jnp.int32))
    # layer 1: GATConv(128 -> 16, heads=4, concat=True) => out 64
    W1 = _glorot(ks[3], (128, 64))
    a_src1 = jax.random.normal(ks[4], (4, 16), dtype=jnp.float32) * 0.1
    a_dst1 = jax.random.normal(ks[5], (4, 16), dtype=jnp.float32) * 0.1
    b1 = jnp.zeros((64,), dtype=jnp.float32)
    # layer 2: GATConv(64 -> 32, heads=4, concat=True) => out 128
    W2 = _glorot(ks[6], (64, 128))
    a_src2 = jax.random.normal(ks[7], (4, 32), dtype=jnp.float32) * 0.1
    a_dst2 = jax.random.normal(ks[8], (4, 32), dtype=jnp.float32) * 0.1
    b2 = jnp.zeros((128,), dtype=jnp.float32)
    # layer 3: GATConv(128 -> 128, heads=1, concat=False)
    W3 = _glorot(ks[9], (128, 128))
    a_src3 = jax.random.normal(ks[10], (1, 128), dtype=jnp.float32) * 0.1
    a_dst3 = jax.random.normal(ks[11], (1, 128), dtype=jnp.float32) * 0.1
    b3 = jnp.zeros((128,), dtype=jnp.float32)
    return {"x": x, "edge_index": edge_index, "batch": batch,
            "W1": W1, "a_src1": a_src1, "a_dst1": a_dst1, "b1": b1,
            "W2": W2, "a_src2": a_src2, "a_dst2": a_dst2, "b2": b2,
            "W3": W3, "a_src3": a_src3, "a_dst3": a_dst3, "b3": b3}


def _gat_conv(x, src, dst, W, a_src, a_dst, b, heads, ch, concat):
    n = x.shape[0]
    h = (x @ W).reshape(n, heads, ch)
    al_s = jnp.sum(h * a_src[None, :, :], axis=-1)  # [N, H]
    al_d = jnp.sum(h * a_dst[None, :, :], axis=-1)  # [N, H]
    e = jax.nn.leaky_relu(al_s[src] + al_d[dst], negative_slope=0.2)  # [E, H]
    m = jax.ops.segment_max(e, dst, num_segments=n)
    m = jnp.where(jnp.isfinite(m), m, 0.0)
    ex = jnp.exp(e - m[dst])
    denom = jax.ops.segment_sum(ex, dst, num_segments=n)
    alpha = ex / (denom[dst] + 1e-16)  # softmax over incoming edges per dst
    msg = h[src] * alpha[:, :, None]
    out = jax.ops.segment_sum(msg, dst, num_segments=n)  # [N, H, C]
    if concat:
        out = out.reshape(n, heads * ch)
    else:
        out = out.mean(axis=1)
    return out + b


def reference(x, edge_index, batch, W1, a_src1, a_dst1, b1, W2, a_src2, a_dst2, b2, W3, a_src3, a_dst3, b3):
    n = x.shape[0]
    # PyG GATConv default add_self_loops=True
    ar = jnp.arange(n, dtype=edge_index.dtype)
    src = jnp.concatenate([edge_index[0], ar])
    dst = jnp.concatenate([edge_index[1], ar])
    h = _gat_conv(x, src, dst, W1, a_src1, a_dst1, b1, 4, 16, True)
    h = jax.nn.relu(h)
    h = _gat_conv(h, src, dst, W2, a_src2, a_dst2, b2, 4, 32, True)
    h = jax.nn.relu(h)
    h = _gat_conv(h, src, dst, W3, a_src3, a_dst3, b3, 1, 128, False)
    # global mean pool over graphs in batch
    sums = jax.ops.segment_sum(h, batch, num_segments=NUM_GRAPHS)
    cnts = jax.ops.segment_sum(jnp.ones((n,), dtype=h.dtype), batch, num_segments=NUM_GRAPHS)
    pooled = sums / jnp.clip(cnts, 1.0, None)[:, None]
    return jax.nn.sigmoid(pooled)

if __name__ == "__main__":
    import jax
    _d = setup_inputs()
    print(jax.jit(kernel)(*tuple(_d.values())))

</pallas_src>

<mosaic_0001>
#map = affine_map<(d0, d1) -> (0, 0, 0)>
#map1 = affine_map<(d0, d1) -> (0, 0)>
#map2 = affine_map<(d0, d1) -> (0)>
module attributes {stable_mosaic.version = 14 : i64} {
  func.func @k(%arg0: i32, %arg1: i32, %arg2: memref<32x81x128xi32, #tpu.memory_space<hbm>>, %arg3: memref<32x81x128xi32, #tpu.memory_space<hbm>>, %arg4: memref<10000x128xf32, #tpu.memory_space<hbm>>, %arg5: memref<1327104xf32, #tpu.memory_space<hbm>>, %arg6: memref<2x10240x128xf32, #tpu.memory_space<hbm>>, %arg7: memref<81x128xi32, #tpu.memory_space<vmem>>, %arg8: memref<81x128xi32, #tpu.memory_space<vmem>>, %arg9: memref<128x128xf32, #tpu.memory_space<vmem>>, %arg10: memref<512xf32, #tpu.memory_space<vmem>>, %arg11: memref<10240x128xf32, #tpu.memory_space<vmem_shared>>, %arg12: memref<!tpu.dma_semaphore, #tpu.memory_space<semaphore_mem>>) attributes {dimension_semantics = [#tpu.dimension_semantics<core_parallel>, #tpu.dimension_semantics<subcore_parallel>], iteration_bounds = array<i64: 2, 16>, scalar_prefetch = 0 : i64, scratch_operands = 6 : i64, tpu.core_type = #tpu.core_type<sc_vector_subcore>, window_params = [{transform_indices = #map}, {transform_indices = #map}, {transform_indices = #map1}, {transform_indices = #map2}, {transform_indices = #map}]} {
    %mul3A = arith.constant 16 : i32
    %mul3A_0 = arith.muli %arg0, %mul3A : i32
    %add3A = arith.addi %mul3A_0, %arg1 : i32
    %iota3A = tpu.iota {dimensions = array<i32: 0>} : vector<16xi32>
    %and3A = arith.constant 3 : i32
    %and3A_1 = vector.broadcast %and3A : i32 to vector<16xi32>
    %and3A_2 = arith.andi %iota3A, %and3A_1 : vector<16xi32>
    "tpu.region"() ({
      %run_scoped3A = tpu.sem_alloc : memref<!tpu.dma_semaphore, #tpu.memory_space<semaphore_mem>>
      %dma_start3A = arith.constant 0 : i32
      %dma_start3A_26 = arith.constant 0 : i32
      %dma_start3A_27 = tpu.memref_slice %arg2[%add3A, %dma_start3A, %dma_start3A_26] : memref<32x81x128xi32, #tpu.memory_space<hbm>> -> memref<1x81x128xi32, #tpu.memory_space<hbm>>
      %dma_start3A_28 = tpu.memref_squeeze %dma_start3A_27 : memref<1x81x128xi32, #tpu.memory_space<hbm>> -> memref<81x128xi32, #tpu.memory_space<hbm>>
      %dma_start3A_29 = arith.constant 0 : i32
      %dma_start3A_30 = arith.constant 0 : i32
      %dma_start3A_31 = tpu.memref_slice %arg2[%add3A, %dma_start3A_29, %dma_start3A_30] : memref<32x81x128xi32, #tpu.memory_space<hbm>> -> memref<1x81x128xi32, #tpu.memory_space<hbm>>
      %dma_start3A_32 = tpu.memref_squeeze %dma_start3A_31 : memref<1x81x128xi32, #tpu.memory_space<hbm>> -> memref<81x128xi32, #tpu.memory_space<hbm>>
      tpu.enqueue_dma source(%dma_start3A_32 : memref<81x128xi32, #tpu.memory_space<hbm>>) target(%arg7 : memref<81x128xi32, #tpu.memory_space<vmem>>) target_semaphore(%run_scoped3A : memref<!tpu.dma_semaphore, #tpu.memory_space<semaphore_mem>>)
      %dma_wait3A = arith.constant 0 : i32
      %dma_wait3A_33 = arith.constant 0 : i32
      %dma_wait3A_34 = tpu.memref_slice %arg2[%add3A, %dma_wait3A, %dma_wait3A_33] : memref<32x81x128xi32, #tpu.memory_space<hbm>> -> memref<1x81x128xi32, #tpu.memory_space<hbm>>
      %dma_wait3A_35 = tpu.memref_squeeze %dma_wait3A_34 : memref<1x81x128xi32, #tpu.memory_space<hbm>> -> memref<81x128xi32, #tpu.memory_space<hbm>>
      %dma_wait3A_36 = arith.constant 0 : i32
      %dma_wait3A_37 = arith.constant 0 : i32
      %dma_wait3A_38 = tpu.memref_slice %arg2[%add3A, %dma_wait3A_36, %dma_wait3A_37] : memref<32x81x128xi32, #tpu.memory_space<hbm>> -> memref<1x81x128xi32, #tpu.memory_space<hbm>>
      %dma_wait3A_39 = tpu.memref_squeeze %dma_wait3A_38 : memref<1x81x128xi32, #tpu.memory_space<hbm>> -> memref<81x128xi32, #tpu.memory_space<hbm>>
      tpu.wait_dma2 semaphore(%run_scoped3A : memref<!tpu.dma_semaphore, #tpu.memory_space<semaphore_mem>>) src(%dma_wait3A_39 : memref<81x128xi32, #tpu.memory_space<hbm>>) dst(%arg7 : memref<81x128xi32, #tpu.memory_space<vmem>>)
      tpu.yield
    }) : () -> ()
    "tpu.region"() ({
      %run_scoped3A = tpu.sem_alloc : memref<!tpu.dma_semaphore, #tpu.memory_space<semaphore_mem>>
      %dma_start3A = arith.constant 0 : i32
      %dma_start3A_26 = arith.constant 0 : i32
      %dma_start3A_27 = tpu.memref_slice %arg3[%add3A, %dma_start3A, %dma_start3A_26] : memref<32x81x128xi32, #tpu.memory_space<hbm>> -> memref<1x81x128xi32, #tpu.memory_space<hbm>>
      %dma_start3A_28 = tpu.memref_squeeze %dma_start3A_27 : memref<1x81x128xi32, #tpu.memory_space<hbm>> -> memref<81x128xi32, #tpu.memory_space<hbm>>
      %dma_start3A_29 = arith.constant 0 : i32
      %dma_start3A_30 = arith.constant 0 : i32
      %dma_start3A_31 = tpu.memref_slice %arg3[%add3A, %dma_start3A_29, %dma_start3A_30] : memref<32x81x128xi32, #tpu.memory_space<hbm>> -> memref<1x81x128xi32, #tpu.memory_space<hbm>>
      %dma_start3A_32 = tpu.memref_squeeze %dma_start3A_31 : memref<1x81x128xi32, #tpu.memory_space<hbm>> -> memref<81x128xi32, #tpu.memory_space<hbm>>
      tpu.enqueue_dma source(%dma_start3A_32 : memref<81x128xi32, #tpu.memory_space<hbm>>) target(%arg8 : memref<81x128xi32, #tpu.memory_space<vmem>>) target_semaphore(%run_scoped3A : memref<!tpu.dma_semaphore, #tpu.memory_space<semaphore_mem>>)
      %dma_wait3A = arith.constant 0 : i32
      %dma_wait3A_33 = arith.constant 0 : i32
      %dma_wait3A_34 = tpu.memref_slice %arg3[%add3A, %dma_wait3A, %dma_wait3A_33] : memref<32x81x128xi32, #tpu.memory_space<hbm>> -> memref<1x81x128xi32, #tpu.memory_space<hbm>>
      %dma_wait3A_35 = tpu.memref_squeeze %dma_wait3A_34 : memref<1x81x128xi32, #tpu.memory_space<hbm>> -> memref<81x128xi32, #tpu.memory_space<hbm>>
      %dma_wait3A_36 = arith.constant 0 : i32
      %dma_wait3A_37 = arith.constant 0 : i32
      %dma_wait3A_38 = tpu.memref_slice %arg3[%add3A, %dma_wait3A_36, %dma_wait3A_37] : memref<32x81x128xi32, #tpu.memory_space<hbm>> -> memref<1x81x128xi32, #tpu.memory_space<hbm>>
      %dma_wait3A_39 = tpu.memref_squeeze %dma_wait3A_38 : memref<1x81x128xi32, #tpu.memory_space<hbm>> -> memref<81x128xi32, #tpu.memory_space<hbm>>
      tpu.wait_dma2 semaphore(%run_scoped3A : memref<!tpu.dma_semaphore, #tpu.memory_space<semaphore_mem>>) src(%dma_wait3A_39 : memref<81x128xi32, #tpu.memory_space<hbm>>) dst(%arg8 : memref<81x128xi32, #tpu.memory_space<vmem>>)
      tpu.yield
    }) : () -> ()
    %broadcast_in_dim3A = arith.constant 0.000000e+00 : f32
    %broadcast_in_dim3A_3 = vector.broadcast %broadcast_in_dim3A : f32 to vector<16xf32>
    %scan3A = arith.constant 0 : i32
    %scan3A_4 = arith.constant 128 : i32
    %scan3A_5 = arith.addi %scan3A, %scan3A_4 : i32
    %scan3A_6 = arith.constant 1 : i32
    scf.for %scan3A_26 = %scan3A to %scan3A_5 step %scan3A_6  : i32 {
      %mul3A_27 = arith.constant 1 : i32
      %mul3A_28 = arith.muli %scan3A_26, %mul3A_27 : i32
      %add3A_29 = arith.constant 0 : i32
      %add3A_30 = arith.addi %add3A_29, %mul3A_28 : i32
      %swap3A = arith.index_cast %add3A_30 : i32 to index
      %swap3A_31 = arith.constant 0 : index
      %swap3A_32 = tpu.vector_load %arg9[%swap3A, %swap3A_31] {strides = array<i32>} : memref<128x128xf32, #tpu.memory_space<vmem>>, vector<16xf32>,
      tpu.vector_store %arg9[%swap3A, %swap3A_31], %broadcast_in_dim3A_3 {strides = array<i32>} : memref<128x128xf32, #tpu.memory_space<vmem>>, vector<16xf32>,
      %swap3A_33 = arith.index_cast %add3A_30 : i32 to index
      %swap3A_34 = arith.constant 16 : index
      %swap3A_35 = tpu.vector_load %arg9[%swap3A_33, %swap3A_34] {strides = array<i32>} : memref<128x128xf32, #tpu.memory_space<vmem>>, vector<16xf32>,
      tpu.vector_store %arg9[%swap3A_33, %swap3A_34], %broadcast_in_dim3A_3 {strides = array<i32>} : memref<128x128xf32, #tpu.memory_space<vmem>>, vector<16xf32>,
      %swap3A_36 = arith.index_cast %add3A_30 : i32 to index
      %swap3A_37 = arith.constant 32 : index
      %swap3A_38 = tpu.vector_load %arg9[%swap3A_36, %swap3A_37] {strides = array<i32>} : memref<128x128xf32, #tpu.memory_space<vmem>>, vector<16xf32>,
      tpu.vector_store %arg9[%swap3A_36, %swap3A_37], %broadcast_in_dim3A_3 {strides = array<i32>} : memref<128x128xf32, #tpu.memory_space<vmem>>, vector<16xf32>,
      %swap3A_39 = arith.index_cast %add3A_30 : i32 to index
      %swap3A_40 = arith.constant 48 : index
      %swap3A_41 = tpu.vector_load %arg9[%swap3A_39, %swap3A_40] {strides = array<i32>} : memref<128x128xf32, #tpu.memory_space<vmem>>, vector<16xf32>,
      tpu.vector_store %arg9[%swap3A_39, %swap3A_40], %broadcast_in_dim3A_3 {strides = array<i32>} : memref<128x128xf32, #tpu.memory_space<vmem>>, vector<16xf32>,
      %swap3A_42 = arith.index_cast %add3A_30 : i32 to index
      %swap3A_43 = arith.constant 64 : index
      %swap3A_44 = tpu.vector_load %arg9[%swap3A_42, %swap3A_43] {strides = array<i32>} : memref<128x128xf32, #tpu.memory_space<vmem>>, vector<16xf32>,
      tpu.vector_store %arg9[%swap3A_42, %swap3A_43], %broadcast_in_dim3A_3 {strides = array<i32>} : memref<128x128xf32, #tpu.memory_space<vmem>>, vector<16xf32>,
      %swap3A_45 = arith.index_cast %add3A_30 : i32 to index
      %swap3A_46 = arith.constant 80 : index
      %swap3A_47 = tpu.vector_load %arg9[%swap3A_45, %swap3A_46] {strides = array<i32>} : memref<128x128xf32, #tpu.memory_space<vmem>>, vector<16xf32>,
      tpu.vector_store %arg9[%swap3A_45, %swap3A_46], %broadcast_in_dim3A_3 {strides = array<i32>} : memref<128x128xf32, #tpu.memory_space<vmem>>, vector<16xf32>,
      %swap3A_48 = arith.index_cast %add3A_30 : i32 to index
      %swap3A_49 = arith.constant 96 : index
      %swap3A_50 = tpu.vector_load %arg9[%swap3A_48, %swap3A_49] {strides = array<i32>} : memref<128x128xf32, #tpu.memory_space<vmem>>, vector<16xf32>,
      tpu.vector_store %arg9[%swap3A_48, %swap3A_49], %broadcast_in_dim3A_3 {strides = array<i32>} : memref<128x128xf32, #tpu.memory_space<vmem>>, vector<16xf32>,
      %swap3A_51 = arith.index_cast %add3A_30 : i32 to index
      %swap3A_52 = arith.constant 112 : index
      %swap3A_53 = tpu.vector_load %arg9[%swap3A_51, %swap3A_52] {strides = array<i32>} : memref<128x128xf32, #tpu.memory_space<vmem>>, vector<16xf32>,
      tpu.vector_store %arg9[%swap3A_51, %swap3A_52], %broadcast_in_dim3A_3 {strides = array<i32>} : memref<128x128xf32, #tpu.memory_space<vmem>>, vector<16xf32>,
    }
    %scan3A_7 = arith.constant 128 : i32
    %mul3A_8 = arith.constant 640 : i32
    %mul3A_9 = arith.muli %arg1, %mul3A_8 : i32
    %add3A_10 = arith.constant 0 : i32
    %add3A_11 = arith.addi %mul3A_9, %add3A_10 : i32
    "tpu.region"() ({
      %run_scoped3A = tpu.sem_alloc : memref<!tpu.dma_semaphore, #tpu.memory_space<semaphore_mem>>
      %dma_start3A = arith.constant 0 : i32
      %dma_start3A_26 = tpu.memref_slice %arg11[%add3A_11, %dma_start3A] : memref<10240x128xf32, #tpu.memory_space<vmem_shared>> -> memref<128x128xf32, #tpu.memory_space<vmem_shared>>
      %dma_start3A_27 = arith.constant 0 : i32
      %dma_start3A_28 = tpu.memref_slice %arg11[%add3A_11, %dma_start3A_27] : memref<10240x128xf32, #tpu.memory_space<vmem_shared>> -> memref<128x128xf32, #tpu.memory_space<vmem_shared>>
      tpu.enqueue_dma source(%arg9 : memref<128x128xf32, #tpu.memory_space<vmem>>) target(%dma_start3A_28 : memref<128x128xf32, #tpu.memory_space<vmem_shared>>) target_semaphore(%run_scoped3A : memref<!tpu.dma_semaphore, #tpu.memory_space<semaphore_mem>>)
      %dma_wait3A = arith.constant 0 : i32
      %dma_wait3A_29 = tpu.memref_slice %arg11[%add3A_11, %dma_wait3A] : memref<10240x128xf32, #tpu.memory_space<vmem_shared>> -> memref<128x128xf32, #tpu.memory_space<vmem_shared>>
      %dma_wait3A_30 = arith.constant 0 : i32
      %dma_wait3A_31 = tpu.memref_slice %arg11[%add3A_11, %dma_wait3A_30] : memref<10240x128xf32, #tpu.memory_space<vmem_shared>> -> memref<128x128xf32, #tpu.memory_space<vmem_shared>>
      tpu.wait_dma2 semaphore(%run_scoped3A : memref<!tpu.dma_semaphore, #tpu.memory_space<semaphore_mem>>) src(%arg9 : memref<128x128xf32, #tpu.memory_space<vmem>>) dst(%dma_wait3A_31 : memref<128x128xf32, #tpu.memory_space<vmem_shared>>)
      tpu.yield
    }) : () -> ()
    %add3A_12 = arith.constant 128 : i32
    %add3A_13 = arith.addi %mul3A_9, %add3A_12 : i32
    "tpu.region"() ({
      %run_scoped3A = tpu.sem_alloc : memref<!tpu.dma_semaphore, #tpu.memory_space<semaphore_mem>>
      %dma_start3A = arith.constant 0 : i32
      %dma_start3A_26 = tpu.memref_slice %arg11[%add3A_13, %dma_start3A] : memref<10240x128xf32, #tpu.memory_space<vmem_shared>> -> memref<128x128xf32, #tpu.memory_space<vmem_shared>>
      %dma_start3A_27 = arith.constant 0 : i32
      %dma_start3A_28 = tpu.memref_slice %arg11[%add3A_13, %dma_start3A_27] : memref<10240x128xf32, #tpu.memory_space<vmem_shared>> -> memref<128x128xf32, #tpu.memory_space<vmem_shared>>
      tpu.enqueue_dma source(%arg9 : memref<128x128xf32, #tpu.memory_space<vmem>>) target(%dma_start3A_28 : memref<128x128xf32, #tpu.memory_space<vmem_shared>>) target_semaphore(%run_scoped3A : memref<!tpu.dma_semaphore, #tpu.memory_space<semaphore_mem>>)
      %dma_wait3A = arith.constant 0 : i32
      %dma_wait3A_29 = tpu.memref_slice %arg11[%add3A_13, %dma_wait3A] : memref<10240x128xf32, #tpu.memory_space<vmem_shared>> -> memref<128x128xf32, #tpu.memory_space<vmem_shared>>
      %dma_wait3A_30 = arith.constant 0 : i32
      %dma_wait3A_31 = tpu.memref_slice %arg11[%add3A_13, %dma_wait3A_30] : memref<10240x128xf32, #tpu.memory_space<vmem_shared>> -> memref<128x128xf32, #tpu.memory_space<vmem_shared>>
      tpu.wait_dma2 semaphore(%run_scoped3A : memref<!tpu.dma_semaphore, #tpu.memory_space<semaphore_mem>>) src(%arg9 : memref<128x128xf32, #tpu.memory_space<vmem>>) dst(%dma_wait3A_31 : memref<128x128xf32, #tpu.memory_space<vmem_shared>>)
      tpu.yield
    }) : () -> ()
    %add3A_14 = arith.constant 256 : i32
    %add3A_15 = arith.addi %mul3A_9, %add3A_14 : i32
    "tpu.region"() ({
      %run_scoped3A = tpu.sem_alloc : memref<!tpu.dma_semaphore, #tpu.memory_space<semaphore_mem>>
      %dma_start3A = arith.constant 0 : i32
      %dma_start3A_26 = tpu.memref_slice %arg11[%add3A_15, %dma_start3A] : memref<10240x128xf32, #tpu.memory_space<vmem_shared>> -> memref<128x128xf32, #tpu.memory_space<vmem_shared>>
      %dma_start3A_27 = arith.constant 0 : i32
      %dma_start3A_28 = tpu.memref_slice %arg11[%add3A_15, %dma_start3A_27] : memref<10240x128xf32, #tpu.memory_space<vmem_shared>> -> memref<128x128xf32, #tpu.memory_space<vmem_shared>>
      tpu.enqueue_dma source(%arg9 : memref<128x128xf32, #tpu.memory_space<vmem>>) target(%dma_start3A_28 : memref<128x128xf32, #tpu.memory_space<vmem_shared>>) target_semaphore(%run_scoped3A : memref<!tpu.dma_semaphore, #tpu.memory_space<semaphore_mem>>)
      %dma_wait3A = arith.constant 0 : i32
      %dma_wait3A_29 = tpu.memref_slice %arg11[%add3A_15, %dma_wait3A] : memref<10240x128xf32, #tpu.memory_space<vmem_shared>> -> memref<128x128xf32, #tpu.memory_space<vmem_shared>>
      %dma_wait3A_30 = arith.constant 0 : i32
      %dma_wait3A_31 = tpu.memref_slice %arg11[%add3A_15, %dma_wait3A_30] : memref<10240x128xf32, #tpu.memory_space<vmem_shared>> -> memref<128x128xf32, #tpu.memory_space<vmem_shared>>
      tpu.wait_dma2 semaphore(%run_scoped3A : memref<!tpu.dma_semaphore, #tpu.memory_space<semaphore_mem>>) src(%arg9 : memref<128x128xf32, #tpu.memory_space<vmem>>) dst(%dma_wait3A_31 : memref<128x128xf32, #tpu.memory_space<vmem_shared>>)
      tpu.yield
    }) : () -> ()
    %add3A_16 = arith.constant 384 : i32
    %add3A_17 = arith.addi %mul3A_9, %add3A_16 : i32
    "tpu.region"() ({
      %run_scoped3A = tpu.sem_alloc : memref<!tpu.dma_semaphore, #tpu.memory_space<semaphore_mem>>
      %dma_start3A = arith.constant 0 : i32
      %dma_start3A_26 = tpu.memref_slice %arg11[%add3A_17, %dma_start3A] : memref<10240x128xf32, #tpu.memory_space<vmem_shared>> -> memref<128x128xf32, #tpu.memory_space<vmem_shared>>
      %dma_start3A_27 = arith.constant 0 : i32
      %dma_start3A_28 = tpu.memref_slice %arg11[%add3A_17, %dma_start3A_27] : memref<10240x128xf32, #tpu.memory_space<vmem_shared>> -> memref<128x128xf32, #tpu.memory_space<vmem_shared>>
      tpu.enqueue_dma source(%arg9 : memref<128x128xf32, #tpu.memory_space<vmem>>) target(%dma_start3A_28 : memref<128x128xf32, #tpu.memory_space<vmem_shared>>) target_semaphore(%run_scoped3A : memref<!tpu.dma_semaphore, #tpu.memory_space<semaphore_mem>>)
      %dma_wait3A = arith.constant 0 : i32
      %dma_wait3A_29 = tpu.memref_slice %arg11[%add3A_17, %dma_wait3A] : memref<10240x128xf32, #tpu.memory_space<vmem_shared>> -> memref<128x128xf32, #tpu.memory_space<vmem_shared>>
      %dma_wait3A_30 = arith.constant 0 : i32
      %dma_wait3A_31 = tpu.memref_slice %arg11[%add3A_17, %dma_wait3A_30] : memref<10240x128xf32, #tpu.memory_space<vmem_shared>> -> memref<128x128xf32, #tpu.memory_space<vmem_shared>>
      tpu.wait_dma2 semaphore(%run_scoped3A : memref<!tpu.dma_semaphore, #tpu.memory_space<semaphore_mem>>) src(%arg9 : memref<128x128xf32, #tpu.memory_space<vmem>>) dst(%dma_wait3A_31 : memref<128x128xf32, #tpu.memory_space<vmem_shared>>)
      tpu.yield
    }) : () -> ()
    %add3A_18 = arith.constant 512 : i32
    %add3A_19 = arith.addi %mul3A_9, %add3A_18 : i32
    "tpu.region"() ({
      %run_scoped3A = tpu.sem_alloc : memref<!tpu.dma_semaphore, #tpu.memory_space<semaphore_mem>>
      %dma_start3A = arith.constant 0 : i32
      %dma_start3A_26 = tpu.memref_slice %arg11[%add3A_19, %dma_start3A] : memref<10240x128xf32, #tpu.memory_space<vmem_shared>> -> memref<128x128xf32, #tpu.memory_space<vmem_shared>>
      %dma_start3A_27 = arith.constant 0 : i32
      %dma_start3A_28 = tpu.memref_slice %arg11[%add3A_19, %dma_start3A_27] : memref<10240x128xf32, #tpu.memory_space<vmem_shared>> -> memref<128x128xf32, #tpu.memory_space<vmem_shared>>
      tpu.enqueue_dma source(%arg9 : memref<128x128xf32, #tpu.memory_space<vmem>>) target(%dma_start3A_28 : memref<128x128xf32, #tpu.memory_space<vmem_shared>>) target_semaphore(%run_scoped3A : memref<!tpu.dma_semaphore, #tpu.memory_space<semaphore_mem>>)
      %dma_wait3A = arith.constant 0 : i32
      %dma_wait3A_29 = tpu.memref_slice %arg11[%add3A_19, %dma_wait3A] : memref<10240x128xf32, #tpu.memory_space<vmem_shared>> -> memref<128x128xf32, #tpu.memory_space<vmem_shared>>
      %dma_wait3A_30 = arith.constant 0 : i32
      %dma_wait3A_31 = tpu.memref_slice %arg11[%add3A_19, %dma_wait3A_30] : memref<10240x128xf32, #tpu.memory_space<vmem_shared>> -> memref<128x128xf32, #tpu.memory_space<vmem_shared>>
      tpu.wait_dma2 semaphore(%run_scoped3A : memref<!tpu.dma_semaphore, #tpu.memory_space<semaphore_mem>>) src(%arg9 : memref<128x128xf32, #tpu.memory_space<vmem>>) dst(%dma_wait3A_31 : memref<128x128xf32, #tpu.memory_space<vmem_shared>>)
      tpu.yield
    }) : () -> ()
    %barrier3A = arith.constant 0 : index
    tpu.barrier barrier_id(%barrier3A)
    %scan3A_20 = arith.constant 0 : i32
    %scan3A_21 = arith.constant 81 : i32
    %scan3A_22 = arith.addi %scan3A_20, %scan3A_21 : i32
    %scan3A_23 = arith.constant 1 : i32
    scf.for %scan3A_26 = %scan3A_20 to %scan3A_22 step %scan3A_23  : i32 {
      %mul3A_27 = arith.constant 1 : i32
      %mul3A_28 = arith.muli %scan3A_26, %mul3A_27 : i32
      %add3A_29 = arith.constant 0 : i32
      %add3A_30 = arith.addi %add3A_29, %mul3A_28 : i32
      %dma_start3A = arith.constant 0 : i32
      %dma_start3A_31 = tpu.memref_slice %arg7[%add3A_30, %dma_start3A] : memref<81x128xi32, #tpu.memory_space<vmem>> -> memref<1x128xi32, #tpu.memory_space<vmem>>
      %dma_start3A_32 = tpu.memref_squeeze %dma_start3A_31 : memref<1x128xi32, #tpu.memory_space<vmem>> -> memref<128xi32, #tpu.memory_space<vmem>>
      %dma_start3A_33 = arith.constant 0 : i32
      %dma_start3A_34 = arith.constant 0 : i32
      %dma_start3A_35 = tpu.memref_slice %arg4[%dma_start3A_33, %dma_start3A_34] : memref<10000x128xf32, #tpu.memory_space<hbm>> -> memref<10000x128xf32, #tpu.memory_space<hbm>>
      tpu.enqueue_indirect_dma source(%dma_start3A_35 : memref<10000x128xf32, #tpu.memory_space<hbm>>) target(%arg9 : memref<128x128xf32, #tpu.memory_space<vmem>>) offsets(%dma_start3A_32 : memref<128xi32, #tpu.memory_space<vmem>>) semaphore(%arg12 : memref<!tpu.dma_semaphore, #tpu.memory_space<semaphore_mem>>)
      %dma_wait3A = arith.constant 0 : i32
      %dma_wait3A_36 = tpu.memref_slice %arg7[%add3A_30, %dma_wait3A] : memref<81x128xi32, #tpu.memory_space<vmem>> -> memref<1x128xi32, #tpu.memory_space<vmem>>
      %dma_wait3A_37 = tpu.memref_squeeze %dma_wait3A_36 : memref<1x128xi32, #tpu.memory_space<vmem>> -> memref<128xi32, #tpu.memory_space<vmem>>
      %dma_wait3A_38 = arith.constant 0 : i32
      %dma_wait3A_39 = arith.constant 0 : i32
      %dma_wait3A_40 = tpu.memref_slice %arg4[%dma_wait3A_38, %dma_wait3A_39] : memref<10000x128xf32, #tpu.memory_space<hbm>> -> memref<10000x128xf32, #tpu.memory_space<hbm>>
      tpu.wait_indirect_dma semaphore(%arg12 : memref<!tpu.dma_semaphore, #tpu.memory_space<semaphore_mem>>) src(%dma_wait3A_40 : memref<10000x128xf32, #tpu.memory_space<hbm>>) dst(%arg9 : memref<128x128xf32, #tpu.memory_space<vmem>>)
      %mul3A_41 = arith.constant 81 : i32
      %mul3A_42 = arith.muli %add3A, %mul3A_41 : i32
      %add3A_43 = arith.addi %mul3A_42, %add3A_30 : i32
      %mul3A_44 = arith.constant 512 : i32
      %mul3A_45 = arith.muli %add3A_43, %mul3A_44 : i32
      "tpu.region"() ({
        %run_scoped3A = tpu.sem_alloc : memref<!tpu.dma_semaphore, #tpu.memory_space<semaphore_mem>>
        %dma_start3A_51 = tpu.memref_slice %arg5[%mul3A_45] : memref<1327104xf32, #tpu.memory_space<hbm>> -> memref<512xf32, #tpu.memory_space<hbm>>
        %dma_start3A_52 = tpu.memref_slice %arg5[%mul3A_45] : memref<1327104xf32, #tpu.memory_space<hbm>> -> memref<512xf32, #tpu.memory_space<hbm>>
        tpu.enqueue_dma source(%dma_start3A_52 : memref<512xf32, #tpu.memory_space<hbm>>) target(%arg10 : memref<512xf32, #tpu.memory_space<vmem>>) target_semaphore(%run_scoped3A : memref<!tpu.dma_semaphore, #tpu.memory_space<semaphore_mem>>)
        %dma_wait3A_53 = tpu.memref_slice %arg5[%mul3A_45] : memref<1327104xf32, #tpu.memory_space<hbm>> -> memref<512xf32, #tpu.memory_space<hbm>>
        %dma_wait3A_54 = tpu.memref_slice %arg5[%mul3A_45] : memref<1327104xf32, #tpu.memory_space<hbm>> -> memref<512xf32, #tpu.memory_space<hbm>>
        tpu.wait_dma2 semaphore(%run_scoped3A : memref<!tpu.dma_semaphore, #tpu.memory_space<semaphore_mem>>) src(%dma_wait3A_54 : memref<512xf32, #tpu.memory_space<hbm>>) dst(%arg10 : memref<512xf32, #tpu.memory_space<vmem>>)
        tpu.yield
      }) : () -> ()
      %scan3A_46 = arith.constant 0 : i32
      %scan3A_47 = arith.constant 128 : i32
      %scan3A_48 = arith.addi %scan3A_46, %scan3A_47 : i32
      %scan3A_49 = arith.constant 1 : i32
      scf.for %scan3A_51 = %scan3A_46 to %scan3A_48 step %scan3A_49  : i32 {
        %mul3A_52 = arith.constant 1 : i32
        %mul3A_53 = arith.muli %scan3A_51, %mul3A_52 : i32
        %add3A_54 = arith.constant 0 : i32
        %add3A_55 = arith.addi %add3A_54, %mul3A_53 : i32
        %add3A_56 = arith.constant 0 : i32
        %add3A_57 = arith.addi %add3A_56, %add3A_55 : i32
        %broadcast_in_dim3A_58 = vector.broadcast %add3A_57 : i32 to vector<16xi32>
        %gather3A = tpu.vector_load_idx %arg10[%broadcast_in_dim3A_58] : memref<512xf32, #tpu.memory_space<vmem>>[vector<16xi32>], vector<16xf32>,
        %get3A = arith.index_cast %add3A_55 : i32 to index
        %get3A_59 = arith.constant 0 : index
        %get3A_60 = tpu.vector_load %arg9[%get3A, %get3A_59] {strides = array<i32>} : memref<128x128xf32, #tpu.memory_space<vmem>>, vector<16xf32>,
        %mul3A_61 = arith.mulf %get3A_60, %gather3A : vector<16xf32>
        %swap3A = arith.index_cast %add3A_55 : i32 to index
        %swap3A_62 = arith.constant 0 : index
        %swap3A_63 = tpu.vector_load %arg9[%swap3A, %swap3A_62] {strides = array<i32>} : memref<128x128xf32, #tpu.memory_space<vmem>>, vector<16xf32>,
        tpu.vector_store %arg9[%swap3A, %swap3A_62], %mul3A_61 {strides = array<i32>} : memref<128x128xf32, #tpu.memory_space<vmem>>, vector<16xf32>,
        %add3A_64 = arith.constant 128 : i32
        %add3A_65 = arith.addi %add3A_64, %add3A_55 : i32
        %broadcast_in_dim3A_66 = vector.broadcast %add3A_65 : i32 to vector<16xi32>
        %gather3A_67 = tpu.vector_load_idx %arg10[%broadcast_in_dim3A_66] : memref<512xf32, #tpu.memory_space<vmem>>[vector<16xi32>], vector<16xf32>,
        %get3A_68 = arith.index_cast %add3A_55 : i32 to index
        %get3A_69 = arith.constant 16 : index
        %get3A_70 = tpu.vector_load %arg9[%get3A_68, %get3A_69] {strides = array<i32>} : memref<128x128xf32, #tpu.memory_space<vmem>>, vector<16xf32>,
        %mul3A_71 = arith.mulf %get3A_70, %gather3A_67 : vector<16xf32>
        %swap3A_72 = arith.index_cast %add3A_55 : i32 to index
        %swap3A_73 = arith.constant 16 : index
        %swap3A_74 = tpu.vector_load %arg9[%swap3A_72, %swap3A_73] {strides = array<i32>} : memref<128x128xf32, #tpu.memory_space<vmem>>, vector<16xf32>,
        tpu.vector_store %arg9[%swap3A_72, %swap3A_73], %mul3A_71 {strides = array<i32>} : memref<128x128xf32, #tpu.memory_space<vmem>>, vector<16xf32>,
        %add3A_75 = arith.constant 256 : i32
        %add3A_76 = arith.addi %add3A_75, %add3A_55 : i32
        %broadcast_in_dim3A_77 = vector.broadcast %add3A_76 : i32 to vector<16xi32>
        %gather3A_78 = tpu.vector_load_idx %arg10[%broadcast_in_dim3A_77] : memref<512xf32, #tpu.memory_space<vmem>>[vector<16xi32>], vector<16xf32>,
        %get3A_79 = arith.index_cast %add3A_55 : i32 to index
        %get3A_80 = arith.constant 32 : index
        %get3A_81 = tpu.vector_load %arg9[%get3A_79, %get3A_80] {strides = array<i32>} : memref<128x128xf32, #tpu.memory_space<vmem>>, vector<16xf32>,
        %mul3A_82 = arith.mulf %get3A_81, %gather3A_78 : vector<16xf32>
        %swap3A_83 = arith.index_cast %add3A_55 : i32 to index
        %swap3A_84 = arith.constant 32 : index
        %swap3A_85 = tpu.vector_load %arg9[%swap3A_83, %swap3A_84] {strides = array<i32>} : memref<128x128xf32, #tpu.memory_space<vmem>>, vector<16xf32>,
        tpu.vector_store %arg9[%swap3A_83, %swap3A_84], %mul3A_82 {strides = array<i32>} : memref<128x128xf32, #tpu.memory_space<vmem>>, vector<16xf32>,
        %add3A_86 = arith.constant 384 : i32
        %add3A_87 = arith.addi %add3A_86, %add3A_55 : i32
        %broadcast_in_dim3A_88 = vector.broadcast %add3A_87 : i32 to vector<16xi32>
        %gather3A_89 = tpu.vector_load_idx %arg10[%broadcast_in_dim3A_88] : memref<512xf32, #tpu.memory_space<vmem>>[vector<16xi32>], vector<16xf32>,
        %get3A_90 = arith.index_cast %add3A_55 : i32 to index
        %get3A_91 = arith.constant 48 : index
        %get3A_92 = tpu.vector_load %arg9[%get3A_90, %get3A_91] {strides = array<i32>} : memref<128x128xf32, #tpu.memory_space<vmem>>, vector<16xf32>,
        %mul3A_93 = arith.mulf %get3A_92, %gather3A_89 : vector<16xf32>
        %swap3A_94 = arith.index_cast %add3A_55 : i32 to index
        %swap3A_95 = arith.constant 48 : index
        %swap3A_96 = tpu.vector_load %arg9[%swap3A_94, %swap3A_95] {strides = array<i32>} : memref<128x128xf32, #tpu.memory_space<vmem>>, vector<16xf32>,
        tpu.vector_store %arg9[%swap3A_94, %swap3A_95], %mul3A_93 {strides = array<i32>} : memref<128x128xf32, #tpu.memory_space<vmem>>, vector<16xf32>,
        %mul3A_97 = arith.constant 128 : i32
        %mul3A_98 = vector.broadcast %mul3A_97 : i32 to vector<16xi32>
        %mul3A_99 = arith.muli %and3A_2, %mul3A_98 : vector<16xi32>
        %add3A_100 = vector.broadcast %add3A_55 : i32 to vector<16xi32>
        %add3A_101 = arith.addi %mul3A_99, %add3A_100 : vector<16xi32>
        %gather3A_102 = tpu.vector_load_idx %arg10[%add3A_101] : memref<512xf32, #tpu.memory_space<vmem>>[vector<16xi32>], vector<16xf32>,
        %get3A_103 = arith.index_cast %add3A_55 : i32 to index
        %get3A_104 = arith.constant 64 : index
        %get3A_105 = tpu.vector_load %arg9[%get3A_103, %get3A_104] {strides = array<i32>} : memref<128x128xf32, #tpu.memory_space<vmem>>, vector<16xf32>,
        %mul3A_106 = arith.mulf %get3A_105, %gather3A_102 : vector<16xf32>
        %swap3A_107 = arith.index_cast %add3A_55 : i32 to index
        %swap3A_108 = arith.constant 64 : index
        %swap3A_109 = tpu.vector_load %arg9[%swap3A_107, %swap3A_108] {strides = array<i32>} : memref<128x128xf32, #tpu.memory_space<vmem>>, vector<16xf32>,
        tpu.vector_store %arg9[%swap3A_107, %swap3A_108], %mul3A_106 {strides = array<i32>} : memref<128x128xf32, #tpu.memory_space<vmem>>, vector<16xf32>,
      }
      %scan3A_50 = arith.constant 128 : i32
      "tpu.region"() ({
        %run_scoped3A = tpu.sem_alloc : memref<!tpu.dma_semaphore, #tpu.memory_space<semaphore_mem>>
        %dma_start3A_51 = arith.constant 0 : i32
        %dma_start3A_52 = tpu.memref_slice %arg8[%add3A_30, %dma_start3A_51] : memref<81x128xi32, #tpu.memory_space<vmem>> -> memref<1x128xi32, #tpu.memory_space<vmem>>
        %dma_start3A_53 = tpu.memref_squeeze %dma_start3A_52 : memref<1x128xi32, #tpu.memory_space<vmem>> -> memref<128xi32, #tpu.memory_space<vmem>>
        %dma_start3A_54 = arith.constant 0 : i32
        %dma_start3A_55 = arith.constant 0 : i32
        %dma_start3A_56 = tpu.memref_slice %arg11[%dma_start3A_54, %dma_start3A_55] : memref<10240x128xf32, #tpu.memory_space<vmem_shared>> -> memref<10240x128xf32, #tpu.memory_space<vmem_shared>>
        tpu.enqueue_indirect_dma source(%arg9 : memref<128x128xf32, #tpu.memory_space<vmem>>) target(%dma_start3A_56 : memref<10240x128xf32, #tpu.memory_space<vmem_shared>>) offsets(%dma_start3A_53 : memref<128xi32, #tpu.memory_space<vmem>>) semaphore(%run_scoped3A : memref<!tpu.dma_semaphore, #tpu.memory_space<semaphore_mem>>) {add = true}
        %dma_wait3A_57 = arith.constant 0 : i32
        %dma_wait3A_58 = tpu.memref_slice %arg8[%add3A_30, %dma_wait3A_57] : memref<81x128xi32, #tpu.memory_space<vmem>> -> memref<1x128xi32, #tpu.memory_space<vmem>>
        %dma_wait3A_59 = tpu.memref_squeeze %dma_wait3A_58 : memref<1x128xi32, #tpu.memory_space<vmem>> -> memref<128xi32, #tpu.memory_space<vmem>>
        %dma_wait3A_60 = arith.constant 0 : i32
        %dma_wait3A_61 = arith.constant 0 : i32
        %dma_wait3A_62 = tpu.memref_slice %arg11[%dma_wait3A_60, %dma_wait3A_61] : memref<10240x128xf32, #tpu.memory_space<vmem_shared>> -> memref<10240x128xf32, #tpu.memory_space<vmem_shared>>
        tpu.wait_indirect_dma semaphore(%run_scoped3A : memref<!tpu.dma_semaphore, #tpu.memory_space<semaphore_mem>>) src(%arg9 : memref<128x128xf32, #tpu.memory_space<vmem>>) dst(%dma_wait3A_62 : memref<10240x128xf32, #tpu.memory_space<vmem_shared>>)
        tpu.yield
      }) : () -> ()
    }
    %scan3A_24 = arith.constant 81 : i32
    %barrier3A_25 = arith.constant 0 : index
    tpu.barrier barrier_id(%barrier3A_25)
    "tpu.region"() ({
      %run_scoped3A = tpu.sem_alloc : memref<!tpu.dma_semaphore, #tpu.memory_space<semaphore_mem>>
      %dma_start3A = arith.constant 0 : i32
      %dma_start3A_26 = tpu.memref_slice %arg6[%arg0, %mul3A_9, %dma_start3A] : memref<2x10240x128xf32, #tpu.memory_space<hbm>> -> memref<1x640x128xf32, #tpu.memory_space<hbm>>
      %dma_start3A_27 = tpu.memref_squeeze %dma_start3A_26 : memref<1x640x128xf32, #tpu.memory_space<hbm>> -> memref<640x128xf32, #tpu.memory_space<hbm>>
      %dma_start3A_28 = arith.constant 0 : i32
      %dma_start3A_29 = tpu.memref_slice %arg11[%mul3A_9, %dma_start3A_28] : memref<10240x128xf32, #tpu.memory_space<vmem_shared>> -> memref<640x128xf32, #tpu.memory_space<vmem_shared>>
      tpu.enqueue_dma source(%dma_start3A_29 : memref<640x128xf32, #tpu.memory_space<vmem_shared>>) target(%dma_start3A_27 : memref<640x128xf32, #tpu.memory_space<hbm>>) target_semaphore(%run_scoped3A : memref<!tpu.dma_semaphore, #tpu.memory_space<semaphore_mem>>)
      %dma_wait3A = arith.constant 0 : i32
      %dma_wait3A_30 = tpu.memref_slice %arg6[%arg0, %mul3A_9, %dma_wait3A] : memref<2x10240x128xf32, #tpu.memory_space<hbm>> -> memref<1x640x128xf32, #tpu.memory_space<hbm>>
      %dma_wait3A_31 = tpu.memref_squeeze %dma_wait3A_30 : memref<1x640x128xf32, #tpu.memory_space<hbm>> -> memref<640x128xf32, #tpu.memory_space<hbm>>
      %dma_wait3A_32 = arith.constant 0 : i32
      %dma_wait3A_33 = tpu.memref_slice %arg11[%mul3A_9, %dma_wait3A_32] : memref<10240x128xf32, #tpu.memory_space<vmem_shared>> -> memref<640x128xf32, #tpu.memory_space<vmem_shared>>
      tpu.wait_dma2 semaphore(%run_scoped3A : memref<!tpu.dma_semaphore, #tpu.memory_space<semaphore_mem>>) src(%dma_wait3A_33 : memref<640x128xf32, #tpu.memory_space<vmem_shared>>) dst(%dma_wait3A_31 : memref<640x128xf32, #tpu.memory_space<hbm>>)
      tpu.yield
    }) : () -> ()
    return
  }
}

#map = affine_map<(d0, d1) -> (0, 0, 0)>
#map1 = affine_map<(d0, d1) -> (0)>
#map2 = affine_map<(d0, d1) -> (0, 0)>
module attributes {stable_mosaic.version = 14 : i64} {
  func.func @k(%arg0: i32, %arg1: i32, %arg2: memref<32x81x128xi32, #tpu.memory_space<hbm>>, %arg3: memref<32x81x128xi32, #tpu.memory_space<hbm>>, %arg4: memref<40000xf32, #tpu.memory_space<hbm>>, %arg5: memref<40000xf32, #tpu.memory_space<hbm>>, %arg6: memref<4x16xf32, #tpu.memory_space<hbm>>, %arg7: memref<1327104xf32, #tpu.memory_space<hbm>>, %arg8: memref<81x128xi32, #tpu.memory_space<vmem>>, %arg9: memref<81x128xi32, #tpu.memory_space<vmem>>, %arg10: memref<40000xf32, #tpu.memory_space<vmem>>, %arg11: memref<40000xf32, #tpu.memory_space<vmem>>, %arg12: memref<4x16xf32, #tpu.memory_space<vmem>>, %arg13: memref<512xf32, #tpu.memory_space<vmem>>) attributes {dimension_semantics = [#tpu.dimension_semantics<core_parallel>, #tpu.dimension_semantics<subcore_parallel>], iteration_bounds = array<i64: 2, 16>, scalar_prefetch = 0 : i64, scratch_operands = 6 : i64, tpu.core_type = #tpu.core_type<sc_vector_subcore>, window_params = [{transform_indices = #map}, {transform_indices = #map}, {transform_indices = #map1}, {transform_indices = #map1}, {transform_indices = #map2}, {transform_indices = #map1}]} {
    %mul3A = arith.constant 16 : i32
    %mul3A_0 = arith.muli %arg0, %mul3A : i32
    %add3A = arith.addi %mul3A_0, %arg1 : i32
    %iota3A = tpu.iota {dimensions = array<i32: 0>} : vector<16xi32>
    "tpu.region"() ({
      %run_scoped3A = tpu.sem_alloc : memref<!tpu.dma_semaphore, #tpu.memory_space<semaphore_mem>>
      %dma_start3A = arith.constant 0 : i32
      %dma_start3A_9 = arith.constant 0 : i32
      %dma_start3A_10 = tpu.memref_slice %arg2[%add3A, %dma_start3A, %dma_start3A_9] : memref<32x81x128xi32, #tpu.memory_space<hbm>> -> memref<1x81x128xi32, #tpu.memory_space<hbm>>
      %dma_start3A_11 = tpu.memref_squeeze %dma_start3A_10 : memref<1x81x128xi32, #tpu.memory_space<hbm>> -> memref<81x128xi32, #tpu.memory_space<hbm>>
      %dma_start3A_12 = arith.constant 0 : i32
      %dma_start3A_13 = arith.constant 0 : i32
      %dma_start3A_14 = tpu.memref_slice %arg2[%add3A, %dma_start3A_12, %dma_start3A_13] : memref<32x81x128xi32, #tpu.memory_space<hbm>> -> memref<1x81x128xi32, #tpu.memory_space<hbm>>
      %dma_start3A_15 = tpu.memref_squeeze %dma_start3A_14 : memref<1x81x128xi32, #tpu.memory_space<hbm>> -> memref<81x128xi32, #tpu.memory_space<hbm>>
      tpu.enqueue_dma source(%dma_start3A_15 : memref<81x128xi32, #tpu.memory_space<hbm>>) target(%arg8 : memref<81x128xi32, #tpu.memory_space<vmem>>) target_semaphore(%run_scoped3A : memref<!tpu.dma_semaphore, #tpu.memory_space<semaphore_mem>>)
      %dma_wait3A = arith.constant 0 : i32
      %dma_wait3A_16 = arith.constant 0 : i32
      %dma_wait3A_17 = tpu.memref_slice %arg2[%add3A, %dma_wait3A, %dma_wait3A_16] : memref<32x81x128xi32, #tpu.memory_space<hbm>> -> memref<1x81x128xi32, #tpu.memory_space<hbm>>
      %dma_wait3A_18 = tpu.memref_squeeze %dma_wait3A_17 : memref<1x81x128xi32, #tpu.memory_space<hbm>> -> memref<81x128xi32, #tpu.memory_space<hbm>>
      %dma_wait3A_19 = arith.constant 0 : i32
      %dma_wait3A_20 = arith.constant 0 : i32
      %dma_wait3A_21 = tpu.memref_slice %arg2[%add3A, %dma_wait3A_19, %dma_wait3A_20] : memref<32x81x128xi32, #tpu.memory_space<hbm>> -> memref<1x81x128xi32, #tpu.memory_space<hbm>>
      %dma_wait3A_22 = tpu.memref_squeeze %dma_wait3A_21 : memref<1x81x128xi32, #tpu.memory_space<hbm>> -> memref<81x128xi32, #tpu.memory_space<hbm>>
      tpu.wait_dma2 semaphore(%run_scoped3A : memref<!tpu.dma_semaphore, #tpu.memory_space<semaphore_mem>>) src(%dma_wait3A_22 : memref<81x128xi32, #tpu.memory_space<hbm>>) dst(%arg8 : memref<81x128xi32, #tpu.memory_space<vmem>>)
      tpu.yield
    }) : () -> ()
    "tpu.region"() ({
      %run_scoped3A = tpu.sem_alloc : memref<!tpu.dma_semaphore, #tpu.memory_space<semaphore_mem>>
      %dma_start3A = arith.constant 0 : i32
      %dma_start3A_9 = arith.constant 0 : i32
      %dma_start3A_10 = tpu.memref_slice %arg3[%add3A, %dma_start3A, %dma_start3A_9] : memref<32x81x128xi32, #tpu.memory_space<hbm>> -> memref<1x81x128xi32, #tpu.memory_space<hbm>>
      %dma_start3A_11 = tpu.memref_squeeze %dma_start3A_10 : memref<1x81x128xi32, #tpu.memory_space<hbm>> -> memref<81x128xi32, #tpu.memory_space<hbm>>
      %dma_start3A_12 = arith.constant 0 : i32
      %dma_start3A_13 = arith.constant 0 : i32
      %dma_start3A_14 = tpu.memref_slice %arg3[%add3A, %dma_start3A_12, %dma_start3A_13] : memref<32x81x128xi32, #tpu.memory_space<hbm>> -> memref<1x81x128xi32, #tpu.memory_space<hbm>>
      %dma_start3A_15 = tpu.memref_squeeze %dma_start3A_14 : memref<1x81x128xi32, #tpu.memory_space<hbm>> -> memref<81x128xi32, #tpu.memory_space<hbm>>
      tpu.enqueue_dma source(%dma_start3A_15 : memref<81x128xi32, #tpu.memory_space<hbm>>) target(%arg9 : memref<81x128xi32, #tpu.memory_space<vmem>>) target_semaphore(%run_scoped3A : memref<!tpu.dma_semaphore, #tpu.memory_space<semaphore_mem>>)
      %dma_wait3A = arith.constant 0 : i32
      %dma_wait3A_16 = arith.constant 0 : i32
      %dma_wait3A_17 = tpu.memref_slice %arg3[%add3A, %dma_wait3A, %dma_wait3A_16] : memref<32x81x128xi32, #tpu.memory_space<hbm>> -> memref<1x81x128xi32, #tpu.memory_space<hbm>>
      %dma_wait3A_18 = tpu.memref_squeeze %dma_wait3A_17 : memref<1x81x128xi32, #tpu.memory_space<hbm>> -> memref<81x128xi32, #tpu.memory_space<hbm>>
      %dma_wait3A_19 = arith.constant 0 : i32
      %dma_wait3A_20 = arith.constant 0 : i32
      %dma_wait3A_21 = tpu.memref_slice %arg3[%add3A, %dma_wait3A_19, %dma_wait3A_20] : memref<32x81x128xi32, #tpu.memory_space<hbm>> -> memref<1x81x128xi32, #tpu.memory_space<hbm>>
      %dma_wait3A_22 = tpu.memref_squeeze %dma_wait3A_21 : memref<1x81x128xi32, #tpu.memory_space<hbm>> -> memref<81x128xi32, #tpu.memory_space<hbm>>
      tpu.wait_dma2 semaphore(%run_scoped3A : memref<!tpu.dma_semaphore, #tpu.memory_space<semaphore_mem>>) src(%dma_wait3A_22 : memref<81x128xi32, #tpu.memory_space<hbm>>) dst(%arg9 : memref<81x128xi32, #tpu.memory_space<vmem>>)
      tpu.yield
    }) : () -> ()
    "tpu.region"() ({
      %run_scoped3A = tpu.sem_alloc : memref<!tpu.dma_semaphore, #tpu.memory_space<semaphore_mem>>
      tpu.enqueue_dma source(%arg4 : memref<40000xf32, #tpu.memory_space<hbm>>) target(%arg10 : memref<40000xf32, #tpu.memory_space<vmem>>) target_semaphore(%run_scoped3A : memref<!tpu.dma_semaphore, #tpu.memory_space<semaphore_mem>>)
      tpu.wait_dma2 semaphore(%run_scoped3A : memref<!tpu.dma_semaphore, #tpu.memory_space<semaphore_mem>>) src(%arg4 : memref<40000xf32, #tpu.memory_space<hbm>>) dst(%arg10 : memref<40000xf32, #tpu.memory_space<vmem>>)
      tpu.yield
    }) : () -> ()
    "tpu.region"() ({
      %run_scoped3A = tpu.sem_alloc : memref<!tpu.dma_semaphore, #tpu.memory_space<semaphore_mem>>
      tpu.enqueue_dma source(%arg5 : memref<40000xf32, #tpu.memory_space<hbm>>) target(%arg11 : memref<40000xf32, #tpu.memory_space<vmem>>) target_semaphore(%run_scoped3A : memref<!tpu.dma_semaphore, #tpu.memory_space<semaphore_mem>>)
      tpu.wait_dma2 semaphore(%run_scoped3A : memref<!tpu.dma_semaphore, #tpu.memory_space<semaphore_mem>>) src(%arg5 : memref<40000xf32, #tpu.memory_space<hbm>>) dst(%arg11 : memref<40000xf32, #tpu.memory_space<vmem>>)
      tpu.yield
    }) : () -> ()
    "tpu.region"() ({
      %run_scoped3A = tpu.sem_alloc : memref<!tpu.dma_semaphore, #tpu.memory_space<semaphore_mem>>
      tpu.enqueue_dma source(%arg6 : memref<4x16xf32, #tpu.memory_space<hbm>>) target(%arg12 : memref<4x16xf32, #tpu.memory_space<vmem>>) target_semaphore(%run_scoped3A : memref<!tpu.dma_semaphore, #tpu.memory_space<semaphore_mem>>)
      tpu.wait_dma2 semaphore(%run_scoped3A : memref<!tpu.dma_semaphore, #tpu.memory_space<semaphore_mem>>) src(%arg6 : memref<4x16xf32, #tpu.memory_space<hbm>>) dst(%arg12 : memref<4x16xf32, #tpu.memory_space<vmem>>)
      tpu.yield
    }) : () -> ()
    %mul3A_1 = arith.constant 81 : i32
    %mul3A_2 = arith.muli %add3A, %mul3A_1 : i32
    %mul3A_3 = arith.constant 128 : i32
    %mul3A_4 = arith.muli %mul3A_2, %mul3A_3 : i32
    %scan3A = arith.constant 0 : i32
    %scan3A_5 = arith.constant 81 : i32
    %scan3A_6 = arith.addi %scan3A, %scan3A_5 : i32
    %scan3A_7 = arith.constant 1 : i32
    scf.for %scan3A_9 = %scan3A to %scan3A_6 step %scan3A_7  : i32 {
      %mul3A_10 = arith.constant 1 : i32
      %mul3A_11 = arith.muli %scan3A_9, %mul3A_10 : i32
      %add3A_12 = arith.constant 0 : i32
      %add3A_13 = arith.addi %add3A_12, %mul3A_11 : i32
      %scan3A_14 = arith.constant 0 : i32
      %scan3A_15 = arith.constant 8 : i32
      %scan3A_16 = arith.addi %scan3A_14, %scan3A_15 : i32
      %scan3A_17 = arith.constant 1 : i32
      scf.for %scan3A_24 = %scan3A_14 to %scan3A_16 step %scan3A_17  : i32 {
        %mul3A_25 = arith.constant 1 : i32
        %mul3A_26 = arith.muli %scan3A_24, %mul3A_25 : i32
        %add3A_27 = arith.constant 0 : i32
        %add3A_28 = arith.addi %add3A_27, %mul3A_26 : i32
        %mul3A_29 = arith.constant 16 : i32
        %mul3A_30 = arith.muli %add3A_28, %mul3A_29 : i32
        %get3A = arith.index_cast %add3A_13 : i32 to index
        %get3A_31 = arith.index_cast %mul3A_30 : i32 to index
        %get3A_32 = tpu.vector_load %arg8[%get3A, %get3A_31] {strides = array<i32>} : memref<81x128xi32, #tpu.memory_space<vmem>>, vector<16xi32>,
        %mul3A_33 = arith.constant 16 : i32
        %mul3A_34 = arith.muli %add3A_28, %mul3A_33 : i32
        %get3A_35 = arith.index_cast %add3A_13 : i32 to index
        %get3A_36 = arith.index_cast %mul3A_34 : i32 to index
        %get3A_37 = tpu.vector_load %arg9[%get3A_35, %get3A_36] {strides = array<i32>} : memref<81x128xi32, #tpu.memory_space<vmem>>, vector<16xi32>,
        %mul3A_38 = arith.constant 128 : i32
        %mul3A_39 = arith.muli %add3A_13, %mul3A_38 : i32
        %add3A_40 = arith.addi %mul3A_4, %mul3A_39 : i32
        %mul3A_41 = arith.constant 16 : i32
        %mul3A_42 = arith.muli %add3A_28, %mul3A_41 : i32
        %add3A_43 = arith.addi %add3A_40, %mul3A_42 : i32
        %add3A_44 = vector.broadcast %add3A_43 : i32 to vector<16xi32>
        %add3A_45 = arith.addi %add3A_44, %iota3A : vector<16xi32>
        %lt3A = arith.constant 330000 : i32
        %lt3A_46 = vector.broadcast %lt3A : i32 to vector<16xi32>
        %lt3A_47 = arith.cmpi slt, %add3A_45, %lt3A_46 : vector<16xi32>
        %mul3A_48 = arith.constant 4 : i32
        %mul3A_49 = vector.broadcast %mul3A_48 : i32 to vector<16xi32>
        %mul3A_50 = arith.muli %get3A_32, %mul3A_49 : vector<16xi32>
        %add3A_51 = arith.constant 0 : i32
        %add3A_52 = vector.broadcast %add3A_51 : i32 to vector<16xi32>
        %add3A_53 = arith.addi %mul3A_50, %add3A_52 : vector<16xi32>
        %gather3A = tpu.vector_load_idx %arg10[%add3A_53] : memref<40000xf32, #tpu.memory_space<vmem>>[vector<16xi32>], vector<16xf32>,
        %mul3A_54 = arith.constant 4 : i32
        %mul3A_55 = vector.broadcast %mul3A_54 : i32 to vector<16xi32>
        %mul3A_56 = arith.muli %get3A_37, %mul3A_55 : vector<16xi32>
        %add3A_57 = arith.constant 0 : i32
        %add3A_58 = vector.broadcast %add3A_57 : i32 to vector<16xi32>
        %add3A_59 = arith.addi %mul3A_56, %add3A_58 : vector<16xi32>
        %gather3A_60 = tpu.vector_load_idx %arg11[%add3A_59] : memref<40000xf32, #tpu.memory_space<vmem>>[vector<16xi32>], vector<16xf32>,
        %add3A_61 = arith.addf %gather3A, %gather3A_60 : vector<16xf32>
        %max3A = arith.constant 0.000000e+00 : f32
        %max3A_62 = vector.broadcast %max3A : f32 to vector<16xf32>
        %max3A_63 = arith.maximumf %add3A_61, %max3A_62 : vector<16xf32>
        %min3A = arith.constant 0.000000e+00 : f32
        %min3A_64 = vector.broadcast %min3A : f32 to vector<16xf32>
        %min3A_65 = arith.minimumf %add3A_61, %min3A_64 : vector<16xf32>
        %mul3A_66 = arith.constant 2.000000e-01 : f32
        %mul3A_67 = vector.broadcast %mul3A_66 : f32 to vector<16xf32>
        %mul3A_68 = arith.mulf %mul3A_67, %min3A_65 : vector<16xf32>
        %add3A_69 = arith.addf %max3A_63, %mul3A_68 : vector<16xf32>
        %get3A_70 = arith.constant 0 : i32
        %get3A_71 = arith.index_cast %get3A_70 : i32 to index
        %get3A_72 = arith.constant 0 : index
        %get3A_73 = tpu.vector_load %arg12[%get3A_71, %get3A_72] {strides = array<i32>} : memref<4x16xf32, #tpu.memory_space<vmem>>, vector<16xf32>,
        %add3A_74 = arith.addf %get3A_73, %gather3A_60 : vector<16xf32>
        %max3A_75 = arith.constant 0.000000e+00 : f32
        %max3A_76 = vector.broadcast %max3A_75 : f32 to vector<16xf32>
        %max3A_77 = arith.maximumf %add3A_74, %max3A_76 : vector<16xf32>
        %min3A_78 = arith.constant 0.000000e+00 : f32
        %min3A_79 = vector.broadcast %min3A_78 : f32 to vector<16xf32>
        %min3A_80 = arith.minimumf %add3A_74, %min3A_79 : vector<16xf32>
        %mul3A_81 = arith.constant 2.000000e-01 : f32
        %mul3A_82 = vector.broadcast %mul3A_81 : f32 to vector<16xf32>
        %mul3A_83 = arith.mulf %mul3A_82, %min3A_80 : vector<16xf32>
        %add3A_84 = arith.addf %max3A_77, %mul3A_83 : vector<16xf32>
        %sub3A = arith.subf %add3A_69, %add3A_84 : vector<16xf32>
        %exp3A = math.exp %sub3A : vector<16xf32>
        %jit3A = arith.constant 0.000000e+00 : f32
        %broadcast_in_dim3A = vector.broadcast %jit3A : f32 to vector<16xf32>
        %select_n3A = arith.select %lt3A_47, %exp3A, %broadcast_in_dim3A : vector<16xi1>, vector<16xf32>
        %mul3A_85 = arith.constant 16 : i32
        %mul3A_86 = arith.muli %add3A_28, %mul3A_85 : i32
        %add3A_87 = arith.constant 0 : i32
        %add3A_88 = arith.addi %add3A_87, %mul3A_86 : i32
        %swap3A = arith.index_cast %add3A_88 : i32 to index
        %swap3A_89 = tpu.vector_load %arg13[%swap3A] {strides = array<i32>} : memref<512xf32, #tpu.memory_space<vmem>>, vector<16xf32>,
        tpu.vector_store %arg13[%swap3A], %select_n3A {strides = array<i32>} : memref<512xf32, #tpu.memory_space<vmem>>, vector<16xf32>,
        %mul3A_90 = arith.constant 4 : i32
        %mul3A_91 = vector.broadcast %mul3A_90 : i32 to vector<16xi32>
        %mul3A_92 = arith.muli %get3A_32, %mul3A_91 : vector<16xi32>
        %add3A_93 = arith.constant 1 : i32
        %add3A_94 = vector.broadcast %add3A_93 : i32 to vector<16xi32>
        %add3A_95 = arith.addi %mul3A_92, %add3A_94 : vector<16xi32>
        %gather3A_96 = tpu.vector_load_idx %arg10[%add3A_95] : memref<40000xf32, #tpu.memory_space<vmem>>[vector<16xi32>], vector<16xf32>,
        %mul3A_97 = arith.constant 4 : i32
        %mul3A_98 = vector.broadcast %mul3A_97 : i32 to vector<16xi32>
        %mul3A_99 = arith.muli %get3A_37, %mul3A_98 : vector<16xi32>
        %add3A_100 = arith.constant 1 : i32
        %add3A_101 = vector.broadcast %add3A_100 : i32 to vector<16xi32>
        %add3A_102 = arith.addi %mul3A_99, %add3A_101 : vector<16xi32>
        %gather3A_103 = tpu.vector_load_idx %arg11[%add3A_102] : memref<40000xf32, #tpu.memory_space<vmem>>[vector<16xi32>], vector<16xf32>,
        %add3A_104 = arith.addf %gather3A_96, %gather3A_103 : vector<16xf32>
        %max3A_105 = arith.constant 0.000000e+00 : f32
        %max3A_106 = vector.broadcast %max3A_105 : f32 to vector<16xf32>
        %max3A_107 = arith.maximumf %add3A_104, %max3A_106 : vector<16xf32>
        %min3A_108 = arith.constant 0.000000e+00 : f32
        %min3A_109 = vector.broadcast %min3A_108 : f32 to vector<16xf32>
        %min3A_110 = arith.minimumf %add3A_104, %min3A_109 : vector<16xf32>
        %mul3A_111 = arith.constant 2.000000e-01 : f32
        %mul3A_112 = vector.broadcast %mul3A_111 : f32 to vector<16xf32>
        %mul3A_113 = arith.mulf %mul3A_112, %min3A_110 : vector<16xf32>
        %add3A_114 = arith.addf %max3A_107, %mul3A_113 : vector<16xf32>
        %get3A_115 = arith.constant 1 : i32
        %get3A_116 = arith.index_cast %get3A_115 : i32 to index
        %get3A_117 = arith.constant 0 : index
        %get3A_118 = tpu.vector_load %arg12[%get3A_116, %get3A_117] {strides = array<i32>} : memref<4x16xf32, #tpu.memory_space<vmem>>, vector<16xf32>,
        %add3A_119 = arith.addf %get3A_118, %gather3A_103 : vector<16xf32>
        %max3A_120 = arith.constant 0.000000e+00 : f32
        %max3A_121 = vector.broadcast %max3A_120 : f32 to vector<16xf32>
        %max3A_122 = arith.maximumf %add3A_119, %max3A_121 : vector<16xf32>
        %min3A_123 = arith.constant 0.000000e+00 : f32
        %min3A_124 = vector.broadcast %min3A_123 : f32 to vector<16xf32>
        %min3A_125 = arith.minimumf %add3A_119, %min3A_124 : vector<16xf32>
        %mul3A_126 = arith.constant 2.000000e-01 : f32
        %mul3A_127 = vector.broadcast %mul3A_126 : f32 to vector<16xf32>
        %mul3A_128 = arith.mulf %mul3A_127, %min3A_125 : vector<16xf32>
        %add3A_129 = arith.addf %max3A_122, %mul3A_128 : vector<16xf32>
        %sub3A_130 = arith.subf %add3A_114, %add3A_129 : vector<16xf32>
        %exp3A_131 = math.exp %sub3A_130 : vector<16xf32>
        %jit3A_132 = arith.constant 0.000000e+00 : f32
        %broadcast_in_dim3A_133 = vector.broadcast %jit3A_132 : f32 to vector<16xf32>
        %select_n3A_134 = arith.select %lt3A_47, %exp3A_131, %broadcast_in_dim3A_133 : vector<16xi1>, vector<16xf32>
        %mul3A_135 = arith.constant 16 : i32
        %mul3A_136 = arith.muli %add3A_28, %mul3A_135 : i32
        %add3A_137 = arith.constant 128 : i32
        %add3A_138 = arith.addi %add3A_137, %mul3A_136 : i32
        %swap3A_139 = arith.index_cast %add3A_138 : i32 to index
        %swap3A_140 = tpu.vector_load %arg13[%swap3A_139] {strides = array<i32>} : memref<512xf32, #tpu.memory_space<vmem>>, vector<16xf32>,
        tpu.vector_store %arg13[%swap3A_139], %select_n3A_134 {strides = array<i32>} : memref<512xf32, #tpu.memory_space<vmem>>, vector<16xf32>,
        %mul3A_141 = arith.constant 4 : i32
        %mul3A_142 = vector.broadcast %mul3A_141 : i32 to vector<16xi32>
        %mul3A_143 = arith.muli %get3A_32, %mul3A_142 : vector<16xi32>
        %add3A_144 = arith.constant 2 : i32
        %add3A_145 = vector.broadcast %add3A_144 : i32 to vector<16xi32>
        %add3A_146 = arith.addi %mul3A_143, %add3A_145 : vector<16xi32>
        %gather3A_147 = tpu.vector_load_idx %arg10[%add3A_146] : memref<40000xf32, #tpu.memory_space<vmem>>[vector<16xi32>], vector<16xf32>,
        %mul3A_148 = arith.constant 4 : i32
        %mul3A_149 = vector.broadcast %mul3A_148 : i32 to vector<16xi32>
        %mul3A_150 = arith.muli %get3A_37, %mul3A_149 : vector<16xi32>
        %add3A_151 = arith.constant 2 : i32
        %add3A_152 = vector.broadcast %add3A_151 : i32 to vector<16xi32>
        %add3A_153 = arith.addi %mul3A_150, %add3A_152 : vector<16xi32>
        %gather3A_154 = tpu.vector_load_idx %arg11[%add3A_153] : memref<40000xf32, #tpu.memory_space<vmem>>[vector<16xi32>], vector<16xf32>,
        %add3A_155 = arith.addf %gather3A_147, %gather3A_154 : vector<16xf32>
        %max3A_156 = arith.constant 0.000000e+00 : f32
        %max3A_157 = vector.broadcast %max3A_156 : f32 to vector<16xf32>
        %max3A_158 = arith.maximumf %add3A_155, %max3A_157 : vector<16xf32>
        %min3A_159 = arith.constant 0.000000e+00 : f32
        %min3A_160 = vector.broadcast %min3A_159 : f32 to vector<16xf32>
        %min3A_161 = arith.minimumf %add3A_155, %min3A_160 : vector<16xf32>
        %mul3A_162 = arith.constant 2.000000e-01 : f32
        %mul3A_163 = vector.broadcast %mul3A_162 : f32 to vector<16xf32>
        %mul3A_164 = arith.mulf %mul3A_163, %min3A_161 : vector<16xf32>
        %add3A_165 = arith.addf %max3A_158, %mul3A_164 : vector<16xf32>
        %get3A_166 = arith.constant 2 : i32
        %get3A_167 = arith.index_cast %get3A_166 : i32 to index
        %get3A_168 = arith.constant 0 : index
        %get3A_169 = tpu.vector_load %arg12[%get3A_167, %get3A_168] {strides = array<i32>} : memref<4x16xf32, #tpu.memory_space<vmem>>, vector<16xf32>,
        %add3A_170 = arith.addf %get3A_169, %gather3A_154 : vector<16xf32>
        %max3A_171 = arith.constant 0.000000e+00 : f32
        %max3A_172 = vector.broadcast %max3A_171 : f32 to vector<16xf32>
        %max3A_173 = arith.maximumf %add3A_170, %max3A_172 : vector<16xf32>
        %min3A_174 = arith.constant 0.000000e+00 : f32
        %min3A_175 = vector.broadcast %min3A_174 : f32 to vector<16xf32>
        %min3A_176 = arith.minimumf %add3A_170, %min3A_175 : vector<16xf32>
        %mul3A_177 = arith.constant 2.000000e-01 : f32
        %mul3A_178 = vector.broadcast %mul3A_177 : f32 to vector<16xf32>
        %mul3A_179 = arith.mulf %mul3A_178, %min3A_176 : vector<16xf32>
        %add3A_180 = arith.addf %max3A_173, %mul3A_179 : vector<16xf32>
        %sub3A_181 = arith.subf %add3A_165, %add3A_180 : vector<16xf32>
        %exp3A_182 = math.exp %sub3A_181 : vector<16xf32>
        %jit3A_183 = arith.constant 0.000000e+00 : f32
        %broadcast_in_dim3A_184 = vector.broadcast %jit3A_183 : f32 to vector<16xf32>
        %select_n3A_185 = arith.select %lt3A_47, %exp3A_182, %broadcast_in_dim3A_184 : vector<16xi1>, vector<16xf32>
        %mul3A_186 = arith.constant 16 : i32
        %mul3A_187 = arith.muli %add3A_28, %mul3A_186 : i32
        %add3A_188 = arith.constant 256 : i32
        %add3A_189 = arith.addi %add3A_188, %mul3A_187 : i32
        %swap3A_190 = arith.index_cast %add3A_189 : i32 to index
        %swap3A_191 = tpu.vector_load %arg13[%swap3A_190] {strides = array<i32>} : memref<512xf32, #tpu.memory_space<vmem>>, vector<16xf32>,
        tpu.vector_store %arg13[%swap3A_190], %select_n3A_185 {strides = array<i32>} : memref<512xf32, #tpu.memory_space<vmem>>, vector<16xf32>,
        %mul3A_192 = arith.constant 4 : i32
        %mul3A_193 = vector.broadcast %mul3A_192 : i32 to vector<16xi32>
        %mul3A_194 = arith.muli %get3A_32, %mul3A_193 : vector<16xi32>
        %add3A_195 = arith.constant 3 : i32
        %add3A_196 = vector.broadcast %add3A_195 : i32 to vector<16xi32>
        %add3A_197 = arith.addi %mul3A_194, %add3A_196 : vector<16xi32>
        %gather3A_198 = tpu.vector_load_idx %arg10[%add3A_197] : memref<40000xf32, #tpu.memory_space<vmem>>[vector<16xi32>], vector<16xf32>,
        %mul3A_199 = arith.constant 4 : i32
        %mul3A_200 = vector.broadcast %mul3A_199 : i32 to vector<16xi32>
        %mul3A_201 = arith.muli %get3A_37, %mul3A_200 : vector<16xi32>
        %add3A_202 = arith.constant 3 : i32
        %add3A_203 = vector.broadcast %add3A_202 : i32 to vector<16xi32>
        %add3A_204 = arith.addi %mul3A_201, %add3A_203 : vector<16xi32>
        %gather3A_205 = tpu.vector_load_idx %arg11[%add3A_204] : memref<40000xf32, #tpu.memory_space<vmem>>[vector<16xi32>], vector<16xf32>,
        %add3A_206 = arith.addf %gather3A_198, %gather3A_205 : vector<16xf32>
        %max3A_207 = arith.constant 0.000000e+00 : f32
        %max3A_208 = vector.broadcast %max3A_207 : f32 to vector<16xf32>
        %max3A_209 = arith.maximumf %add3A_206, %max3A_208 : vector<16xf32>
        %min3A_210 = arith.constant 0.000000e+00 : f32
        %min3A_211 = vector.broadcast %min3A_210 : f32 to vector<16xf32>
        %min3A_212 = arith.minimumf %add3A_206, %min3A_211 : vector<16xf32>
        %mul3A_213 = arith.constant 2.000000e-01 : f32
        %mul3A_214 = vector.broadcast %mul3A_213 : f32 to vector<16xf32>
        %mul3A_215 = arith.mulf %mul3A_214, %min3A_212 : vector<16xf32>
        %add3A_216 = arith.addf %max3A_209, %mul3A_215 : vector<16xf32>
        %get3A_217 = arith.constant 3 : i32
        %get3A_218 = arith.index_cast %get3A_217 : i32 to index
        %get3A_219 = arith.constant 0 : index
        %get3A_220 = tpu.vector_load %arg12[%get3A_218, %get3A_219] {strides = array<i32>} : memref<4x16xf32, #tpu.memory_space<vmem>>, vector<16xf32>,
        %add3A_221 = arith.addf %get3A_220, %gather3A_205 : vector<16xf32>
        %max3A_222 = arith.constant 0.000000e+00 : f32
        %max3A_223 = vector.broadcast %max3A_222 : f32 to vector<16xf32>
        %max3A_224 = arith.maximumf %add3A_221, %max3A_223 : vector<16xf32>
        %min3A_225 = arith.constant 0.000000e+00 : f32
        %min3A_226 = vector.broadcast %min3A_225 : f32 to vector<16xf32>
        %min3A_227 = arith.minimumf %add3A_221, %min3A_226 : vector<16xf32>
        %mul3A_228 = arith.constant 2.000000e-01 : f32
        %mul3A_229 = vector.broadcast %mul3A_228 : f32 to vector<16xf32>
        %mul3A_230 = arith.mulf %mul3A_229, %min3A_227 : vector<16xf32>
        %add3A_231 = arith.addf %max3A_224, %mul3A_230 : vector<16xf32>
        %sub3A_232 = arith.subf %add3A_216, %add3A_231 : vector<16xf32>
        %exp3A_233 = math.exp %sub3A_232 : vector<16xf32>
        %jit3A_234 = arith.constant 0.000000e+00 : f32
        %broadcast_in_dim3A_235 = vector.broadcast %jit3A_234 : f32 to vector<16xf32>
        %select_n3A_236 = arith.select %lt3A_47, %exp3A_233, %broadcast_in_dim3A_235 : vector<16xi1>, vector<16xf32>
        %mul3A_237 = arith.constant 16 : i32
        %mul3A_238 = arith.muli %add3A_28, %mul3A_237 : i32
        %add3A_239 = arith.constant 384 : i32
        %add3A_240 = arith.addi %add3A_239, %mul3A_238 : i32
        %swap3A_241 = arith.index_cast %add3A_240 : i32 to index
        %swap3A_242 = tpu.vector_load %arg13[%swap3A_241] {strides = array<i32>} : memref<512xf32, #tpu.memory_space<vmem>>, vector<16xf32>,
        tpu.vector_store %arg13[%swap3A_241], %select_n3A_236 {strides = array<i32>} : memref<512xf32, #tpu.memory_space<vmem>>, vector<16xf32>,
      }
      %scan3A_18 = arith.constant 8 : i32
      %mul3A_19 = arith.constant 81 : i32
      %mul3A_20 = arith.muli %add3A, %mul3A_19 : i32
      %add3A_21 = arith.addi %mul3A_20, %add3A_13 : i32
      %mul3A_22 = arith.constant 512 : i32
      %mul3A_23 = arith.muli %add3A_21, %mul3A_22 : i32
      "tpu.region"() ({
        %run_scoped3A = tpu.sem_alloc : memref<!tpu.dma_semaphore, #tpu.memory_space<semaphore_mem>>
        %dma_start3A = tpu.memref_slice %arg7[%mul3A_23] : memref<1327104xf32, #tpu.memory_space<hbm>> -> memref<512xf32, #tpu.memory_space<hbm>>
        %dma_start3A_24 = tpu.memref_slice %arg7[%mul3A_23] : memref<1327104xf32, #tpu.memory_space<hbm>> -> memref<512xf32, #tpu.memory_space<hbm>>
        tpu.enqueue_dma source(%arg13 : memref<512xf32, #tpu.memory_space<vmem>>) target(%dma_start3A_24 : memref<512xf32, #tpu.memory_space<hbm>>) target_semaphore(%run_scoped3A : memref<!tpu.dma_semaphore, #tpu.memory_space<semaphore_mem>>)
        %dma_wait3A = tpu.memref_slice %arg7[%mul3A_23] : memref<1327104xf32, #tpu.memory_space<hbm>> -> memref<512xf32, #tpu.memory_space<hbm>>
        %dma_wait3A_25 = tpu.memref_slice %arg7[%mul3A_23] : memref<1327104xf32, #tpu.memory_space<hbm>> -> memref<512xf32, #tpu.memory_space<hbm>>
        tpu.wait_dma2 semaphore(%run_scoped3A : memref<!tpu.dma_semaphore, #tpu.memory_space<semaphore_mem>>) src(%arg13 : memref<512xf32, #tpu.memory_space<vmem>>) dst(%dma_wait3A_25 : memref<512xf32, #tpu.memory_space<hbm>>)
        tpu.yield
      }) : () -> ()
    }
    %scan3A_8 = arith.constant 81 : i32
    return
  }
}

#map = affine_map<(d0, d1) -> (0, 0, 0)>
#map1 = affine_map<(d0, d1) -> (0, 0)>
#map2 = affine_map<(d0, d1) -> (0)>
module attributes {stable_mosaic.version = 14 : i64} {
  func.func @k(%arg0: i32, %arg1: i32, %arg2: memref<32x81x128xi32, #tpu.memory_space<hbm>>, %arg3: memref<32x81x128xi32, #tpu.memory_space<hbm>>, %arg4: memref<10000x128xf32, #tpu.memory_space<hbm>>, %arg5: memref<1327104xf32, #tpu.memory_space<hbm>>, %arg6: memref<2x10240x128xf32, #tpu.memory_space<hbm>>, %arg7: memref<81x128xi32, #tpu.memory_space<vmem>>, %arg8: memref<81x128xi32, #tpu.memory_space<vmem>>, %arg9: memref<128x128xf32, #tpu.memory_space<vmem>>, %arg10: memref<512xf32, #tpu.memory_space<vmem>>, %arg11: memref<10240x128xf32, #tpu.memory_space<vmem_shared>>, %arg12: memref<!tpu.dma_semaphore, #tpu.memory_space<semaphore_mem>>) attributes {dimension_semantics = [#tpu.dimension_semantics<core_parallel>, #tpu.dimension_semantics<subcore_parallel>], iteration_bounds = array<i64: 2, 16>, scalar_prefetch = 0 : i64, scratch_operands = 6 : i64, tpu.core_type = #tpu.core_type<sc_vector_subcore>, window_params = [{transform_indices = #map}, {transform_indices = #map}, {transform_indices = #map1}, {transform_indices = #map2}, {transform_indices = #map}]} {
    %mul3A = arith.constant 16 : i32
    %mul3A_0 = arith.muli %arg0, %mul3A : i32
    %add3A = arith.addi %mul3A_0, %arg1 : i32
    %iota3A = tpu.iota {dimensions = array<i32: 0>} : vector<16xi32>
    %and3A = arith.constant 3 : i32
    %and3A_1 = vector.broadcast %and3A : i32 to vector<16xi32>
    %and3A_2 = arith.andi %iota3A, %and3A_1 : vector<16xi32>
    "tpu.region"() ({
      %run_scoped3A = tpu.sem_alloc : memref<!tpu.dma_semaphore, #tpu.memory_space<semaphore_mem>>
      %dma_start3A = arith.constant 0 : i32
      %dma_start3A_26 = arith.constant 0 : i32
      %dma_start3A_27 = tpu.memref_slice %arg2[%add3A, %dma_start3A, %dma_start3A_26] : memref<32x81x128xi32, #tpu.memory_space<hbm>> -> memref<1x81x128xi32, #tpu.memory_space<hbm>>
      %dma_start3A_28 = tpu.memref_squeeze %dma_start3A_27 : memref<1x81x128xi32, #tpu.memory_space<hbm>> -> memref<81x128xi32, #tpu.memory_space<hbm>>
      %dma_start3A_29 = arith.constant 0 : i32
      %dma_start3A_30 = arith.constant 0 : i32
      %dma_start3A_31 = tpu.memref_slice %arg2[%add3A, %dma_start3A_29, %dma_start3A_30] : memref<32x81x128xi32, #tpu.memory_space<hbm>> -> memref<1x81x128xi32, #tpu.memory_space<hbm>>
      %dma_start3A_32 = tpu.memref_squeeze %dma_start3A_31 : memref<1x81x128xi32, #tpu.memory_space<hbm>> -> memref<81x128xi32, #tpu.memory_space<hbm>>
      tpu.enqueue_dma source(%dma_start3A_32 : memref<81x128xi32, #tpu.memory_space<hbm>>) target(%arg7 : memref<81x128xi32, #tpu.memory_space<vmem>>) target_semaphore(%run_scoped3A : memref<!tpu.dma_semaphore, #tpu.memory_space<semaphore_mem>>)
      %dma_wait3A = arith.constant 0 : i32
      %dma_wait3A_33 = arith.constant 0 : i32
      %dma_wait3A_34 = tpu.memref_slice %arg2[%add3A, %dma_wait3A, %dma_wait3A_33] : memref<32x81x128xi32, #tpu.memory_space<hbm>> -> memref<1x81x128xi32, #tpu.memory_space<hbm>>
      %dma_wait3A_35 = tpu.memref_squeeze %dma_wait3A_34 : memref<1x81x128xi32, #tpu.memory_space<hbm>> -> memref<81x128xi32, #tpu.memory_space<hbm>>
      %dma_wait3A_36 = arith.constant 0 : i32
      %dma_wait3A_37 = arith.constant 0 : i32
      %dma_wait3A_38 = tpu.memref_slice %arg2[%add3A, %dma_wait3A_36, %dma_wait3A_37] : memref<32x81x128xi32, #tpu.memory_space<hbm>> -> memref<1x81x128xi32, #tpu.memory_space<hbm>>
      %dma_wait3A_39 = tpu.memref_squeeze %dma_wait3A_38 : memref<1x81x128xi32, #tpu.memory_space<hbm>> -> memref<81x128xi32, #tpu.memory_space<hbm>>
      tpu.wait_dma2 semaphore(%run_scoped3A : memref<!tpu.dma_semaphore, #tpu.memory_space<semaphore_mem>>) src(%dma_wait3A_39 : memref<81x128xi32, #tpu.memory_space<hbm>>) dst(%arg7 : memref<81x128xi32, #tpu.memory_space<vmem>>)
      tpu.yield
    }) : () -> ()
    "tpu.region"() ({
      %run_scoped3A = tpu.sem_alloc : memref<!tpu.dma_semaphore, #tpu.memory_space<semaphore_mem>>
      %dma_start3A = arith.constant 0 : i32
      %dma_start3A_26 = arith.constant 0 : i32
      %dma_start3A_27 = tpu.memref_slice %arg3[%add3A, %dma_start3A, %dma_start3A_26] : memref<32x81x128xi32, #tpu.memory_space<hbm>> -> memref<1x81x128xi32, #tpu.memory_space<hbm>>
      %dma_start3A_28 = tpu.memref_squeeze %dma_start3A_27 : memref<1x81x128xi32, #tpu.memory_space<hbm>> -> memref<81x128xi32, #tpu.memory_space<hbm>>
      %dma_start3A_29 = arith.constant 0 : i32
      %dma_start3A_30 = arith.constant 0 : i32
      %dma_start3A_31 = tpu.memref_slice %arg3[%add3A, %dma_start3A_29, %dma_start3A_30] : memref<32x81x128xi32, #tpu.memory_space<hbm>> -> memref<1x81x128xi32, #tpu.memory_space<hbm>>
      %dma_start3A_32 = tpu.memref_squeeze %dma_start3A_31 : memref<1x81x128xi32, #tpu.memory_space<hbm>> -> memref<81x128xi32, #tpu.memory_space<hbm>>
      tpu.enqueue_dma source(%dma_start3A_32 : memref<81x128xi32, #tpu.memory_space<hbm>>) target(%arg8 : memref<81x128xi32, #tpu.memory_space<vmem>>) target_semaphore(%run_scoped3A : memref<!tpu.dma_semaphore, #tpu.memory_space<semaphore_mem>>)
      %dma_wait3A = arith.constant 0 : i32
      %dma_wait3A_33 = arith.constant 0 : i32
      %dma_wait3A_34 = tpu.memref_slice %arg3[%add3A, %dma_wait3A, %dma_wait3A_33] : memref<32x81x128xi32, #tpu.memory_space<hbm>> -> memref<1x81x128xi32, #tpu.memory_space<hbm>>
      %dma_wait3A_35 = tpu.memref_squeeze %dma_wait3A_34 : memref<1x81x128xi32, #tpu.memory_space<hbm>> -> memref<81x128xi32, #tpu.memory_space<hbm>>
      %dma_wait3A_36 = arith.constant 0 : i32
      %dma_wait3A_37 = arith.constant 0 : i32
      %dma_wait3A_38 = tpu.memref_slice %arg3[%add3A, %dma_wait3A_36, %dma_wait3A_37] : memref<32x81x128xi32, #tpu.memory_space<hbm>> -> memref<1x81x128xi32, #tpu.memory_space<hbm>>
      %dma_wait3A_39 = tpu.memref_squeeze %dma_wait3A_38 : memref<1x81x128xi32, #tpu.memory_space<hbm>> -> memref<81x128xi32, #tpu.memory_space<hbm>>
      tpu.wait_dma2 semaphore(%run_scoped3A : memref<!tpu.dma_semaphore, #tpu.memory_space<semaphore_mem>>) src(%dma_wait3A_39 : memref<81x128xi32, #tpu.memory_space<hbm>>) dst(%arg8 : memref<81x128xi32, #tpu.memory_space<vmem>>)
      tpu.yield
    }) : () -> ()
    %broadcast_in_dim3A = arith.constant 0.000000e+00 : f32
    %broadcast_in_dim3A_3 = vector.broadcast %broadcast_in_dim3A : f32 to vector<16xf32>
    %scan3A = arith.constant 0 : i32
    %scan3A_4 = arith.constant 128 : i32
    %scan3A_5 = arith.addi %scan3A, %scan3A_4 : i32
    %scan3A_6 = arith.constant 1 : i32
    scf.for %scan3A_26 = %scan3A to %scan3A_5 step %scan3A_6  : i32 {
      %mul3A_27 = arith.constant 1 : i32
      %mul3A_28 = arith.muli %scan3A_26, %mul3A_27 : i32
      %add3A_29 = arith.constant 0 : i32
      %add3A_30 = arith.addi %add3A_29, %mul3A_28 : i32
      %swap3A = arith.index_cast %add3A_30 : i32 to index
      %swap3A_31 = arith.constant 0 : index
      %swap3A_32 = tpu.vector_load %arg9[%swap3A, %swap3A_31] {strides = array<i32>} : memref<128x128xf32, #tpu.memory_space<vmem>>, vector<16xf32>,
      tpu.vector_store %arg9[%swap3A, %swap3A_31], %broadcast_in_dim3A_3 {strides = array<i32>} : memref<128x128xf32, #tpu.memory_space<vmem>>, vector<16xf32>,
      %swap3A_33 = arith.index_cast %add3A_30 : i32 to index
      %swap3A_34 = arith.constant 16 : index
      %swap3A_35 = tpu.vector_load %arg9[%swap3A_33, %swap3A_34] {strides = array<i32>} : memref<128x128xf32, #tpu.memory_space<vmem>>, vector<16xf32>,
      tpu.vector_store %arg9[%swap3A_33, %swap3A_34], %broadcast_in_dim3A_3 {strides = array<i32>} : memref<128x128xf32, #tpu.memory_space<vmem>>, vector<16xf32>,
      %swap3A_36 = arith.index_cast %add3A_30 : i32 to index
      %swap3A_37 = arith.constant 32 : index
      %swap3A_38 = tpu.vector_load %arg9[%swap3A_36, %swap3A_37] {strides = array<i32>} : memref<128x128xf32, #tpu.memory_space<vmem>>, vector<16xf32>,
      tpu.vector_store %arg9[%swap3A_36, %swap3A_37], %broadcast_in_dim3A_3 {strides = array<i32>} : memref<128x128xf32, #tpu.memory_space<vmem>>, vector<16xf32>,
      %swap3A_39 = arith.index_cast %add3A_30 : i32 to index
      %swap3A_40 = arith.constant 48 : index
      %swap3A_41 = tpu.vector_load %arg9[%swap3A_39, %swap3A_40] {strides = array<i32>} : memref<128x128xf32, #tpu.memory_space<vmem>>, vector<16xf32>,
      tpu.vector_store %arg9[%swap3A_39, %swap3A_40], %broadcast_in_dim3A_3 {strides = array<i32>} : memref<128x128xf32, #tpu.memory_space<vmem>>, vector<16xf32>,
      %swap3A_42 = arith.index_cast %add3A_30 : i32 to index
      %swap3A_43 = arith.constant 64 : index
      %swap3A_44 = tpu.vector_load %arg9[%swap3A_42, %swap3A_43] {strides = array<i32>} : memref<128x128xf32, #tpu.memory_space<vmem>>, vector<16xf32>,
      tpu.vector_store %arg9[%swap3A_42, %swap3A_43], %broadcast_in_dim3A_3 {strides = array<i32>} : memref<128x128xf32, #tpu.memory_space<vmem>>, vector<16xf32>,
      %swap3A_45 = arith.index_cast %add3A_30 : i32 to index
      %swap3A_46 = arith.constant 80 : index
      %swap3A_47 = tpu.vector_load %arg9[%swap3A_45, %swap3A_46] {strides = array<i32>} : memref<128x128xf32, #tpu.memory_space<vmem>>, vector<16xf32>,
      tpu.vector_store %arg9[%swap3A_45, %swap3A_46], %broadcast_in_dim3A_3 {strides = array<i32>} : memref<128x128xf32, #tpu.memory_space<vmem>>, vector<16xf32>,
      %swap3A_48 = arith.index_cast %add3A_30 : i32 to index
      %swap3A_49 = arith.constant 96 : index
      %swap3A_50 = tpu.vector_load %arg9[%swap3A_48, %swap3A_49] {strides = array<i32>} : memref<128x128xf32, #tpu.memory_space<vmem>>, vector<16xf32>,
      tpu.vector_store %arg9[%swap3A_48, %swap3A_49], %broadcast_in_dim3A_3 {strides = array<i32>} : memref<128x128xf32, #tpu.memory_space<vmem>>, vector<16xf32>,
      %swap3A_51 = arith.index_cast %add3A_30 : i32 to index
      %swap3A_52 = arith.constant 112 : index
      %swap3A_53 = tpu.vector_load %arg9[%swap3A_51, %swap3A_52] {strides = array<i32>} : memref<128x128xf32, #tpu.memory_space<vmem>>, vector<16xf32>,
      tpu.vector_store %arg9[%swap3A_51, %swap3A_52], %broadcast_in_dim3A_3 {strides = array<i32>} : memref<128x128xf32, #tpu.memory_space<vmem>>, vector<16xf32>,
    }
    %scan3A_7 = arith.constant 128 : i32
    %mul3A_8 = arith.constant 640 : i32
    %mul3A_9 = arith.muli %arg1, %mul3A_8 : i32
    %add3A_10 = arith.constant 0 : i32
    %add3A_11 = arith.addi %mul3A_9, %add3A_10 : i32
    "tpu.region"() ({
      %run_scoped3A = tpu.sem_alloc : memref<!tpu.dma_semaphore, #tpu.memory_space<semaphore_mem>>
      %dma_start3A = arith.constant 0 : i32
      %dma_start3A_26 = tpu.memref_slice %arg11[%add3A_11, %dma_start3A] : memref<10240x128xf32, #tpu.memory_space<vmem_shared>> -> memref<128x128xf32, #tpu.memory_space<vmem_shared>>
      %dma_start3A_27 = arith.constant 0 : i32
      %dma_start3A_28 = tpu.memref_slice %arg11[%add3A_11, %dma_start3A_27] : memref<10240x128xf32, #tpu.memory_space<vmem_shared>> -> memref<128x128xf32, #tpu.memory_space<vmem_shared>>
      tpu.enqueue_dma source(%arg9 : memref<128x128xf32, #tpu.memory_space<vmem>>) target(%dma_start3A_28 : memref<128x128xf32, #tpu.memory_space<vmem_shared>>) target_semaphore(%run_scoped3A : memref<!tpu.dma_semaphore, #tpu.memory_space<semaphore_mem>>)
      %dma_wait3A = arith.constant 0 : i32
      %dma_wait3A_29 = tpu.memref_slice %arg11[%add3A_11, %dma_wait3A] : memref<10240x128xf32, #tpu.memory_space<vmem_shared>> -> memref<128x128xf32, #tpu.memory_space<vmem_shared>>
      %dma_wait3A_30 = arith.constant 0 : i32
      %dma_wait3A_31 = tpu.memref_slice %arg11[%add3A_11, %dma_wait3A_30] : memref<10240x128xf32, #tpu.memory_space<vmem_shared>> -> memref<128x128xf32, #tpu.memory_space<vmem_shared>>
      tpu.wait_dma2 semaphore(%run_scoped3A : memref<!tpu.dma_semaphore, #tpu.memory_space<semaphore_mem>>) src(%arg9 : memref<128x128xf32, #tpu.memory_space<vmem>>) dst(%dma_wait3A_31 : memref<128x128xf32, #tpu.memory_space<vmem_shared>>)
      tpu.yield
    }) : () -> ()
    %add3A_12 = arith.constant 128 : i32
    %add3A_13 = arith.addi %mul3A_9, %add3A_12 : i32
    "tpu.region"() ({
      %run_scoped3A = tpu.sem_alloc : memref<!tpu.dma_semaphore, #tpu.memory_space<semaphore_mem>>
      %dma_start3A = arith.constant 0 : i32
      %dma_start3A_26 = tpu.memref_slice %arg11[%add3A_13, %dma_start3A] : memref<10240x128xf32, #tpu.memory_space<vmem_shared>> -> memref<128x128xf32, #tpu.memory_space<vmem_shared>>
      %dma_start3A_27 = arith.constant 0 : i32
      %dma_start3A_28 = tpu.memref_slice %arg11[%add3A_13, %dma_start3A_27] : memref<10240x128xf32, #tpu.memory_space<vmem_shared>> -> memref<128x128xf32, #tpu.memory_space<vmem_shared>>
      tpu.enqueue_dma source(%arg9 : memref<128x128xf32, #tpu.memory_space<vmem>>) target(%dma_start3A_28 : memref<128x128xf32, #tpu.memory_space<vmem_shared>>) target_semaphore(%run_scoped3A : memref<!tpu.dma_semaphore, #tpu.memory_space<semaphore_mem>>)
      %dma_wait3A = arith.constant 0 : i32
      %dma_wait3A_29 = tpu.memref_slice %arg11[%add3A_13, %dma_wait3A] : memref<10240x128xf32, #tpu.memory_space<vmem_shared>> -> memref<128x128xf32, #tpu.memory_space<vmem_shared>>
      %dma_wait3A_30 = arith.constant 0 : i32
      %dma_wait3A_31 = tpu.memref_slice %arg11[%add3A_13, %dma_wait3A_30] : memref<10240x128xf32, #tpu.memory_space<vmem_shared>> -> memref<128x128xf32, #tpu.memory_space<vmem_shared>>
      tpu.wait_dma2 semaphore(%run_scoped3A : memref<!tpu.dma_semaphore, #tpu.memory_space<semaphore_mem>>) src(%arg9 : memref<128x128xf32, #tpu.memory_space<vmem>>) dst(%dma_wait3A_31 : memref<128x128xf32, #tpu.memory_space<vmem_shared>>)
      tpu.yield
    }) : () -> ()
    %add3A_14 = arith.constant 256 : i32
    %add3A_15 = arith.addi %mul3A_9, %add3A_14 : i32
    "tpu.region"() ({
      %run_scoped3A = tpu.sem_alloc : memref<!tpu.dma_semaphore, #tpu.memory_space<semaphore_mem>>
      %dma_start3A = arith.constant 0 : i32
      %dma_start3A_26 = tpu.memref_slice %arg11[%add3A_15, %dma_start3A] : memref<10240x128xf32, #tpu.memory_space<vmem_shared>> -> memref<128x128xf32, #tpu.memory_space<vmem_shared>>
      %dma_start3A_27 = arith.constant 0 : i32
      %dma_start3A_28 = tpu.memref_slice %arg11[%add3A_15, %dma_start3A_27] : memref<10240x128xf32, #tpu.memory_space<vmem_shared>> -> memref<128x128xf32, #tpu.memory_space<vmem_shared>>
      tpu.enqueue_dma source(%arg9 : memref<128x128xf32, #tpu.memory_space<vmem>>) target(%dma_start3A_28 : memref<128x128xf32, #tpu.memory_space<vmem_shared>>) target_semaphore(%run_scoped3A : memref<!tpu.dma_semaphore, #tpu.memory_space<semaphore_mem>>)
      %dma_wait3A = arith.constant 0 : i32
      %dma_wait3A_29 = tpu.memref_slice %arg11[%add3A_15, %dma_wait3A] : memref<10240x128xf32, #tpu.memory_space<vmem_shared>> -> memref<128x128xf32, #tpu.memory_space<vmem_shared>>
      %dma_wait3A_30 = arith.constant 0 : i32
      %dma_wait3A_31 = tpu.memref_slice %arg11[%add3A_15, %dma_wait3A_30] : memref<10240x128xf32, #tpu.memory_space<vmem_shared>> -> memref<128x128xf32, #tpu.memory_space<vmem_shared>>
      tpu.wait_dma2 semaphore(%run_scoped3A : memref<!tpu.dma_semaphore, #tpu.memory_space<semaphore_mem>>) src(%arg9 : memref<128x128xf32, #tpu.memory_space<vmem>>) dst(%dma_wait3A_31 : memref<128x128xf32, #tpu.memory_space<vmem_shared>>)
      tpu.yield
    }) : () -> ()
    %add3A_16 = arith.constant 384 : i32
    %add3A_17 = arith.addi %mul3A_9, %add3A_16 : i32
    "tpu.region"() ({
      %run_scoped3A = tpu.sem_alloc : memref<!tpu.dma_semaphore, #tpu.memory_space<semaphore_mem>>
      %dma_start3A = arith.constant 0 : i32
      %dma_start3A_26 = tpu.memref_slice %arg11[%add3A_17, %dma_start3A] : memref<10240x128xf32, #tpu.memory_space<vmem_shared>> -> memref<128x128xf32, #tpu.memory_space<vmem_shared>>
      %dma_start3A_27 = arith.constant 0 : i32
      %dma_start3A_28 = tpu.memref_slice %arg11[%add3A_17, %dma_start3A_27] : memref<10240x128xf32, #tpu.memory_space<vmem_shared>> -> memref<128x128xf32, #tpu.memory_space<vmem_shared>>
      tpu.enqueue_dma source(%arg9 : memref<128x128xf32, #tpu.memory_space<vmem>>) target(%dma_start3A_28 : memref<128x128xf32, #tpu.memory_space<vmem_shared>>) target_semaphore(%run_scoped3A : memref<!tpu.dma_semaphore, #tpu.memory_space<semaphore_mem>>)
      %dma_wait3A = arith.constant 0 : i32
      %dma_wait3A_29 = tpu.memref_slice %arg11[%add3A_17, %dma_wait3A] : memref<10240x128xf32, #tpu.memory_space<vmem_shared>> -> memref<128x128xf32, #tpu.memory_space<vmem_shared>>
      %dma_wait3A_30 = arith.constant 0 : i32
      %dma_wait3A_31 = tpu.memref_slice %arg11[%add3A_17, %dma_wait3A_30] : memref<10240x128xf32, #tpu.memory_space<vmem_shared>> -> memref<128x128xf32, #tpu.memory_space<vmem_shared>>
      tpu.wait_dma2 semaphore(%run_scoped3A : memref<!tpu.dma_semaphore, #tpu.memory_space<semaphore_mem>>) src(%arg9 : memref<128x128xf32, #tpu.memory_space<vmem>>) dst(%dma_wait3A_31 : memref<128x128xf32, #tpu.memory_space<vmem_shared>>)
      tpu.yield
    }) : () -> ()
    %add3A_18 = arith.constant 512 : i32
    %add3A_19 = arith.addi %mul3A_9, %add3A_18 : i32
    "tpu.region"() ({
      %run_scoped3A = tpu.sem_alloc : memref<!tpu.dma_semaphore, #tpu.memory_space<semaphore_mem>>
      %dma_start3A = arith.constant 0 : i32
      %dma_start3A_26 = tpu.memref_slice %arg11[%add3A_19, %dma_start3A] : memref<10240x128xf32, #tpu.memory_space<vmem_shared>> -> memref<128x128xf32, #tpu.memory_space<vmem_shared>>
      %dma_start3A_27 = arith.constant 0 : i32
      %dma_start3A_28 = tpu.memref_slice %arg11[%add3A_19, %dma_start3A_27] : memref<10240x128xf32, #tpu.memory_space<vmem_shared>> -> memref<128x128xf32, #tpu.memory_space<vmem_shared>>
      tpu.enqueue_dma source(%arg9 : memref<128x128xf32, #tpu.memory_space<vmem>>) target(%dma_start3A_28 : memref<128x128xf32, #tpu.memory_space<vmem_shared>>) target_semaphore(%run_scoped3A : memref<!tpu.dma_semaphore, #tpu.memory_space<semaphore_mem>>)
      %dma_wait3A = arith.constant 0 : i32
      %dma_wait3A_29 = tpu.memref_slice %arg11[%add3A_19, %dma_wait3A] : memref<10240x128xf32, #tpu.memory_space<vmem_shared>> -> memref<128x128xf32, #tpu.memory_space<vmem_shared>>
      %dma_wait3A_30 = arith.constant 0 : i32
      %dma_wait3A_31 = tpu.memref_slice %arg11[%add3A_19, %dma_wait3A_30] : memref<10240x128xf32, #tpu.memory_space<vmem_shared>> -> memref<128x128xf32, #tpu.memory_space<vmem_shared>>
      tpu.wait_dma2 semaphore(%run_scoped3A : memref<!tpu.dma_semaphore, #tpu.memory_space<semaphore_mem>>) src(%arg9 : memref<128x128xf32, #tpu.memory_space<vmem>>) dst(%dma_wait3A_31 : memref<128x128xf32, #tpu.memory_space<vmem_shared>>)
      tpu.yield
    }) : () -> ()
    %barrier3A = arith.constant 0 : index
    tpu.barrier barrier_id(%barrier3A)
    %scan3A_20 = arith.constant 0 : i32
    %scan3A_21 = arith.constant 81 : i32
    %scan3A_22 = arith.addi %scan3A_20, %scan3A_21 : i32
    %scan3A_23 = arith.constant 1 : i32
    scf.for %scan3A_26 = %scan3A_20 to %scan3A_22 step %scan3A_23  : i32 {
      %mul3A_27 = arith.constant 1 : i32
      %mul3A_28 = arith.muli %scan3A_26, %mul3A_27 : i32
      %add3A_29 = arith.constant 0 : i32
      %add3A_30 = arith.addi %add3A_29, %mul3A_28 : i32
      %dma_start3A = arith.constant 0 : i32
      %dma_start3A_31 = tpu.memref_slice %arg7[%add3A_30, %dma_start3A] : memref<81x128xi32, #tpu.memory_space<vmem>> -> memref<1x128xi32, #tpu.memory_space<vmem>>
      %dma_start3A_32 = tpu.memref_squeeze %dma_start3A_31 : memref<1x128xi32, #tpu.memory_space<vmem>> -> memref<128xi32, #tpu.memory_space<vmem>>
      %dma_start3A_33 = arith.constant 0 : i32
      %dma_start3A_34 = arith.constant 0 : i32
      %dma_start3A_35 = tpu.memref_slice %arg4[%dma_start3A_33, %dma_start3A_34] : memref<10000x128xf32, #tpu.memory_space<hbm>> -> memref<10000x128xf32, #tpu.memory_space<hbm>>
      tpu.enqueue_indirect_dma source(%dma_start3A_35 : memref<10000x128xf32, #tpu.memory_space<hbm>>) target(%arg9 : memref<128x128xf32, #tpu.memory_space<vmem>>) offsets(%dma_start3A_32 : memref<128xi32, #tpu.memory_space<vmem>>) semaphore(%arg12 : memref<!tpu.dma_semaphore, #tpu.memory_space<semaphore_mem>>)
      %dma_wait3A = arith.constant 0 : i32
      %dma_wait3A_36 = tpu.memref_slice %arg7[%add3A_30, %dma_wait3A] : memref<81x128xi32, #tpu.memory_space<vmem>> -> memref<1x128xi32, #tpu.memory_space<vmem>>
      %dma_wait3A_37 = tpu.memref_squeeze %dma_wait3A_36 : memref<1x128xi32, #tpu.memory_space<vmem>> -> memref<128xi32, #tpu.memory_space<vmem>>
      %dma_wait3A_38 = arith.constant 0 : i32
      %dma_wait3A_39 = arith.constant 0 : i32
      %dma_wait3A_40 = tpu.memref_slice %arg4[%dma_wait3A_38, %dma_wait3A_39] : memref<10000x128xf32, #tpu.memory_space<hbm>> -> memref<10000x128xf32, #tpu.memory_space<hbm>>
      tpu.wait_indirect_dma semaphore(%arg12 : memref<!tpu.dma_semaphore, #tpu.memory_space<semaphore_mem>>) src(%dma_wait3A_40 : memref<10000x128xf32, #tpu.memory_space<hbm>>) dst(%arg9 : memref<128x128xf32, #tpu.memory_space<vmem>>)
      %mul3A_41 = arith.constant 81 : i32
      %mul3A_42 = arith.muli %add3A, %mul3A_41 : i32
      %add3A_43 = arith.addi %mul3A_42, %add3A_30 : i32
      %mul3A_44 = arith.constant 512 : i32
      %mul3A_45 = arith.muli %add3A_43, %mul3A_44 : i32
      "tpu.region"() ({
        %run_scoped3A = tpu.sem_alloc : memref<!tpu.dma_semaphore, #tpu.memory_space<semaphore_mem>>
        %dma_start3A_51 = tpu.memref_slice %arg5[%mul3A_45] : memref<1327104xf32, #tpu.memory_space<hbm>> -> memref<512xf32, #tpu.memory_space<hbm>>
        %dma_start3A_52 = tpu.memref_slice %arg5[%mul3A_45] : memref<1327104xf32, #tpu.memory_space<hbm>> -> memref<512xf32, #tpu.memory_space<hbm>>
        tpu.enqueue_dma source(%dma_start3A_52 : memref<512xf32, #tpu.memory_space<hbm>>) target(%arg10 : memref<512xf32, #tpu.memory_space<vmem>>) target_semaphore(%run_scoped3A : memref<!tpu.dma_semaphore, #tpu.memory_space<semaphore_mem>>)
        %dma_wait3A_53 = tpu.memref_slice %arg5[%mul3A_45] : memref<1327104xf32, #tpu.memory_space<hbm>> -> memref<512xf32, #tpu.memory_space<hbm>>
        %dma_wait3A_54 = tpu.memref_slice %arg5[%mul3A_45] : memref<1327104xf32, #tpu.memory_space<hbm>> -> memref<512xf32, #tpu.memory_space<hbm>>
        tpu.wait_dma2 semaphore(%run_scoped3A : memref<!tpu.dma_semaphore, #tpu.memory_space<semaphore_mem>>) src(%dma_wait3A_54 : memref<512xf32, #tpu.memory_space<hbm>>) dst(%arg10 : memref<512xf32, #tpu.memory_space<vmem>>)
        tpu.yield
      }) : () -> ()
      %scan3A_46 = arith.constant 0 : i32
      %scan3A_47 = arith.constant 128 : i32
      %scan3A_48 = arith.addi %scan3A_46, %scan3A_47 : i32
      %scan3A_49 = arith.constant 1 : i32
      scf.for %scan3A_51 = %scan3A_46 to %scan3A_48 step %scan3A_49  : i32 {
        %mul3A_52 = arith.constant 1 : i32
        %mul3A_53 = arith.muli %scan3A_51, %mul3A_52 : i32
        %add3A_54 = arith.constant 0 : i32
        %add3A_55 = arith.addi %add3A_54, %mul3A_53 : i32
        %add3A_56 = arith.constant 0 : i32
        %add3A_57 = arith.addi %add3A_56, %add3A_55 : i32
        %broadcast_in_dim3A_58 = vector.broadcast %add3A_57 : i32 to vector<16xi32>
        %gather3A = tpu.vector_load_idx %arg10[%broadcast_in_dim3A_58] : memref<512xf32, #tpu.memory_space<vmem>>[vector<16xi32>], vector<16xf32>,
        %get3A = arith.index_cast %add3A_55 : i32 to index
        %get3A_59 = arith.constant 0 : index
        %get3A_60 = tpu.vector_load %arg9[%get3A, %get3A_59] {strides = array<i32>} : memref<128x128xf32, #tpu.memory_space<vmem>>, vector<16xf32>,
        %mul3A_61 = arith.mulf %get3A_60, %gather3A : vector<16xf32>
        %swap3A = arith.index_cast %add3A_55 : i32 to index
        %swap3A_62 = arith.constant 0 : index
        %swap3A_63 = tpu.vector_load %arg9[%swap3A, %swap3A_62] {strides = array<i32>} : memref<128x128xf32, #tpu.memory_space<vmem>>, vector<16xf32>,
        tpu.vector_store %arg9[%swap3A, %swap3A_62], %mul3A_61 {strides = array<i32>} : memref<128x128xf32, #tpu.memory_space<vmem>>, vector<16xf32>,
        %add3A_64 = arith.constant 0 : i32
        %add3A_65 = arith.addi %add3A_64, %add3A_55 : i32
        %broadcast_in_dim3A_66 = vector.broadcast %add3A_65 : i32 to vector<16xi32>
        %gather3A_67 = tpu.vector_load_idx %arg10[%broadcast_in_dim3A_66] : memref<512xf32, #tpu.memory_space<vmem>>[vector<16xi32>], vector<16xf32>,
        %get3A_68 = arith.index_cast %add3A_55 : i32 to index
        %get3A_69 = arith.constant 16 : index
        %get3A_70 = tpu.vector_load %arg9[%get3A_68, %get3A_69] {strides = array<i32>} : memref<128x128xf32, #tpu.memory_space<vmem>>, vector<16xf32>,
        %mul3A_71 = arith.mulf %get3A_70, %gather3A_67 : vector<16xf32>
        %swap3A_72 = arith.index_cast %add3A_55 : i32 to index
        %swap3A_73 = arith.constant 16 : index
        %swap3A_74 = tpu.vector_load %arg9[%swap3A_72, %swap3A_73] {strides = array<i32>} : memref<128x128xf32, #tpu.memory_space<vmem>>, vector<16xf32>,
        tpu.vector_store %arg9[%swap3A_72, %swap3A_73], %mul3A_71 {strides = array<i32>} : memref<128x128xf32, #tpu.memory_space<vmem>>, vector<16xf32>,
        %add3A_75 = arith.constant 128 : i32
        %add3A_76 = arith.addi %add3A_75, %add3A_55 : i32
        %broadcast_in_dim3A_77 = vector.broadcast %add3A_76 : i32 to vector<16xi32>
        %gather3A_78 = tpu.vector_load_idx %arg10[%broadcast_in_dim3A_77] : memref<512xf32, #tpu.memory_space<vmem>>[vector<16xi32>], vector<16xf32>,
        %get3A_79 = arith.index_cast %add3A_55 : i32 to index
        %get3A_80 = arith.constant 32 : index
        %get3A_81 = tpu.vector_load %arg9[%get3A_79, %get3A_80] {strides = array<i32>} : memref<128x128xf32, #tpu.memory_space<vmem>>, vector<16xf32>,
        %mul3A_82 = arith.mulf %get3A_81, %gather3A_78 : vector<16xf32>
        %swap3A_83 = arith.index_cast %add3A_55 : i32 to index
        %swap3A_84 = arith.constant 32 : index
        %swap3A_85 = tpu.vector_load %arg9[%swap3A_83, %swap3A_84] {strides = array<i32>} : memref<128x128xf32, #tpu.memory_space<vmem>>, vector<16xf32>,
        tpu.vector_store %arg9[%swap3A_83, %swap3A_84], %mul3A_82 {strides = array<i32>} : memref<128x128xf32, #tpu.memory_space<vmem>>, vector<16xf32>,
        %add3A_86 = arith.constant 128 : i32
        %add3A_87 = arith.addi %add3A_86, %add3A_55 : i32
        %broadcast_in_dim3A_88 = vector.broadcast %add3A_87 : i32 to vector<16xi32>
        %gather3A_89 = tpu.vector_load_idx %arg10[%broadcast_in_dim3A_88] : memref<512xf32, #tpu.memory_space<vmem>>[vector<16xi32>], vector<16xf32>,
        %get3A_90 = arith.index_cast %add3A_55 : i32 to index
        %get3A_91 = arith.constant 48 : index
        %get3A_92 = tpu.vector_load %arg9[%get3A_90, %get3A_91] {strides = array<i32>} : memref<128x128xf32, #tpu.memory_space<vmem>>, vector<16xf32>,
        %mul3A_93 = arith.mulf %get3A_92, %gather3A_89 : vector<16xf32>
        %swap3A_94 = arith.index_cast %add3A_55 : i32 to index
        %swap3A_95 = arith.constant 48 : index
        %swap3A_96 = tpu.vector_load %arg9[%swap3A_94, %swap3A_95] {strides = array<i32>} : memref<128x128xf32, #tpu.memory_space<vmem>>, vector<16xf32>,
        tpu.vector_store %arg9[%swap3A_94, %swap3A_95], %mul3A_93 {strides = array<i32>} : memref<128x128xf32, #tpu.memory_space<vmem>>, vector<16xf32>,
        %mul3A_97 = arith.constant 128 : i32
        %mul3A_98 = vector.broadcast %mul3A_97 : i32 to vector<16xi32>
        %mul3A_99 = arith.muli %and3A_2, %mul3A_98 : vector<16xi32>
        %add3A_100 = vector.broadcast %add3A_55 : i32 to vector<16xi32>
        %add3A_101 = arith.addi %mul3A_99, %add3A_100 : vector<16xi32>
        %gather3A_102 = tpu.vector_load_idx %arg10[%add3A_101] : memref<512xf32, #tpu.memory_space<vmem>>[vector<16xi32>], vector<16xf32>,
        %get3A_103 = arith.index_cast %add3A_55 : i32 to index
        %get3A_104 = arith.constant 64 : index
        %get3A_105 = tpu.vector_load %arg9[%get3A_103, %get3A_104] {strides = array<i32>} : memref<128x128xf32, #tpu.memory_space<vmem>>, vector<16xf32>,
        %mul3A_106 = arith.mulf %get3A_105, %gather3A_102 : vector<16xf32>
        %swap3A_107 = arith.index_cast %add3A_55 : i32 to index
        %swap3A_108 = arith.constant 64 : index
        %swap3A_109 = tpu.vector_load %arg9[%swap3A_107, %swap3A_108] {strides = array<i32>} : memref<128x128xf32, #tpu.memory_space<vmem>>, vector<16xf32>,
        tpu.vector_store %arg9[%swap3A_107, %swap3A_108], %mul3A_106 {strides = array<i32>} : memref<128x128xf32, #tpu.memory_space<vmem>>, vector<16xf32>,
      }
      %scan3A_50 = arith.constant 128 : i32
      "tpu.region"() ({
        %run_scoped3A = tpu.sem_alloc : memref<!tpu.dma_semaphore, #tpu.memory_space<semaphore_mem>>
        %dma_start3A_51 = arith.constant 0 : i32
        %dma_start3A_52 = tpu.memref_slice %arg8[%add3A_30, %dma_start3A_51] : memref<81x128xi32, #tpu.memory_space<vmem>> -> memref<1x128xi32, #tpu.memory_space<vmem>>
        %dma_start3A_53 = tpu.memref_squeeze %dma_start3A_52 : memref<1x128xi32, #tpu.memory_space<vmem>> -> memref<128xi32, #tpu.memory_space<vmem>>
        %dma_start3A_54 = arith.constant 0 : i32
        %dma_start3A_55 = arith.constant 0 : i32
        %dma_start3A_56 = tpu.memref_slice %arg11[%dma_start3A_54, %dma_start3A_55] : memref<10240x128xf32, #tpu.memory_space<vmem_shared>> -> memref<10240x128xf32, #tpu.memory_space<vmem_shared>>
        tpu.enqueue_indirect_dma source(%arg9 : memref<128x128xf32, #tpu.memory_space<vmem>>) target(%dma_start3A_56 : memref<10240x128xf32, #tpu.memory_space<vmem_shared>>) offsets(%dma_start3A_53 : memref<128xi32, #tpu.memory_space<vmem>>) semaphore(%run_scoped3A : memref<!tpu.dma_semaphore, #tpu.memory_space<semaphore_mem>>) {add = true}
        %dma_wait3A_57 = arith.constant 0 : i32
        %dma_wait3A_58 = tpu.memref_slice %arg8[%add3A_30, %dma_wait3A_57] : memref<81x128xi32, #tpu.memory_space<vmem>> -> memref<1x128xi32, #tpu.memory_space<vmem>>
        %dma_wait3A_59 = tpu.memref_squeeze %dma_wait3A_58 : memref<1x128xi32, #tpu.memory_space<vmem>> -> memref<128xi32, #tpu.memory_space<vmem>>
        %dma_wait3A_60 = arith.constant 0 : i32
        %dma_wait3A_61 = arith.constant 0 : i32
        %dma_wait3A_62 = tpu.memref_slice %arg11[%dma_wait3A_60, %dma_wait3A_61] : memref<10240x128xf32, #tpu.memory_space<vmem_shared>> -> memref<10240x128xf32, #tpu.memory_space<vmem_shared>>
        tpu.wait_indirect_dma semaphore(%run_scoped3A : memref<!tpu.dma_semaphore, #tpu.memory_space<semaphore_mem>>) src(%arg9 : memref<128x128xf32, #tpu.memory_space<vmem>>) dst(%dma_wait3A_62 : memref<10240x128xf32, #tpu.memory_space<vmem_shared>>)
        tpu.yield
      }) : () -> ()
    }
    %scan3A_24 = arith.constant 81 : i32
    %barrier3A_25 = arith.constant 0 : index
    tpu.barrier barrier_id(%barrier3A_25)
    "tpu.region"() ({
      %run_scoped3A = tpu.sem_alloc : memref<!tpu.dma_semaphore, #tpu.memory_space<semaphore_mem>>
      %dma_start3A = arith.constant 0 : i32
      %dma_start3A_26 = tpu.memref_slice %arg6[%arg0, %mul3A_9, %dma_start3A] : memref<2x10240x128xf32, #tpu.memory_space<hbm>> -> memref<1x640x128xf32, #tpu.memory_space<hbm>>
      %dma_start3A_27 = tpu.memref_squeeze %dma_start3A_26 : memref<1x640x128xf32, #tpu.memory_space<hbm>> -> memref<640x128xf32, #tpu.memory_space<hbm>>
      %dma_start3A_28 = arith.constant 0 : i32
      %dma_start3A_29 = tpu.memref_slice %arg11[%mul3A_9, %dma_start3A_28] : memref<10240x128xf32, #tpu.memory_space<vmem_shared>> -> memref<640x128xf32, #tpu.memory_space<vmem_shared>>
      tpu.enqueue_dma source(%dma_start3A_29 : memref<640x128xf32, #tpu.memory_space<vmem_shared>>) target(%dma_start3A_27 : memref<640x128xf32, #tpu.memory_space<hbm>>) target_semaphore(%run_scoped3A : memref<!tpu.dma_semaphore, #tpu.memory_space<semaphore_mem>>)
      %dma_wait3A = arith.constant 0 : i32
      %dma_wait3A_30 = tpu.memref_slice %arg6[%arg0, %mul3A_9, %dma_wait3A] : memref<2x10240x128xf32, #tpu.memory_space<hbm>> -> memref<1x640x128xf32, #tpu.memory_space<hbm>>
      %dma_wait3A_31 = tpu.memref_squeeze %dma_wait3A_30 : memref<1x640x128xf32, #tpu.memory_space<hbm>> -> memref<640x128xf32, #tpu.memory_space<hbm>>
      %dma_wait3A_32 = arith.constant 0 : i32
      %dma_wait3A_33 = tpu.memref_slice %arg11[%mul3A_9, %dma_wait3A_32] : memref<10240x128xf32, #tpu.memory_space<vmem_shared>> -> memref<640x128xf32, #tpu.memory_space<vmem_shared>>
      tpu.wait_dma2 semaphore(%run_scoped3A : memref<!tpu.dma_semaphore, #tpu.memory_space<semaphore_mem>>) src(%dma_wait3A_33 : memref<640x128xf32, #tpu.memory_space<vmem_shared>>) dst(%dma_wait3A_31 : memref<640x128xf32, #tpu.memory_space<hbm>>)
      tpu.yield
    }) : () -> ()
    return
  }
}

#map = affine_map<(d0, d1) -> (0, 0, 0)>
#map1 = affine_map<(d0, d1) -> (0)>
#map2 = affine_map<(d0, d1) -> (0, 0)>
module attributes {stable_mosaic.version = 14 : i64} {
  func.func @k(%arg0: i32, %arg1: i32, %arg2: memref<32x81x128xi32, #tpu.memory_space<hbm>>, %arg3: memref<32x81x128xi32, #tpu.memory_space<hbm>>, %arg4: memref<40000xf32, #tpu.memory_space<hbm>>, %arg5: memref<40000xf32, #tpu.memory_space<hbm>>, %arg6: memref<4x16xf32, #tpu.memory_space<hbm>>, %arg7: memref<1327104xf32, #tpu.memory_space<hbm>>, %arg8: memref<81x128xi32, #tpu.memory_space<vmem>>, %arg9: memref<81x128xi32, #tpu.memory_space<vmem>>, %arg10: memref<40000xf32, #tpu.memory_space<vmem>>, %arg11: memref<40000xf32, #tpu.memory_space<vmem>>, %arg12: memref<4x16xf32, #tpu.memory_space<vmem>>, %arg13: memref<512xf32, #tpu.memory_space<vmem>>) attributes {dimension_semantics = [#tpu.dimension_semantics<core_parallel>, #tpu.dimension_semantics<subcore_parallel>], iteration_bounds = array<i64: 2, 16>, scalar_prefetch = 0 : i64, scratch_operands = 6 : i64, tpu.core_type = #tpu.core_type<sc_vector_subcore>, window_params = [{transform_indices = #map}, {transform_indices = #map}, {transform_indices = #map1}, {transform_indices = #map1}, {transform_indices = #map2}, {transform_indices = #map1}]} {
    %mul3A = arith.constant 16 : i32
    %mul3A_0 = arith.muli %arg0, %mul3A : i32
    %add3A = arith.addi %mul3A_0, %arg1 : i32
    %iota3A = tpu.iota {dimensions = array<i32: 0>} : vector<16xi32>
    "tpu.region"() ({
      %run_scoped3A = tpu.sem_alloc : memref<!tpu.dma_semaphore, #tpu.memory_space<semaphore_mem>>
      %dma_start3A = arith.constant 0 : i32
      %dma_start3A_9 = arith.constant 0 : i32
      %dma_start3A_10 = tpu.memref_slice %arg2[%add3A, %dma_start3A, %dma_start3A_9] : memref<32x81x128xi32, #tpu.memory_space<hbm>> -> memref<1x81x128xi32, #tpu.memory_space<hbm>>
      %dma_start3A_11 = tpu.memref_squeeze %dma_start3A_10 : memref<1x81x128xi32, #tpu.memory_space<hbm>> -> memref<81x128xi32, #tpu.memory_space<hbm>>
      %dma_start3A_12 = arith.constant 0 : i32
      %dma_start3A_13 = arith.constant 0 : i32
      %dma_start3A_14 = tpu.memref_slice %arg2[%add3A, %dma_start3A_12, %dma_start3A_13] : memref<32x81x128xi32, #tpu.memory_space<hbm>> -> memref<1x81x128xi32, #tpu.memory_space<hbm>>
      %dma_start3A_15 = tpu.memref_squeeze %dma_start3A_14 : memref<1x81x128xi32, #tpu.memory_space<hbm>> -> memref<81x128xi32, #tpu.memory_space<hbm>>
      tpu.enqueue_dma source(%dma_start3A_15 : memref<81x128xi32, #tpu.memory_space<hbm>>) target(%arg8 : memref<81x128xi32, #tpu.memory_space<vmem>>) target_semaphore(%run_scoped3A : memref<!tpu.dma_semaphore, #tpu.memory_space<semaphore_mem>>)
      %dma_wait3A = arith.constant 0 : i32
      %dma_wait3A_16 = arith.constant 0 : i32
      %dma_wait3A_17 = tpu.memref_slice %arg2[%add3A, %dma_wait3A, %dma_wait3A_16] : memref<32x81x128xi32, #tpu.memory_space<hbm>> -> memref<1x81x128xi32, #tpu.memory_space<hbm>>
      %dma_wait3A_18 = tpu.memref_squeeze %dma_wait3A_17 : memref<1x81x128xi32, #tpu.memory_space<hbm>> -> memref<81x128xi32, #tpu.memory_space<hbm>>
      %dma_wait3A_19 = arith.constant 0 : i32
      %dma_wait3A_20 = arith.constant 0 : i32
      %dma_wait3A_21 = tpu.memref_slice %arg2[%add3A, %dma_wait3A_19, %dma_wait3A_20] : memref<32x81x128xi32, #tpu.memory_space<hbm>> -> memref<1x81x128xi32, #tpu.memory_space<hbm>>
      %dma_wait3A_22 = tpu.memref_squeeze %dma_wait3A_21 : memref<1x81x128xi32, #tpu.memory_space<hbm>> -> memref<81x128xi32, #tpu.memory_space<hbm>>
      tpu.wait_dma2 semaphore(%run_scoped3A : memref<!tpu.dma_semaphore, #tpu.memory_space<semaphore_mem>>) src(%dma_wait3A_22 : memref<81x128xi32, #tpu.memory_space<hbm>>) dst(%arg8 : memref<81x128xi32, #tpu.memory_space<vmem>>)
      tpu.yield
    }) : () -> ()
    "tpu.region"() ({
      %run_scoped3A = tpu.sem_alloc : memref<!tpu.dma_semaphore, #tpu.memory_space<semaphore_mem>>
      %dma_start3A = arith.constant 0 : i32
      %dma_start3A_9 = arith.constant 0 : i32
      %dma_start3A_10 = tpu.memref_slice %arg3[%add3A, %dma_start3A, %dma_start3A_9] : memref<32x81x128xi32, #tpu.memory_space<hbm>> -> memref<1x81x128xi32, #tpu.memory_space<hbm>>
      %dma_start3A_11 = tpu.memref_squeeze %dma_start3A_10 : memref<1x81x128xi32, #tpu.memory_space<hbm>> -> memref<81x128xi32, #tpu.memory_space<hbm>>
      %dma_start3A_12 = arith.constant 0 : i32
      %dma_start3A_13 = arith.constant 0 : i32
      %dma_start3A_14 = tpu.memref_slice %arg3[%add3A, %dma_start3A_12, %dma_start3A_13] : memref<32x81x128xi32, #tpu.memory_space<hbm>> -> memref<1x81x128xi32, #tpu.memory_space<hbm>>
      %dma_start3A_15 = tpu.memref_squeeze %dma_start3A_14 : memref<1x81x128xi32, #tpu.memory_space<hbm>> -> memref<81x128xi32, #tpu.memory_space<hbm>>
      tpu.enqueue_dma source(%dma_start3A_15 : memref<81x128xi32, #tpu.memory_space<hbm>>) target(%arg9 : memref<81x128xi32, #tpu.memory_space<vmem>>) target_semaphore(%run_scoped3A : memref<!tpu.dma_semaphore, #tpu.memory_space<semaphore_mem>>)
      %dma_wait3A = arith.constant 0 : i32
      %dma_wait3A_16 = arith.constant 0 : i32
      %dma_wait3A_17 = tpu.memref_slice %arg3[%add3A, %dma_wait3A, %dma_wait3A_16] : memref<32x81x128xi32, #tpu.memory_space<hbm>> -> memref<1x81x128xi32, #tpu.memory_space<hbm>>
      %dma_wait3A_18 = tpu.memref_squeeze %dma_wait3A_17 : memref<1x81x128xi32, #tpu.memory_space<hbm>> -> memref<81x128xi32, #tpu.memory_space<hbm>>
      %dma_wait3A_19 = arith.constant 0 : i32
      %dma_wait3A_20 = arith.constant 0 : i32
      %dma_wait3A_21 = tpu.memref_slice %arg3[%add3A, %dma_wait3A_19, %dma_wait3A_20] : memref<32x81x128xi32, #tpu.memory_space<hbm>> -> memref<1x81x128xi32, #tpu.memory_space<hbm>>
      %dma_wait3A_22 = tpu.memref_squeeze %dma_wait3A_21 : memref<1x81x128xi32, #tpu.memory_space<hbm>> -> memref<81x128xi32, #tpu.memory_space<hbm>>
      tpu.wait_dma2 semaphore(%run_scoped3A : memref<!tpu.dma_semaphore, #tpu.memory_space<semaphore_mem>>) src(%dma_wait3A_22 : memref<81x128xi32, #tpu.memory_space<hbm>>) dst(%arg9 : memref<81x128xi32, #tpu.memory_space<vmem>>)
      tpu.yield
    }) : () -> ()
    "tpu.region"() ({
      %run_scoped3A = tpu.sem_alloc : memref<!tpu.dma_semaphore, #tpu.memory_space<semaphore_mem>>
      tpu.enqueue_dma source(%arg4 : memref<40000xf32, #tpu.memory_space<hbm>>) target(%arg10 : memref<40000xf32, #tpu.memory_space<vmem>>) target_semaphore(%run_scoped3A : memref<!tpu.dma_semaphore, #tpu.memory_space<semaphore_mem>>)
      tpu.wait_dma2 semaphore(%run_scoped3A : memref<!tpu.dma_semaphore, #tpu.memory_space<semaphore_mem>>) src(%arg4 : memref<40000xf32, #tpu.memory_space<hbm>>) dst(%arg10 : memref<40000xf32, #tpu.memory_space<vmem>>)
      tpu.yield
    }) : () -> ()
    "tpu.region"() ({
      %run_scoped3A = tpu.sem_alloc : memref<!tpu.dma_semaphore, #tpu.memory_space<semaphore_mem>>
      tpu.enqueue_dma source(%arg5 : memref<40000xf32, #tpu.memory_space<hbm>>) target(%arg11 : memref<40000xf32, #tpu.memory_space<vmem>>) target_semaphore(%run_scoped3A : memref<!tpu.dma_semaphore, #tpu.memory_space<semaphore_mem>>)
      tpu.wait_dma2 semaphore(%run_scoped3A : memref<!tpu.dma_semaphore, #tpu.memory_space<semaphore_mem>>) src(%arg5 : memref<40000xf32, #tpu.memory_space<hbm>>) dst(%arg11 : memref<40000xf32, #tpu.memory_space<vmem>>)
      tpu.yield
    }) : () -> ()
    "tpu.region"() ({
      %run_scoped3A = tpu.sem_alloc : memref<!tpu.dma_semaphore, #tpu.memory_space<semaphore_mem>>
      tpu.enqueue_dma source(%arg6 : memref<4x16xf32, #tpu.memory_space<hbm>>) target(%arg12 : memref<4x16xf32, #tpu.memory_space<vmem>>) target_semaphore(%run_scoped3A : memref<!tpu.dma_semaphore, #tpu.memory_space<semaphore_mem>>)
      tpu.wait_dma2 semaphore(%run_scoped3A : memref<!tpu.dma_semaphore, #tpu.memory_space<semaphore_mem>>) src(%arg6 : memref<4x16xf32, #tpu.memory_space<hbm>>) dst(%arg12 : memref<4x16xf32, #tpu.memory_space<vmem>>)
      tpu.yield
    }) : () -> ()
    %mul3A_1 = arith.constant 81 : i32
    %mul3A_2 = arith.muli %add3A, %mul3A_1 : i32
    %mul3A_3 = arith.constant 128 : i32
    %mul3A_4 = arith.muli %mul3A_2, %mul3A_3 : i32
    %scan3A = arith.constant 0 : i32
    %scan3A_5 = arith.constant 81 : i32
    %scan3A_6 = arith.addi %scan3A, %scan3A_5 : i32
    %scan3A_7 = arith.constant 1 : i32
    scf.for %scan3A_9 = %scan3A to %scan3A_6 step %scan3A_7  : i32 {
      %mul3A_10 = arith.constant 1 : i32
      %mul3A_11 = arith.muli %scan3A_9, %mul3A_10 : i32
      %add3A_12 = arith.constant 0 : i32
      %add3A_13 = arith.addi %add3A_12, %mul3A_11 : i32
      %scan3A_14 = arith.constant 0 : i32
      %scan3A_15 = arith.constant 8 : i32
      %scan3A_16 = arith.addi %scan3A_14, %scan3A_15 : i32
      %scan3A_17 = arith.constant 1 : i32
      scf.for %scan3A_24 = %scan3A_14 to %scan3A_16 step %scan3A_17  : i32 {
        %mul3A_25 = arith.constant 1 : i32
        %mul3A_26 = arith.muli %scan3A_24, %mul3A_25 : i32
        %add3A_27 = arith.constant 0 : i32
        %add3A_28 = arith.addi %add3A_27, %mul3A_26 : i32
        %mul3A_29 = arith.constant 16 : i32
        %mul3A_30 = arith.muli %add3A_28, %mul3A_29 : i32
        %get3A = arith.index_cast %add3A_13 : i32 to index
        %get3A_31 = arith.index_cast %mul3A_30 : i32 to index
        %get3A_32 = tpu.vector_load %arg8[%get3A, %get3A_31] {strides = array<i32>} : memref<81x128xi32, #tpu.memory_space<vmem>>, vector<16xi32>,
        %mul3A_33 = arith.constant 16 : i32
        %mul3A_34 = arith.muli %add3A_28, %mul3A_33 : i32
        %get3A_35 = arith.index_cast %add3A_13 : i32 to index
        %get3A_36 = arith.index_cast %mul3A_34 : i32 to index
        %get3A_37 = tpu.vector_load %arg9[%get3A_35, %get3A_36] {strides = array<i32>} : memref<81x128xi32, #tpu.memory_space<vmem>>, vector<16xi32>,
        %mul3A_38 = arith.constant 128 : i32
        %mul3A_39 = arith.muli %add3A_13, %mul3A_38 : i32
        %add3A_40 = arith.addi %mul3A_4, %mul3A_39 : i32
        %mul3A_41 = arith.constant 16 : i32
        %mul3A_42 = arith.muli %add3A_28, %mul3A_41 : i32
        %add3A_43 = arith.addi %add3A_40, %mul3A_42 : i32
        %add3A_44 = vector.broadcast %add3A_43 : i32 to vector<16xi32>
        %add3A_45 = arith.addi %add3A_44, %iota3A : vector<16xi32>
        %lt3A = arith.constant 330000 : i32
        %lt3A_46 = vector.broadcast %lt3A : i32 to vector<16xi32>
        %lt3A_47 = arith.cmpi slt, %add3A_45, %lt3A_46 : vector<16xi32>
        %mul3A_48 = arith.constant 4 : i32
        %mul3A_49 = vector.broadcast %mul3A_48 : i32 to vector<16xi32>
        %mul3A_50 = arith.muli %get3A_32, %mul3A_49 : vector<16xi32>
        %add3A_51 = arith.constant 0 : i32
        %add3A_52 = vector.broadcast %add3A_51 : i32 to vector<16xi32>
        %add3A_53 = arith.addi %mul3A_50, %add3A_52 : vector<16xi32>
        %gather3A = tpu.vector_load_idx %arg10[%add3A_53] : memref<40000xf32, #tpu.memory_space<vmem>>[vector<16xi32>], vector<16xf32>,
        %mul3A_54 = arith.constant 4 : i32
        %mul3A_55 = vector.broadcast %mul3A_54 : i32 to vector<16xi32>
        %mul3A_56 = arith.muli %get3A_37, %mul3A_55 : vector<16xi32>
        %add3A_57 = arith.constant 0 : i32
        %add3A_58 = vector.broadcast %add3A_57 : i32 to vector<16xi32>
        %add3A_59 = arith.addi %mul3A_56, %add3A_58 : vector<16xi32>
        %gather3A_60 = tpu.vector_load_idx %arg11[%add3A_59] : memref<40000xf32, #tpu.memory_space<vmem>>[vector<16xi32>], vector<16xf32>,
        %add3A_61 = arith.addf %gather3A, %gather3A_60 : vector<16xf32>
        %max3A = arith.constant 0.000000e+00 : f32
        %max3A_62 = vector.broadcast %max3A : f32 to vector<16xf32>
        %max3A_63 = arith.maximumf %add3A_61, %max3A_62 : vector<16xf32>
        %min3A = arith.constant 0.000000e+00 : f32
        %min3A_64 = vector.broadcast %min3A : f32 to vector<16xf32>
        %min3A_65 = arith.minimumf %add3A_61, %min3A_64 : vector<16xf32>
        %mul3A_66 = arith.constant 2.000000e-01 : f32
        %mul3A_67 = vector.broadcast %mul3A_66 : f32 to vector<16xf32>
        %mul3A_68 = arith.mulf %mul3A_67, %min3A_65 : vector<16xf32>
        %add3A_69 = arith.addf %max3A_63, %mul3A_68 : vector<16xf32>
        %get3A_70 = arith.constant 0 : i32
        %get3A_71 = arith.index_cast %get3A_70 : i32 to index
        %get3A_72 = arith.constant 0 : index
        %get3A_73 = tpu.vector_load %arg12[%get3A_71, %get3A_72] {strides = array<i32>} : memref<4x16xf32, #tpu.memory_space<vmem>>, vector<16xf32>,
        %add3A_74 = arith.addf %get3A_73, %gather3A_60 : vector<16xf32>
        %max3A_75 = arith.constant 0.000000e+00 : f32
        %max3A_76 = vector.broadcast %max3A_75 : f32 to vector<16xf32>
        %max3A_77 = arith.maximumf %add3A_74, %max3A_76 : vector<16xf32>
        %min3A_78 = arith.constant 0.000000e+00 : f32
        %min3A_79 = vector.broadcast %min3A_78 : f32 to vector<16xf32>
        %min3A_80 = arith.minimumf %add3A_74, %min3A_79 : vector<16xf32>
        %mul3A_81 = arith.constant 2.000000e-01 : f32
        %mul3A_82 = vector.broadcast %mul3A_81 : f32 to vector<16xf32>
        %mul3A_83 = arith.mulf %mul3A_82, %min3A_80 : vector<16xf32>
        %add3A_84 = arith.addf %max3A_77, %mul3A_83 : vector<16xf32>
        %sub3A = arith.subf %add3A_69, %add3A_84 : vector<16xf32>
        %exp3A = math.exp %sub3A : vector<16xf32>
        %jit3A = arith.constant 0.000000e+00 : f32
        %broadcast_in_dim3A = vector.broadcast %jit3A : f32 to vector<16xf32>
        %select_n3A = arith.select %lt3A_47, %exp3A, %broadcast_in_dim3A : vector<16xi1>, vector<16xf32>
        %mul3A_85 = arith.constant 16 : i32
        %mul3A_86 = arith.muli %add3A_28, %mul3A_85 : i32
        %add3A_87 = arith.constant 0 : i32
        %add3A_88 = arith.addi %add3A_87, %mul3A_86 : i32
        %swap3A = arith.index_cast %add3A_88 : i32 to index
        %swap3A_89 = tpu.vector_load %arg13[%swap3A] {strides = array<i32>} : memref<512xf32, #tpu.memory_space<vmem>>, vector<16xf32>,
        tpu.vector_store %arg13[%swap3A], %select_n3A {strides = array<i32>} : memref<512xf32, #tpu.memory_space<vmem>>, vector<16xf32>,
        %mul3A_90 = arith.constant 4 : i32
        %mul3A_91 = vector.broadcast %mul3A_90 : i32 to vector<16xi32>
        %mul3A_92 = arith.muli %get3A_32, %mul3A_91 : vector<16xi32>
        %add3A_93 = arith.constant 1 : i32
        %add3A_94 = vector.broadcast %add3A_93 : i32 to vector<16xi32>
        %add3A_95 = arith.addi %mul3A_92, %add3A_94 : vector<16xi32>
        %gather3A_96 = tpu.vector_load_idx %arg10[%add3A_95] : memref<40000xf32, #tpu.memory_space<vmem>>[vector<16xi32>], vector<16xf32>,
        %mul3A_97 = arith.constant 4 : i32
        %mul3A_98 = vector.broadcast %mul3A_97 : i32 to vector<16xi32>
        %mul3A_99 = arith.muli %get3A_37, %mul3A_98 : vector<16xi32>
        %add3A_100 = arith.constant 1 : i32
        %add3A_101 = vector.broadcast %add3A_100 : i32 to vector<16xi32>
        %add3A_102 = arith.addi %mul3A_99, %add3A_101 : vector<16xi32>
        %gather3A_103 = tpu.vector_load_idx %arg11[%add3A_102] : memref<40000xf32, #tpu.memory_space<vmem>>[vector<16xi32>], vector<16xf32>,
        %add3A_104 = arith.addf %gather3A_96, %gather3A_103 : vector<16xf32>
        %max3A_105 = arith.constant 0.000000e+00 : f32
        %max3A_106 = vector.broadcast %max3A_105 : f32 to vector<16xf32>
        %max3A_107 = arith.maximumf %add3A_104, %max3A_106 : vector<16xf32>
        %min3A_108 = arith.constant 0.000000e+00 : f32
        %min3A_109 = vector.broadcast %min3A_108 : f32 to vector<16xf32>
        %min3A_110 = arith.minimumf %add3A_104, %min3A_109 : vector<16xf32>
        %mul3A_111 = arith.constant 2.000000e-01 : f32
        %mul3A_112 = vector.broadcast %mul3A_111 : f32 to vector<16xf32>
        %mul3A_113 = arith.mulf %mul3A_112, %min3A_110 : vector<16xf32>
        %add3A_114 = arith.addf %max3A_107, %mul3A_113 : vector<16xf32>
        %get3A_115 = arith.constant 1 : i32
        %get3A_116 = arith.index_cast %get3A_115 : i32 to index
        %get3A_117 = arith.constant 0 : index
        %get3A_118 = tpu.vector_load %arg12[%get3A_116, %get3A_117] {strides = array<i32>} : memref<4x16xf32, #tpu.memory_space<vmem>>, vector<16xf32>,
        %add3A_119 = arith.addf %get3A_118, %gather3A_103 : vector<16xf32>
        %max3A_120 = arith.constant 0.000000e+00 : f32
        %max3A_121 = vector.broadcast %max3A_120 : f32 to vector<16xf32>
        %max3A_122 = arith.maximumf %add3A_119, %max3A_121 : vector<16xf32>
        %min3A_123 = arith.constant 0.000000e+00 : f32
        %min3A_124 = vector.broadcast %min3A_123 : f32 to vector<16xf32>
        %min3A_125 = arith.minimumf %add3A_119, %min3A_124 : vector<16xf32>
        %mul3A_126 = arith.constant 2.000000e-01 : f32
        %mul3A_127 = vector.broadcast %mul3A_126 : f32 to vector<16xf32>
        %mul3A_128 = arith.mulf %mul3A_127, %min3A_125 : vector<16xf32>
        %add3A_129 = arith.addf %max3A_122, %mul3A_128 : vector<16xf32>
        %sub3A_130 = arith.subf %add3A_114, %add3A_129 : vector<16xf32>
        %exp3A_131 = math.exp %sub3A_130 : vector<16xf32>
        %jit3A_132 = arith.constant 0.000000e+00 : f32
        %broadcast_in_dim3A_133 = vector.broadcast %jit3A_132 : f32 to vector<16xf32>
        %select_n3A_134 = arith.select %lt3A_47, %exp3A_131, %broadcast_in_dim3A_133 : vector<16xi1>, vector<16xf32>
        %mul3A_135 = arith.constant 16 : i32
        %mul3A_136 = arith.muli %add3A_28, %mul3A_135 : i32
        %add3A_137 = arith.constant 128 : i32
        %add3A_138 = arith.addi %add3A_137, %mul3A_136 : i32
        %swap3A_139 = arith.index_cast %add3A_138 : i32 to index
        %swap3A_140 = tpu.vector_load %arg13[%swap3A_139] {strides = array<i32>} : memref<512xf32, #tpu.memory_space<vmem>>, vector<16xf32>,
        tpu.vector_store %arg13[%swap3A_139], %select_n3A_134 {strides = array<i32>} : memref<512xf32, #tpu.memory_space<vmem>>, vector<16xf32>,
        %mul3A_141 = arith.constant 4 : i32
        %mul3A_142 = vector.broadcast %mul3A_141 : i32 to vector<16xi32>
        %mul3A_143 = arith.muli %get3A_32, %mul3A_142 : vector<16xi32>
        %add3A_144 = arith.constant 2 : i32
        %add3A_145 = vector.broadcast %add3A_144 : i32 to vector<16xi32>
        %add3A_146 = arith.addi %mul3A_143, %add3A_145 : vector<16xi32>
        %gather3A_147 = tpu.vector_load_idx %arg10[%add3A_146] : memref<40000xf32, #tpu.memory_space<vmem>>[vector<16xi32>], vector<16xf32>,
        %mul3A_148 = arith.constant 4 : i32
        %mul3A_149 = vector.broadcast %mul3A_148 : i32 to vector<16xi32>
        %mul3A_150 = arith.muli %get3A_37, %mul3A_149 : vector<16xi32>
        %add3A_151 = arith.constant 2 : i32
        %add3A_152 = vector.broadcast %add3A_151 : i32 to vector<16xi32>
        %add3A_153 = arith.addi %mul3A_150, %add3A_152 : vector<16xi32>
        %gather3A_154 = tpu.vector_load_idx %arg11[%add3A_153] : memref<40000xf32, #tpu.memory_space<vmem>>[vector<16xi32>], vector<16xf32>,
        %add3A_155 = arith.addf %gather3A_147, %gather3A_154 : vector<16xf32>
        %max3A_156 = arith.constant 0.000000e+00 : f32
        %max3A_157 = vector.broadcast %max3A_156 : f32 to vector<16xf32>
        %max3A_158 = arith.maximumf %add3A_155, %max3A_157 : vector<16xf32>
        %min3A_159 = arith.constant 0.000000e+00 : f32
        %min3A_160 = vector.broadcast %min3A_159 : f32 to vector<16xf32>
        %min3A_161 = arith.minimumf %add3A_155, %min3A_160 : vector<16xf32>
        %mul3A_162 = arith.constant 2.000000e-01 : f32
        %mul3A_163 = vector.broadcast %mul3A_162 : f32 to vector<16xf32>
        %mul3A_164 = arith.mulf %mul3A_163, %min3A_161 : vector<16xf32>
        %add3A_165 = arith.addf %max3A_158, %mul3A_164 : vector<16xf32>
        %get3A_166 = arith.constant 2 : i32
        %get3A_167 = arith.index_cast %get3A_166 : i32 to index
        %get3A_168 = arith.constant 0 : index
        %get3A_169 = tpu.vector_load %arg12[%get3A_167, %get3A_168] {strides = array<i32>} : memref<4x16xf32, #tpu.memory_space<vmem>>, vector<16xf32>,
        %add3A_170 = arith.addf %get3A_169, %gather3A_154 : vector<16xf32>
        %max3A_171 = arith.constant 0.000000e+00 : f32
        %max3A_172 = vector.broadcast %max3A_171 : f32 to vector<16xf32>
        %max3A_173 = arith.maximumf %add3A_170, %max3A_172 : vector<16xf32>
        %min3A_174 = arith.constant 0.000000e+00 : f32
        %min3A_175 = vector.broadcast %min3A_174 : f32 to vector<16xf32>
        %min3A_176 = arith.minimumf %add3A_170, %min3A_175 : vector<16xf32>
        %mul3A_177 = arith.constant 2.000000e-01 : f32
        %mul3A_178 = vector.broadcast %mul3A_177 : f32 to vector<16xf32>
        %mul3A_179 = arith.mulf %mul3A_178, %min3A_176 : vector<16xf32>
        %add3A_180 = arith.addf %max3A_173, %mul3A_179 : vector<16xf32>
        %sub3A_181 = arith.subf %add3A_165, %add3A_180 : vector<16xf32>
        %exp3A_182 = math.exp %sub3A_181 : vector<16xf32>
        %jit3A_183 = arith.constant 0.000000e+00 : f32
        %broadcast_in_dim3A_184 = vector.broadcast %jit3A_183 : f32 to vector<16xf32>
        %select_n3A_185 = arith.select %lt3A_47, %exp3A_182, %broadcast_in_dim3A_184 : vector<16xi1>, vector<16xf32>
        %mul3A_186 = arith.constant 16 : i32
        %mul3A_187 = arith.muli %add3A_28, %mul3A_186 : i32
        %add3A_188 = arith.constant 256 : i32
        %add3A_189 = arith.addi %add3A_188, %mul3A_187 : i32
        %swap3A_190 = arith.index_cast %add3A_189 : i32 to index
        %swap3A_191 = tpu.vector_load %arg13[%swap3A_190] {strides = array<i32>} : memref<512xf32, #tpu.memory_space<vmem>>, vector<16xf32>,
        tpu.vector_store %arg13[%swap3A_190], %select_n3A_185 {strides = array<i32>} : memref<512xf32, #tpu.memory_space<vmem>>, vector<16xf32>,
        %mul3A_192 = arith.constant 4 : i32
        %mul3A_193 = vector.broadcast %mul3A_192 : i32 to vector<16xi32>
        %mul3A_194 = arith.muli %get3A_32, %mul3A_193 : vector<16xi32>
        %add3A_195 = arith.constant 3 : i32
        %add3A_196 = vector.broadcast %add3A_195 : i32 to vector<16xi32>
        %add3A_197 = arith.addi %mul3A_194, %add3A_196 : vector<16xi32>
        %gather3A_198 = tpu.vector_load_idx %arg10[%add3A_197] : memref<40000xf32, #tpu.memory_space<vmem>>[vector<16xi32>], vector<16xf32>,
        %mul3A_199 = arith.constant 4 : i32
        %mul3A_200 = vector.broadcast %mul3A_199 : i32 to vector<16xi32>
        %mul3A_201 = arith.muli %get3A_37, %mul3A_200 : vector<16xi32>
        %add3A_202 = arith.constant 3 : i32
        %add3A_203 = vector.broadcast %add3A_202 : i32 to vector<16xi32>
        %add3A_204 = arith.addi %mul3A_201, %add3A_203 : vector<16xi32>
        %gather3A_205 = tpu.vector_load_idx %arg11[%add3A_204] : memref<40000xf32, #tpu.memory_space<vmem>>[vector<16xi32>], vector<16xf32>,
        %add3A_206 = arith.addf %gather3A_198, %gather3A_205 : vector<16xf32>
        %max3A_207 = arith.constant 0.000000e+00 : f32
        %max3A_208 = vector.broadcast %max3A_207 : f32 to vector<16xf32>
        %max3A_209 = arith.maximumf %add3A_206, %max3A_208 : vector<16xf32>
        %min3A_210 = arith.constant 0.000000e+00 : f32
        %min3A_211 = vector.broadcast %min3A_210 : f32 to vector<16xf32>
        %min3A_212 = arith.minimumf %add3A_206, %min3A_211 : vector<16xf32>
        %mul3A_213 = arith.constant 2.000000e-01 : f32
        %mul3A_214 = vector.broadcast %mul3A_213 : f32 to vector<16xf32>
        %mul3A_215 = arith.mulf %mul3A_214, %min3A_212 : vector<16xf32>
        %add3A_216 = arith.addf %max3A_209, %mul3A_215 : vector<16xf32>
        %get3A_217 = arith.constant 3 : i32
        %get3A_218 = arith.index_cast %get3A_217 : i32 to index
        %get3A_219 = arith.constant 0 : index
        %get3A_220 = tpu.vector_load %arg12[%get3A_218, %get3A_219] {strides = array<i32>} : memref<4x16xf32, #tpu.memory_space<vmem>>, vector<16xf32>,
        %add3A_221 = arith.addf %get3A_220, %gather3A_205 : vector<16xf32>
        %max3A_222 = arith.constant 0.000000e+00 : f32
        %max3A_223 = vector.broadcast %max3A_222 : f32 to vector<16xf32>
        %max3A_224 = arith.maximumf %add3A_221, %max3A_223 : vector<16xf32>
        %min3A_225 = arith.constant 0.000000e+00 : f32
        %min3A_226 = vector.broadcast %min3A_225 : f32 to vector<16xf32>
        %min3A_227 = arith.minimumf %add3A_221, %min3A_226 : vector<16xf32>
        %mul3A_228 = arith.constant 2.000000e-01 : f32
        %mul3A_229 = vector.broadcast %mul3A_228 : f32 to vector<16xf32>
        %mul3A_230 = arith.mulf %mul3A_229, %min3A_227 : vector<16xf32>
        %add3A_231 = arith.addf %max3A_224, %mul3A_230 : vector<16xf32>
        %sub3A_232 = arith.subf %add3A_216, %add3A_231 : vector<16xf32>
        %exp3A_233 = math.exp %sub3A_232 : vector<16xf32>
        %jit3A_234 = arith.constant 0.000000e+00 : f32
        %broadcast_in_dim3A_235 = vector.broadcast %jit3A_234 : f32 to vector<16xf32>
        %select_n3A_236 = arith.select %lt3A_47, %exp3A_233, %broadcast_in_dim3A_235 : vector<16xi1>, vector<16xf32>
        %mul3A_237 = arith.constant 16 : i32
        %mul3A_238 = arith.muli %add3A_28, %mul3A_237 : i32
        %add3A_239 = arith.constant 384 : i32
        %add3A_240 = arith.addi %add3A_239, %mul3A_238 : i32
        %swap3A_241 = arith.index_cast %add3A_240 : i32 to index
        %swap3A_242 = tpu.vector_load %arg13[%swap3A_241] {strides = array<i32>} : memref<512xf32, #tpu.memory_space<vmem>>, vector<16xf32>,
        tpu.vector_store %arg13[%swap3A_241], %select_n3A_236 {strides = array<i32>} : memref<512xf32, #tpu.memory_space<vmem>>, vector<16xf32>,
      }
      %scan3A_18 = arith.constant 8 : i32
      %mul3A_19 = arith.constant 81 : i32
      %mul3A_20 = arith.muli %add3A, %mul3A_19 : i32
      %add3A_21 = arith.addi %mul3A_20, %add3A_13 : i32
      %mul3A_22 = arith.constant 512 : i32
      %mul3A_23 = arith.muli %add3A_21, %mul3A_22 : i32
      "tpu.region"() ({
        %run_scoped3A = tpu.sem_alloc : memref<!tpu.dma_semaphore, #tpu.memory_space<semaphore_mem>>
        %dma_start3A = tpu.memref_slice %arg7[%mul3A_23] : memref<1327104xf32, #tpu.memory_space<hbm>> -> memref<512xf32, #tpu.memory_space<hbm>>
        %dma_start3A_24 = tpu.memref_slice %arg7[%mul3A_23] : memref<1327104xf32, #tpu.memory_space<hbm>> -> memref<512xf32, #tpu.memory_space<hbm>>
        tpu.enqueue_dma source(%arg13 : memref<512xf32, #tpu.memory_space<vmem>>) target(%dma_start3A_24 : memref<512xf32, #tpu.memory_space<hbm>>) target_semaphore(%run_scoped3A : memref<!tpu.dma_semaphore, #tpu.memory_space<semaphore_mem>>)
        %dma_wait3A = tpu.memref_slice %arg7[%mul3A_23] : memref<1327104xf32, #tpu.memory_space<hbm>> -> memref<512xf32, #tpu.memory_space<hbm>>
        %dma_wait3A_25 = tpu.memref_slice %arg7[%mul3A_23] : memref<1327104xf32, #tpu.memory_space<hbm>> -> memref<512xf32, #tpu.memory_space<hbm>>
        tpu.wait_dma2 semaphore(%run_scoped3A : memref<!tpu.dma_semaphore, #tpu.memory_space<semaphore_mem>>) src(%arg13 : memref<512xf32, #tpu.memory_space<vmem>>) dst(%dma_wait3A_25 : memref<512xf32, #tpu.memory_space<hbm>>)
        tpu.yield
      }) : () -> ()
    }
    %scan3A_8 = arith.constant 81 : i32
    return
  }
}

#map = affine_map<(d0, d1) -> (0, 0, 0)>
#map1 = affine_map<(d0, d1) -> (0, 0)>
#map2 = affine_map<(d0, d1) -> (0)>
module attributes {stable_mosaic.version = 14 : i64} {
  func.func @k(%arg0: i32, %arg1: i32, %arg2: memref<32x81x128xi32, #tpu.memory_space<hbm>>, %arg3: memref<32x81x128xi32, #tpu.memory_space<hbm>>, %arg4: memref<10000x128xf32, #tpu.memory_space<hbm>>, %arg5: memref<1327104xf32, #tpu.memory_space<hbm>>, %arg6: memref<2x10240x128xf32, #tpu.memory_space<hbm>>, %arg7: memref<81x128xi32, #tpu.memory_space<vmem>>, %arg8: memref<81x128xi32, #tpu.memory_space<vmem>>, %arg9: memref<128x128xf32, #tpu.memory_space<vmem>>, %arg10: memref<512xf32, #tpu.memory_space<vmem>>, %arg11: memref<10240x128xf32, #tpu.memory_space<vmem_shared>>, %arg12: memref<!tpu.dma_semaphore, #tpu.memory_space<semaphore_mem>>) attributes {dimension_semantics = [#tpu.dimension_semantics<core_parallel>, #tpu.dimension_semantics<subcore_parallel>], iteration_bounds = array<i64: 2, 16>, scalar_prefetch = 0 : i64, scratch_operands = 6 : i64, tpu.core_type = #tpu.core_type<sc_vector_subcore>, window_params = [{transform_indices = #map}, {transform_indices = #map}, {transform_indices = #map1}, {transform_indices = #map2}, {transform_indices = #map}]} {
    %mul3A = arith.constant 16 : i32
    %mul3A_0 = arith.muli %arg0, %mul3A : i32
    %add3A = arith.addi %mul3A_0, %arg1 : i32
    %iota3A = tpu.iota {dimensions = array<i32: 0>} : vector<16xi32>
    %and3A = arith.constant 3 : i32
    %and3A_1 = vector.broadcast %and3A : i32 to vector<16xi32>
    %and3A_2 = arith.andi %iota3A, %and3A_1 : vector<16xi32>
    "tpu.region"() ({
      %run_scoped3A = tpu.sem_alloc : memref<!tpu.dma_semaphore, #tpu.memory_space<semaphore_mem>>
      %dma_start3A = arith.constant 0 : i32
      %dma_start3A_26 = arith.constant 0 : i32
      %dma_start3A_27 = tpu.memref_slice %arg2[%add3A, %dma_start3A, %dma_start3A_26] : memref<32x81x128xi32, #tpu.memory_space<hbm>> -> memref<1x81x128xi32, #tpu.memory_space<hbm>>
      %dma_start3A_28 = tpu.memref_squeeze %dma_start3A_27 : memref<1x81x128xi32, #tpu.memory_space<hbm>> -> memref<81x128xi32, #tpu.memory_space<hbm>>
      %dma_start3A_29 = arith.constant 0 : i32
      %dma_start3A_30 = arith.constant 0 : i32
      %dma_start3A_31 = tpu.memref_slice %arg2[%add3A, %dma_start3A_29, %dma_start3A_30] : memref<32x81x128xi32, #tpu.memory_space<hbm>> -> memref<1x81x128xi32, #tpu.memory_space<hbm>>
      %dma_start3A_32 = tpu.memref_squeeze %dma_start3A_31 : memref<1x81x128xi32, #tpu.memory_space<hbm>> -> memref<81x128xi32, #tpu.memory_space<hbm>>
      tpu.enqueue_dma source(%dma_start3A_32 : memref<81x128xi32, #tpu.memory_space<hbm>>) target(%arg7 : memref<81x128xi32, #tpu.memory_space<vmem>>) target_semaphore(%run_scoped3A : memref<!tpu.dma_semaphore, #tpu.memory_space<semaphore_mem>>)
      %dma_wait3A = arith.constant 0 : i32
      %dma_wait3A_33 = arith.constant 0 : i32
      %dma_wait3A_34 = tpu.memref_slice %arg2[%add3A, %dma_wait3A, %dma_wait3A_33] : memref<32x81x128xi32, #tpu.memory_space<hbm>> -> memref<1x81x128xi32, #tpu.memory_space<hbm>>
      %dma_wait3A_35 = tpu.memref_squeeze %dma_wait3A_34 : memref<1x81x128xi32, #tpu.memory_space<hbm>> -> memref<81x128xi32, #tpu.memory_space<hbm>>
      %dma_wait3A_36 = arith.constant 0 : i32
      %dma_wait3A_37 = arith.constant 0 : i32
      %dma_wait3A_38 = tpu.memref_slice %arg2[%add3A, %dma_wait3A_36, %dma_wait3A_37] : memref<32x81x128xi32, #tpu.memory_space<hbm>> -> memref<1x81x128xi32, #tpu.memory_space<hbm>>
      %dma_wait3A_39 = tpu.memref_squeeze %dma_wait3A_38 : memref<1x81x128xi32, #tpu.memory_space<hbm>> -> memref<81x128xi32, #tpu.memory_space<hbm>>
      tpu.wait_dma2 semaphore(%run_scoped3A : memref<!tpu.dma_semaphore, #tpu.memory_space<semaphore_mem>>) src(%dma_wait3A_39 : memref<81x128xi32, #tpu.memory_space<hbm>>) dst(%arg7 : memref<81x128xi32, #tpu.memory_space<vmem>>)
      tpu.yield
    }) : () -> ()
    "tpu.region"() ({
      %run_scoped3A = tpu.sem_alloc : memref<!tpu.dma_semaphore, #tpu.memory_space<semaphore_mem>>
      %dma_start3A = arith.constant 0 : i32
      %dma_start3A_26 = arith.constant 0 : i32
      %dma_start3A_27 = tpu.memref_slice %arg3[%add3A, %dma_start3A, %dma_start3A_26] : memref<32x81x128xi32, #tpu.memory_space<hbm>> -> memref<1x81x128xi32, #tpu.memory_space<hbm>>
      %dma_start3A_28 = tpu.memref_squeeze %dma_start3A_27 : memref<1x81x128xi32, #tpu.memory_space<hbm>> -> memref<81x128xi32, #tpu.memory_space<hbm>>
      %dma_start3A_29 = arith.constant 0 : i32
      %dma_start3A_30 = arith.constant 0 : i32
      %dma_start3A_31 = tpu.memref_slice %arg3[%add3A, %dma_start3A_29, %dma_start3A_30] : memref<32x81x128xi32, #tpu.memory_space<hbm>> -> memref<1x81x128xi32, #tpu.memory_space<hbm>>
      %dma_start3A_32 = tpu.memref_squeeze %dma_start3A_31 : memref<1x81x128xi32, #tpu.memory_space<hbm>> -> memref<81x128xi32, #tpu.memory_space<hbm>>
      tpu.enqueue_dma source(%dma_start3A_32 : memref<81x128xi32, #tpu.memory_space<hbm>>) target(%arg8 : memref<81x128xi32, #tpu.memory_space<vmem>>) target_semaphore(%run_scoped3A : memref<!tpu.dma_semaphore, #tpu.memory_space<semaphore_mem>>)
      %dma_wait3A = arith.constant 0 : i32
      %dma_wait3A_33 = arith.constant 0 : i32
      %dma_wait3A_34 = tpu.memref_slice %arg3[%add3A, %dma_wait3A, %dma_wait3A_33] : memref<32x81x128xi32, #tpu.memory_space<hbm>> -> memref<1x81x128xi32, #tpu.memory_space<hbm>>
      %dma_wait3A_35 = tpu.memref_squeeze %dma_wait3A_34 : memref<1x81x128xi32, #tpu.memory_space<hbm>> -> memref<81x128xi32, #tpu.memory_space<hbm>>
      %dma_wait3A_36 = arith.constant 0 : i32
      %dma_wait3A_37 = arith.constant 0 : i32
      %dma_wait3A_38 = tpu.memref_slice %arg3[%add3A, %dma_wait3A_36, %dma_wait3A_37] : memref<32x81x128xi32, #tpu.memory_space<hbm>> -> memref<1x81x128xi32, #tpu.memory_space<hbm>>
      %dma_wait3A_39 = tpu.memref_squeeze %dma_wait3A_38 : memref<1x81x128xi32, #tpu.memory_space<hbm>> -> memref<81x128xi32, #tpu.memory_space<hbm>>
      tpu.wait_dma2 semaphore(%run_scoped3A : memref<!tpu.dma_semaphore, #tpu.memory_space<semaphore_mem>>) src(%dma_wait3A_39 : memref<81x128xi32, #tpu.memory_space<hbm>>) dst(%arg8 : memref<81x128xi32, #tpu.memory_space<vmem>>)
      tpu.yield
    }) : () -> ()
    %broadcast_in_dim3A = arith.constant 0.000000e+00 : f32
    %broadcast_in_dim3A_3 = vector.broadcast %broadcast_in_dim3A : f32 to vector<16xf32>
    %scan3A = arith.constant 0 : i32
    %scan3A_4 = arith.constant 128 : i32
    %scan3A_5 = arith.addi %scan3A, %scan3A_4 : i32
    %scan3A_6 = arith.constant 1 : i32
    scf.for %scan3A_26 = %scan3A to %scan3A_5 step %scan3A_6  : i32 {
      %mul3A_27 = arith.constant 1 : i32
      %mul3A_28 = arith.muli %scan3A_26, %mul3A_27 : i32
      %add3A_29 = arith.constant 0 : i32
      %add3A_30 = arith.addi %add3A_29, %mul3A_28 : i32
      %swap3A = arith.index_cast %add3A_30 : i32 to index
      %swap3A_31 = arith.constant 0 : index
      %swap3A_32 = tpu.vector_load %arg9[%swap3A, %swap3A_31] {strides = array<i32>} : memref<128x128xf32, #tpu.memory_space<vmem>>, vector<16xf32>,
      tpu.vector_store %arg9[%swap3A, %swap3A_31], %broadcast_in_dim3A_3 {strides = array<i32>} : memref<128x128xf32, #tpu.memory_space<vmem>>, vector<16xf32>,
      %swap3A_33 = arith.index_cast %add3A_30 : i32 to index
      %swap3A_34 = arith.constant 16 : index
      %swap3A_35 = tpu.vector_load %arg9[%swap3A_33, %swap3A_34] {strides = array<i32>} : memref<128x128xf32, #tpu.memory_space<vmem>>, vector<16xf32>,
      tpu.vector_store %arg9[%swap3A_33, %swap3A_34], %broadcast_in_dim3A_3 {strides = array<i32>} : memref<128x128xf32, #tpu.memory_space<vmem>>, vector<16xf32>,
      %swap3A_36 = arith.index_cast %add3A_30 : i32 to index
      %swap3A_37 = arith.constant 32 : index
      %swap3A_38 = tpu.vector_load %arg9[%swap3A_36, %swap3A_37] {strides = array<i32>} : memref<128x128xf32, #tpu.memory_space<vmem>>, vector<16xf32>,
      tpu.vector_store %arg9[%swap3A_36, %swap3A_37], %broadcast_in_dim3A_3 {strides = array<i32>} : memref<128x128xf32, #tpu.memory_space<vmem>>, vector<16xf32>,
      %swap3A_39 = arith.index_cast %add3A_30 : i32 to index
      %swap3A_40 = arith.constant 48 : index
      %swap3A_41 = tpu.vector_load %arg9[%swap3A_39, %swap3A_40] {strides = array<i32>} : memref<128x128xf32, #tpu.memory_space<vmem>>, vector<16xf32>,
      tpu.vector_store %arg9[%swap3A_39, %swap3A_40], %broadcast_in_dim3A_3 {strides = array<i32>} : memref<128x128xf32, #tpu.memory_space<vmem>>, vector<16xf32>,
      %swap3A_42 = arith.index_cast %add3A_30 : i32 to index
      %swap3A_43 = arith.constant 64 : index
      %swap3A_44 = tpu.vector_load %arg9[%swap3A_42, %swap3A_43] {strides = array<i32>} : memref<128x128xf32, #tpu.memory_space<vmem>>, vector<16xf32>,
      tpu.vector_store %arg9[%swap3A_42, %swap3A_43], %broadcast_in_dim3A_3 {strides = array<i32>} : memref<128x128xf32, #tpu.memory_space<vmem>>, vector<16xf32>,
      %swap3A_45 = arith.index_cast %add3A_30 : i32 to index
      %swap3A_46 = arith.constant 80 : index
      %swap3A_47 = tpu.vector_load %arg9[%swap3A_45, %swap3A_46] {strides = array<i32>} : memref<128x128xf32, #tpu.memory_space<vmem>>, vector<16xf32>,
      tpu.vector_store %arg9[%swap3A_45, %swap3A_46], %broadcast_in_dim3A_3 {strides = array<i32>} : memref<128x128xf32, #tpu.memory_space<vmem>>, vector<16xf32>,
      %swap3A_48 = arith.index_cast %add3A_30 : i32 to index
      %swap3A_49 = arith.constant 96 : index
      %swap3A_50 = tpu.vector_load %arg9[%swap3A_48, %swap3A_49] {strides = array<i32>} : memref<128x128xf32, #tpu.memory_space<vmem>>, vector<16xf32>,
      tpu.vector_store %arg9[%swap3A_48, %swap3A_49], %broadcast_in_dim3A_3 {strides = array<i32>} : memref<128x128xf32, #tpu.memory_space<vmem>>, vector<16xf32>,
      %swap3A_51 = arith.index_cast %add3A_30 : i32 to index
      %swap3A_52 = arith.constant 112 : index
      %swap3A_53 = tpu.vector_load %arg9[%swap3A_51, %swap3A_52] {strides = array<i32>} : memref<128x128xf32, #tpu.memory_space<vmem>>, vector<16xf32>,
      tpu.vector_store %arg9[%swap3A_51, %swap3A_52], %broadcast_in_dim3A_3 {strides = array<i32>} : memref<128x128xf32, #tpu.memory_space<vmem>>, vector<16xf32>,
    }
    %scan3A_7 = arith.constant 128 : i32
    %mul3A_8 = arith.constant 640 : i32
    %mul3A_9 = arith.muli %arg1, %mul3A_8 : i32
    %add3A_10 = arith.constant 0 : i32
    %add3A_11 = arith.addi %mul3A_9, %add3A_10 : i32
    "tpu.region"() ({
      %run_scoped3A = tpu.sem_alloc : memref<!tpu.dma_semaphore, #tpu.memory_space<semaphore_mem>>
      %dma_start3A = arith.constant 0 : i32
      %dma_start3A_26 = tpu.memref_slice %arg11[%add3A_11, %dma_start3A] : memref<10240x128xf32, #tpu.memory_space<vmem_shared>> -> memref<128x128xf32, #tpu.memory_space<vmem_shared>>
      %dma_start3A_27 = arith.constant 0 : i32
      %dma_start3A_28 = tpu.memref_slice %arg11[%add3A_11, %dma_start3A_27] : memref<10240x128xf32, #tpu.memory_space<vmem_shared>> -> memref<128x128xf32, #tpu.memory_space<vmem_shared>>
      tpu.enqueue_dma source(%arg9 : memref<128x128xf32, #tpu.memory_space<vmem>>) target(%dma_start3A_28 : memref<128x128xf32, #tpu.memory_space<vmem_shared>>) target_semaphore(%run_scoped3A : memref<!tpu.dma_semaphore, #tpu.memory_space<semaphore_mem>>)
      %dma_wait3A = arith.constant 0 : i32
      %dma_wait3A_29 = tpu.memref_slice %arg11[%add3A_11, %dma_wait3A] : memref<10240x128xf32, #tpu.memory_space<vmem_shared>> -> memref<128x128xf32, #tpu.memory_space<vmem_shared>>
      %dma_wait3A_30 = arith.constant 0 : i32
      %dma_wait3A_31 = tpu.memref_slice %arg11[%add3A_11, %dma_wait3A_30] : memref<10240x128xf32, #tpu.memory_space<vmem_shared>> -> memref<128x128xf32, #tpu.memory_space<vmem_shared>>
      tpu.wait_dma2 semaphore(%run_scoped3A : memref<!tpu.dma_semaphore, #tpu.memory_space<semaphore_mem>>) src(%arg9 : memref<128x128xf32, #tpu.memory_space<vmem>>) dst(%dma_wait3A_31 : memref<128x128xf32, #tpu.memory_space<vmem_shared>>)
      tpu.yield
    }) : () -> ()
    %add3A_12 = arith.constant 128 : i32
    %add3A_13 = arith.addi %mul3A_9, %add3A_12 : i32
    "tpu.region"() ({
      %run_scoped3A = tpu.sem_alloc : memref<!tpu.dma_semaphore, #tpu.memory_space<semaphore_mem>>
      %dma_start3A = arith.constant 0 : i32
      %dma_start3A_26 = tpu.memref_slice %arg11[%add3A_13, %dma_start3A] : memref<10240x128xf32, #tpu.memory_space<vmem_shared>> -> memref<128x128xf32, #tpu.memory_space<vmem_shared>>
      %dma_start3A_27 = arith.constant 0 : i32
      %dma_start3A_28 = tpu.memref_slice %arg11[%add3A_13, %dma_start3A_27] : memref<10240x128xf32, #tpu.memory_space<vmem_shared>> -> memref<128x128xf32, #tpu.memory_space<vmem_shared>>
      tpu.enqueue_dma source(%arg9 : memref<128x128xf32, #tpu.memory_space<vmem>>) target(%dma_start3A_28 : memref<128x128xf32, #tpu.memory_space<vmem_shared>>) target_semaphore(%run_scoped3A : memref<!tpu.dma_semaphore, #tpu.memory_space<semaphore_mem>>)
      %dma_wait3A = arith.constant 0 : i32
      %dma_wait3A_29 = tpu.memref_slice %arg11[%add3A_13, %dma_wait3A] : memref<10240x128xf32, #tpu.memory_space<vmem_shared>> -> memref<128x128xf32, #tpu.memory_space<vmem_shared>>
      %dma_wait3A_30 = arith.constant 0 : i32
      %dma_wait3A_31 = tpu.memref_slice %arg11[%add3A_13, %dma_wait3A_30] : memref<10240x128xf32, #tpu.memory_space<vmem_shared>> -> memref<128x128xf32, #tpu.memory_space<vmem_shared>>
      tpu.wait_dma2 semaphore(%run_scoped3A : memref<!tpu.dma_semaphore, #tpu.memory_space<semaphore_mem>>) src(%arg9 : memref<128x128xf32, #tpu.memory_space<vmem>>) dst(%dma_wait3A_31 : memref<128x128xf32, #tpu.memory_space<vmem_shared>>)
      tpu.yield
    }) : () -> ()
    %add3A_14 = arith.constant 256 : i32
    %add3A_15 = arith.addi %mul3A_9, %add3A_14 : i32
    "tpu.region"() ({
      %run_scoped3A = tpu.sem_alloc : memref<!tpu.dma_semaphore, #tpu.memory_space<semaphore_mem>>
      %dma_start3A = arith.constant 0 : i32
      %dma_start3A_26 = tpu.memref_slice %arg11[%add3A_15, %dma_start3A] : memref<10240x128xf32, #tpu.memory_space<vmem_shared>> -> memref<128x128xf32, #tpu.memory_space<vmem_shared>>
      %dma_start3A_27 = arith.constant 0 : i32
      %dma_start3A_28 = tpu.memref_slice %arg11[%add3A_15, %dma_start3A_27] : memref<10240x128xf32, #tpu.memory_space<vmem_shared>> -> memref<128x128xf32, #tpu.memory_space<vmem_shared>>
      tpu.enqueue_dma source(%arg9 : memref<128x128xf32, #tpu.memory_space<vmem>>) target(%dma_start3A_28 : memref<128x128xf32, #tpu.memory_space<vmem_shared>>) target_semaphore(%run_scoped3A : memref<!tpu.dma_semaphore, #tpu.memory_space<semaphore_mem>>)
      %dma_wait3A = arith.constant 0 : i32
      %dma_wait3A_29 = tpu.memref_slice %arg11[%add3A_15, %dma_wait3A] : memref<10240x128xf32, #tpu.memory_space<vmem_shared>> -> memref<128x128xf32, #tpu.memory_space<vmem_shared>>
      %dma_wait3A_30 = arith.constant 0 : i32
      %dma_wait3A_31 = tpu.memref_slice %arg11[%add3A_15, %dma_wait3A_30] : memref<10240x128xf32, #tpu.memory_space<vmem_shared>> -> memref<128x128xf32, #tpu.memory_space<vmem_shared>>
      tpu.wait_dma2 semaphore(%run_scoped3A : memref<!tpu.dma_semaphore, #tpu.memory_space<semaphore_mem>>) src(%arg9 : memref<128x128xf32, #tpu.memory_space<vmem>>) dst(%dma_wait3A_31 : memref<128x128xf32, #tpu.memory_space<vmem_shared>>)
      tpu.yield
    }) : () -> ()
    %add3A_16 = arith.constant 384 : i32
    %add3A_17 = arith.addi %mul3A_9, %add3A_16 : i32
    "tpu.region"() ({
      %run_scoped3A = tpu.sem_alloc : memref<!tpu.dma_semaphore, #tpu.memory_space<semaphore_mem>>
      %dma_start3A = arith.constant 0 : i32
      %dma_start3A_26 = tpu.memref_slice %arg11[%add3A_17, %dma_start3A] : memref<10240x128xf32, #tpu.memory_space<vmem_shared>> -> memref<128x128xf32, #tpu.memory_space<vmem_shared>>
      %dma_start3A_27 = arith.constant 0 : i32
      %dma_start3A_28 = tpu.memref_slice %arg11[%add3A_17, %dma_start3A_27] : memref<10240x128xf32, #tpu.memory_space<vmem_shared>> -> memref<128x128xf32, #tpu.memory_space<vmem_shared>>
      tpu.enqueue_dma source(%arg9 : memref<128x128xf32, #tpu.memory_space<vmem>>) target(%dma_start3A_28 : memref<128x128xf32, #tpu.memory_space<vmem_shared>>) target_semaphore(%run_scoped3A : memref<!tpu.dma_semaphore, #tpu.memory_space<semaphore_mem>>)
      %dma_wait3A = arith.constant 0 : i32
      %dma_wait3A_29 = tpu.memref_slice %arg11[%add3A_17, %dma_wait3A] : memref<10240x128xf32, #tpu.memory_space<vmem_shared>> -> memref<128x128xf32, #tpu.memory_space<vmem_shared>>
      %dma_wait3A_30 = arith.constant 0 : i32
      %dma_wait3A_31 = tpu.memref_slice %arg11[%add3A_17, %dma_wait3A_30] : memref<10240x128xf32, #tpu.memory_space<vmem_shared>> -> memref<128x128xf32, #tpu.memory_space<vmem_shared>>
      tpu.wait_dma2 semaphore(%run_scoped3A : memref<!tpu.dma_semaphore, #tpu.memory_space<semaphore_mem>>) src(%arg9 : memref<128x128xf32, #tpu.memory_space<vmem>>) dst(%dma_wait3A_31 : memref<128x128xf32, #tpu.memory_space<vmem_shared>>)
      tpu.yield
    }) : () -> ()
    %add3A_18 = arith.constant 512 : i32
    %add3A_19 = arith.addi %mul3A_9, %add3A_18 : i32
    "tpu.region"() ({
      %run_scoped3A = tpu.sem_alloc : memref<!tpu.dma_semaphore, #tpu.memory_space<semaphore_mem>>
      %dma_start3A = arith.constant 0 : i32
      %dma_start3A_26 = tpu.memref_slice %arg11[%add3A_19, %dma_start3A] : memref<10240x128xf32, #tpu.memory_space<vmem_shared>> -> memref<128x128xf32, #tpu.memory_space<vmem_shared>>
      %dma_start3A_27 = arith.constant 0 : i32
      %dma_start3A_28 = tpu.memref_slice %arg11[%add3A_19, %dma_start3A_27] : memref<10240x128xf32, #tpu.memory_space<vmem_shared>> -> memref<128x128xf32, #tpu.memory_space<vmem_shared>>
      tpu.enqueue_dma source(%arg9 : memref<128x128xf32, #tpu.memory_space<vmem>>) target(%dma_start3A_28 : memref<128x128xf32, #tpu.memory_space<vmem_shared>>) target_semaphore(%run_scoped3A : memref<!tpu.dma_semaphore, #tpu.memory_space<semaphore_mem>>)
      %dma_wait3A = arith.constant 0 : i32
      %dma_wait3A_29 = tpu.memref_slice %arg11[%add3A_19, %dma_wait3A] : memref<10240x128xf32, #tpu.memory_space<vmem_shared>> -> memref<128x128xf32, #tpu.memory_space<vmem_shared>>
      %dma_wait3A_30 = arith.constant 0 : i32
      %dma_wait3A_31 = tpu.memref_slice %arg11[%add3A_19, %dma_wait3A_30] : memref<10240x128xf32, #tpu.memory_space<vmem_shared>> -> memref<128x128xf32, #tpu.memory_space<vmem_shared>>
      tpu.wait_dma2 semaphore(%run_scoped3A : memref<!tpu.dma_semaphore, #tpu.memory_space<semaphore_mem>>) src(%arg9 : memref<128x128xf32, #tpu.memory_space<vmem>>) dst(%dma_wait3A_31 : memref<128x128xf32, #tpu.memory_space<vmem_shared>>)
      tpu.yield
    }) : () -> ()
    %barrier3A = arith.constant 0 : index
    tpu.barrier barrier_id(%barrier3A)
    %scan3A_20 = arith.constant 0 : i32
    %scan3A_21 = arith.constant 81 : i32
    %scan3A_22 = arith.addi %scan3A_20, %scan3A_21 : i32
    %scan3A_23 = arith.constant 1 : i32
    scf.for %scan3A_26 = %scan3A_20 to %scan3A_22 step %scan3A_23  : i32 {
      %mul3A_27 = arith.constant 1 : i32
      %mul3A_28 = arith.muli %scan3A_26, %mul3A_27 : i32
      %add3A_29 = arith.constant 0 : i32
      %add3A_30 = arith.addi %add3A_29, %mul3A_28 : i32
      %dma_start3A = arith.constant 0 : i32
      %dma_start3A_31 = tpu.memref_slice %arg7[%add3A_30, %dma_start3A] : memref<81x128xi32, #tpu.memory_space<vmem>> -> memref<1x128xi32, #tpu.memory_space<vmem>>
      %dma_start3A_32 = tpu.memref_squeeze %dma_start3A_31 : memref<1x128xi32, #tpu.memory_space<vmem>> -> memref<128xi32, #tpu.memory_space<vmem>>
      %dma_start3A_33 = arith.constant 0 : i32
      %dma_start3A_34 = arith.constant 0 : i32
      %dma_start3A_35 = tpu.memref_slice %arg4[%dma_start3A_33, %dma_start3A_34] : memref<10000x128xf32, #tpu.memory_space<hbm>> -> memref<10000x128xf32, #tpu.memory_space<hbm>>
      tpu.enqueue_indirect_dma source(%dma_start3A_35 : memref<10000x128xf32, #tpu.memory_space<hbm>>) target(%arg9 : memref<128x128xf32, #tpu.memory_space<vmem>>) offsets(%dma_start3A_32 : memref<128xi32, #tpu.memory_space<vmem>>) semaphore(%arg12 : memref<!tpu.dma_semaphore, #tpu.memory_space<semaphore_mem>>)
      %dma_wait3A = arith.constant 0 : i32
      %dma_wait3A_36 = tpu.memref_slice %arg7[%add3A_30, %dma_wait3A] : memref<81x128xi32, #tpu.memory_space<vmem>> -> memref<1x128xi32, #tpu.memory_space<vmem>>
      %dma_wait3A_37 = tpu.memref_squeeze %dma_wait3A_36 : memref<1x128xi32, #tpu.memory_space<vmem>> -> memref<128xi32, #tpu.memory_space<vmem>>
      %dma_wait3A_38 = arith.constant 0 : i32
      %dma_wait3A_39 = arith.constant 0 : i32
      %dma_wait3A_40 = tpu.memref_slice %arg4[%dma_wait3A_38, %dma_wait3A_39] : memref<10000x128xf32, #tpu.memory_space<hbm>> -> memref<10000x128xf32, #tpu.memory_space<hbm>>
      tpu.wait_indirect_dma semaphore(%arg12 : memref<!tpu.dma_semaphore, #tpu.memory_space<semaphore_mem>>) src(%dma_wait3A_40 : memref<10000x128xf32, #tpu.memory_space<hbm>>) dst(%arg9 : memref<128x128xf32, #tpu.memory_space<vmem>>)
      %mul3A_41 = arith.constant 81 : i32
      %mul3A_42 = arith.muli %add3A, %mul3A_41 : i32
      %add3A_43 = arith.addi %mul3A_42, %add3A_30 : i32
      %mul3A_44 = arith.constant 512 : i32
      %mul3A_45 = arith.muli %add3A_43, %mul3A_44 : i32
      "tpu.region"() ({
        %run_scoped3A = tpu.sem_alloc : memref<!tpu.dma_semaphore, #tpu.memory_space<semaphore_mem>>
        %dma_start3A_51 = tpu.memref_slice %arg5[%mul3A_45] : memref<1327104xf32, #tpu.memory_space<hbm>> -> memref<512xf32, #tpu.memory_space<hbm>>
        %dma_start3A_52 = tpu.memref_slice %arg5[%mul3A_45] : memref<1327104xf32, #tpu.memory_space<hbm>> -> memref<512xf32, #tpu.memory_space<hbm>>
        tpu.enqueue_dma source(%dma_start3A_52 : memref<512xf32, #tpu.memory_space<hbm>>) target(%arg10 : memref<512xf32, #tpu.memory_space<vmem>>) target_semaphore(%run_scoped3A : memref<!tpu.dma_semaphore, #tpu.memory_space<semaphore_mem>>)
        %dma_wait3A_53 = tpu.memref_slice %arg5[%mul3A_45] : memref<1327104xf32, #tpu.memory_space<hbm>> -> memref<512xf32, #tpu.memory_space<hbm>>
        %dma_wait3A_54 = tpu.memref_slice %arg5[%mul3A_45] : memref<1327104xf32, #tpu.memory_space<hbm>> -> memref<512xf32, #tpu.memory_space<hbm>>
        tpu.wait_dma2 semaphore(%run_scoped3A : memref<!tpu.dma_semaphore, #tpu.memory_space<semaphore_mem>>) src(%dma_wait3A_54 : memref<512xf32, #tpu.memory_space<hbm>>) dst(%arg10 : memref<512xf32, #tpu.memory_space<vmem>>)
        tpu.yield
      }) : () -> ()
      %scan3A_46 = arith.constant 0 : i32
      %scan3A_47 = arith.constant 128 : i32
      %scan3A_48 = arith.addi %scan3A_46, %scan3A_47 : i32
      %scan3A_49 = arith.constant 1 : i32
      scf.for %scan3A_51 = %scan3A_46 to %scan3A_48 step %scan3A_49  : i32 {
        %mul3A_52 = arith.constant 1 : i32
        %mul3A_53 = arith.muli %scan3A_51, %mul3A_52 : i32
        %add3A_54 = arith.constant 0 : i32
        %add3A_55 = arith.addi %add3A_54, %mul3A_53 : i32
        %add3A_56 = arith.constant 256 : i32
        %add3A_57 = arith.addi %add3A_56, %add3A_55 : i32
        %broadcast_in_dim3A_58 = vector.broadcast %add3A_57 : i32 to vector<16xi32>
        %gather3A = tpu.vector_load_idx %arg10[%broadcast_in_dim3A_58] : memref<512xf32, #tpu.memory_space<vmem>>[vector<16xi32>], vector<16xf32>,
        %get3A = arith.index_cast %add3A_55 : i32 to index
        %get3A_59 = arith.constant 0 : index
        %get3A_60 = tpu.vector_load %arg9[%get3A, %get3A_59] {strides = array<i32>} : memref<128x128xf32, #tpu.memory_space<vmem>>, vector<16xf32>,
        %mul3A_61 = arith.mulf %get3A_60, %gather3A : vector<16xf32>
        %swap3A = arith.index_cast %add3A_55 : i32 to index
        %swap3A_62 = arith.constant 0 : index
        %swap3A_63 = tpu.vector_load %arg9[%swap3A, %swap3A_62] {strides = array<i32>} : memref<128x128xf32, #tpu.memory_space<vmem>>, vector<16xf32>,
        tpu.vector_store %arg9[%swap3A, %swap3A_62], %mul3A_61 {strides = array<i32>} : memref<128x128xf32, #tpu.memory_space<vmem>>, vector<16xf32>,
        %add3A_64 = arith.constant 256 : i32
        %add3A_65 = arith.addi %add3A_64, %add3A_55 : i32
        %broadcast_in_dim3A_66 = vector.broadcast %add3A_65 : i32 to vector<16xi32>
        %gather3A_67 = tpu.vector_load_idx %arg10[%broadcast_in_dim3A_66] : memref<512xf32, #tpu.memory_space<vmem>>[vector<16xi32>], vector<16xf32>,
        %get3A_68 = arith.index_cast %add3A_55 : i32 to index
        %get3A_69 = arith.constant 16 : index
        %get3A_70 = tpu.vector_load %arg9[%get3A_68, %get3A_69] {strides = array<i32>} : memref<128x128xf32, #tpu.memory_space<vmem>>, vector<16xf32>,
        %mul3A_71 = arith.mulf %get3A_70, %gather3A_67 : vector<16xf32>
        %swap3A_72 = arith.index_cast %add3A_55 : i32 to index
        %swap3A_73 = arith.constant 16 : index
        %swap3A_74 = tpu.vector_load %arg9[%swap3A_72, %swap3A_73] {strides = array<i32>} : memref<128x128xf32, #tpu.memory_space<vmem>>, vector<16xf32>,
        tpu.vector_store %arg9[%swap3A_72, %swap3A_73], %mul3A_71 {strides = array<i32>} : memref<128x128xf32, #tpu.memory_space<vmem>>, vector<16xf32>,
        %add3A_75 = arith.constant 384 : i32
        %add3A_76 = arith.addi %add3A_75, %add3A_55 : i32
        %broadcast_in_dim3A_77 = vector.broadcast %add3A_76 : i32 to vector<16xi32>
        %gather3A_78 = tpu.vector_load_idx %arg10[%broadcast_in_dim3A_77] : memref<512xf32, #tpu.memory_space<vmem>>[vector<16xi32>], vector<16xf32>,
        %get3A_79 = arith.index_cast %add3A_55 : i32 to index
        %get3A_80 = arith.constant 32 : index
        %get3A_81 = tpu.vector_load %arg9[%get3A_79, %get3A_80] {strides = array<i32>} : memref<128x128xf32, #tpu.memory_space<vmem>>, vector<16xf32>,
        %mul3A_82 = arith.mulf %get3A_81, %gather3A_78 : vector<16xf32>
        %swap3A_83 = arith.index_cast %add3A_55 : i32 to index
        %swap3A_84 = arith.constant 32 : index
        %swap3A_85 = tpu.vector_load %arg9[%swap3A_83, %swap3A_84] {strides = array<i32>} : memref<128x128xf32, #tpu.memory_space<vmem>>, vector<16xf32>,
        tpu.vector_store %arg9[%swap3A_83, %swap3A_84], %mul3A_82 {strides = array<i32>} : memref<128x128xf32, #tpu.memory_space<vmem>>, vector<16xf32>,
        %add3A_86 = arith.constant 384 : i32
        %add3A_87 = arith.addi %add3A_86, %add3A_55 : i32
        %broadcast_in_dim3A_88 = vector.broadcast %add3A_87 : i32 to vector<16xi32>
        %gather3A_89 = tpu.vector_load_idx %arg10[%broadcast_in_dim3A_88] : memref<512xf32, #tpu.memory_space<vmem>>[vector<16xi32>], vector<16xf32>,
        %get3A_90 = arith.index_cast %add3A_55 : i32 to index
        %get3A_91 = arith.constant 48 : index
        %get3A_92 = tpu.vector_load %arg9[%get3A_90, %get3A_91] {strides = array<i32>} : memref<128x128xf32, #tpu.memory_space<vmem>>, vector<16xf32>,
        %mul3A_93 = arith.mulf %get3A_92, %gather3A_89 : vector<16xf32>
        %swap3A_94 = arith.index_cast %add3A_55 : i32 to index
        %swap3A_95 = arith.constant 48 : index
        %swap3A_96 = tpu.vector_load %arg9[%swap3A_94, %swap3A_95] {strides = array<i32>} : memref<128x128xf32, #tpu.memory_space<vmem>>, vector<16xf32>,
        tpu.vector_store %arg9[%swap3A_94, %swap3A_95], %mul3A_93 {strides = array<i32>} : memref<128x128xf32, #tpu.memory_space<vmem>>, vector<16xf32>,
      }
      %scan3A_50 = arith.constant 128 : i32
      "tpu.region"() ({
        %run_scoped3A = tpu.sem_alloc : memref<!tpu.dma_semaphore, #tpu.memory_space<semaphore_mem>>
        %dma_start3A_51 = arith.constant 0 : i32
        %dma_start3A_52 = tpu.memref_slice %arg8[%add3A_30, %dma_start3A_51] : memref<81x128xi32, #tpu.memory_space<vmem>> -> memref<1x128xi32, #tpu.memory_space<vmem>>
        %dma_start3A_53 = tpu.memref_squeeze %dma_start3A_52 : memref<1x128xi32, #tpu.memory_space<vmem>> -> memref<128xi32, #tpu.memory_space<vmem>>
        %dma_start3A_54 = arith.constant 0 : i32
        %dma_start3A_55 = arith.constant 0 : i32
        %dma_start3A_56 = tpu.memref_slice %arg11[%dma_start3A_54, %dma_start3A_55] : memref<10240x128xf32, #tpu.memory_space<vmem_shared>> -> memref<10240x128xf32, #tpu.memory_space<vmem_shared>>
        tpu.enqueue_indirect_dma source(%arg9 : memref<128x128xf32, #tpu.memory_space<vmem>>) target(%dma_start3A_56 : memref<10240x128xf32, #tpu.memory_space<vmem_shared>>) offsets(%dma_start3A_53 : memref<128xi32, #tpu.memory_space<vmem>>) semaphore(%run_scoped3A : memref<!tpu.dma_semaphore, #tpu.memory_space<semaphore_mem>>) {add = true}
        %dma_wait3A_57 = arith.constant 0 : i32
        %dma_wait3A_58 = tpu.memref_slice %arg8[%add3A_30, %dma_wait3A_57] : memref<81x128xi32, #tpu.memory_space<vmem>> -> memref<1x128xi32, #tpu.memory_space<vmem>>
        %dma_wait3A_59 = tpu.memref_squeeze %dma_wait3A_58 : memref<1x128xi32, #tpu.memory_space<vmem>> -> memref<128xi32, #tpu.memory_space<vmem>>
        %dma_wait3A_60 = arith.constant 0 : i32
        %dma_wait3A_61 = arith.constant 0 : i32
        %dma_wait3A_62 = tpu.memref_slice %arg11[%dma_wait3A_60, %dma_wait3A_61] : memref<10240x128xf32, #tpu.memory_space<vmem_shared>> -> memref<10240x128xf32, #tpu.memory_space<vmem_shared>>
        tpu.wait_indirect_dma semaphore(%run_scoped3A : memref<!tpu.dma_semaphore, #tpu.memory_space<semaphore_mem>>) src(%arg9 : memref<128x128xf32, #tpu.memory_space<vmem>>) dst(%dma_wait3A_62 : memref<10240x128xf32, #tpu.memory_space<vmem_shared>>)
        tpu.yield
      }) : () -> ()
    }
    %scan3A_24 = arith.constant 81 : i32
    %barrier3A_25 = arith.constant 0 : index
    tpu.barrier barrier_id(%barrier3A_25)
    "tpu.region"() ({
      %run_scoped3A = tpu.sem_alloc : memref<!tpu.dma_semaphore, #tpu.memory_space<semaphore_mem>>
      %dma_start3A = arith.constant 0 : i32
      %dma_start3A_26 = tpu.memref_slice %arg6[%arg0, %mul3A_9, %dma_start3A] : memref<2x10240x128xf32, #tpu.memory_space<hbm>> -> memref<1x640x128xf32, #tpu.memory_space<hbm>>
      %dma_start3A_27 = tpu.memref_squeeze %dma_start3A_26 : memref<1x640x128xf32, #tpu.memory_space<hbm>> -> memref<640x128xf32, #tpu.memory_space<hbm>>
      %dma_start3A_28 = arith.constant 0 : i32
      %dma_start3A_29 = tpu.memref_slice %arg11[%mul3A_9, %dma_start3A_28] : memref<10240x128xf32, #tpu.memory_space<vmem_shared>> -> memref<640x128xf32, #tpu.memory_space<vmem_shared>>
      tpu.enqueue_dma source(%dma_start3A_29 : memref<640x128xf32, #tpu.memory_space<vmem_shared>>) target(%dma_start3A_27 : memref<640x128xf32, #tpu.memory_space<hbm>>) target_semaphore(%run_scoped3A : memref<!tpu.dma_semaphore, #tpu.memory_space<semaphore_mem>>)
      %dma_wait3A = arith.constant 0 : i32
      %dma_wait3A_30 = tpu.memref_slice %arg6[%arg0, %mul3A_9, %dma_wait3A] : memref<2x10240x128xf32, #tpu.memory_space<hbm>> -> memref<1x640x128xf32, #tpu.memory_space<hbm>>
      %dma_wait3A_31 = tpu.memref_squeeze %dma_wait3A_30 : memref<1x640x128xf32, #tpu.memory_space<hbm>> -> memref<640x128xf32, #tpu.memory_space<hbm>>
      %dma_wait3A_32 = arith.constant 0 : i32
      %dma_wait3A_33 = tpu.memref_slice %arg11[%mul3A_9, %dma_wait3A_32] : memref<10240x128xf32, #tpu.memory_space<vmem_shared>> -> memref<640x128xf32, #tpu.memory_space<vmem_shared>>
      tpu.wait_dma2 semaphore(%run_scoped3A : memref<!tpu.dma_semaphore, #tpu.memory_space<semaphore_mem>>) src(%dma_wait3A_33 : memref<640x128xf32, #tpu.memory_space<vmem_shared>>) dst(%dma_wait3A_31 : memref<640x128xf32, #tpu.memory_space<hbm>>)
      tpu.yield
    }) : () -> ()
    return
  }
}

#map = affine_map<(d0, d1) -> (0, 0, 0)>
#map1 = affine_map<(d0, d1) -> (0)>
#map2 = affine_map<(d0, d1) -> (0, 0)>
module attributes {stable_mosaic.version = 14 : i64} {
  func.func @k(%arg0: i32, %arg1: i32, %arg2: memref<32x81x128xi32, #tpu.memory_space<hbm>>, %arg3: memref<32x81x128xi32, #tpu.memory_space<hbm>>, %arg4: memref<10000xf32, #tpu.memory_space<hbm>>, %arg5: memref<10000xf32, #tpu.memory_space<hbm>>, %arg6: memref<1x16xf32, #tpu.memory_space<hbm>>, %arg7: memref<331776xf32, #tpu.memory_space<hbm>>, %arg8: memref<81x128xi32, #tpu.memory_space<vmem>>, %arg9: memref<81x128xi32, #tpu.memory_space<vmem>>, %arg10: memref<10000xf32, #tpu.memory_space<vmem>>, %arg11: memref<10000xf32, #tpu.memory_space<vmem>>, %arg12: memref<1x16xf32, #tpu.memory_space<vmem>>, %arg13: memref<128xf32, #tpu.memory_space<vmem>>) attributes {dimension_semantics = [#tpu.dimension_semantics<core_parallel>, #tpu.dimension_semantics<subcore_parallel>], iteration_bounds = array<i64: 2, 16>, scalar_prefetch = 0 : i64, scratch_operands = 6 : i64, tpu.core_type = #tpu.core_type<sc_vector_subcore>, window_params = [{transform_indices = #map}, {transform_indices = #map}, {transform_indices = #map1}, {transform_indices = #map1}, {transform_indices = #map2}, {transform_indices = #map1}]} {
    %mul3A = arith.constant 16 : i32
    %mul3A_0 = arith.muli %arg0, %mul3A : i32
    %add3A = arith.addi %mul3A_0, %arg1 : i32
    %iota3A = tpu.iota {dimensions = array<i32: 0>} : vector<16xi32>
    "tpu.region"() ({
      %run_scoped3A = tpu.sem_alloc : memref<!tpu.dma_semaphore, #tpu.memory_space<semaphore_mem>>
      %dma_start3A = arith.constant 0 : i32
      %dma_start3A_9 = arith.constant 0 : i32
      %dma_start3A_10 = tpu.memref_slice %arg2[%add3A, %dma_start3A, %dma_start3A_9] : memref<32x81x128xi32, #tpu.memory_space<hbm>> -> memref<1x81x128xi32, #tpu.memory_space<hbm>>
      %dma_start3A_11 = tpu.memref_squeeze %dma_start3A_10 : memref<1x81x128xi32, #tpu.memory_space<hbm>> -> memref<81x128xi32, #tpu.memory_space<hbm>>
      %dma_start3A_12 = arith.constant 0 : i32
      %dma_start3A_13 = arith.constant 0 : i32
      %dma_start3A_14 = tpu.memref_slice %arg2[%add3A, %dma_start3A_12, %dma_start3A_13] : memref<32x81x128xi32, #tpu.memory_space<hbm>> -> memref<1x81x128xi32, #tpu.memory_space<hbm>>
      %dma_start3A_15 = tpu.memref_squeeze %dma_start3A_14 : memref<1x81x128xi32, #tpu.memory_space<hbm>> -> memref<81x128xi32, #tpu.memory_space<hbm>>
      tpu.enqueue_dma source(%dma_start3A_15 : memref<81x128xi32, #tpu.memory_space<hbm>>) target(%arg8 : memref<81x128xi32, #tpu.memory_space<vmem>>) target_semaphore(%run_scoped3A : memref<!tpu.dma_semaphore, #tpu.memory_space<semaphore_mem>>)
      %dma_wait3A = arith.constant 0 : i32
      %dma_wait3A_16 = arith.constant 0 : i32
      %dma_wait3A_17 = tpu.memref_slice %arg2[%add3A, %dma_wait3A, %dma_wait3A_16] : memref<32x81x128xi32, #tpu.memory_space<hbm>> -> memref<1x81x128xi32, #tpu.memory_space<hbm>>
      %dma_wait3A_18 = tpu.memref_squeeze %dma_wait3A_17 : memref<1x81x128xi32, #tpu.memory_space<hbm>> -> memref<81x128xi32, #tpu.memory_space<hbm>>
      %dma_wait3A_19 = arith.constant 0 : i32
      %dma_wait3A_20 = arith.constant 0 : i32
      %dma_wait3A_21 = tpu.memref_slice %arg2[%add3A, %dma_wait3A_19, %dma_wait3A_20] : memref<32x81x128xi32, #tpu.memory_space<hbm>> -> memref<1x81x128xi32, #tpu.memory_space<hbm>>
      %dma_wait3A_22 = tpu.memref_squeeze %dma_wait3A_21 : memref<1x81x128xi32, #tpu.memory_space<hbm>> -> memref<81x128xi32, #tpu.memory_space<hbm>>
      tpu.wait_dma2 semaphore(%run_scoped3A : memref<!tpu.dma_semaphore, #tpu.memory_space<semaphore_mem>>) src(%dma_wait3A_22 : memref<81x128xi32, #tpu.memory_space<hbm>>) dst(%arg8 : memref<81x128xi32, #tpu.memory_space<vmem>>)
      tpu.yield
    }) : () -> ()
    "tpu.region"() ({
      %run_scoped3A = tpu.sem_alloc : memref<!tpu.dma_semaphore, #tpu.memory_space<semaphore_mem>>
      %dma_start3A = arith.constant 0 : i32
      %dma_start3A_9 = arith.constant 0 : i32
      %dma_start3A_10 = tpu.memref_slice %arg3[%add3A, %dma_start3A, %dma_start3A_9] : memref<32x81x128xi32, #tpu.memory_space<hbm>> -> memref<1x81x128xi32, #tpu.memory_space<hbm>>
      %dma_start3A_11 = tpu.memref_squeeze %dma_start3A_10 : memref<1x81x128xi32, #tpu.memory_space<hbm>> -> memref<81x128xi32, #tpu.memory_space<hbm>>
      %dma_start3A_12 = arith.constant 0 : i32
      %dma_start3A_13 = arith.constant 0 : i32
      %dma_start3A_14 = tpu.memref_slice %arg3[%add3A, %dma_start3A_12, %dma_start3A_13] : memref<32x81x128xi32, #tpu.memory_space<hbm>> -> memref<1x81x128xi32, #tpu.memory_space<hbm>>
      %dma_start3A_15 = tpu.memref_squeeze %dma_start3A_14 : memref<1x81x128xi32, #tpu.memory_space<hbm>> -> memref<81x128xi32, #tpu.memory_space<hbm>>
      tpu.enqueue_dma source(%dma_start3A_15 : memref<81x128xi32, #tpu.memory_space<hbm>>) target(%arg9 : memref<81x128xi32, #tpu.memory_space<vmem>>) target_semaphore(%run_scoped3A : memref<!tpu.dma_semaphore, #tpu.memory_space<semaphore_mem>>)
      %dma_wait3A = arith.constant 0 : i32
      %dma_wait3A_16 = arith.constant 0 : i32
      %dma_wait3A_17 = tpu.memref_slice %arg3[%add3A, %dma_wait3A, %dma_wait3A_16] : memref<32x81x128xi32, #tpu.memory_space<hbm>> -> memref<1x81x128xi32, #tpu.memory_space<hbm>>
      %dma_wait3A_18 = tpu.memref_squeeze %dma_wait3A_17 : memref<1x81x128xi32, #tpu.memory_space<hbm>> -> memref<81x128xi32, #tpu.memory_space<hbm>>
      %dma_wait3A_19 = arith.constant 0 : i32
      %dma_wait3A_20 = arith.constant 0 : i32
      %dma_wait3A_21 = tpu.memref_slice %arg3[%add3A, %dma_wait3A_19, %dma_wait3A_20] : memref<32x81x128xi32, #tpu.memory_space<hbm>> -> memref<1x81x128xi32, #tpu.memory_space<hbm>>
      %dma_wait3A_22 = tpu.memref_squeeze %dma_wait3A_21 : memref<1x81x128xi32, #tpu.memory_space<hbm>> -> memref<81x128xi32, #tpu.memory_space<hbm>>
      tpu.wait_dma2 semaphore(%run_scoped3A : memref<!tpu.dma_semaphore, #tpu.memory_space<semaphore_mem>>) src(%dma_wait3A_22 : memref<81x128xi32, #tpu.memory_space<hbm>>) dst(%arg9 : memref<81x128xi32, #tpu.memory_space<vmem>>)
      tpu.yield
    }) : () -> ()
    "tpu.region"() ({
      %run_scoped3A = tpu.sem_alloc : memref<!tpu.dma_semaphore, #tpu.memory_space<semaphore_mem>>
      tpu.enqueue_dma source(%arg4 : memref<10000xf32, #tpu.memory_space<hbm>>) target(%arg10 : memref<10000xf32, #tpu.memory_space<vmem>>) target_semaphore(%run_scoped3A : memref<!tpu.dma_semaphore, #tpu.memory_space<semaphore_mem>>)
      tpu.wait_dma2 semaphore(%run_scoped3A : memref<!tpu.dma_semaphore, #tpu.memory_space<semaphore_mem>>) src(%arg4 : memref<10000xf32, #tpu.memory_space<hbm>>) dst(%arg10 : memref<10000xf32, #tpu.memory_space<vmem>>)
      tpu.yield
    }) : () -> ()
    "tpu.region"() ({
      %run_scoped3A = tpu.sem_alloc : memref<!tpu.dma_semaphore, #tpu.memory_space<semaphore_mem>>
      tpu.enqueue_dma source(%arg5 : memref<10000xf32, #tpu.memory_space<hbm>>) target(%arg11 : memref<10000xf32, #tpu.memory_space<vmem>>) target_semaphore(%run_scoped3A : memref<!tpu.dma_semaphore, #tpu.memory_space<semaphore_mem>>)
      tpu.wait_dma2 semaphore(%run_scoped3A : memref<!tpu.dma_semaphore, #tpu.memory_space<semaphore_mem>>) src(%arg5 : memref<10000xf32, #tpu.memory_space<hbm>>) dst(%arg11 : memref<10000xf32, #tpu.memory_space<vmem>>)
      tpu.yield
    }) : () -> ()
    "tpu.region"() ({
      %run_scoped3A = tpu.sem_alloc : memref<!tpu.dma_semaphore, #tpu.memory_space<semaphore_mem>>
      tpu.enqueue_dma source(%arg6 : memref<1x16xf32, #tpu.memory_space<hbm>>) target(%arg12 : memref<1x16xf32, #tpu.memory_space<vmem>>) target_semaphore(%run_scoped3A : memref<!tpu.dma_semaphore, #tpu.memory_space<semaphore_mem>>)
      tpu.wait_dma2 semaphore(%run_scoped3A : memref<!tpu.dma_semaphore, #tpu.memory_space<semaphore_mem>>) src(%arg6 : memref<1x16xf32, #tpu.memory_space<hbm>>) dst(%arg12 : memref<1x16xf32, #tpu.memory_space<vmem>>)
      tpu.yield
    }) : () -> ()
    %mul3A_1 = arith.constant 81 : i32
    %mul3A_2 = arith.muli %add3A, %mul3A_1 : i32
    %mul3A_3 = arith.constant 128 : i32
    %mul3A_4 = arith.muli %mul3A_2, %mul3A_3 : i32
    %scan3A = arith.constant 0 : i32
    %scan3A_5 = arith.constant 81 : i32
    %scan3A_6 = arith.addi %scan3A, %scan3A_5 : i32
    %scan3A_7 = arith.constant 1 : i32
    scf.for %scan3A_9 = %scan3A to %scan3A_6 step %scan3A_7  : i32 {
      %mul3A_10 = arith.constant 1 : i32
      %mul3A_11 = arith.muli %scan3A_9, %mul3A_10 : i32
      %add3A_12 = arith.constant 0 : i32
      %add3A_13 = arith.addi %add3A_12, %mul3A_11 : i32
      %scan3A_14 = arith.constant 0 : i32
      %scan3A_15 = arith.constant 8 : i32
      %scan3A_16 = arith.addi %scan3A_14, %scan3A_15 : i32
      %scan3A_17 = arith.constant 1 : i32
      scf.for %scan3A_24 = %scan3A_14 to %scan3A_16 step %scan3A_17  : i32 {
        %mul3A_25 = arith.constant 1 : i32
        %mul3A_26 = arith.muli %scan3A_24, %mul3A_25 : i32
        %add3A_27 = arith.constant 0 : i32
        %add3A_28 = arith.addi %add3A_27, %mul3A_26 : i32
        %mul3A_29 = arith.constant 16 : i32
        %mul3A_30 = arith.muli %add3A_28, %mul3A_29 : i32
        %get3A = arith.index_cast %add3A_13 : i32 to index
        %get3A_31 = arith.index_cast %mul3A_30 : i32 to index
        %get3A_32 = tpu.vector_load %arg8[%get3A, %get3A_31] {strides = array<i32>} : memref<81x128xi32, #tpu.memory_space<vmem>>, vector<16xi32>,
        %mul3A_33 = arith.constant 16 : i32
        %mul3A_34 = arith.muli %add3A_28, %mul3A_33 : i32
        %get3A_35 = arith.index_cast %add3A_13 : i32 to index
        %get3A_36 = arith.index_cast %mul3A_34 : i32 to index
        %get3A_37 = tpu.vector_load %arg9[%get3A_35, %get3A_36] {strides = array<i32>} : memref<81x128xi32, #tpu.memory_space<vmem>>, vector<16xi32>,
        %mul3A_38 = arith.constant 128 : i32
        %mul3A_39 = arith.muli %add3A_13, %mul3A_38 : i32
        %add3A_40 = arith.addi %mul3A_4, %mul3A_39 : i32
        %mul3A_41 = arith.constant 16 : i32
        %mul3A_42 = arith.muli %add3A_28, %mul3A_41 : i32
        %add3A_43 = arith.addi %add3A_40, %mul3A_42 : i32
        %add3A_44 = vector.broadcast %add3A_43 : i32 to vector<16xi32>
        %add3A_45 = arith.addi %add3A_44, %iota3A : vector<16xi32>
        %lt3A = arith.constant 330000 : i32
        %lt3A_46 = vector.broadcast %lt3A : i32 to vector<16xi32>
        %lt3A_47 = arith.cmpi slt, %add3A_45, %lt3A_46 : vector<16xi32>
        %mul3A_48 = arith.constant 1 : i32
        %mul3A_49 = vector.broadcast %mul3A_48 : i32 to vector<16xi32>
        %mul3A_50 = arith.muli %get3A_32, %mul3A_49 : vector<16xi32>
        %add3A_51 = arith.constant 0 : i32
        %add3A_52 = vector.broadcast %add3A_51 : i32 to vector<16xi32>
        %add3A_53 = arith.addi %mul3A_50, %add3A_52 : vector<16xi32>
        %gather3A = tpu.vector_load_idx %arg10[%add3A_53] : memref<10000xf32, #tpu.memory_space<vmem>>[vector<16xi32>], vector<16xf32>,
        %mul3A_54 = arith.constant 1 : i32
        %mul3A_55 = vector.broadcast %mul3A_54 : i32 to vector<16xi32>
        %mul3A_56 = arith.muli %get3A_37, %mul3A_55 : vector<16xi32>
        %add3A_57 = arith.constant 0 : i32
        %add3A_58 = vector.broadcast %add3A_57 : i32 to vector<16xi32>
        %add3A_59 = arith.addi %mul3A_56, %add3A_58 : vector<16xi32>
        %gather3A_60 = tpu.vector_load_idx %arg11[%add3A_59] : memref<10000xf32, #tpu.memory_space<vmem>>[vector<16xi32>], vector<16xf32>,
        %add3A_61 = arith.addf %gather3A, %gather3A_60 : vector<16xf32>
        %max3A = arith.constant 0.000000e+00 : f32
        %max3A_62 = vector.broadcast %max3A : f32 to vector<16xf32>
        %max3A_63 = arith.maximumf %add3A_61, %max3A_62 : vector<16xf32>
        %min3A = arith.constant 0.000000e+00 : f32
        %min3A_64 = vector.broadcast %min3A : f32 to vector<16xf32>
        %min3A_65 = arith.minimumf %add3A_61, %min3A_64 : vector<16xf32>
        %mul3A_66 = arith.constant 2.000000e-01 : f32
        %mul3A_67 = vector.broadcast %mul3A_66 : f32 to vector<16xf32>
        %mul3A_68 = arith.mulf %mul3A_67, %min3A_65 : vector<16xf32>
        %add3A_69 = arith.addf %max3A_63, %mul3A_68 : vector<16xf32>
        %get3A_70 = arith.constant 0 : i32
        %get3A_71 = arith.index_cast %get3A_70 : i32 to index
        %get3A_72 = arith.constant 0 : index
        %get3A_73 = tpu.vector_load %arg12[%get3A_71, %get3A_72] {strides = array<i32>} : memref<1x16xf32, #tpu.memory_space<vmem>>, vector<16xf32>,
        %add3A_74 = arith.addf %get3A_73, %gather3A_60 : vector<16xf32>
        %max3A_75 = arith.constant 0.000000e+00 : f32
        %max3A_76 = vector.broadcast %max3A_75 : f32 to vector<16xf32>
        %max3A_77 = arith.maximumf %add3A_74, %max3A_76 : vector<16xf32>
        %min3A_78 = arith.constant 0.000000e+00 : f32
        %min3A_79 = vector.broadcast %min3A_78 : f32 to vector<16xf32>
        %min3A_80 = arith.minimumf %add3A_74, %min3A_79 : vector<16xf32>
        %mul3A_81 = arith.constant 2.000000e-01 : f32
        %mul3A_82 = vector.broadcast %mul3A_81 : f32 to vector<16xf32>
        %mul3A_83 = arith.mulf %mul3A_82, %min3A_80 : vector<16xf32>
        %add3A_84 = arith.addf %max3A_77, %mul3A_83 : vector<16xf32>
        %sub3A = arith.subf %add3A_69, %add3A_84 : vector<16xf32>
        %exp3A = math.exp %sub3A : vector<16xf32>
        %jit3A = arith.constant 0.000000e+00 : f32
        %broadcast_in_dim3A = vector.broadcast %jit3A : f32 to vector<16xf32>
        %select_n3A = arith.select %lt3A_47, %exp3A, %broadcast_in_dim3A : vector<16xi1>, vector<16xf32>
        %mul3A_85 = arith.constant 16 : i32
        %mul3A_86 = arith.muli %add3A_28, %mul3A_85 : i32
        %add3A_87 = arith.constant 0 : i32
        %add3A_88 = arith.addi %add3A_87, %mul3A_86 : i32
        %swap3A = arith.index_cast %add3A_88 : i32 to index
        %swap3A_89 = tpu.vector_load %arg13[%swap3A] {strides = array<i32>} : memref<128xf32, #tpu.memory_space<vmem>>, vector<16xf32>,
        tpu.vector_store %arg13[%swap3A], %select_n3A {strides = array<i32>} : memref<128xf32, #tpu.memory_space<vmem>>, vector<16xf32>,
      }
      %scan3A_18 = arith.constant 8 : i32
      %mul3A_19 = arith.constant 81 : i32
      %mul3A_20 = arith.muli %add3A, %mul3A_19 : i32
      %add3A_21 = arith.addi %mul3A_20, %add3A_13 : i32
      %mul3A_22 = arith.constant 128 : i32
      %mul3A_23 = arith.muli %add3A_21, %mul3A_22 : i32
      "tpu.region"() ({
        %run_scoped3A = tpu.sem_alloc : memref<!tpu.dma_semaphore, #tpu.memory_space<semaphore_mem>>
        %dma_start3A = tpu.memref_slice %arg7[%mul3A_23] : memref<331776xf32, #tpu.memory_space<hbm>> -> memref<128xf32, #tpu.memory_space<hbm>>
        %dma_start3A_24 = tpu.memref_slice %arg7[%mul3A_23] : memref<331776xf32, #tpu.memory_space<hbm>> -> memref<128xf32, #tpu.memory_space<hbm>>
        tpu.enqueue_dma source(%arg13 : memref<128xf32, #tpu.memory_space<vmem>>) target(%dma_start3A_24 : memref<128xf32, #tpu.memory_space<hbm>>) target_semaphore(%run_scoped3A : memref<!tpu.dma_semaphore, #tpu.memory_space<semaphore_mem>>)
        %dma_wait3A = tpu.memref_slice %arg7[%mul3A_23] : memref<331776xf32, #tpu.memory_space<hbm>> -> memref<128xf32, #tpu.memory_space<hbm>>
        %dma_wait3A_25 = tpu.memref_slice %arg7[%mul3A_23] : memref<331776xf32, #tpu.memory_space<hbm>> -> memref<128xf32, #tpu.memory_space<hbm>>
        tpu.wait_dma2 semaphore(%run_scoped3A : memref<!tpu.dma_semaphore, #tpu.memory_space<semaphore_mem>>) src(%arg13 : memref<128xf32, #tpu.memory_space<vmem>>) dst(%dma_wait3A_25 : memref<128xf32, #tpu.memory_space<hbm>>)
        tpu.yield
      }) : () -> ()
    }
    %scan3A_8 = arith.constant 81 : i32
    return
  }
}

#map = affine_map<(d0, d1) -> (0, 0, 0)>
#map1 = affine_map<(d0, d1) -> (0, 0)>
#map2 = affine_map<(d0, d1) -> (0)>
module attributes {stable_mosaic.version = 14 : i64} {
  func.func @k(%arg0: i32, %arg1: i32, %arg2: memref<32x81x128xi32, #tpu.memory_space<hbm>>, %arg3: memref<32x81x128xi32, #tpu.memory_space<hbm>>, %arg4: memref<10000x128xf32, #tpu.memory_space<hbm>>, %arg5: memref<331776xf32, #tpu.memory_space<hbm>>, %arg6: memref<2x10240x128xf32, #tpu.memory_space<hbm>>, %arg7: memref<81x128xi32, #tpu.memory_space<vmem>>, %arg8: memref<81x128xi32, #tpu.memory_space<vmem>>, %arg9: memref<128x128xf32, #tpu.memory_space<vmem>>, %arg10: memref<128xf32, #tpu.memory_space<vmem>>, %arg11: memref<10240x128xf32, #tpu.memory_space<vmem_shared>>, %arg12: memref<!tpu.dma_semaphore, #tpu.memory_space<semaphore_mem>>) attributes {dimension_semantics = [#tpu.dimension_semantics<core_parallel>, #tpu.dimension_semantics<subcore_parallel>], iteration_bounds = array<i64: 2, 16>, scalar_prefetch = 0 : i64, scratch_operands = 6 : i64, tpu.core_type = #tpu.core_type<sc_vector_subcore>, window_params = [{transform_indices = #map}, {transform_indices = #map}, {transform_indices = #map1}, {transform_indices = #map2}, {transform_indices = #map}]} {
    %mul3A = arith.constant 16 : i32
    %mul3A_0 = arith.muli %arg0, %mul3A : i32
    %add3A = arith.addi %mul3A_0, %arg1 : i32
    %iota3A = tpu.iota {dimensions = array<i32: 0>} : vector<16xi32>
    %and3A = arith.constant 0 : i32
    %and3A_1 = vector.broadcast %and3A : i32 to vector<16xi32>
    %and3A_2 = arith.andi %iota3A, %and3A_1 : vector<16xi32>
    "tpu.region"() ({
      %run_scoped3A = tpu.sem_alloc : memref<!tpu.dma_semaphore, #tpu.memory_space<semaphore_mem>>
      %dma_start3A = arith.constant 0 : i32
      %dma_start3A_26 = arith.constant 0 : i32
      %dma_start3A_27 = tpu.memref_slice %arg2[%add3A, %dma_start3A, %dma_start3A_26] : memref<32x81x128xi32, #tpu.memory_space<hbm>> -> memref<1x81x128xi32, #tpu.memory_space<hbm>>
      %dma_start3A_28 = tpu.memref_squeeze %dma_start3A_27 : memref<1x81x128xi32, #tpu.memory_space<hbm>> -> memref<81x128xi32, #tpu.memory_space<hbm>>
      %dma_start3A_29 = arith.constant 0 : i32
      %dma_start3A_30 = arith.constant 0 : i32
      %dma_start3A_31 = tpu.memref_slice %arg2[%add3A, %dma_start3A_29, %dma_start3A_30] : memref<32x81x128xi32, #tpu.memory_space<hbm>> -> memref<1x81x128xi32, #tpu.memory_space<hbm>>
      %dma_start3A_32 = tpu.memref_squeeze %dma_start3A_31 : memref<1x81x128xi32, #tpu.memory_space<hbm>> -> memref<81x128xi32, #tpu.memory_space<hbm>>
      tpu.enqueue_dma source(%dma_start3A_32 : memref<81x128xi32, #tpu.memory_space<hbm>>) target(%arg7 : memref<81x128xi32, #tpu.memory_space<vmem>>) target_semaphore(%run_scoped3A : memref<!tpu.dma_semaphore, #tpu.memory_space<semaphore_mem>>)
      %dma_wait3A = arith.constant 0 : i32
      %dma_wait3A_33 = arith.constant 0 : i32
      %dma_wait3A_34 = tpu.memref_slice %arg2[%add3A, %dma_wait3A, %dma_wait3A_33] : memref<32x81x128xi32, #tpu.memory_space<hbm>> -> memref<1x81x128xi32, #tpu.memory_space<hbm>>
      %dma_wait3A_35 = tpu.memref_squeeze %dma_wait3A_34 : memref<1x81x128xi32, #tpu.memory_space<hbm>> -> memref<81x128xi32, #tpu.memory_space<hbm>>
      %dma_wait3A_36 = arith.constant 0 : i32
      %dma_wait3A_37 = arith.constant 0 : i32
      %dma_wait3A_38 = tpu.memref_slice %arg2[%add3A, %dma_wait3A_36, %dma_wait3A_37] : memref<32x81x128xi32, #tpu.memory_space<hbm>> -> memref<1x81x128xi32, #tpu.memory_space<hbm>>
      %dma_wait3A_39 = tpu.memref_squeeze %dma_wait3A_38 : memref<1x81x128xi32, #tpu.memory_space<hbm>> -> memref<81x128xi32, #tpu.memory_space<hbm>>
      tpu.wait_dma2 semaphore(%run_scoped3A : memref<!tpu.dma_semaphore, #tpu.memory_space<semaphore_mem>>) src(%dma_wait3A_39 : memref<81x128xi32, #tpu.memory_space<hbm>>) dst(%arg7 : memref<81x128xi32, #tpu.memory_space<vmem>>)
      tpu.yield
    }) : () -> ()
    "tpu.region"() ({
      %run_scoped3A = tpu.sem_alloc : memref<!tpu.dma_semaphore, #tpu.memory_space<semaphore_mem>>
      %dma_start3A = arith.constant 0 : i32
      %dma_start3A_26 = arith.constant 0 : i32
      %dma_start3A_27 = tpu.memref_slice %arg3[%add3A, %dma_start3A, %dma_start3A_26] : memref<32x81x128xi32, #tpu.memory_space<hbm>> -> memref<1x81x128xi32, #tpu.memory_space<hbm>>
      %dma_start3A_28 = tpu.memref_squeeze %dma_start3A_27 : memref<1x81x128xi32, #tpu.memory_space<hbm>> -> memref<81x128xi32, #tpu.memory_space<hbm>>
      %dma_start3A_29 = arith.constant 0 : i32
      %dma_start3A_30 = arith.constant 0 : i32
      %dma_start3A_31 = tpu.memref_slice %arg3[%add3A, %dma_start3A_29, %dma_start3A_30] : memref<32x81x128xi32, #tpu.memory_space<hbm>> -> memref<1x81x128xi32, #tpu.memory_space<hbm>>
      %dma_start3A_32 = tpu.memref_squeeze %dma_start3A_31 : memref<1x81x128xi32, #tpu.memory_space<hbm>> -> memref<81x128xi32, #tpu.memory_space<hbm>>
      tpu.enqueue_dma source(%dma_start3A_32 : memref<81x128xi32, #tpu.memory_space<hbm>>) target(%arg8 : memref<81x128xi32, #tpu.memory_space<vmem>>) target_semaphore(%run_scoped3A : memref<!tpu.dma_semaphore, #tpu.memory_space<semaphore_mem>>)
      %dma_wait3A = arith.constant 0 : i32
      %dma_wait3A_33 = arith.constant 0 : i32
      %dma_wait3A_34 = tpu.memref_slice %arg3[%add3A, %dma_wait3A, %dma_wait3A_33] : memref<32x81x128xi32, #tpu.memory_space<hbm>> -> memref<1x81x128xi32, #tpu.memory_space<hbm>>
      %dma_wait3A_35 = tpu.memref_squeeze %dma_wait3A_34 : memref<1x81x128xi32, #tpu.memory_space<hbm>> -> memref<81x128xi32, #tpu.memory_space<hbm>>
      %dma_wait3A_36 = arith.constant 0 : i32
      %dma_wait3A_37 = arith.constant 0 : i32
      %dma_wait3A_38 = tpu.memref_slice %arg3[%add3A, %dma_wait3A_36, %dma_wait3A_37] : memref<32x81x128xi32, #tpu.memory_space<hbm>> -> memref<1x81x128xi32, #tpu.memory_space<hbm>>
      %dma_wait3A_39 = tpu.memref_squeeze %dma_wait3A_38 : memref<1x81x128xi32, #tpu.memory_space<hbm>> -> memref<81x128xi32, #tpu.memory_space<hbm>>
      tpu.wait_dma2 semaphore(%run_scoped3A : memref<!tpu.dma_semaphore, #tpu.memory_space<semaphore_mem>>) src(%dma_wait3A_39 : memref<81x128xi32, #tpu.memory_space<hbm>>) dst(%arg8 : memref<81x128xi32, #tpu.memory_space<vmem>>)
      tpu.yield
    }) : () -> ()
    %broadcast_in_dim3A = arith.constant 0.000000e+00 : f32
    %broadcast_in_dim3A_3 = vector.broadcast %broadcast_in_dim3A : f32 to vector<16xf32>
    %scan3A = arith.constant 0 : i32
    %scan3A_4 = arith.constant 128 : i32
    %scan3A_5 = arith.addi %scan3A, %scan3A_4 : i32
    %scan3A_6 = arith.constant 1 : i32
    scf.for %scan3A_26 = %scan3A to %scan3A_5 step %scan3A_6  : i32 {
      %mul3A_27 = arith.constant 1 : i32
      %mul3A_28 = arith.muli %scan3A_26, %mul3A_27 : i32
      %add3A_29 = arith.constant 0 : i32
      %add3A_30 = arith.addi %add3A_29, %mul3A_28 : i32
      %swap3A = arith.index_cast %add3A_30 : i32 to index
      %swap3A_31 = arith.constant 0 : index
      %swap3A_32 = tpu.vector_load %arg9[%swap3A, %swap3A_31] {strides = array<i32>} : memref<128x128xf32, #tpu.memory_space<vmem>>, vector<16xf32>,
      tpu.vector_store %arg9[%swap3A, %swap3A_31], %broadcast_in_dim3A_3 {strides = array<i32>} : memref<128x128xf32, #tpu.memory_space<vmem>>, vector<16xf32>,
      %swap3A_33 = arith.index_cast %add3A_30 : i32 to index
      %swap3A_34 = arith.constant 16 : index
      %swap3A_35 = tpu.vector_load %arg9[%swap3A_33, %swap3A_34] {strides = array<i32>} : memref<128x128xf32, #tpu.memory_space<vmem>>, vector<16xf32>,
      tpu.vector_store %arg9[%swap3A_33, %swap3A_34], %broadcast_in_dim3A_3 {strides = array<i32>} : memref<128x128xf32, #tpu.memory_space<vmem>>, vector<16xf32>,
      %swap3A_36 = arith.index_cast %add3A_30 : i32 to index
      %swap3A_37 = arith.constant 32 : index
      %swap3A_38 = tpu.vector_load %arg9[%swap3A_36, %swap3A_37] {strides = array<i32>} : memref<128x128xf32, #tpu.memory_space<vmem>>, vector<16xf32>,
      tpu.vector_store %arg9[%swap3A_36, %swap3A_37], %broadcast_in_dim3A_3 {strides = array<i32>} : memref<128x128xf32, #tpu.memory_space<vmem>>, vector<16xf32>,
      %swap3A_39 = arith.index_cast %add3A_30 : i32 to index
      %swap3A_40 = arith.constant 48 : index
      %swap3A_41 = tpu.vector_load %arg9[%swap3A_39, %swap3A_40] {strides = array<i32>} : memref<128x128xf32, #tpu.memory_space<vmem>>, vector<16xf32>,
      tpu.vector_store %arg9[%swap3A_39, %swap3A_40], %broadcast_in_dim3A_3 {strides = array<i32>} : memref<128x128xf32, #tpu.memory_space<vmem>>, vector<16xf32>,
      %swap3A_42 = arith.index_cast %add3A_30 : i32 to index
      %swap3A_43 = arith.constant 64 : index
      %swap3A_44 = tpu.vector_load %arg9[%swap3A_42, %swap3A_43] {strides = array<i32>} : memref<128x128xf32, #tpu.memory_space<vmem>>, vector<16xf32>,
      tpu.vector_store %arg9[%swap3A_42, %swap3A_43], %broadcast_in_dim3A_3 {strides = array<i32>} : memref<128x128xf32, #tpu.memory_space<vmem>>, vector<16xf32>,
      %swap3A_45 = arith.index_cast %add3A_30 : i32 to index
      %swap3A_46 = arith.constant 80 : index
      %swap3A_47 = tpu.vector_load %arg9[%swap3A_45, %swap3A_46] {strides = array<i32>} : memref<128x128xf32, #tpu.memory_space<vmem>>, vector<16xf32>,
      tpu.vector_store %arg9[%swap3A_45, %swap3A_46], %broadcast_in_dim3A_3 {strides = array<i32>} : memref<128x128xf32, #tpu.memory_space<vmem>>, vector<16xf32>,
      %swap3A_48 = arith.index_cast %add3A_30 : i32 to index
      %swap3A_49 = arith.constant 96 : index
      %swap3A_50 = tpu.vector_load %arg9[%swap3A_48, %swap3A_49] {strides = array<i32>} : memref<128x128xf32, #tpu.memory_space<vmem>>, vector<16xf32>,
      tpu.vector_store %arg9[%swap3A_48, %swap3A_49], %broadcast_in_dim3A_3 {strides = array<i32>} : memref<128x128xf32, #tpu.memory_space<vmem>>, vector<16xf32>,
      %swap3A_51 = arith.index_cast %add3A_30 : i32 to index
      %swap3A_52 = arith.constant 112 : index
      %swap3A_53 = tpu.vector_load %arg9[%swap3A_51, %swap3A_52] {strides = array<i32>} : memref<128x128xf32, #tpu.memory_space<vmem>>, vector<16xf32>,
      tpu.vector_store %arg9[%swap3A_51, %swap3A_52], %broadcast_in_dim3A_3 {strides = array<i32>} : memref<128x128xf32, #tpu.memory_space<vmem>>, vector<16xf32>,
    }
    %scan3A_7 = arith.constant 128 : i32
    %mul3A_8 = arith.constant 640 : i32
    %mul3A_9 = arith.muli %arg1, %mul3A_8 : i32
    %add3A_10 = arith.constant 0 : i32
    %add3A_11 = arith.addi %mul3A_9, %add3A_10 : i32
    "tpu.region"() ({
      %run_scoped3A = tpu.sem_alloc : memref<!tpu.dma_semaphore, #tpu.memory_space<semaphore_mem>>
      %dma_start3A = arith.constant 0 : i32
      %dma_start3A_26 = tpu.memref_slice %arg11[%add3A_11, %dma_start3A] : memref<10240x128xf32, #tpu.memory_space<vmem_shared>> -> memref<128x128xf32, #tpu.memory_space<vmem_shared>>
      %dma_start3A_27 = arith.constant 0 : i32
      %dma_start3A_28 = tpu.memref_slice %arg11[%add3A_11, %dma_start3A_27] : memref<10240x128xf32, #tpu.memory_space<vmem_shared>> -> memref<128x128xf32, #tpu.memory_space<vmem_shared>>
      tpu.enqueue_dma source(%arg9 : memref<128x128xf32, #tpu.memory_space<vmem>>) target(%dma_start3A_28 : memref<128x128xf32, #tpu.memory_space<vmem_shared>>) target_semaphore(%run_scoped3A : memref<!tpu.dma_semaphore, #tpu.memory_space<semaphore_mem>>)
      %dma_wait3A = arith.constant 0 : i32
      %dma_wait3A_29 = tpu.memref_slice %arg11[%add3A_11, %dma_wait3A] : memref<10240x128xf32, #tpu.memory_space<vmem_shared>> -> memref<128x128xf32, #tpu.memory_space<vmem_shared>>
      %dma_wait3A_30 = arith.constant 0 : i32
      %dma_wait3A_31 = tpu.memref_slice %arg11[%add3A_11, %dma_wait3A_30] : memref<10240x128xf32, #tpu.memory_space<vmem_shared>> -> memref<128x128xf32, #tpu.memory_space<vmem_shared>>
      tpu.wait_dma2 semaphore(%run_scoped3A : memref<!tpu.dma_semaphore, #tpu.memory_space<semaphore_mem>>) src(%arg9 : memref<128x128xf32, #tpu.memory_space<vmem>>) dst(%dma_wait3A_31 : memref<128x128xf32, #tpu.memory_space<vmem_shared>>)
      tpu.yield
    }) : () -> ()
    %add3A_12 = arith.constant 128 : i32
    %add3A_13 = arith.addi %mul3A_9, %add3A_12 : i32
    "tpu.region"() ({
      %run_scoped3A = tpu.sem_alloc : memref<!tpu.dma_semaphore, #tpu.memory_space<semaphore_mem>>
      %dma_start3A = arith.constant 0 : i32
      %dma_start3A_26 = tpu.memref_slice %arg11[%add3A_13, %dma_start3A] : memref<10240x128xf32, #tpu.memory_space<vmem_shared>> -> memref<128x128xf32, #tpu.memory_space<vmem_shared>>
      %dma_start3A_27 = arith.constant 0 : i32
      %dma_start3A_28 = tpu.memref_slice %arg11[%add3A_13, %dma_start3A_27] : memref<10240x128xf32, #tpu.memory_space<vmem_shared>> -> memref<128x128xf32, #tpu.memory_space<vmem_shared>>
      tpu.enqueue_dma source(%arg9 : memref<128x128xf32, #tpu.memory_space<vmem>>) target(%dma_start3A_28 : memref<128x128xf32, #tpu.memory_space<vmem_shared>>) target_semaphore(%run_scoped3A : memref<!tpu.dma_semaphore, #tpu.memory_space<semaphore_mem>>)
      %dma_wait3A = arith.constant 0 : i32
      %dma_wait3A_29 = tpu.memref_slice %arg11[%add3A_13, %dma_wait3A] : memref<10240x128xf32, #tpu.memory_space<vmem_shared>> -> memref<128x128xf32, #tpu.memory_space<vmem_shared>>
      %dma_wait3A_30 = arith.constant 0 : i32
      %dma_wait3A_31 = tpu.memref_slice %arg11[%add3A_13, %dma_wait3A_30] : memref<10240x128xf32, #tpu.memory_space<vmem_shared>> -> memref<128x128xf32, #tpu.memory_space<vmem_shared>>
      tpu.wait_dma2 semaphore(%run_scoped3A : memref<!tpu.dma_semaphore, #tpu.memory_space<semaphore_mem>>) src(%arg9 : memref<128x128xf32, #tpu.memory_space<vmem>>) dst(%dma_wait3A_31 : memref<128x128xf32, #tpu.memory_space<vmem_shared>>)
      tpu.yield
    }) : () -> ()
    %add3A_14 = arith.constant 256 : i32
    %add3A_15 = arith.addi %mul3A_9, %add3A_14 : i32
    "tpu.region"() ({
      %run_scoped3A = tpu.sem_alloc : memref<!tpu.dma_semaphore, #tpu.memory_space<semaphore_mem>>
      %dma_start3A = arith.constant 0 : i32
      %dma_start3A_26 = tpu.memref_slice %arg11[%add3A_15, %dma_start3A] : memref<10240x128xf32, #tpu.memory_space<vmem_shared>> -> memref<128x128xf32, #tpu.memory_space<vmem_shared>>
      %dma_start3A_27 = arith.constant 0 : i32
      %dma_start3A_28 = tpu.memref_slice %arg11[%add3A_15, %dma_start3A_27] : memref<10240x128xf32, #tpu.memory_space<vmem_shared>> -> memref<128x128xf32, #tpu.memory_space<vmem_shared>>
      tpu.enqueue_dma source(%arg9 : memref<128x128xf32, #tpu.memory_space<vmem>>) target(%dma_start3A_28 : memref<128x128xf32, #tpu.memory_space<vmem_shared>>) target_semaphore(%run_scoped3A : memref<!tpu.dma_semaphore, #tpu.memory_space<semaphore_mem>>)
      %dma_wait3A = arith.constant 0 : i32
      %dma_wait3A_29 = tpu.memref_slice %arg11[%add3A_15, %dma_wait3A] : memref<10240x128xf32, #tpu.memory_space<vmem_shared>> -> memref<128x128xf32, #tpu.memory_space<vmem_shared>>
      %dma_wait3A_30 = arith.constant 0 : i32
      %dma_wait3A_31 = tpu.memref_slice %arg11[%add3A_15, %dma_wait3A_30] : memref<10240x128xf32, #tpu.memory_space<vmem_shared>> -> memref<128x128xf32, #tpu.memory_space<vmem_shared>>
      tpu.wait_dma2 semaphore(%run_scoped3A : memref<!tpu.dma_semaphore, #tpu.memory_space<semaphore_mem>>) src(%arg9 : memref<128x128xf32, #tpu.memory_space<vmem>>) dst(%dma_wait3A_31 : memref<128x128xf32, #tpu.memory_space<vmem_shared>>)
      tpu.yield
    }) : () -> ()
    %add3A_16 = arith.constant 384 : i32
    %add3A_17 = arith.addi %mul3A_9, %add3A_16 : i32
    "tpu.region"() ({
      %run_scoped3A = tpu.sem_alloc : memref<!tpu.dma_semaphore, #tpu.memory_space<semaphore_mem>>
      %dma_start3A = arith.constant 0 : i32
      %dma_start3A_26 = tpu.memref_slice %arg11[%add3A_17, %dma_start3A] : memref<10240x128xf32, #tpu.memory_space<vmem_shared>> -> memref<128x128xf32, #tpu.memory_space<vmem_shared>>
      %dma_start3A_27 = arith.constant 0 : i32
      %dma_start3A_28 = tpu.memref_slice %arg11[%add3A_17, %dma_start3A_27] : memref<10240x128xf32, #tpu.memory_space<vmem_shared>> -> memref<128x128xf32, #tpu.memory_space<vmem_shared>>
      tpu.enqueue_dma source(%arg9 : memref<128x128xf32, #tpu.memory_space<vmem>>) target(%dma_start3A_28 : memref<128x128xf32, #tpu.memory_space<vmem_shared>>) target_semaphore(%run_scoped3A : memref<!tpu.dma_semaphore, #tpu.memory_space<semaphore_mem>>)
      %dma_wait3A = arith.constant 0 : i32
      %dma_wait3A_29 = tpu.memref_slice %arg11[%add3A_17, %dma_wait3A] : memref<10240x128xf32, #tpu.memory_space<vmem_shared>> -> memref<128x128xf32, #tpu.memory_space<vmem_shared>>
      %dma_wait3A_30 = arith.constant 0 : i32
      %dma_wait3A_31 = tpu.memref_slice %arg11[%add3A_17, %dma_wait3A_30] : memref<10240x128xf32, #tpu.memory_space<vmem_shared>> -> memref<128x128xf32, #tpu.memory_space<vmem_shared>>
      tpu.wait_dma2 semaphore(%run_scoped3A : memref<!tpu.dma_semaphore, #tpu.memory_space<semaphore_mem>>) src(%arg9 : memref<128x128xf32, #tpu.memory_space<vmem>>) dst(%dma_wait3A_31 : memref<128x128xf32, #tpu.memory_space<vmem_shared>>)
      tpu.yield
    }) : () -> ()
    %add3A_18 = arith.constant 512 : i32
    %add3A_19 = arith.addi %mul3A_9, %add3A_18 : i32
    "tpu.region"() ({
      %run_scoped3A = tpu.sem_alloc : memref<!tpu.dma_semaphore, #tpu.memory_space<semaphore_mem>>
      %dma_start3A = arith.constant 0 : i32
      %dma_start3A_26 = tpu.memref_slice %arg11[%add3A_19, %dma_start3A] : memref<10240x128xf32, #tpu.memory_space<vmem_shared>> -> memref<128x128xf32, #tpu.memory_space<vmem_shared>>
      %dma_start3A_27 = arith.constant 0 : i32
      %dma_start3A_28 = tpu.memref_slice %arg11[%add3A_19, %dma_start3A_27] : memref<10240x128xf32, #tpu.memory_space<vmem_shared>> -> memref<128x128xf32, #tpu.memory_space<vmem_shared>>
      tpu.enqueue_dma source(%arg9 : memref<128x128xf32, #tpu.memory_space<vmem>>) target(%dma_start3A_28 : memref<128x128xf32, #tpu.memory_space<vmem_shared>>) target_semaphore(%run_scoped3A : memref<!tpu.dma_semaphore, #tpu.memory_space<semaphore_mem>>)
      %dma_wait3A = arith.constant 0 : i32
      %dma_wait3A_29 = tpu.memref_slice %arg11[%add3A_19, %dma_wait3A] : memref<10240x128xf32, #tpu.memory_space<vmem_shared>> -> memref<128x128xf32, #tpu.memory_space<vmem_shared>>
      %dma_wait3A_30 = arith.constant 0 : i32
      %dma_wait3A_31 = tpu.memref_slice %arg11[%add3A_19, %dma_wait3A_30] : memref<10240x128xf32, #tpu.memory_space<vmem_shared>> -> memref<128x128xf32, #tpu.memory_space<vmem_shared>>
      tpu.wait_dma2 semaphore(%run_scoped3A : memref<!tpu.dma_semaphore, #tpu.memory_space<semaphore_mem>>) src(%arg9 : memref<128x128xf32, #tpu.memory_space<vmem>>) dst(%dma_wait3A_31 : memref<128x128xf32, #tpu.memory_space<vmem_shared>>)
      tpu.yield
    }) : () -> ()
    %barrier3A = arith.constant 0 : index
    tpu.barrier barrier_id(%barrier3A)
    %scan3A_20 = arith.constant 0 : i32
    %scan3A_21 = arith.constant 81 : i32
    %scan3A_22 = arith.addi %scan3A_20, %scan3A_21 : i32
    %scan3A_23 = arith.constant 1 : i32
    scf.for %scan3A_26 = %scan3A_20 to %scan3A_22 step %scan3A_23  : i32 {
      %mul3A_27 = arith.constant 1 : i32
      %mul3A_28 = arith.muli %scan3A_26, %mul3A_27 : i32
      %add3A_29 = arith.constant 0 : i32
      %add3A_30 = arith.addi %add3A_29, %mul3A_28 : i32
      %dma_start3A = arith.constant 0 : i32
      %dma_start3A_31 = tpu.memref_slice %arg7[%add3A_30, %dma_start3A] : memref<81x128xi32, #tpu.memory_space<vmem>> -> memref<1x128xi32, #tpu.memory_space<vmem>>
      %dma_start3A_32 = tpu.memref_squeeze %dma_start3A_31 : memref<1x128xi32, #tpu.memory_space<vmem>> -> memref<128xi32, #tpu.memory_space<vmem>>
      %dma_start3A_33 = arith.constant 0 : i32
      %dma_start3A_34 = arith.constant 0 : i32
      %dma_start3A_35 = tpu.memref_slice %arg4[%dma_start3A_33, %dma_start3A_34] : memref<10000x128xf32, #tpu.memory_space<hbm>> -> memref<10000x128xf32, #tpu.memory_space<hbm>>
      tpu.enqueue_indirect_dma source(%dma_start3A_35 : memref<10000x128xf32, #tpu.memory_space<hbm>>) target(%arg9 : memref<128x128xf32, #tpu.memory_space<vmem>>) offsets(%dma_start3A_32 : memref<128xi32, #tpu.memory_space<vmem>>) semaphore(%arg12 : memref<!tpu.dma_semaphore, #tpu.memory_space<semaphore_mem>>)
      %dma_wait3A = arith.constant 0 : i32
      %dma_wait3A_36 = tpu.memref_slice %arg7[%add3A_30, %dma_wait3A] : memref<81x128xi32, #tpu.memory_space<vmem>> -> memref<1x128xi32, #tpu.memory_space<vmem>>
      %dma_wait3A_37 = tpu.memref_squeeze %dma_wait3A_36 : memref<1x128xi32, #tpu.memory_space<vmem>> -> memref<128xi32, #tpu.memory_space<vmem>>
      %dma_wait3A_38 = arith.constant 0 : i32
      %dma_wait3A_39 = arith.constant 0 : i32
      %dma_wait3A_40 = tpu.memref_slice %arg4[%dma_wait3A_38, %dma_wait3A_39] : memref<10000x128xf32, #tpu.memory_space<hbm>> -> memref<10000x128xf32, #tpu.memory_space<hbm>>
      tpu.wait_indirect_dma semaphore(%arg12 : memref<!tpu.dma_semaphore, #tpu.memory_space<semaphore_mem>>) src(%dma_wait3A_40 : memref<10000x128xf32, #tpu.memory_space<hbm>>) dst(%arg9 : memref<128x128xf32, #tpu.memory_space<vmem>>)
      %mul3A_41 = arith.constant 81 : i32
      %mul3A_42 = arith.muli %add3A, %mul3A_41 : i32
      %add3A_43 = arith.addi %mul3A_42, %add3A_30 : i32
      %mul3A_44 = arith.constant 128 : i32
      %mul3A_45 = arith.muli %add3A_43, %mul3A_44 : i32
      "tpu.region"() ({
        %run_scoped3A = tpu.sem_alloc : memref<!tpu.dma_semaphore, #tpu.memory_space<semaphore_mem>>
        %dma_start3A_51 = tpu.memref_slice %arg5[%mul3A_45] : memref<331776xf32, #tpu.memory_space<hbm>> -> memref<128xf32, #tpu.memory_space<hbm>>
        %dma_start3A_52 = tpu.memref_slice %arg5[%mul3A_45] : memref<331776xf32, #tpu.memory_space<hbm>> -> memref<128xf32, #tpu.memory_space<hbm>>
        tpu.enqueue_dma source(%dma_start3A_52 : memref<128xf32, #tpu.memory_space<hbm>>) target(%arg10 : memref<128xf32, #tpu.memory_space<vmem>>) target_semaphore(%run_scoped3A : memref<!tpu.dma_semaphore, #tpu.memory_space<semaphore_mem>>)
        %dma_wait3A_53 = tpu.memref_slice %arg5[%mul3A_45] : memref<331776xf32, #tpu.memory_space<hbm>> -> memref<128xf32, #tpu.memory_space<hbm>>
        %dma_wait3A_54 = tpu.memref_slice %arg5[%mul3A_45] : memref<331776xf32, #tpu.memory_space<hbm>> -> memref<128xf32, #tpu.memory_space<hbm>>
        tpu.wait_dma2 semaphore(%run_scoped3A : memref<!tpu.dma_semaphore, #tpu.memory_space<semaphore_mem>>) src(%dma_wait3A_54 : memref<128xf32, #tpu.memory_space<hbm>>) dst(%arg10 : memref<128xf32, #tpu.memory_space<vmem>>)
        tpu.yield
      }) : () -> ()
      %scan3A_46 = arith.constant 0 : i32
      %scan3A_47 = arith.constant 128 : i32
      %scan3A_48 = arith.addi %scan3A_46, %scan3A_47 : i32
      %scan3A_49 = arith.constant 1 : i32
      scf.for %scan3A_51 = %scan3A_46 to %scan3A_48 step %scan3A_49  : i32 {
        %mul3A_52 = arith.constant 1 : i32
        %mul3A_53 = arith.muli %scan3A_51, %mul3A_52 : i32
        %add3A_54 = arith.constant 0 : i32
        %add3A_55 = arith.addi %add3A_54, %mul3A_53 : i32
        %add3A_56 = arith.constant 0 : i32
        %add3A_57 = arith.addi %add3A_56, %add3A_55 : i32
        %broadcast_in_dim3A_58 = vector.broadcast %add3A_57 : i32 to vector<16xi32>
        %gather3A = tpu.vector_load_idx %arg10[%broadcast_in_dim3A_58] : memref<128xf32, #tpu.memory_space<vmem>>[vector<16xi32>], vector<16xf32>,
        %get3A = arith.index_cast %add3A_55 : i32 to index
        %get3A_59 = arith.constant 0 : index
        %get3A_60 = tpu.vector_load %arg9[%get3A, %get3A_59] {strides = array<i32>} : memref<128x128xf32, #tpu.memory_space<vmem>>, vector<16xf32>,
        %mul3A_61 = arith.mulf %get3A_60, %gather3A : vector<16xf32>
        %swap3A = arith.index_cast %add3A_55 : i32 to index
        %swap3A_62 = arith.constant 0 : index
        %swap3A_63 = tpu.vector_load %arg9[%swap3A, %swap3A_62] {strides = array<i32>} : memref<128x128xf32, #tpu.memory_space<vmem>>, vector<16xf32>,
        tpu.vector_store %arg9[%swap3A, %swap3A_62], %mul3A_61 {strides = array<i32>} : memref<128x128xf32, #tpu.memory_space<vmem>>, vector<16xf32>,
        %add3A_64 = arith.constant 0 : i32
        %add3A_65 = arith.addi %add3A_64, %add3A_55 : i32
        %broadcast_in_dim3A_66 = vector.broadcast %add3A_65 : i32 to vector<16xi32>
        %gather3A_67 = tpu.vector_load_idx %arg10[%broadcast_in_dim3A_66] : memref<128xf32, #tpu.memory_space<vmem>>[vector<16xi32>], vector<16xf32>,
        %get3A_68 = arith.index_cast %add3A_55 : i32 to index
        %get3A_69 = arith.constant 16 : index
        %get3A_70 = tpu.vector_load %arg9[%get3A_68, %get3A_69] {strides = array<i32>} : memref<128x128xf32, #tpu.memory_space<vmem>>, vector<16xf32>,
        %mul3A_71 = arith.mulf %get3A_70, %gather3A_67 : vector<16xf32>
        %swap3A_72 = arith.index_cast %add3A_55 : i32 to index
        %swap3A_73 = arith.constant 16 : index
        %swap3A_74 = tpu.vector_load %arg9[%swap3A_72, %swap3A_73] {strides = array<i32>} : memref<128x128xf32, #tpu.memory_space<vmem>>, vector<16xf32>,
        tpu.vector_store %arg9[%swap3A_72, %swap3A_73], %mul3A_71 {strides = array<i32>} : memref<128x128xf32, #tpu.memory_space<vmem>>, vector<16xf32>,
        %add3A_75 = arith.constant 0 : i32
        %add3A_76 = arith.addi %add3A_75, %add3A_55 : i32
        %broadcast_in_dim3A_77 = vector.broadcast %add3A_76 : i32 to vector<16xi32>
        %gather3A_78 = tpu.vector_load_idx %arg10[%broadcast_in_dim3A_77] : memref<128xf32, #tpu.memory_space<vmem>>[vector<16xi32>], vector<16xf32>,
        %get3A_79 = arith.index_cast %add3A_55 : i32 to index
        %get3A_80 = arith.constant 32 : index
        %get3A_81 = tpu.vector_load %arg9[%get3A_79, %get3A_80] {strides = array<i32>} : memref<128x128xf32, #tpu.memory_space<vmem>>, vector<16xf32>,
        %mul3A_82 = arith.mulf %get3A_81, %gather3A_78 : vector<16xf32>
        %swap3A_83 = arith.index_cast %add3A_55 : i32 to index
        %swap3A_84 = arith.constant 32 : index
        %swap3A_85 = tpu.vector_load %arg9[%swap3A_83, %swap3A_84] {strides = array<i32>} : memref<128x128xf32, #tpu.memory_space<vmem>>, vector<16xf32>,
        tpu.vector_store %arg9[%swap3A_83, %swap3A_84], %mul3A_82 {strides = array<i32>} : memref<128x128xf32, #tpu.memory_space<vmem>>, vector<16xf32>,
        %add3A_86 = arith.constant 0 : i32
        %add3A_87 = arith.addi %add3A_86, %add3A_55 : i32
        %broadcast_in_dim3A_88 = vector.broadcast %add3A_87 : i32 to vector<16xi32>
        %gather3A_89 = tpu.vector_load_idx %arg10[%broadcast_in_dim3A_88] : memref<128xf32, #tpu.memory_space<vmem>>[vector<16xi32>], vector<16xf32>,
        %get3A_90 = arith.index_cast %add3A_55 : i32 to index
        %get3A_91 = arith.constant 48 : index
        %get3A_92 = tpu.vector_load %arg9[%get3A_90, %get3A_91] {strides = array<i32>} : memref<128x128xf32, #tpu.memory_space<vmem>>, vector<16xf32>,
        %mul3A_93 = arith.mulf %get3A_92, %gather3A_89 : vector<16xf32>
        %swap3A_94 = arith.index_cast %add3A_55 : i32 to index
        %swap3A_95 = arith.constant 48 : index
        %swap3A_96 = tpu.vector_load %arg9[%swap3A_94, %swap3A_95] {strides = array<i32>} : memref<128x128xf32, #tpu.memory_space<vmem>>, vector<16xf32>,
        tpu.vector_store %arg9[%swap3A_94, %swap3A_95], %mul3A_93 {strides = array<i32>} : memref<128x128xf32, #tpu.memory_space<vmem>>, vector<16xf32>,
        %mul3A_97 = arith.constant 128 : i32
        %mul3A_98 = vector.broadcast %mul3A_97 : i32 to vector<16xi32>
        %mul3A_99 = arith.muli %and3A_2, %mul3A_98 : vector<16xi32>
        %add3A_100 = vector.broadcast %add3A_55 : i32 to vector<16xi32>
        %add3A_101 = arith.addi %mul3A_99, %add3A_100 : vector<16xi32>
        %gather3A_102 = tpu.vector_load_idx %arg10[%add3A_101] : memref<128xf32, #tpu.memory_space<vmem>>[vector<16xi32>], vector<16xf32>,
        %get3A_103 = arith.index_cast %add3A_55 : i32 to index
        %get3A_104 = arith.constant 64 : index
        %get3A_105 = tpu.vector_load %arg9[%get3A_103, %get3A_104] {strides = array<i32>} : memref<128x128xf32, #tpu.memory_space<vmem>>, vector<16xf32>,
        %mul3A_106 = arith.mulf %get3A_105, %gather3A_102 : vector<16xf32>
        %swap3A_107 = arith.index_cast %add3A_55 : i32 to index
        %swap3A_108 = arith.constant 64 : index
        %swap3A_109 = tpu.vector_load %arg9[%swap3A_107, %swap3A_108] {strides = array<i32>} : memref<128x128xf32, #tpu.memory_space<vmem>>, vector<16xf32>,
        tpu.vector_store %arg9[%swap3A_107, %swap3A_108], %mul3A_106 {strides = array<i32>} : memref<128x128xf32, #tpu.memory_space<vmem>>, vector<16xf32>,
      }
      %scan3A_50 = arith.constant 128 : i32
      "tpu.region"() ({
        %run_scoped3A = tpu.sem_alloc : memref<!tpu.dma_semaphore, #tpu.memory_space<semaphore_mem>>
        %dma_start3A_51 = arith.constant 0 : i32
        %dma_start3A_52 = tpu.memref_slice %arg8[%add3A_30, %dma_start3A_51] : memref<81x128xi32, #tpu.memory_space<vmem>> -> memref<1x128xi32, #tpu.memory_space<vmem>>
        %dma_start3A_53 = tpu.memref_squeeze %dma_start3A_52 : memref<1x128xi32, #tpu.memory_space<vmem>> -> memref<128xi32, #tpu.memory_space<vmem>>
        %dma_start3A_54 = arith.constant 0 : i32
        %dma_start3A_55 = arith.constant 0 : i32
        %dma_start3A_56 = tpu.memref_slice %arg11[%dma_start3A_54, %dma_start3A_55] : memref<10240x128xf32, #tpu.memory_space<vmem_shared>> -> memref<10240x128xf32, #tpu.memory_space<vmem_shared>>
        tpu.enqueue_indirect_dma source(%arg9 : memref<128x128xf32, #tpu.memory_space<vmem>>) target(%dma_start3A_56 : memref<10240x128xf32, #tpu.memory_space<vmem_shared>>) offsets(%dma_start3A_53 : memref<128xi32, #tpu.memory_space<vmem>>) semaphore(%run_scoped3A : memref<!tpu.dma_semaphore, #tpu.memory_space<semaphore_mem>>) {add = true}
        %dma_wait3A_57 = arith.constant 0 : i32
        %dma_wait3A_58 = tpu.memref_slice %arg8[%add3A_30, %dma_wait3A_57] : memref<81x128xi32, #tpu.memory_space<vmem>> -> memref<1x128xi32, #tpu.memory_space<vmem>>
        %dma_wait3A_59 = tpu.memref_squeeze %dma_wait3A_58 : memref<1x128xi32, #tpu.memory_space<vmem>> -> memref<128xi32, #tpu.memory_space<vmem>>
        %dma_wait3A_60 = arith.constant 0 : i32
        %dma_wait3A_61 = arith.constant 0 : i32
        %dma_wait3A_62 = tpu.memref_slice %arg11[%dma_wait3A_60, %dma_wait3A_61] : memref<10240x128xf32, #tpu.memory_space<vmem_shared>> -> memref<10240x128xf32, #tpu.memory_space<vmem_shared>>
        tpu.wait_indirect_dma semaphore(%run_scoped3A : memref<!tpu.dma_semaphore, #tpu.memory_space<semaphore_mem>>) src(%arg9 : memref<128x128xf32, #tpu.memory_space<vmem>>) dst(%dma_wait3A_62 : memref<10240x128xf32, #tpu.memory_space<vmem_shared>>)
        tpu.yield
      }) : () -> ()
    }
    %scan3A_24 = arith.constant 81 : i32
    %barrier3A_25 = arith.constant 0 : index
    tpu.barrier barrier_id(%barrier3A_25)
    "tpu.region"() ({
      %run_scoped3A = tpu.sem_alloc : memref<!tpu.dma_semaphore, #tpu.memory_space<semaphore_mem>>
      %dma_start3A = arith.constant 0 : i32
      %dma_start3A_26 = tpu.memref_slice %arg6[%arg0, %mul3A_9, %dma_start3A] : memref<2x10240x128xf32, #tpu.memory_space<hbm>> -> memref<1x640x128xf32, #tpu.memory_space<hbm>>
      %dma_start3A_27 = tpu.memref_squeeze %dma_start3A_26 : memref<1x640x128xf32, #tpu.memory_space<hbm>> -> memref<640x128xf32, #tpu.memory_space<hbm>>
      %dma_start3A_28 = arith.constant 0 : i32
      %dma_start3A_29 = tpu.memref_slice %arg11[%mul3A_9, %dma_start3A_28] : memref<10240x128xf32, #tpu.memory_space<vmem_shared>> -> memref<640x128xf32, #tpu.memory_space<vmem_shared>>
      tpu.enqueue_dma source(%dma_start3A_29 : memref<640x128xf32, #tpu.memory_space<vmem_shared>>) target(%dma_start3A_27 : memref<640x128xf32, #tpu.memory_space<hbm>>) target_semaphore(%run_scoped3A : memref<!tpu.dma_semaphore, #tpu.memory_space<semaphore_mem>>)
      %dma_wait3A = arith.constant 0 : i32
      %dma_wait3A_30 = tpu.memref_slice %arg6[%arg0, %mul3A_9, %dma_wait3A] : memref<2x10240x128xf32, #tpu.memory_space<hbm>> -> memref<1x640x128xf32, #tpu.memory_space<hbm>>
      %dma_wait3A_31 = tpu.memref_squeeze %dma_wait3A_30 : memref<1x640x128xf32, #tpu.memory_space<hbm>> -> memref<640x128xf32, #tpu.memory_space<hbm>>
      %dma_wait3A_32 = arith.constant 0 : i32
      %dma_wait3A_33 = tpu.memref_slice %arg11[%mul3A_9, %dma_wait3A_32] : memref<10240x128xf32, #tpu.memory_space<vmem_shared>> -> memref<640x128xf32, #tpu.memory_space<vmem_shared>>
      tpu.wait_dma2 semaphore(%run_scoped3A : memref<!tpu.dma_semaphore, #tpu.memory_space<semaphore_mem>>) src(%dma_wait3A_33 : memref<640x128xf32, #tpu.memory_space<vmem_shared>>) dst(%dma_wait3A_31 : memref<640x128xf32, #tpu.memory_space<hbm>>)
      tpu.yield
    }) : () -> ()
    return
  }
}

#map = affine_map<(d0, d1) -> (0, 0, 0)>
#map1 = affine_map<(d0, d1) -> (0, 0)>
#map2 = affine_map<(d0, d1) -> (0)>
module attributes {stable_mosaic.version = 14 : i64} {
  func.func @k(%arg0: i32, %arg1: i32, %arg2: memref<32x81x128xi32, #tpu.memory_space<hbm>>, %arg3: memref<32x81x128xi32, #tpu.memory_space<hbm>>, %arg4: memref<10000x128xf32, #tpu.memory_space<hbm>>, %arg5: memref<331776xf32, #tpu.memory_space<hbm>>, %arg6: memref<2x10240x128xf32, #tpu.memory_space<hbm>>, %arg7: memref<81x128xi32, #tpu.memory_space<vmem>>, %arg8: memref<81x128xi32, #tpu.memory_space<vmem>>, %arg9: memref<128x128xf32, #tpu.memory_space<vmem>>, %arg10: memref<128xf32, #tpu.memory_space<vmem>>, %arg11: memref<10240x128xf32, #tpu.memory_space<vmem_shared>>, %arg12: memref<!tpu.dma_semaphore, #tpu.memory_space<semaphore_mem>>) attributes {dimension_semantics = [#tpu.dimension_semantics<core_parallel>, #tpu.dimension_semantics<subcore_parallel>], iteration_bounds = array<i64: 2, 16>, scalar_prefetch = 0 : i64, scratch_operands = 6 : i64, tpu.core_type = #tpu.core_type<sc_vector_subcore>, window_params = [{transform_indices = #map}, {transform_indices = #map}, {transform_indices = #map1}, {transform_indices = #map2}, {transform_indices = #map}]} {
    %mul3A = arith.constant 16 : i32
    %mul3A_0 = arith.muli %arg0, %mul3A : i32
    %add3A = arith.addi %mul3A_0, %arg1 : i32
    %iota3A = tpu.iota {dimensions = array<i32: 0>} : vector<16xi32>
    %and3A = arith.constant 0 : i32
    %and3A_1 = vector.broadcast %and3A : i32 to vector<16xi32>
    %and3A_2 = arith.andi %iota3A, %and3A_1 : vector<16xi32>
    "tpu.region"() ({
      %run_scoped3A = tpu.sem_alloc : memref<!tpu.dma_semaphore, #tpu.memory_space<semaphore_mem>>
      %dma_start3A = arith.constant 0 : i32
      %dma_start3A_26 = arith.constant 0 : i32
      %dma_start3A_27 = tpu.memref_slice %arg2[%add3A, %dma_start3A, %dma_start3A_26] : memref<32x81x128xi32, #tpu.memory_space<hbm>> -> memref<1x81x128xi32, #tpu.memory_space<hbm>>
      %dma_start3A_28 = tpu.memref_squeeze %dma_start3A_27 : memref<1x81x128xi32, #tpu.memory_space<hbm>> -> memref<81x128xi32, #tpu.memory_space<hbm>>
      %dma_start3A_29 = arith.constant 0 : i32
      %dma_start3A_30 = arith.constant 0 : i32
      %dma_start3A_31 = tpu.memref_slice %arg2[%add3A, %dma_start3A_29, %dma_start3A_30] : memref<32x81x128xi32, #tpu.memory_space<hbm>> -> memref<1x81x128xi32, #tpu.memory_space<hbm>>
      %dma_start3A_32 = tpu.memref_squeeze %dma_start3A_31 : memref<1x81x128xi32, #tpu.memory_space<hbm>> -> memref<81x128xi32, #tpu.memory_space<hbm>>
      tpu.enqueue_dma source(%dma_start3A_32 : memref<81x128xi32, #tpu.memory_space<hbm>>) target(%arg7 : memref<81x128xi32, #tpu.memory_space<vmem>>) target_semaphore(%run_scoped3A : memref<!tpu.dma_semaphore, #tpu.memory_space<semaphore_mem>>)
      %dma_wait3A = arith.constant 0 : i32
      %dma_wait3A_33 = arith.constant 0 : i32
      %dma_wait3A_34 = tpu.memref_slice %arg2[%add3A, %dma_wait3A, %dma_wait3A_33] : memref<32x81x128xi32, #tpu.memory_space<hbm>> -> memref<1x81x128xi32, #tpu.memory_space<hbm>>
      %dma_wait3A_35 = tpu.memref_squeeze %dma_wait3A_34 : memref<1x81x128xi32, #tpu.memory_space<hbm>> -> memref<81x128xi32, #tpu.memory_space<hbm>>
      %dma_wait3A_36 = arith.constant 0 : i32
      %dma_wait3A_37 = arith.constant 0 : i32
      %dma_wait3A_38 = tpu.memref_slice %arg2[%add3A, %dma_wait3A_36, %dma_wait3A_37] : memref<32x81x128xi32, #tpu.memory_space<hbm>> -> memref<1x81x128xi32, #tpu.memory_space<hbm>>
      %dma_wait3A_39 = tpu.memref_squeeze %dma_wait3A_38 : memref<1x81x128xi32, #tpu.memory_space<hbm>> -> memref<81x128xi32, #tpu.memory_space<hbm>>
      tpu.wait_dma2 semaphore(%run_scoped3A : memref<!tpu.dma_semaphore, #tpu.memory_space<semaphore_mem>>) src(%dma_wait3A_39 : memref<81x128xi32, #tpu.memory_space<hbm>>) dst(%arg7 : memref<81x128xi32, #tpu.memory_space<vmem>>)
      tpu.yield
    }) : () -> ()
    "tpu.region"() ({
      %run_scoped3A = tpu.sem_alloc : memref<!tpu.dma_semaphore, #tpu.memory_space<semaphore_mem>>
      %dma_start3A = arith.constant 0 : i32
      %dma_start3A_26 = arith.constant 0 : i32
      %dma_start3A_27 = tpu.memref_slice %arg3[%add3A, %dma_start3A, %dma_start3A_26] : memref<32x81x128xi32, #tpu.memory_space<hbm>> -> memref<1x81x128xi32, #tpu.memory_space<hbm>>
      %dma_start3A_28 = tpu.memref_squeeze %dma_start3A_27 : memref<1x81x128xi32, #tpu.memory_space<hbm>> -> memref<81x128xi32, #tpu.memory_space<hbm>>
      %dma_start3A_29 = arith.constant 0 : i32
      %dma_start3A_30 = arith.constant 0 : i32
      %dma_start3A_31 = tpu.memref_slice %arg3[%add3A, %dma_start3A_29, %dma_start3A_30] : memref<32x81x128xi32, #tpu.memory_space<hbm>> -> memref<1x81x128xi32, #tpu.memory_space<hbm>>
      %dma_start3A_32 = tpu.memref_squeeze %dma_start3A_31 : memref<1x81x128xi32, #tpu.memory_space<hbm>> -> memref<81x128xi32, #tpu.memory_space<hbm>>
      tpu.enqueue_dma source(%dma_start3A_32 : memref<81x128xi32, #tpu.memory_space<hbm>>) target(%arg8 : memref<81x128xi32, #tpu.memory_space<vmem>>) target_semaphore(%run_scoped3A : memref<!tpu.dma_semaphore, #tpu.memory_space<semaphore_mem>>)
      %dma_wait3A = arith.constant 0 : i32
      %dma_wait3A_33 = arith.constant 0 : i32
      %dma_wait3A_34 = tpu.memref_slice %arg3[%add3A, %dma_wait3A, %dma_wait3A_33] : memref<32x81x128xi32, #tpu.memory_space<hbm>> -> memref<1x81x128xi32, #tpu.memory_space<hbm>>
      %dma_wait3A_35 = tpu.memref_squeeze %dma_wait3A_34 : memref<1x81x128xi32, #tpu.memory_space<hbm>> -> memref<81x128xi32, #tpu.memory_space<hbm>>
      %dma_wait3A_36 = arith.constant 0 : i32
      %dma_wait3A_37 = arith.constant 0 : i32
      %dma_wait3A_38 = tpu.memref_slice %arg3[%add3A, %dma_wait3A_36, %dma_wait3A_37] : memref<32x81x128xi32, #tpu.memory_space<hbm>> -> memref<1x81x128xi32, #tpu.memory_space<hbm>>
      %dma_wait3A_39 = tpu.memref_squeeze %dma_wait3A_38 : memref<1x81x128xi32, #tpu.memory_space<hbm>> -> memref<81x128xi32, #tpu.memory_space<hbm>>
      tpu.wait_dma2 semaphore(%run_scoped3A : memref<!tpu.dma_semaphore, #tpu.memory_space<semaphore_mem>>) src(%dma_wait3A_39 : memref<81x128xi32, #tpu.memory_space<hbm>>) dst(%arg8 : memref<81x128xi32, #tpu.memory_space<vmem>>)
      tpu.yield
    }) : () -> ()
    %broadcast_in_dim3A = arith.constant 0.000000e+00 : f32
    %broadcast_in_dim3A_3 = vector.broadcast %broadcast_in_dim3A : f32 to vector<16xf32>
    %scan3A = arith.constant 0 : i32
    %scan3A_4 = arith.constant 128 : i32
    %scan3A_5 = arith.addi %scan3A, %scan3A_4 : i32
    %scan3A_6 = arith.constant 1 : i32
    scf.for %scan3A_26 = %scan3A to %scan3A_5 step %scan3A_6  : i32 {
      %mul3A_27 = arith.constant 1 : i32
      %mul3A_28 = arith.muli %scan3A_26, %mul3A_27 : i32
      %add3A_29 = arith.constant 0 : i32
      %add3A_30 = arith.addi %add3A_29, %mul3A_28 : i32
      %swap3A = arith.index_cast %add3A_30 : i32 to index
      %swap3A_31 = arith.constant 0 : index
      %swap3A_32 = tpu.vector_load %arg9[%swap3A, %swap3A_31] {strides = array<i32>} : memref<128x128xf32, #tpu.memory_space<vmem>>, vector<16xf32>,
      tpu.vector_store %arg9[%swap3A, %swap3A_31], %broadcast_in_dim3A_3 {strides = array<i32>} : memref<128x128xf32, #tpu.memory_space<vmem>>, vector<16xf32>,
      %swap3A_33 = arith.index_cast %add3A_30 : i32 to index
      %swap3A_34 = arith.constant 16 : index
      %swap3A_35 = tpu.vector_load %arg9[%swap3A_33, %swap3A_34] {strides = array<i32>} : memref<128x128xf32, #tpu.memory_space<vmem>>, vector<16xf32>,
      tpu.vector_store %arg9[%swap3A_33, %swap3A_34], %broadcast_in_dim3A_3 {strides = array<i32>} : memref<128x128xf32, #tpu.memory_space<vmem>>, vector<16xf32>,
      %swap3A_36 = arith.index_cast %add3A_30 : i32 to index
      %swap3A_37 = arith.constant 32 : index
      %swap3A_38 = tpu.vector_load %arg9[%swap3A_36, %swap3A_37] {strides = array<i32>} : memref<128x128xf32, #tpu.memory_space<vmem>>, vector<16xf32>,
      tpu.vector_store %arg9[%swap3A_36, %swap3A_37], %broadcast_in_dim3A_3 {strides = array<i32>} : memref<128x128xf32, #tpu.memory_space<vmem>>, vector<16xf32>,
      %swap3A_39 = arith.index_cast %add3A_30 : i32 to index
      %swap3A_40 = arith.constant 48 : index
      %swap3A_41 = tpu.vector_load %arg9[%swap3A_39, %swap3A_40] {strides = array<i32>} : memref<128x128xf32, #tpu.memory_space<vmem>>, vector<16xf32>,
      tpu.vector_store %arg9[%swap3A_39, %swap3A_40], %broadcast_in_dim3A_3 {strides = array<i32>} : memref<128x128xf32, #tpu.memory_space<vmem>>, vector<16xf32>,
      %swap3A_42 = arith.index_cast %add3A_30 : i32 to index
      %swap3A_43 = arith.constant 64 : index
      %swap3A_44 = tpu.vector_load %arg9[%swap3A_42, %swap3A_43] {strides = array<i32>} : memref<128x128xf32, #tpu.memory_space<vmem>>, vector<16xf32>,
      tpu.vector_store %arg9[%swap3A_42, %swap3A_43], %broadcast_in_dim3A_3 {strides = array<i32>} : memref<128x128xf32, #tpu.memory_space<vmem>>, vector<16xf32>,
      %swap3A_45 = arith.index_cast %add3A_30 : i32 to index
      %swap3A_46 = arith.constant 80 : index
      %swap3A_47 = tpu.vector_load %arg9[%swap3A_45, %swap3A_46] {strides = array<i32>} : memref<128x128xf32, #tpu.memory_space<vmem>>, vector<16xf32>,
      tpu.vector_store %arg9[%swap3A_45, %swap3A_46], %broadcast_in_dim3A_3 {strides = array<i32>} : memref<128x128xf32, #tpu.memory_space<vmem>>, vector<16xf32>,
      %swap3A_48 = arith.index_cast %add3A_30 : i32 to index
      %swap3A_49 = arith.constant 96 : index
      %swap3A_50 = tpu.vector_load %arg9[%swap3A_48, %swap3A_49] {strides = array<i32>} : memref<128x128xf32, #tpu.memory_space<vmem>>, vector<16xf32>,
      tpu.vector_store %arg9[%swap3A_48, %swap3A_49], %broadcast_in_dim3A_3 {strides = array<i32>} : memref<128x128xf32, #tpu.memory_space<vmem>>, vector<16xf32>,
      %swap3A_51 = arith.index_cast %add3A_30 : i32 to index
      %swap3A_52 = arith.constant 112 : index
      %swap3A_53 = tpu.vector_load %arg9[%swap3A_51, %swap3A_52] {strides = array<i32>} : memref<128x128xf32, #tpu.memory_space<vmem>>, vector<16xf32>,
      tpu.vector_store %arg9[%swap3A_51, %swap3A_52], %broadcast_in_dim3A_3 {strides = array<i32>} : memref<128x128xf32, #tpu.memory_space<vmem>>, vector<16xf32>,
    }
    %scan3A_7 = arith.constant 128 : i32
    %mul3A_8 = arith.constant 640 : i32
    %mul3A_9 = arith.muli %arg1, %mul3A_8 : i32
    %add3A_10 = arith.constant 0 : i32
    %add3A_11 = arith.addi %mul3A_9, %add3A_10 : i32
    "tpu.region"() ({
      %run_scoped3A = tpu.sem_alloc : memref<!tpu.dma_semaphore, #tpu.memory_space<semaphore_mem>>
      %dma_start3A = arith.constant 0 : i32
      %dma_start3A_26 = tpu.memref_slice %arg11[%add3A_11, %dma_start3A] : memref<10240x128xf32, #tpu.memory_space<vmem_shared>> -> memref<128x128xf32, #tpu.memory_space<vmem_shared>>
      %dma_start3A_27 = arith.constant 0 : i32
      %dma_start3A_28 = tpu.memref_slice %arg11[%add3A_11, %dma_start3A_27] : memref<10240x128xf32, #tpu.memory_space<vmem_shared>> -> memref<128x128xf32, #tpu.memory_space<vmem_shared>>
      tpu.enqueue_dma source(%arg9 : memref<128x128xf32, #tpu.memory_space<vmem>>) target(%dma_start3A_28 : memref<128x128xf32, #tpu.memory_space<vmem_shared>>) target_semaphore(%run_scoped3A : memref<!tpu.dma_semaphore, #tpu.memory_space<semaphore_mem>>)
      %dma_wait3A = arith.constant 0 : i32
      %dma_wait3A_29 = tpu.memref_slice %arg11[%add3A_11, %dma_wait3A] : memref<10240x128xf32, #tpu.memory_space<vmem_shared>> -> memref<128x128xf32, #tpu.memory_space<vmem_shared>>
      %dma_wait3A_30 = arith.constant 0 : i32
      %dma_wait3A_31 = tpu.memref_slice %arg11[%add3A_11, %dma_wait3A_30] : memref<10240x128xf32, #tpu.memory_space<vmem_shared>> -> memref<128x128xf32, #tpu.memory_space<vmem_shared>>
      tpu.wait_dma2 semaphore(%run_scoped3A : memref<!tpu.dma_semaphore, #tpu.memory_space<semaphore_mem>>) src(%arg9 : memref<128x128xf32, #tpu.memory_space<vmem>>) dst(%dma_wait3A_31 : memref<128x128xf32, #tpu.memory_space<vmem_shared>>)
      tpu.yield
    }) : () -> ()
    %add3A_12 = arith.constant 128 : i32
    %add3A_13 = arith.addi %mul3A_9, %add3A_12 : i32
    "tpu.region"() ({
      %run_scoped3A = tpu.sem_alloc : memref<!tpu.dma_semaphore, #tpu.memory_space<semaphore_mem>>
      %dma_start3A = arith.constant 0 : i32
      %dma_start3A_26 = tpu.memref_slice %arg11[%add3A_13, %dma_start3A] : memref<10240x128xf32, #tpu.memory_space<vmem_shared>> -> memref<128x128xf32, #tpu.memory_space<vmem_shared>>
      %dma_start3A_27 = arith.constant 0 : i32
      %dma_start3A_28 = tpu.memref_slice %arg11[%add3A_13, %dma_start3A_27] : memref<10240x128xf32, #tpu.memory_space<vmem_shared>> -> memref<128x128xf32, #tpu.memory_space<vmem_shared>>
      tpu.enqueue_dma source(%arg9 : memref<128x128xf32, #tpu.memory_space<vmem>>) target(%dma_start3A_28 : memref<128x128xf32, #tpu.memory_space<vmem_shared>>) target_semaphore(%run_scoped3A : memref<!tpu.dma_semaphore, #tpu.memory_space<semaphore_mem>>)
      %dma_wait3A = arith.constant 0 : i32
      %dma_wait3A_29 = tpu.memref_slice %arg11[%add3A_13, %dma_wait3A] : memref<10240x128xf32, #tpu.memory_space<vmem_shared>> -> memref<128x128xf32, #tpu.memory_space<vmem_shared>>
      %dma_wait3A_30 = arith.constant 0 : i32
      %dma_wait3A_31 = tpu.memref_slice %arg11[%add3A_13, %dma_wait3A_30] : memref<10240x128xf32, #tpu.memory_space<vmem_shared>> -> memref<128x128xf32, #tpu.memory_space<vmem_shared>>
      tpu.wait_dma2 semaphore(%run_scoped3A : memref<!tpu.dma_semaphore, #tpu.memory_space<semaphore_mem>>) src(%arg9 : memref<128x128xf32, #tpu.memory_space<vmem>>) dst(%dma_wait3A_31 : memref<128x128xf32, #tpu.memory_space<vmem_shared>>)
      tpu.yield
    }) : () -> ()
    %add3A_14 = arith.constant 256 : i32
    %add3A_15 = arith.addi %mul3A_9, %add3A_14 : i32
    "tpu.region"() ({
      %run_scoped3A = tpu.sem_alloc : memref<!tpu.dma_semaphore, #tpu.memory_space<semaphore_mem>>
      %dma_start3A = arith.constant 0 : i32
      %dma_start3A_26 = tpu.memref_slice %arg11[%add3A_15, %dma_start3A] : memref<10240x128xf32, #tpu.memory_space<vmem_shared>> -> memref<128x128xf32, #tpu.memory_space<vmem_shared>>
      %dma_start3A_27 = arith.constant 0 : i32
      %dma_start3A_28 = tpu.memref_slice %arg11[%add3A_15, %dma_start3A_27] : memref<10240x128xf32, #tpu.memory_space<vmem_shared>> -> memref<128x128xf32, #tpu.memory_space<vmem_shared>>
      tpu.enqueue_dma source(%arg9 : memref<128x128xf32, #tpu.memory_space<vmem>>) target(%dma_start3A_28 : memref<128x128xf32, #tpu.memory_space<vmem_shared>>) target_semaphore(%run_scoped3A : memref<!tpu.dma_semaphore, #tpu.memory_space<semaphore_mem>>)
      %dma_wait3A = arith.constant 0 : i32
      %dma_wait3A_29 = tpu.memref_slice %arg11[%add3A_15, %dma_wait3A] : memref<10240x128xf32, #tpu.memory_space<vmem_shared>> -> memref<128x128xf32, #tpu.memory_space<vmem_shared>>
      %dma_wait3A_30 = arith.constant 0 : i32
      %dma_wait3A_31 = tpu.memref_slice %arg11[%add3A_15, %dma_wait3A_30] : memref<10240x128xf32, #tpu.memory_space<vmem_shared>> -> memref<128x128xf32, #tpu.memory_space<vmem_shared>>
      tpu.wait_dma2 semaphore(%run_scoped3A : memref<!tpu.dma_semaphore, #tpu.memory_space<semaphore_mem>>) src(%arg9 : memref<128x128xf32, #tpu.memory_space<vmem>>) dst(%dma_wait3A_31 : memref<128x128xf32, #tpu.memory_space<vmem_shared>>)
      tpu.yield
    }) : () -> ()
    %add3A_16 = arith.constant 384 : i32
    %add3A_17 = arith.addi %mul3A_9, %add3A_16 : i32
    "tpu.region"() ({
      %run_scoped3A = tpu.sem_alloc : memref<!tpu.dma_semaphore, #tpu.memory_space<semaphore_mem>>
      %dma_start3A = arith.constant 0 : i32
      %dma_start3A_26 = tpu.memref_slice %arg11[%add3A_17, %dma_start3A] : memref<10240x128xf32, #tpu.memory_space<vmem_shared>> -> memref<128x128xf32, #tpu.memory_space<vmem_shared>>
      %dma_start3A_27 = arith.constant 0 : i32
      %dma_start3A_28 = tpu.memref_slice %arg11[%add3A_17, %dma_start3A_27] : memref<10240x128xf32, #tpu.memory_space<vmem_shared>> -> memref<128x128xf32, #tpu.memory_space<vmem_shared>>
      tpu.enqueue_dma source(%arg9 : memref<128x128xf32, #tpu.memory_space<vmem>>) target(%dma_start3A_28 : memref<128x128xf32, #tpu.memory_space<vmem_shared>>) target_semaphore(%run_scoped3A : memref<!tpu.dma_semaphore, #tpu.memory_space<semaphore_mem>>)
      %dma_wait3A = arith.constant 0 : i32
      %dma_wait3A_29 = tpu.memref_slice %arg11[%add3A_17, %dma_wait3A] : memref<10240x128xf32, #tpu.memory_space<vmem_shared>> -> memref<128x128xf32, #tpu.memory_space<vmem_shared>>
      %dma_wait3A_30 = arith.constant 0 : i32
      %dma_wait3A_31 = tpu.memref_slice %arg11[%add3A_17, %dma_wait3A_30] : memref<10240x128xf32, #tpu.memory_space<vmem_shared>> -> memref<128x128xf32, #tpu.memory_space<vmem_shared>>
      tpu.wait_dma2 semaphore(%run_scoped3A : memref<!tpu.dma_semaphore, #tpu.memory_space<semaphore_mem>>) src(%arg9 : memref<128x128xf32, #tpu.memory_space<vmem>>) dst(%dma_wait3A_31 : memref<128x128xf32, #tpu.memory_space<vmem_shared>>)
      tpu.yield
    }) : () -> ()
    %add3A_18 = arith.constant 512 : i32
    %add3A_19 = arith.addi %mul3A_9, %add3A_18 : i32
    "tpu.region"() ({
      %run_scoped3A = tpu.sem_alloc : memref<!tpu.dma_semaphore, #tpu.memory_space<semaphore_mem>>
      %dma_start3A = arith.constant 0 : i32
      %dma_start3A_26 = tpu.memref_slice %arg11[%add3A_19, %dma_start3A] : memref<10240x128xf32, #tpu.memory_space<vmem_shared>> -> memref<128x128xf32, #tpu.memory_space<vmem_shared>>
      %dma_start3A_27 = arith.constant 0 : i32
      %dma_start3A_28 = tpu.memref_slice %arg11[%add3A_19, %dma_start3A_27] : memref<10240x128xf32, #tpu.memory_space<vmem_shared>> -> memref<128x128xf32, #tpu.memory_space<vmem_shared>>
      tpu.enqueue_dma source(%arg9 : memref<128x128xf32, #tpu.memory_space<vmem>>) target(%dma_start3A_28 : memref<128x128xf32, #tpu.memory_space<vmem_shared>>) target_semaphore(%run_scoped3A : memref<!tpu.dma_semaphore, #tpu.memory_space<semaphore_mem>>)
      %dma_wait3A = arith.constant 0 : i32
      %dma_wait3A_29 = tpu.memref_slice %arg11[%add3A_19, %dma_wait3A] : memref<10240x128xf32, #tpu.memory_space<vmem_shared>> -> memref<128x128xf32, #tpu.memory_space<vmem_shared>>
      %dma_wait3A_30 = arith.constant 0 : i32
      %dma_wait3A_31 = tpu.memref_slice %arg11[%add3A_19, %dma_wait3A_30] : memref<10240x128xf32, #tpu.memory_space<vmem_shared>> -> memref<128x128xf32, #tpu.memory_space<vmem_shared>>
      tpu.wait_dma2 semaphore(%run_scoped3A : memref<!tpu.dma_semaphore, #tpu.memory_space<semaphore_mem>>) src(%arg9 : memref<128x128xf32, #tpu.memory_space<vmem>>) dst(%dma_wait3A_31 : memref<128x128xf32, #tpu.memory_space<vmem_shared>>)
      tpu.yield
    }) : () -> ()
    %barrier3A = arith.constant 0 : index
    tpu.barrier barrier_id(%barrier3A)
    %scan3A_20 = arith.constant 0 : i32
    %scan3A_21 = arith.constant 81 : i32
    %scan3A_22 = arith.addi %scan3A_20, %scan3A_21 : i32
    %scan3A_23 = arith.constant 1 : i32
    scf.for %scan3A_26 = %scan3A_20 to %scan3A_22 step %scan3A_23  : i32 {
      %mul3A_27 = arith.constant 1 : i32
      %mul3A_28 = arith.muli %scan3A_26, %mul3A_27 : i32
      %add3A_29 = arith.constant 0 : i32
      %add3A_30 = arith.addi %add3A_29, %mul3A_28 : i32
      %dma_start3A = arith.constant 0 : i32
      %dma_start3A_31 = tpu.memref_slice %arg7[%add3A_30, %dma_start3A] : memref<81x128xi32, #tpu.memory_space<vmem>> -> memref<1x128xi32, #tpu.memory_space<vmem>>
      %dma_start3A_32 = tpu.memref_squeeze %dma_start3A_31 : memref<1x128xi32, #tpu.memory_space<vmem>> -> memref<128xi32, #tpu.memory_space<vmem>>
      %dma_start3A_33 = arith.constant 0 : i32
      %dma_start3A_34 = arith.constant 0 : i32
      %dma_start3A_35 = tpu.memref_slice %arg4[%dma_start3A_33, %dma_start3A_34] : memref<10000x128xf32, #tpu.memory_space<hbm>> -> memref<10000x128xf32, #tpu.memory_space<hbm>>
      tpu.enqueue_indirect_dma source(%dma_start3A_35 : memref<10000x128xf32, #tpu.memory_space<hbm>>) target(%arg9 : memref<128x128xf32, #tpu.memory_space<vmem>>) offsets(%dma_start3A_32 : memref<128xi32, #tpu.memory_space<vmem>>) semaphore(%arg12 : memref<!tpu.dma_semaphore, #tpu.memory_space<semaphore_mem>>)
      %dma_wait3A = arith.constant 0 : i32
      %dma_wait3A_36 = tpu.memref_slice %arg7[%add3A_30, %dma_wait3A] : memref<81x128xi32, #tpu.memory_space<vmem>> -> memref<1x128xi32, #tpu.memory_space<vmem>>
      %dma_wait3A_37 = tpu.memref_squeeze %dma_wait3A_36 : memref<1x128xi32, #tpu.memory_space<vmem>> -> memref<128xi32, #tpu.memory_space<vmem>>
      %dma_wait3A_38 = arith.constant 0 : i32
      %dma_wait3A_39 = arith.constant 0 : i32
      %dma_wait3A_40 = tpu.memref_slice %arg4[%dma_wait3A_38, %dma_wait3A_39] : memref<10000x128xf32, #tpu.memory_space<hbm>> -> memref<10000x128xf32, #tpu.memory_space<hbm>>
      tpu.wait_indirect_dma semaphore(%arg12 : memref<!tpu.dma_semaphore, #tpu.memory_space<semaphore_mem>>) src(%dma_wait3A_40 : memref<10000x128xf32, #tpu.memory_space<hbm>>) dst(%arg9 : memref<128x128xf32, #tpu.memory_space<vmem>>)
      %mul3A_41 = arith.constant 81 : i32
      %mul3A_42 = arith.muli %add3A, %mul3A_41 : i32
      %add3A_43 = arith.addi %mul3A_42, %add3A_30 : i32
      %mul3A_44 = arith.constant 128 : i32
      %mul3A_45 = arith.muli %add3A_43, %mul3A_44 : i32
      "tpu.region"() ({
        %run_scoped3A = tpu.sem_alloc : memref<!tpu.dma_semaphore, #tpu.memory_space<semaphore_mem>>
        %dma_start3A_51 = tpu.memref_slice %arg5[%mul3A_45] : memref<331776xf32, #tpu.memory_space<hbm>> -> memref<128xf32, #tpu.memory_space<hbm>>
        %dma_start3A_52 = tpu.memref_slice %arg5[%mul3A_45] : memref<331776xf32, #tpu.memory_space<hbm>> -> memref<128xf32, #tpu.memory_space<hbm>>
        tpu.enqueue_dma source(%dma_start3A_52 : memref<128xf32, #tpu.memory_space<hbm>>) target(%arg10 : memref<128xf32, #tpu.memory_space<vmem>>) target_semaphore(%run_scoped3A : memref<!tpu.dma_semaphore, #tpu.memory_space<semaphore_mem>>)
        %dma_wait3A_53 = tpu.memref_slice %arg5[%mul3A_45] : memref<331776xf32, #tpu.memory_space<hbm>> -> memref<128xf32, #tpu.memory_space<hbm>>
        %dma_wait3A_54 = tpu.memref_slice %arg5[%mul3A_45] : memref<331776xf32, #tpu.memory_space<hbm>> -> memref<128xf32, #tpu.memory_space<hbm>>
        tpu.wait_dma2 semaphore(%run_scoped3A : memref<!tpu.dma_semaphore, #tpu.memory_space<semaphore_mem>>) src(%dma_wait3A_54 : memref<128xf32, #tpu.memory_space<hbm>>) dst(%arg10 : memref<128xf32, #tpu.memory_space<vmem>>)
        tpu.yield
      }) : () -> ()
      %scan3A_46 = arith.constant 0 : i32
      %scan3A_47 = arith.constant 128 : i32
      %scan3A_48 = arith.addi %scan3A_46, %scan3A_47 : i32
      %scan3A_49 = arith.constant 1 : i32
      scf.for %scan3A_51 = %scan3A_46 to %scan3A_48 step %scan3A_49  : i32 {
        %mul3A_52 = arith.constant 1 : i32
        %mul3A_53 = arith.muli %scan3A_51, %mul3A_52 : i32
        %add3A_54 = arith.constant 0 : i32
        %add3A_55 = arith.addi %add3A_54, %mul3A_53 : i32
        %add3A_56 = arith.constant 0 : i32
        %add3A_57 = arith.addi %add3A_56, %add3A_55 : i32
        %broadcast_in_dim3A_58 = vector.broadcast %add3A_57 : i32 to vector<16xi32>
        %gather3A = tpu.vector_load_idx %arg10[%broadcast_in_dim3A_58] : memref<128xf32, #tpu.memory_space<vmem>>[vector<16xi32>], vector<16xf32>,
        %get3A = arith.index_cast %add3A_55 : i32 to index
        %get3A_59 = arith.constant 0 : index
        %get3A_60 = tpu.vector_load %arg9[%get3A, %get3A_59] {strides = array<i32>} : memref<128x128xf32, #tpu.memory_space<vmem>>, vector<16xf32>,
        %mul3A_61 = arith.mulf %get3A_60, %gather3A : vector<16xf32>
        %swap3A = arith.index_cast %add3A_55 : i32 to index
        %swap3A_62 = arith.constant 0 : index
        %swap3A_63 = tpu.vector_load %arg9[%swap3A, %swap3A_62] {strides = array<i32>} : memref<128x128xf32, #tpu.memory_space<vmem>>, vector<16xf32>,
        tpu.vector_store %arg9[%swap3A, %swap3A_62], %mul3A_61 {strides = array<i32>} : memref<128x128xf32, #tpu.memory_space<vmem>>, vector<16xf32>,
        %add3A_64 = arith.constant 0 : i32
        %add3A_65 = arith.addi %add3A_64, %add3A_55 : i32
        %broadcast_in_dim3A_66 = vector.broadcast %add3A_65 : i32 to vector<16xi32>
        %gather3A_67 = tpu.vector_load_idx %arg10[%broadcast_in_dim3A_66] : memref<128xf32, #tpu.memory_space<vmem>>[vector<16xi32>], vector<16xf32>,
        %get3A_68 = arith.index_cast %add3A_55 : i32 to index
        %get3A_69 = arith.constant 16 : index
        %get3A_70 = tpu.vector_load %arg9[%get3A_68, %get3A_69] {strides = array<i32>} : memref<128x128xf32, #tpu.memory_space<vmem>>, vector<16xf32>,
        %mul3A_71 = arith.mulf %get3A_70, %gather3A_67 : vector<16xf32>
        %swap3A_72 = arith.index_cast %add3A_55 : i32 to index
        %swap3A_73 = arith.constant 16 : index
        %swap3A_74 = tpu.vector_load %arg9[%swap3A_72, %swap3A_73] {strides = array<i32>} : memref<128x128xf32, #tpu.memory_space<vmem>>, vector<16xf32>,
        tpu.vector_store %arg9[%swap3A_72, %swap3A_73], %mul3A_71 {strides = array<i32>} : memref<128x128xf32, #tpu.memory_space<vmem>>, vector<16xf32>,
        %add3A_75 = arith.constant 0 : i32
        %add3A_76 = arith.addi %add3A_75, %add3A_55 : i32
        %broadcast_in_dim3A_77 = vector.broadcast %add3A_76 : i32 to vector<16xi32>
        %gather3A_78 = tpu.vector_load_idx %arg10[%broadcast_in_dim3A_77] : memref<128xf32, #tpu.memory_space<vmem>>[vector<16xi32>], vector<16xf32>,
        %get3A_79 = arith.index_cast %add3A_55 : i32 to index
        %get3A_80 = arith.constant 32 : index
        %get3A_81 = tpu.vector_load %arg9[%get3A_79, %get3A_80] {strides = array<i32>} : memref<128x128xf32, #tpu.memory_space<vmem>>, vector<16xf32>,
        %mul3A_82 = arith.mulf %get3A_81, %gather3A_78 : vector<16xf32>
        %swap3A_83 = arith.index_cast %add3A_55 : i32 to index
        %swap3A_84 = arith.constant 32 : index
        %swap3A_85 = tpu.vector_load %arg9[%swap3A_83, %swap3A_84] {strides = array<i32>} : memref<128x128xf32, #tpu.memory_space<vmem>>, vector<16xf32>,
        tpu.vector_store %arg9[%swap3A_83, %swap3A_84], %mul3A_82 {strides = array<i32>} : memref<128x128xf32, #tpu.memory_space<vmem>>, vector<16xf32>,
        %add3A_86 = arith.constant 0 : i32
        %add3A_87 = arith.addi %add3A_86, %add3A_55 : i32
        %broadcast_in_dim3A_88 = vector.broadcast %add3A_87 : i32 to vector<16xi32>
        %gather3A_89 = tpu.vector_load_idx %arg10[%broadcast_in_dim3A_88] : memref<128xf32, #tpu.memory_space<vmem>>[vector<16xi32>], vector<16xf32>,
        %get3A_90 = arith.index_cast %add3A_55 : i32 to index
        %get3A_91 = arith.constant 48 : index
        %get3A_92 = tpu.vector_load %arg9[%get3A_90, %get3A_91] {strides = array<i32>} : memref<128x128xf32, #tpu.memory_space<vmem>>, vector<16xf32>,
        %mul3A_93 = arith.mulf %get3A_92, %gather3A_89 : vector<16xf32>
        %swap3A_94 = arith.index_cast %add3A_55 : i32 to index
        %swap3A_95 = arith.constant 48 : index
        %swap3A_96 = tpu.vector_load %arg9[%swap3A_94, %swap3A_95] {strides = array<i32>} : memref<128x128xf32, #tpu.memory_space<vmem>>, vector<16xf32>,
        tpu.vector_store %arg9[%swap3A_94, %swap3A_95], %mul3A_93 {strides = array<i32>} : memref<128x128xf32, #tpu.memory_space<vmem>>, vector<16xf32>,
      }
      %scan3A_50 = arith.constant 128 : i32
      "tpu.region"() ({
        %run_scoped3A = tpu.sem_alloc : memref<!tpu.dma_semaphore, #tpu.memory_space<semaphore_mem>>
        %dma_start3A_51 = arith.constant 0 : i32
        %dma_start3A_52 = tpu.memref_slice %arg8[%add3A_30, %dma_start3A_51] : memref<81x128xi32, #tpu.memory_space<vmem>> -> memref<1x128xi32, #tpu.memory_space<vmem>>
        %dma_start3A_53 = tpu.memref_squeeze %dma_start3A_52 : memref<1x128xi32, #tpu.memory_space<vmem>> -> memref<128xi32, #tpu.memory_space<vmem>>
        %dma_start3A_54 = arith.constant 0 : i32
        %dma_start3A_55 = arith.constant 0 : i32
        %dma_start3A_56 = tpu.memref_slice %arg11[%dma_start3A_54, %dma_start3A_55] : memref<10240x128xf32, #tpu.memory_space<vmem_shared>> -> memref<10240x128xf32, #tpu.memory_space<vmem_shared>>
        tpu.enqueue_indirect_dma source(%arg9 : memref<128x128xf32, #tpu.memory_space<vmem>>) target(%dma_start3A_56 : memref<10240x128xf32, #tpu.memory_space<vmem_shared>>) offsets(%dma_start3A_53 : memref<128xi32, #tpu.memory_space<vmem>>) semaphore(%run_scoped3A : memref<!tpu.dma_semaphore, #tpu.memory_space<semaphore_mem>>) {add = true}
        %dma_wait3A_57 = arith.constant 0 : i32
        %dma_wait3A_58 = tpu.memref_slice %arg8[%add3A_30, %dma_wait3A_57] : memref<81x128xi32, #tpu.memory_space<vmem>> -> memref<1x128xi32, #tpu.memory_space<vmem>>
        %dma_wait3A_59 = tpu.memref_squeeze %dma_wait3A_58 : memref<1x128xi32, #tpu.memory_space<vmem>> -> memref<128xi32, #tpu.memory_space<vmem>>
        %dma_wait3A_60 = arith.constant 0 : i32
        %dma_wait3A_61 = arith.constant 0 : i32
        %dma_wait3A_62 = tpu.memref_slice %arg11[%dma_wait3A_60, %dma_wait3A_61] : memref<10240x128xf32, #tpu.memory_space<vmem_shared>> -> memref<10240x128xf32, #tpu.memory_space<vmem_shared>>
        tpu.wait_indirect_dma semaphore(%run_scoped3A : memref<!tpu.dma_semaphore, #tpu.memory_space<semaphore_mem>>) src(%arg9 : memref<128x128xf32, #tpu.memory_space<vmem>>) dst(%dma_wait3A_62 : memref<10240x128xf32, #tpu.memory_space<vmem_shared>>)
        tpu.yield
      }) : () -> ()
    }
    %scan3A_24 = arith.constant 81 : i32
    %barrier3A_25 = arith.constant 0 : index
    tpu.barrier barrier_id(%barrier3A_25)
    "tpu.region"() ({
      %run_scoped3A = tpu.sem_alloc : memref<!tpu.dma_semaphore, #tpu.memory_space<semaphore_mem>>
      %dma_start3A = arith.constant 0 : i32
      %dma_start3A_26 = tpu.memref_slice %arg6[%arg0, %mul3A_9, %dma_start3A] : memref<2x10240x128xf32, #tpu.memory_space<hbm>> -> memref<1x640x128xf32, #tpu.memory_space<hbm>>
      %dma_start3A_27 = tpu.memref_squeeze %dma_start3A_26 : memref<1x640x128xf32, #tpu.memory_space<hbm>> -> memref<640x128xf32, #tpu.memory_space<hbm>>
      %dma_start3A_28 = arith.constant 0 : i32
      %dma_start3A_29 = tpu.memref_slice %arg11[%mul3A_9, %dma_start3A_28] : memref<10240x128xf32, #tpu.memory_space<vmem_shared>> -> memref<640x128xf32, #tpu.memory_space<vmem_shared>>
      tpu.enqueue_dma source(%dma_start3A_29 : memref<640x128xf32, #tpu.memory_space<vmem_shared>>) target(%dma_start3A_27 : memref<640x128xf32, #tpu.memory_space<hbm>>) target_semaphore(%run_scoped3A : memref<!tpu.dma_semaphore, #tpu.memory_space<semaphore_mem>>)
      %dma_wait3A = arith.constant 0 : i32
      %dma_wait3A_30 = tpu.memref_slice %arg6[%arg0, %mul3A_9, %dma_wait3A] : memref<2x10240x128xf32, #tpu.memory_space<hbm>> -> memref<1x640x128xf32, #tpu.memory_space<hbm>>
      %dma_wait3A_31 = tpu.memref_squeeze %dma_wait3A_30 : memref<1x640x128xf32, #tpu.memory_space<hbm>> -> memref<640x128xf32, #tpu.memory_space<hbm>>
      %dma_wait3A_32 = arith.constant 0 : i32
      %dma_wait3A_33 = tpu.memref_slice %arg11[%mul3A_9, %dma_wait3A_32] : memref<10240x128xf32, #tpu.memory_space<vmem_shared>> -> memref<640x128xf32, #tpu.memory_space<vmem_shared>>
      tpu.wait_dma2 semaphore(%run_scoped3A : memref<!tpu.dma_semaphore, #tpu.memory_space<semaphore_mem>>) src(%dma_wait3A_33 : memref<640x128xf32, #tpu.memory_space<vmem_shared>>) dst(%dma_wait3A_31 : memref<640x128xf32, #tpu.memory_space<hbm>>)
      tpu.yield
    }) : () -> ()
    return
  }
}

module attributes {stable_mosaic.version = 14 : i64} {
  func.func @body(%arg0: i32, %arg1: memref<1000x128xf32, #tpu.memory_space<vmem>>, %arg2: memref<128x72xf32, #tpu.memory_space<vmem>>, %arg3: memref<1000x72xf32, #tpu.memory_space<vmem>>, %arg4: memref<1x72xf32, #tpu.memory_space<vmem>>) attributes {dimension_semantics = [#tpu.dimension_semantics<arbitrary>], iteration_bounds = array<i64: 10>, scalar_prefetch = 0 : i64, scratch_operands = 0 : i64, tpu.core_type = #tpu.core_type<tc>, window_params = [{transform_indices = @transform_0, window_bounds = array<i64: 1000, 128>}, {pipeline_mode = #tpu.pipeline_mode<synchronous>, transform_indices = @transform_1, window_bounds = array<i64: 128, 72>}, {transform_indices = @transform_2, window_bounds = array<i64: 1000, 72>}, {pipeline_mode = #tpu.pipeline_mode<synchronous>, transform_indices = @transform_3, window_bounds = array<i64: 1, 72>}]} {
    %get3A = arith.constant 0 : index
    %get3A_0 = arith.constant 0 : index
    %get3A_1 = vector.load %arg1[%get3A, %get3A_0] : memref<1000x128xf32, #tpu.memory_space<vmem>>, vector<1000x128xf32>
    %get3A_2 = arith.constant 0 : index
    %get3A_3 = arith.constant 0 : index
    %get3A_4 = vector.load %arg2[%get3A_2, %get3A_3] : memref<128x72xf32, #tpu.memory_space<vmem>>, vector<128x72xf32>
    %dot_general3A = arith.constant dense<0.000000e+00> : vector<1000x72xf32>
    %dot_general3A_5 = tpu.matmul %get3A_1, %get3A_4, %dot_general3A {dimension_numbers = #tpu.dot_dimension_numbers<[1], [0], [0], [1], [0, 0, 1, 1], [], []>, transpose_lhs_hint = false} : vector<1000x128xf32>, vector<128x72xf32>, vector<1000x72xf32> -> vector<1000x72xf32>
    %swap3A = arith.constant 0 : index
    %swap3A_6 = arith.constant 0 : index
    %swap3A_7 = vector.load %arg3[%swap3A, %swap3A_6] : memref<1000x72xf32, #tpu.memory_space<vmem>>, vector<1000x72xf32>
    tpu.vector_store %arg3[%swap3A, %swap3A_6], %dot_general3A_5 {strides = array<i32>} : memref<1000x72xf32, #tpu.memory_space<vmem>>, vector<1000x72xf32>,
    %reduce_max3A = arith.constant dense<0xFF800000> : vector<72xf32>
    %reduce_max3A_8 = vector.multi_reduction <maximumf>, %dot_general3A_5, %reduce_max3A [0] : vector<1000x72xf32> to vector<72xf32>
    %broadcast_in_dim3A = vector.shape_cast %reduce_max3A_8 : vector<72xf32> to vector<1x72xf32>
    %eq3A = arith.constant 0 : i32
    %eq3A_9 = arith.cmpi eq, %arg0, %eq3A : i32
    %convert_element_type3A = arith.extui %eq3A_9 : i1 to i32
    %cond3A = arith.constant 0 : i32
    %cond3A_10 = arith.cmpi ne, %convert_element_type3A, %cond3A : i32
    scf.if %cond3A_10 {
      %swap3A_15 = arith.constant 0 : index
      %swap3A_16 = arith.constant 0 : index
      %swap3A_17 = vector.load %arg4[%swap3A_15, %swap3A_16] : memref<1x72xf32, #tpu.memory_space<vmem>>, vector<1x72xf32>
      tpu.vector_store %arg4[%swap3A_15, %swap3A_16], %broadcast_in_dim3A {strides = array<i32>} : memref<1x72xf32, #tpu.memory_space<vmem>>, vector<1x72xf32>,
    } else {
    }
    %gt3A = arith.constant 0 : i32
    %gt3A_11 = arith.cmpi sgt, %arg0, %gt3A : i32
    %convert_element_type3A_12 = arith.extui %gt3A_11 : i1 to i32
    %cond3A_13 = arith.constant 0 : i32
    %cond3A_14 = arith.cmpi ne, %convert_element_type3A_12, %cond3A_13 : i32
    scf.if %cond3A_14 {
      %get3A_15 = arith.constant 0 : index
      %get3A_16 = arith.constant 0 : index
      %get3A_17 = vector.load %arg4[%get3A_15, %get3A_16] : memref<1x72xf32, #tpu.memory_space<vmem>>, vector<1x72xf32>
      %max3A = arith.maximumf %get3A_17, %broadcast_in_dim3A : vector<1x72xf32>
      %swap3A_18 = arith.constant 0 : index
      %swap3A_19 = arith.constant 0 : index
      %swap3A_20 = vector.load %arg4[%swap3A_18, %swap3A_19] : memref<1x72xf32, #tpu.memory_space<vmem>>, vector<1x72xf32>
      tpu.vector_store %arg4[%swap3A_18, %swap3A_19], %max3A {strides = array<i32>} : memref<1x72xf32, #tpu.memory_space<vmem>>, vector<1x72xf32>,
    } else {
    }
    return
  }
  func.func @transform_0(%arg0: i32) -> (i32, i32) {
    %c0_i32 = arith.constant 0 : i32
    %c0_i32_0 = arith.constant 0 : i32
    return %arg0, %c0_i32 : i32, i32
  }
  func.func @transform_1(%arg0: i32) -> (i32, i32) {
    %c0_i32 = arith.constant 0 : i32
    %c0_i32_0 = arith.constant 0 : i32
    %c0_i32_1 = arith.constant 0 : i32
    return %c0_i32, %c0_i32_0 : i32, i32
  }
  func.func @transform_2(%arg0: i32) -> (i32, i32) {
    %c0_i32 = arith.constant 0 : i32
    %c0_i32_0 = arith.constant 0 : i32
    return %arg0, %c0_i32 : i32, i32
  }
  func.func @transform_3(%arg0: i32) -> (i32, i32) {
    %c0_i32 = arith.constant 0 : i32
    %c0_i32_0 = arith.constant 0 : i32
    %c0_i32_1 = arith.constant 0 : i32
    return %c0_i32, %c0_i32_0 : i32, i32
  }
}

module attributes {stable_mosaic.version = 14 : i64} {
  func.func @body(%arg0: i32, %arg1: memref<2x1000x128xf32, #tpu.memory_space<vmem>>, %arg2: memref<1x64xf32, #tpu.memory_space<vmem>>, %arg3: memref<64x136xf32, #tpu.memory_space<vmem>>, %arg4: memref<1000x136xf32, #tpu.memory_space<vmem>>, %arg5: memref<1x136xf32, #tpu.memory_space<vmem>>) attributes {dimension_semantics = [#tpu.dimension_semantics<arbitrary>], iteration_bounds = array<i64: 10>, scalar_prefetch = 0 : i64, scratch_operands = 0 : i64, tpu.core_type = #tpu.core_type<tc>, window_params = [{transform_indices = @transform_0, window_bounds = array<i64: 2, 1000, 128>}, {pipeline_mode = #tpu.pipeline_mode<synchronous>, transform_indices = @transform_1, window_bounds = array<i64: 1, 64>}, {pipeline_mode = #tpu.pipeline_mode<synchronous>, transform_indices = @transform_2, window_bounds = array<i64: 64, 136>}, {transform_indices = @transform_3, window_bounds = array<i64: 1000, 136>}, {pipeline_mode = #tpu.pipeline_mode<synchronous>, transform_indices = @transform_4, window_bounds = array<i64: 1, 136>}]} {
    %get3A = arith.constant 0 : index
    %get3A_0 = arith.constant 0 : index
    %get3A_1 = arith.constant 0 : index
    %get3A_2 = vector.load %arg1[%get3A, %get3A_0, %get3A_1] : memref<2x1000x128xf32, #tpu.memory_space<vmem>>, vector<2x1000x128xf32>
    %slice3A = vector.extract_strided_slice %get3A_2 {offsets = [0, 0, 0], sizes = [1, 1000, 128], strides = [1, 1, 1]} : vector<2x1000x128xf32> to vector<1x1000x128xf32>
    %squeeze3A = vector.shape_cast %slice3A : vector<1x1000x128xf32> to vector<1000x128xf32>
    %slice3A_3 = vector.extract_strided_slice %get3A_2 {offsets = [1, 0, 0], sizes = [1, 1000, 128], strides = [1, 1, 1]} : vector<2x1000x128xf32> to vector<1x1000x128xf32>
    %squeeze3A_4 = vector.shape_cast %slice3A_3 : vector<1x1000x128xf32> to vector<1000x128xf32>
    %add3A = arith.addf %squeeze3A, %squeeze3A_4 : vector<1000x128xf32>
    %slice3A_5 = vector.extract_strided_slice %add3A {offsets = [0, 0], sizes = [1000, 64], strides = [1, 1]} : vector<1000x128xf32> to vector<1000x64xf32>
    %slice3A_6 = vector.extract_strided_slice %add3A {offsets = [0, 64], sizes = [1000, 4], strides = [1, 1]} : vector<1000x128xf32> to vector<1000x4xf32>
    %add3A_7 = arith.constant 1.000000e-16 : f32
    %add3A_8 = vector.broadcast %add3A_7 : f32 to vector<1000x4xf32>
    %add3A_9 = arith.addf %slice3A_6, %add3A_8 : vector<1000x4xf32>
    %div3A = arith.constant 1.000000e+00 : f32
    %div3A_10 = vector.broadcast %div3A : f32 to vector<1000x4xf32>
    %div3A_11 = arith.divf %div3A_10, %add3A_9 : vector<1000x4xf32>
    %slice3A_12 = vector.extract_strided_slice %slice3A_5 {offsets = [0, 0], sizes = [1000, 16], strides = [1, 1]} : vector<1000x64xf32> to vector<1000x16xf32>
    %slice3A_13 = vector.extract_strided_slice %div3A_11 {offsets = [0, 0], sizes = [1000, 1], strides = [1, 1]} : vector<1000x4xf32> to vector<1000x1xf32>
    %mul3A = vector.broadcast %slice3A_13 : vector<1000x1xf32> to vector<1000x16xf32>
    %mul3A_14 = arith.mulf %slice3A_12, %mul3A : vector<1000x16xf32>
    %slice3A_15 = vector.extract_strided_slice %slice3A_5 {offsets = [0, 16], sizes = [1000, 16], strides = [1, 1]} : vector<1000x64xf32> to vector<1000x16xf32>
    %slice3A_16 = vector.extract_strided_slice %div3A_11 {offsets = [0, 1], sizes = [1000, 1], strides = [1, 1]} : vector<1000x4xf32> to vector<1000x1xf32>
    %mul3A_17 = vector.broadcast %slice3A_16 : vector<1000x1xf32> to vector<1000x16xf32>
    %mul3A_18 = arith.mulf %slice3A_15, %mul3A_17 : vector<1000x16xf32>
    %slice3A_19 = vector.extract_strided_slice %slice3A_5 {offsets = [0, 32], sizes = [1000, 16], strides = [1, 1]} : vector<1000x64xf32> to vector<1000x16xf32>
    %slice3A_20 = vector.extract_strided_slice %div3A_11 {offsets = [0, 2], sizes = [1000, 1], strides = [1, 1]} : vector<1000x4xf32> to vector<1000x1xf32>
    %mul3A_21 = vector.broadcast %slice3A_20 : vector<1000x1xf32> to vector<1000x16xf32>
    %mul3A_22 = arith.mulf %slice3A_19, %mul3A_21 : vector<1000x16xf32>
    %slice3A_23 = vector.extract_strided_slice %slice3A_5 {offsets = [0, 48], sizes = [1000, 16], strides = [1, 1]} : vector<1000x64xf32> to vector<1000x16xf32>
    %slice3A_24 = vector.extract_strided_slice %div3A_11 {offsets = [0, 3], sizes = [1000, 1], strides = [1, 1]} : vector<1000x4xf32> to vector<1000x1xf32>
    %mul3A_25 = vector.broadcast %slice3A_24 : vector<1000x1xf32> to vector<1000x16xf32>
    %mul3A_26 = arith.mulf %slice3A_23, %mul3A_25 : vector<1000x16xf32>
    %concatenate3A = tpu.concatenate %mul3A_14, %mul3A_18, %mul3A_22, %mul3A_26 in 1 : vector<1000x16xf32>, vector<1000x16xf32>, vector<1000x16xf32>, vector<1000x16xf32> -> vector<1000x64xf32>
    %get3A_27 = arith.constant 0 : index
    %get3A_28 = arith.constant 0 : index
    %get3A_29 = vector.load %arg2[%get3A_27, %get3A_28] : memref<1x64xf32, #tpu.memory_space<vmem>>, vector<1x64xf32>
    %add3A_30 = vector.broadcast %get3A_29 : vector<1x64xf32> to vector<1000x64xf32>
    %add3A_31 = arith.addf %concatenate3A, %add3A_30 : vector<1000x64xf32>
    %max3A = arith.constant 0.000000e+00 : f32
    %max3A_32 = vector.broadcast %max3A : f32 to vector<1000x64xf32>
    %max3A_33 = arith.maximumf %add3A_31, %max3A_32 : vector<1000x64xf32>
    %get3A_34 = arith.constant 0 : index
    %get3A_35 = arith.constant 0 : index
    %get3A_36 = vector.load %arg3[%get3A_34, %get3A_35] : memref<64x136xf32, #tpu.memory_space<vmem>>, vector<64x136xf32>
    %dot_general3A = arith.constant dense<0.000000e+00> : vector<1000x136xf32>
    %dot_general3A_37 = tpu.matmul %max3A_33, %get3A_36, %dot_general3A {dimension_numbers = #tpu.dot_dimension_numbers<[1], [0], [0], [1], [0, 0, 1, 1], [], []>, transpose_lhs_hint = false} : vector<1000x64xf32>, vector<64x136xf32>, vector<1000x136xf32> -> vector<1000x136xf32>
    %swap3A = arith.constant 0 : index
    %swap3A_38 = arith.constant 0 : index
    %swap3A_39 = vector.load %arg4[%swap3A, %swap3A_38] : memref<1000x136xf32, #tpu.memory_space<vmem>>, vector<1000x136xf32>
    tpu.vector_store %arg4[%swap3A, %swap3A_38], %dot_general3A_37 {strides = array<i32>} : memref<1000x136xf32, #tpu.memory_space<vmem>>, vector<1000x136xf32>,
    %reduce_max3A = arith.constant dense<0xFF800000> : vector<136xf32>
    %reduce_max3A_40 = vector.multi_reduction <maximumf>, %dot_general3A_37, %reduce_max3A [0] : vector<1000x136xf32> to vector<136xf32>
    %broadcast_in_dim3A = vector.shape_cast %reduce_max3A_40 : vector<136xf32> to vector<1x136xf32>
    %eq3A = arith.constant 0 : i32
    %eq3A_41 = arith.cmpi eq, %arg0, %eq3A : i32
    %convert_element_type3A = arith.extui %eq3A_41 : i1 to i32
    %cond3A = arith.constant 0 : i32
    %cond3A_42 = arith.cmpi ne, %convert_element_type3A, %cond3A : i32
    scf.if %cond3A_42 {
      %swap3A_47 = arith.constant 0 : index
      %swap3A_48 = arith.constant 0 : index
      %swap3A_49 = vector.load %arg5[%swap3A_47, %swap3A_48] : memref<1x136xf32, #tpu.memory_space<vmem>>, vector<1x136xf32>
      tpu.vector_store %arg5[%swap3A_47, %swap3A_48], %broadcast_in_dim3A {strides = array<i32>} : memref<1x136xf32, #tpu.memory_space<vmem>>, vector<1x136xf32>,
    } else {
    }
    %gt3A = arith.constant 0 : i32
    %gt3A_43 = arith.cmpi sgt, %arg0, %gt3A : i32
    %convert_element_type3A_44 = arith.extui %gt3A_43 : i1 to i32
    %cond3A_45 = arith.constant 0 : i32
    %cond3A_46 = arith.cmpi ne, %convert_element_type3A_44, %cond3A_45 : i32
    scf.if %cond3A_46 {
      %get3A_47 = arith.constant 0 : index
      %get3A_48 = arith.constant 0 : index
      %get3A_49 = vector.load %arg5[%get3A_47, %get3A_48] : memref<1x136xf32, #tpu.memory_space<vmem>>, vector<1x136xf32>
      %max3A_50 = arith.maximumf %get3A_49, %broadcast_in_dim3A : vector<1x136xf32>
      %swap3A_51 = arith.constant 0 : index
      %swap3A_52 = arith.constant 0 : index
      %swap3A_53 = vector.load %arg5[%swap3A_51, %swap3A_52] : memref<1x136xf32, #tpu.memory_space<vmem>>, vector<1x136xf32>
      tpu.vector_store %arg5[%swap3A_51, %swap3A_52], %max3A_50 {strides = array<i32>} : memref<1x136xf32, #tpu.memory_space<vmem>>, vector<1x136xf32>,
    } else {
    }
    return
  }
  func.func @transform_0(%arg0: i32) -> (i32, i32, i32) {
    %c0_i32 = arith.constant 0 : i32
    %c0_i32_0 = arith.constant 0 : i32
    %c0_i32_1 = arith.constant 0 : i32
    return %c0_i32, %arg0, %c0_i32_0 : i32, i32, i32
  }
  func.func @transform_1(%arg0: i32) -> (i32, i32) {
    %c0_i32 = arith.constant 0 : i32
    %c0_i32_0 = arith.constant 0 : i32
    %c0_i32_1 = arith.constant 0 : i32
    return %c0_i32, %c0_i32_0 : i32, i32
  }
  func.func @transform_2(%arg0: i32) -> (i32, i32) {
    %c0_i32 = arith.constant 0 : i32
    %c0_i32_0 = arith.constant 0 : i32
    %c0_i32_1 = arith.constant 0 : i32
    return %c0_i32, %c0_i32_0 : i32, i32
  }
  func.func @transform_3(%arg0: i32) -> (i32, i32) {
    %c0_i32 = arith.constant 0 : i32
    %c0_i32_0 = arith.constant 0 : i32
    return %arg0, %c0_i32 : i32, i32
  }
  func.func @transform_4(%arg0: i32) -> (i32, i32) {
    %c0_i32 = arith.constant 0 : i32
    %c0_i32_0 = arith.constant 0 : i32
    %c0_i32_1 = arith.constant 0 : i32
    return %c0_i32, %c0_i32_0 : i32, i32
  }
}

module attributes {stable_mosaic.version = 14 : i64} {
  func.func @body(%arg0: i32, %arg1: memref<2x1000x128xf32, #tpu.memory_space<vmem>>, %arg2: memref<2x1000x128xf32, #tpu.memory_space<vmem>>, %arg3: memref<1x128xf32, #tpu.memory_space<vmem>>, %arg4: memref<128x130xf32, #tpu.memory_space<vmem>>, %arg5: memref<1000x130xf32, #tpu.memory_space<vmem>>, %arg6: memref<1x130xf32, #tpu.memory_space<vmem>>) attributes {dimension_semantics = [#tpu.dimension_semantics<arbitrary>], iteration_bounds = array<i64: 10>, scalar_prefetch = 0 : i64, scratch_operands = 0 : i64, tpu.core_type = #tpu.core_type<tc>, window_params = [{transform_indices = @transform_0, window_bounds = array<i64: 2, 1000, 128>}, {transform_indices = @transform_1, window_bounds = array<i64: 2, 1000, 128>}, {pipeline_mode = #tpu.pipeline_mode<synchronous>, transform_indices = @transform_2, window_bounds = array<i64: 1, 128>}, {pipeline_mode = #tpu.pipeline_mode<synchronous>, transform_indices = @transform_3, window_bounds = array<i64: 128, 130>}, {transform_indices = @transform_4, window_bounds = array<i64: 1000, 130>}, {pipeline_mode = #tpu.pipeline_mode<synchronous>, transform_indices = @transform_5, window_bounds = array<i64: 1, 130>}]} {
    %get3A = arith.constant 0 : index
    %get3A_0 = arith.constant 0 : index
    %get3A_1 = arith.constant 0 : index
    %get3A_2 = vector.load %arg1[%get3A, %get3A_0, %get3A_1] : memref<2x1000x128xf32, #tpu.memory_space<vmem>>, vector<2x1000x128xf32>
    %get3A_3 = arith.constant 0 : index
    %get3A_4 = arith.constant 0 : index
    %get3A_5 = arith.constant 0 : index
    %get3A_6 = vector.load %arg2[%get3A_3, %get3A_4, %get3A_5] : memref<2x1000x128xf32, #tpu.memory_space<vmem>>, vector<2x1000x128xf32>
    %slice3A = vector.extract_strided_slice %get3A_2 {offsets = [0, 0, 0], sizes = [1, 1000, 128], strides = [1, 1, 1]} : vector<2x1000x128xf32> to vector<1x1000x128xf32>
    %squeeze3A = vector.shape_cast %slice3A : vector<1x1000x128xf32> to vector<1000x128xf32>
    %slice3A_7 = vector.extract_strided_slice %get3A_2 {offsets = [1, 0, 0], sizes = [1, 1000, 128], strides = [1, 1, 1]} : vector<2x1000x128xf32> to vector<1x1000x128xf32>
    %squeeze3A_8 = vector.shape_cast %slice3A_7 : vector<1x1000x128xf32> to vector<1000x128xf32>
    %add3A = arith.addf %squeeze3A, %squeeze3A_8 : vector<1000x128xf32>
    %slice3A_9 = vector.extract_strided_slice %get3A_6 {offsets = [0, 0, 0], sizes = [1, 1000, 128], strides = [1, 1, 1]} : vector<2x1000x128xf32> to vector<1x1000x128xf32>
    %squeeze3A_10 = vector.shape_cast %slice3A_9 : vector<1x1000x128xf32> to vector<1000x128xf32>
    %slice3A_11 = vector.extract_strided_slice %get3A_6 {offsets = [1, 0, 0], sizes = [1, 1000, 128], strides = [1, 1, 1]} : vector<2x1000x128xf32> to vector<1x1000x128xf32>
    %squeeze3A_12 = vector.shape_cast %slice3A_11 : vector<1x1000x128xf32> to vector<1000x128xf32>
    %add3A_13 = arith.addf %squeeze3A_10, %squeeze3A_12 : vector<1000x128xf32>
    %slice3A_14 = vector.extract_strided_slice %add3A {offsets = [0, 0], sizes = [1000, 64], strides = [1, 1]} : vector<1000x128xf32> to vector<1000x64xf32>
    %slice3A_15 = vector.extract_strided_slice %add3A_13 {offsets = [0, 0], sizes = [1000, 64], strides = [1, 1]} : vector<1000x128xf32> to vector<1000x64xf32>
    %concatenate3A = tpu.concatenate %slice3A_14, %slice3A_15 in 1 : vector<1000x64xf32>, vector<1000x64xf32> -> vector<1000x128xf32>
    %slice3A_16 = vector.extract_strided_slice %add3A {offsets = [0, 64], sizes = [1000, 4], strides = [1, 1]} : vector<1000x128xf32> to vector<1000x4xf32>
    %add3A_17 = arith.constant 1.000000e-16 : f32
    %add3A_18 = vector.broadcast %add3A_17 : f32 to vector<1000x4xf32>
    %add3A_19 = arith.addf %slice3A_16, %add3A_18 : vector<1000x4xf32>
    %div3A = arith.constant 1.000000e+00 : f32
    %div3A_20 = vector.broadcast %div3A : f32 to vector<1000x4xf32>
    %div3A_21 = arith.divf %div3A_20, %add3A_19 : vector<1000x4xf32>
    %slice3A_22 = vector.extract_strided_slice %concatenate3A {offsets = [0, 0], sizes = [1000, 32], strides = [1, 1]} : vector<1000x128xf32> to vector<1000x32xf32>
    %slice3A_23 = vector.extract_strided_slice %div3A_21 {offsets = [0, 0], sizes = [1000, 1], strides = [1, 1]} : vector<1000x4xf32> to vector<1000x1xf32>
    %mul3A = vector.broadcast %slice3A_23 : vector<1000x1xf32> to vector<1000x32xf32>
    %mul3A_24 = arith.mulf %slice3A_22, %mul3A : vector<1000x32xf32>
    %slice3A_25 = vector.extract_strided_slice %concatenate3A {offsets = [0, 32], sizes = [1000, 32], strides = [1, 1]} : vector<1000x128xf32> to vector<1000x32xf32>
    %slice3A_26 = vector.extract_strided_slice %div3A_21 {offsets = [0, 1], sizes = [1000, 1], strides = [1, 1]} : vector<1000x4xf32> to vector<1000x1xf32>
    %mul3A_27 = vector.broadcast %slice3A_26 : vector<1000x1xf32> to vector<1000x32xf32>
    %mul3A_28 = arith.mulf %slice3A_25, %mul3A_27 : vector<1000x32xf32>
    %slice3A_29 = vector.extract_strided_slice %concatenate3A {offsets = [0, 64], sizes = [1000, 32], strides = [1, 1]} : vector<1000x128xf32> to vector<1000x32xf32>
    %slice3A_30 = vector.extract_strided_slice %div3A_21 {offsets = [0, 2], sizes = [1000, 1], strides = [1, 1]} : vector<1000x4xf32> to vector<1000x1xf32>
    %mul3A_31 = vector.broadcast %slice3A_30 : vector<1000x1xf32> to vector<1000x32xf32>
    %mul3A_32 = arith.mulf %slice3A_29, %mul3A_31 : vector<1000x32xf32>
    %slice3A_33 = vector.extract_strided_slice %concatenate3A {offsets = [0, 96], sizes = [1000, 32], strides = [1, 1]} : vector<1000x128xf32> to vector<1000x32xf32>
    %slice3A_34 = vector.extract_strided_slice %div3A_21 {offsets = [0, 3], sizes = [1000, 1], strides = [1, 1]} : vector<1000x4xf32> to vector<1000x1xf32>
    %mul3A_35 = vector.broadcast %slice3A_34 : vector<1000x1xf32> to vector<1000x32xf32>
    %mul3A_36 = arith.mulf %slice3A_33, %mul3A_35 : vector<1000x32xf32>
    %concatenate3A_37 = tpu.concatenate %mul3A_24, %mul3A_28, %mul3A_32, %mul3A_36 in 1 : vector<1000x32xf32>, vector<1000x32xf32>, vector<1000x32xf32>, vector<1000x32xf32> -> vector<1000x128xf32>
    %get3A_38 = arith.constant 0 : index
    %get3A_39 = arith.constant 0 : index
    %get3A_40 = vector.load %arg3[%get3A_38, %get3A_39] : memref<1x128xf32, #tpu.memory_space<vmem>>, vector<1x128xf32>
    %add3A_41 = vector.broadcast %get3A_40 : vector<1x128xf32> to vector<1000x128xf32>
    %add3A_42 = arith.addf %concatenate3A_37, %add3A_41 : vector<1000x128xf32>
    %max3A = arith.constant 0.000000e+00 : f32
    %max3A_43 = vector.broadcast %max3A : f32 to vector<1000x128xf32>
    %max3A_44 = arith.maximumf %add3A_42, %max3A_43 : vector<1000x128xf32>
    %get3A_45 = arith.constant 0 : index
    %get3A_46 = arith.constant 0 : index
    %get3A_47 = vector.load %arg4[%get3A_45, %get3A_46] : memref<128x130xf32, #tpu.memory_space<vmem>>, vector<128x130xf32>
    %dot_general3A = arith.constant dense<0.000000e+00> : vector<1000x130xf32>
    %dot_general3A_48 = tpu.matmul %max3A_44, %get3A_47, %dot_general3A {dimension_numbers = #tpu.dot_dimension_numbers<[1], [0], [0], [1], [0, 0, 1, 1], [], []>, transpose_lhs_hint = false} : vector<1000x128xf32>, vector<128x130xf32>, vector<1000x130xf32> -> vector<1000x130xf32>
    %swap3A = arith.constant 0 : index
    %swap3A_49 = arith.constant 0 : index
    %swap3A_50 = vector.load %arg5[%swap3A, %swap3A_49] : memref<1000x130xf32, #tpu.memory_space<vmem>>, vector<1000x130xf32>
    tpu.vector_store %arg5[%swap3A, %swap3A_49], %dot_general3A_48 {strides = array<i32>} : memref<1000x130xf32, #tpu.memory_space<vmem>>, vector<1000x130xf32>,
    %reduce_max3A = arith.constant dense<0xFF800000> : vector<130xf32>
    %reduce_max3A_51 = vector.multi_reduction <maximumf>, %dot_general3A_48, %reduce_max3A [0] : vector<1000x130xf32> to vector<130xf32>
    %broadcast_in_dim3A = vector.shape_cast %reduce_max3A_51 : vector<130xf32> to vector<1x130xf32>
    %eq3A = arith.constant 0 : i32
    %eq3A_52 = arith.cmpi eq, %arg0, %eq3A : i32
    %convert_element_type3A = arith.extui %eq3A_52 : i1 to i32
    %cond3A = arith.constant 0 : i32
    %cond3A_53 = arith.cmpi ne, %convert_element_type3A, %cond3A : i32
    scf.if %cond3A_53 {
      %swap3A_58 = arith.constant 0 : index
      %swap3A_59 = arith.constant 0 : index
      %swap3A_60 = vector.load %arg6[%swap3A_58, %swap3A_59] : memref<1x130xf32, #tpu.memory_space<vmem>>, vector<1x130xf32>
      tpu.vector_store %arg6[%swap3A_58, %swap3A_59], %broadcast_in_dim3A {strides = array<i32>} : memref<1x130xf32, #tpu.memory_space<vmem>>, vector<1x130xf32>,
    } else {
    }
    %gt3A = arith.constant 0 : i32
    %gt3A_54 = arith.cmpi sgt, %arg0, %gt3A : i32
    %convert_element_type3A_55 = arith.extui %gt3A_54 : i1 to i32
    %cond3A_56 = arith.constant 0 : i32
    %cond3A_57 = arith.cmpi ne, %convert_element_type3A_55, %cond3A_56 : i32
    scf.if %cond3A_57 {
      %get3A_58 = arith.constant 0 : index
      %get3A_59 = arith.constant 0 : index
      %get3A_60 = vector.load %arg6[%get3A_58, %get3A_59] : memref<1x130xf32, #tpu.memory_space<vmem>>, vector<1x130xf32>
      %max3A_61 = arith.maximumf %get3A_60, %broadcast_in_dim3A : vector<1x130xf32>
      %swap3A_62 = arith.constant 0 : index
      %swap3A_63 = arith.constant 0 : index
      %swap3A_64 = vector.load %arg6[%swap3A_62, %swap3A_63] : memref<1x130xf32, #tpu.memory_space<vmem>>, vector<1x130xf32>
      tpu.vector_store %arg6[%swap3A_62, %swap3A_63], %max3A_61 {strides = array<i32>} : memref<1x130xf32, #tpu.memory_space<vmem>>, vector<1x130xf32>,
    } else {
    }
    return
  }
  func.func @transform_0(%arg0: i32) -> (i32, i32, i32) {
    %c0_i32 = arith.constant 0 : i32
    %c0_i32_0 = arith.constant 0 : i32
    %c0_i32_1 = arith.constant 0 : i32
    return %c0_i32, %arg0, %c0_i32_0 : i32, i32, i32
  }
  func.func @transform_1(%arg0: i32) -> (i32, i32, i32) {
    %c0_i32 = arith.constant 0 : i32
    %c0_i32_0 = arith.constant 0 : i32
    %c0_i32_1 = arith.constant 0 : i32
    return %c0_i32, %arg0, %c0_i32_0 : i32, i32, i32
  }
  func.func @transform_2(%arg0: i32) -> (i32, i32) {
    %c0_i32 = arith.constant 0 : i32
    %c0_i32_0 = arith.constant 0 : i32
    %c0_i32_1 = arith.constant 0 : i32
    return %c0_i32, %c0_i32_0 : i32, i32
  }
  func.func @transform_3(%arg0: i32) -> (i32, i32) {
    %c0_i32 = arith.constant 0 : i32
    %c0_i32_0 = arith.constant 0 : i32
    %c0_i32_1 = arith.constant 0 : i32
    return %c0_i32, %c0_i32_0 : i32, i32
  }
  func.func @transform_4(%arg0: i32) -> (i32, i32) {
    %c0_i32 = arith.constant 0 : i32
    %c0_i32_0 = arith.constant 0 : i32
    return %arg0, %c0_i32 : i32, i32
  }
  func.func @transform_5(%arg0: i32) -> (i32, i32) {
    %c0_i32 = arith.constant 0 : i32
    %c0_i32_0 = arith.constant 0 : i32
    %c0_i32_1 = arith.constant 0 : i32
    return %c0_i32, %c0_i32_0 : i32, i32
  }
}

module attributes {stable_mosaic.version = 14 : i64} {
  func.func @body(%arg0: i32, %arg1: memref<2x1000x128xf32, #tpu.memory_space<vmem>>, %arg2: memref<2x1000x128xf32, #tpu.memory_space<vmem>>, %arg3: memref<1x128xf32, #tpu.memory_space<vmem>>, %arg4: memref<1000x16xf32, #tpu.memory_space<vmem>>, %arg5: memref<16x128xf32, #tpu.memory_space<vmem>>, %arg6: memref<16x128xf32, #tpu.memory_space<vmem>>, %arg7: memref<16x128xf32, #tpu.memory_space<vmem>>) attributes {dimension_semantics = [#tpu.dimension_semantics<arbitrary>], iteration_bounds = array<i64: 10>, scalar_prefetch = 0 : i64, scratch_operands = 2 : i64, tpu.core_type = #tpu.core_type<tc>, window_params = [{transform_indices = @transform_0, window_bounds = array<i64: 2, 1000, 128>}, {transform_indices = @transform_1, window_bounds = array<i64: 2, 1000, 128>}, {pipeline_mode = #tpu.pipeline_mode<synchronous>, transform_indices = @transform_2, window_bounds = array<i64: 1, 128>}, {transform_indices = @transform_3, window_bounds = array<i64: 1000, 16>}, {pipeline_mode = #tpu.pipeline_mode<synchronous>, transform_indices = @transform_4, window_bounds = array<i64: 16, 128>}]} {
    %get3A = arith.constant 0 : index
    %get3A_0 = arith.constant 0 : index
    %get3A_1 = arith.constant 0 : index
    %get3A_2 = vector.load %arg1[%get3A, %get3A_0, %get3A_1] : memref<2x1000x128xf32, #tpu.memory_space<vmem>>, vector<2x1000x128xf32>
    %get3A_3 = arith.constant 0 : index
    %get3A_4 = arith.constant 0 : index
    %get3A_5 = arith.constant 0 : index
    %get3A_6 = vector.load %arg2[%get3A_3, %get3A_4, %get3A_5] : memref<2x1000x128xf32, #tpu.memory_space<vmem>>, vector<2x1000x128xf32>
    %slice3A = vector.extract_strided_slice %get3A_2 {offsets = [0, 0, 0], sizes = [1, 1000, 128], strides = [1, 1, 1]} : vector<2x1000x128xf32> to vector<1x1000x128xf32>
    %squeeze3A = vector.shape_cast %slice3A : vector<1x1000x128xf32> to vector<1000x128xf32>
    %slice3A_7 = vector.extract_strided_slice %get3A_2 {offsets = [1, 0, 0], sizes = [1, 1000, 128], strides = [1, 1, 1]} : vector<2x1000x128xf32> to vector<1x1000x128xf32>
    %squeeze3A_8 = vector.shape_cast %slice3A_7 : vector<1x1000x128xf32> to vector<1000x128xf32>
    %add3A = arith.addf %squeeze3A, %squeeze3A_8 : vector<1000x128xf32>
    %slice3A_9 = vector.extract_strided_slice %get3A_6 {offsets = [0, 0, 0], sizes = [1, 1000, 128], strides = [1, 1, 1]} : vector<2x1000x128xf32> to vector<1x1000x128xf32>
    %squeeze3A_10 = vector.shape_cast %slice3A_9 : vector<1x1000x128xf32> to vector<1000x128xf32>
    %slice3A_11 = vector.extract_strided_slice %get3A_6 {offsets = [1, 0, 0], sizes = [1, 1000, 128], strides = [1, 1, 1]} : vector<2x1000x128xf32> to vector<1x1000x128xf32>
    %squeeze3A_12 = vector.shape_cast %slice3A_11 : vector<1x1000x128xf32> to vector<1000x128xf32>
    %add3A_13 = arith.addf %squeeze3A_10, %squeeze3A_12 : vector<1000x128xf32>
    %slice3A_14 = vector.extract_strided_slice %add3A {offsets = [0, 0], sizes = [1000, 64], strides = [1, 1]} : vector<1000x128xf32> to vector<1000x64xf32>
    %slice3A_15 = vector.extract_strided_slice %add3A_13 {offsets = [0, 0], sizes = [1000, 64], strides = [1, 1]} : vector<1000x128xf32> to vector<1000x64xf32>
    %concatenate3A = tpu.concatenate %slice3A_14, %slice3A_15 in 1 : vector<1000x64xf32>, vector<1000x64xf32> -> vector<1000x128xf32>
    %slice3A_16 = vector.extract_strided_slice %add3A {offsets = [0, 64], sizes = [1000, 1], strides = [1, 1]} : vector<1000x128xf32> to vector<1000x1xf32>
    %add3A_17 = arith.constant 1.000000e-16 : f32
    %add3A_18 = vector.broadcast %add3A_17 : f32 to vector<1000x1xf32>
    %add3A_19 = arith.addf %slice3A_16, %add3A_18 : vector<1000x1xf32>
    %div3A = arith.constant 1.000000e+00 : f32
    %div3A_20 = vector.broadcast %div3A : f32 to vector<1000x1xf32>
    %div3A_21 = arith.divf %div3A_20, %add3A_19 : vector<1000x1xf32>
    %mul3A = vector.broadcast %div3A_21 : vector<1000x1xf32> to vector<1000x128xf32>
    %mul3A_22 = arith.mulf %concatenate3A, %mul3A : vector<1000x128xf32>
    %get3A_23 = arith.constant 0 : index
    %get3A_24 = arith.constant 0 : index
    %get3A_25 = vector.load %arg3[%get3A_23, %get3A_24] : memref<1x128xf32, #tpu.memory_space<vmem>>, vector<1x128xf32>
    %add3A_26 = vector.broadcast %get3A_25 : vector<1x128xf32> to vector<1000x128xf32>
    %add3A_27 = arith.addf %mul3A_22, %add3A_26 : vector<1000x128xf32>
    %get3A_28 = arith.constant 0 : index
    %get3A_29 = arith.constant 0 : index
    %get3A_30 = vector.load %arg4[%get3A_28, %get3A_29] : memref<1000x16xf32, #tpu.memory_space<vmem>>, vector<1000x16xf32>
    %dot_general3A = arith.constant dense<0.000000e+00> : vector<16x128xf32>
    %dot_general3A_31 = tpu.matmul %get3A_30, %add3A_27, %dot_general3A {dimension_numbers = #tpu.dot_dimension_numbers<[0], [0], [1], [1], [0, 1, 1, 1], [], []>, transpose_lhs_hint = false} : vector<1000x16xf32>, vector<1000x128xf32>, vector<16x128xf32> -> vector<16x128xf32>
    %reduce_sum3A = arith.constant dense<0.000000e+00> : vector<16xf32>
    %reduce_sum3A_32 = vector.multi_reduction <add>, %get3A_30, %reduce_sum3A [0] : vector<1000x16xf32> to vector<16xf32>
    %broadcast_in_dim3A = vector.shape_cast %reduce_sum3A_32 : vector<16xf32> to vector<16x1xf32>
    %broadcast_in_dim3A_33 = vector.shape_cast %broadcast_in_dim3A : vector<16x1xf32> to vector<16x1xf32>
    %broadcast_in_dim3A_34 = vector.broadcast %broadcast_in_dim3A_33 : vector<16x1xf32> to vector<16x128xf32>
    %eq3A = arith.constant 0 : i32
    %eq3A_35 = arith.cmpi eq, %arg0, %eq3A : i32
    %convert_element_type3A = arith.extui %eq3A_35 : i1 to i32
    %cond3A = arith.constant 0 : i32
    %cond3A_36 = arith.cmpi ne, %convert_element_type3A, %cond3A : i32
    scf.if %cond3A_36 {
      %swap3A = arith.constant 0 : index
      %swap3A_46 = arith.constant 0 : index
      %swap3A_47 = vector.load %arg6[%swap3A, %swap3A_46] : memref<16x128xf32, #tpu.memory_space<vmem>>, vector<16x128xf32>
      tpu.vector_store %arg6[%swap3A, %swap3A_46], %dot_general3A_31 {strides = array<i32>} : memref<16x128xf32, #tpu.memory_space<vmem>>, vector<16x128xf32>,
      %swap3A_48 = arith.constant 0 : index
      %swap3A_49 = arith.constant 0 : index
      %swap3A_50 = vector.load %arg7[%swap3A_48, %swap3A_49] : memref<16x128xf32, #tpu.memory_space<vmem>>, vector<16x128xf32>
      tpu.vector_store %arg7[%swap3A_48, %swap3A_49], %broadcast_in_dim3A_34 {strides = array<i32>} : memref<16x128xf32, #tpu.memory_space<vmem>>, vector<16x128xf32>,
    } else {
    }
    %gt3A = arith.constant 0 : i32
    %gt3A_37 = arith.cmpi sgt, %arg0, %gt3A : i32
    %convert_element_type3A_38 = arith.extui %gt3A_37 : i1 to i32
    %cond3A_39 = arith.constant 0 : i32
    %cond3A_40 = arith.cmpi ne, %convert_element_type3A_38, %cond3A_39 : i32
    scf.if %cond3A_40 {
      %get3A_46 = arith.constant 0 : index
      %get3A_47 = arith.constant 0 : index
      %get3A_48 = vector.load %arg6[%get3A_46, %get3A_47] : memref<16x128xf32, #tpu.memory_space<vmem>>, vector<16x128xf32>
      %add3A_49 = arith.addf %get3A_48, %dot_general3A_31 : vector<16x128xf32>
      %swap3A = arith.constant 0 : index
      %swap3A_50 = arith.constant 0 : index
      %swap3A_51 = vector.load %arg6[%swap3A, %swap3A_50] : memref<16x128xf32, #tpu.memory_space<vmem>>, vector<16x128xf32>
      tpu.vector_store %arg6[%swap3A, %swap3A_50], %add3A_49 {strides = array<i32>} : memref<16x128xf32, #tpu.memory_space<vmem>>, vector<16x128xf32>,
      %get3A_52 = arith.constant 0 : index
      %get3A_53 = arith.constant 0 : index
      %get3A_54 = vector.load %arg7[%get3A_52, %get3A_53] : memref<16x128xf32, #tpu.memory_space<vmem>>, vector<16x128xf32>
      %add3A_55 = arith.addf %get3A_54, %broadcast_in_dim3A_34 : vector<16x128xf32>
      %swap3A_56 = arith.constant 0 : index
      %swap3A_57 = arith.constant 0 : index
      %swap3A_58 = vector.load %arg7[%swap3A_56, %swap3A_57] : memref<16x128xf32, #tpu.memory_space<vmem>>, vector<16x128xf32>
      tpu.vector_store %arg7[%swap3A_56, %swap3A_57], %add3A_55 {strides = array<i32>} : memref<16x128xf32, #tpu.memory_space<vmem>>, vector<16x128xf32>,
    } else {
    }
    %eq3A_41 = arith.constant 9 : i32
    %eq3A_42 = arith.cmpi eq, %arg0, %eq3A_41 : i32
    %convert_element_type3A_43 = arith.extui %eq3A_42 : i1 to i32
    %cond3A_44 = arith.constant 0 : i32
    %cond3A_45 = arith.cmpi ne, %convert_element_type3A_43, %cond3A_44 : i32
    scf.if %cond3A_45 {
      %get3A_46 = arith.constant 0 : index
      %get3A_47 = arith.constant 0 : index
      %get3A_48 = vector.load %arg6[%get3A_46, %get3A_47] : memref<16x128xf32, #tpu.memory_space<vmem>>, vector<16x128xf32>
      %get3A_49 = arith.constant 0 : index
      %get3A_50 = arith.constant 0 : index
      %get3A_51 = vector.load %arg7[%get3A_49, %get3A_50] : memref<16x128xf32, #tpu.memory_space<vmem>>, vector<16x128xf32>
      %max3A = arith.constant 1.000000e+00 : f32
      %max3A_52 = vector.broadcast %max3A : f32 to vector<16x128xf32>
      %max3A_53 = arith.maximumf %get3A_51, %max3A_52 : vector<16x128xf32>
      %div3A_54 = arith.divf %get3A_48, %max3A_53 : vector<16x128xf32>
      %logistic3A = arith.negf %div3A_54 : vector<16x128xf32>
      %logistic3A_55 = math.exp %logistic3A : vector<16x128xf32>
      %logistic3A_56 = arith.constant 1.000000e+00 : f32
      %logistic3A_57 = vector.broadcast %logistic3A_56 : f32 to vector<16x128xf32>
      %logistic3A_58 = arith.addf %logistic3A_57, %logistic3A_55 : vector<16x128xf32>
      %logistic3A_59 = arith.divf %logistic3A_57, %logistic3A_58 : vector<16x128xf32>
      %swap3A = arith.constant 0 : index
      %swap3A_60 = arith.constant 0 : index
      %swap3A_61 = vector.load %arg5[%swap3A, %swap3A_60] : memref<16x128xf32, #tpu.memory_space<vmem>>, vector<16x128xf32>
      tpu.vector_store %arg5[%swap3A, %swap3A_60], %logistic3A_59 {strides = array<i32>} : memref<16x128xf32, #tpu.memory_space<vmem>>, vector<16x128xf32>,
    } else {
    }
    return
  }
  func.func @transform_0(%arg0: i32) -> (i32, i32, i32) {
    %c0_i32 = arith.constant 0 : i32
    %c0_i32_0 = arith.constant 0 : i32
    %c0_i32_1 = arith.constant 0 : i32
    return %c0_i32, %arg0, %c0_i32_0 : i32, i32, i32
  }
  func.func @transform_1(%arg0: i32) -> (i32, i32, i32) {
    %c0_i32 = arith.constant 0 : i32
    %c0_i32_0 = arith.constant 0 : i32
    %c0_i32_1 = arith.constant 0 : i32
    return %c0_i32, %arg0, %c0_i32_0 : i32, i32, i32
  }
  func.func @transform_2(%arg0: i32) -> (i32, i32) {
    %c0_i32 = arith.constant 0 : i32
    %c0_i32_0 = arith.constant 0 : i32
    %c0_i32_1 = arith.constant 0 : i32
    return %c0_i32, %c0_i32_0 : i32, i32
  }
  func.func @transform_3(%arg0: i32) -> (i32, i32) {
    %c0_i32 = arith.constant 0 : i32
    %c0_i32_0 = arith.constant 0 : i32
    return %arg0, %c0_i32 : i32, i32
  }
  func.func @transform_4(%arg0: i32) -> (i32, i32) {
    %c0_i32 = arith.constant 0 : i32
    %c0_i32_0 = arith.constant 0 : i32
    %c0_i32_1 = arith.constant 0 : i32
    return %c0_i32, %c0_i32_0 : i32, i32
  }
}

</mosaic_0001>

<sc_bundles>
// kernel: kernel.14.cloned.1.call-start
scs
__scs_entry_jumppad:
0x0: {  	(pc) =	sbr.rel $0x88, $3  }
0x1: {  	(tag) =	ssettag $0x0;
	lr =	simm.s32 $0x1  }
0x2: {  	[smem:$0x3F92] =	sst lr;
	_ =	strace $0xD0000000  }
0x3: {  	_ = 	snop  }
0x4: {  	_ = 	snop  }
0x5: {  	_ = 	snop  }
0x6: {  	_ = 	snop  }
0x7: {  	_ = 	snop  }
__scs_overlays_trampoline_lowered:
0x8: {  	[smem:$0x3FA1] =	sst s0  }
0x9: {  	[smem:$0x3FA2] =	sst s1  }
0xa: {  	[smem:$0x3FA3] =	sst s2  }
0xb: {  	[smem:$0x3FA4] =	sst s3  }
0xc: {  	[smem:$0x3FA5] =	sst s4  }
0xd: {  	[smem:$0x3FA6] =	sst s5  }
0xe: {  	[smem:$0x3FA7] =	sst s6  }
0xf: {  	[smem:$0x3FA8] =	sst s7  }
0x10: {  	[smem:$0x3FA9] =	sst s8  }
0x11: {  	[smem:$0x3FAA] =	sst s9;
	s0 =	simm.s32 @!p0 $0x0  }
0x12: {  	s1 =	sld [smem:$0x3F90];
	s0 =	simm.s32 @p0 $0x1  }
0x13: {  	[smem:$0x3FAB] =	sst s0;
	s0 =	simm.s32 @!p1 $0x0  }
0x14: {  	s2 =	sld [smem:$0x3F8F];
	s0 =	simm.s32 @p1 $0x1  }
0x15: {  	[smem:$0x3FAC] =	sst s0;
	s0 =	simm.s32 @!p2 $0x0  }
0x16: {  	s3 =	sld [smem:$0x3FDB];
	s0 =	simm.s32 @p2 $0x1  }
0x17: {  	s4 =	simm.s32 $0x1BF5;
	[smem:$0x3FAE] =	sst s0  }
0x18: {  	s0 =	sld [smem:$0x3F91];
	_ =	swait.ge [sflag:s4], $0x0  }
0x19: {  	s7 =	sld [smem:$0x3F92]  }
0x1a: {  	s8 =	sadd.s32 $0xFFFFE003, lr  }
0x1b: {  	s9 =	sadd.s32 $0xFFFFFEF7, lr;
	s5 =	simm.s32 $0xFFFFFFFF;
	p2 =	slt.u32 s8, $0xFFFFF086  }
0x1c: {  	p1 =	slt.u32 s9, $0xF7A;
	s5 =	simm.s32 @!p2 $0x0  }
0x1d: {  	s5 =	simm.s32 @p1 $0x1;
	p0 =	seq.s32 s7, s2  }
0x1e: {  	s7 =	smul.u32 @!p0 $0xF7A, s2;
	p2 =	seq.s32 @!p0 s5, $0x0  }
0x1f: {  	s9 =	smul.u32 $0xF7A, s1;
	s8 =	simm.s32 @!p0 $0x1BF5;
	p2 =	por !p2, p0  }
0x20: {  	[sflag:s8] =	ssyncset.s32 @!p0 $0xFFFFF086;
	s6 =	sadd.s32 @!p0 s3, s7;
	s7 =	simm.s32 @!p0 $0x108  }
0x21: {  	s3 =	sadd.s32 s3, s9;
	s6 =	sadd.s32 @!p0 $0x88, s6;
	s7 =	simm.s32 @p2 $0x1082  }
0x22: {  	[simem:s7], [sflag:s8] =	dma.local @!p0 [hbm:s6], $0xF7A  }
0x23: {  	s9 =	sor.u32 $0xD0000000, s2;
	s6 =	simm.s32 $0x108;
	_ =	swait.ge @!p0 [sflag:s8], $0x0  }
0x24: {  	s3 =	sadd.s32 $0x88, s3;
	s6 =	simm.s32 @!p1 $0x1082;
	[sflag:s4] =	ssyncset.s32 $0xFFFFF086  }
0x25: {  	[simem:s6], [sflag:s4] =	dma.local [hbm:s3], $0xF7A  }
0x26: {  	[smem:$0x3F92] =	sst s1;
	(tag) =	ssettag s2;
	_ =	strace s9  }
0x27: {  	s1 =	sld [smem:$0x3FA2]  }
0x28: {  	s2 =	sld [smem:$0x3FA3]  }
0x29: {  	s4 =	sld [smem:$0x3FA5]  }
0x2a: {  	p0 =	seq.s32 s5, $0x0;
	s5 =	sld [smem:$0x3FA6]  }
0x2b: {  	s6 =	sld [smem:$0x3FA7]  }
0x2c: {  	s7 =	sld [smem:$0x3FA8]  }
0x2d: {  	s3 =	simm.s32 $0x108;
	s8 =	sld [smem:$0x3FA9]  }
0x2e: {  	s3 =	simm.s32 @!p0 $0x1082;
	s9 =	sld [smem:$0x3FAA]  }
0x2f: {  	lr =	sadd.s32 s0, s3;
	s0 =	sld [smem:$0x3FA1]  }
0x30: {  	s3 =	sld [smem:$0x3FA4]  }
0x31: {  	[smem:$0x3FAD] =	sst s10  }
0x32: {  	s10 =	sld [smem:$0x3FAB];
	_ =	sdelay $0x3  }
0x33: {  	p0 =	seq.s32 s10, $0x1;
	s10 =	sld [smem:$0x3FAD];
	_ =	sdelay $0x3  }
0x34: {  	[smem:$0x3FAD] =	sst s10  }
0x35: {  	s10 =	sld [smem:$0x3FAC];
	_ =	sdelay $0x3  }
0x36: {  	p1 =	seq.s32 s10, $0x1;
	s10 =	sld [smem:$0x3FAD];
	_ =	sdelay $0x3  }
0x37: {  	[smem:$0x3FAD] =	sst s10  }
0x38: {  	s10 =	sld [smem:$0x3FAE]  }
0x39: {  	_ = 	snop;
	(pc) =	sbr.ind lr, $3  }
0x3a: {  	_ = 	snop  }
0x3b: {  	_ = 	snop  }
0x3c: {  	p2 =	seq.s32 s10, $0x1;
	s10 =	sld [smem:$0x3FAD]  }
0x3d: {  	_ =	shalt  }
0x3e: {  	_ =	shalt  }
0x3f: {  	_ =	shalt  }
0x40: {  	_ =	shalt  }
0x41: {  	_ =	shalt  }
0x42: {  	_ =	shalt  }
0x43: {  	_ =	shalt  }
0x44: {  	_ =	shalt  }
0x45: {  	_ =	shalt  }
0x46: {  	_ =	shalt  }
0x47: {  	_ =	shalt  }
0x48: {  	_ =	shalt  }
0x49: {  	_ =	shalt  }
0x4a: {  	_ =	shalt  }
0x4b: {  	_ =	shalt  }
0x4c: {  	_ =	shalt  }
0x4d: {  	_ =	shalt  }
0x4e: {  	_ =	shalt  }
0x4f: {  	_ =	shalt  }
0x50: {  	_ =	shalt  }
0x51: {  	_ =	shalt  }
0x52: {  	_ =	shalt  }
0x53: {  	_ =	shalt  }
0x54: {  	_ =	shalt  }
0x55: {  	_ =	shalt  }
0x56: {  	_ =	shalt  }
0x57: {  	_ =	shalt  }
0x58: {  	_ =	shalt  }
0x59: {  	_ =	shalt  }
0x5a: {  	_ =	shalt  }
0x5b: {  	_ =	shalt  }
0x5c: {  	_ =	shalt  }
0x5d: {  	_ =	shalt  }
0x5e: {  	_ =	shalt  }
0x5f: {  	_ =	shalt  }
0x60: {  	_ =	shalt  }
0x61: {  	_ =	shalt  }
0x62: {  	_ =	shalt  }
0x63: {  	_ =	shalt  }
0x64: {  	_ =	shalt  }
0x65: {  	_ =	shalt  }
0x66: {  	_ =	shalt  }
0x67: {  	_ =	shalt  }
0x68: {  	_ =	shalt  }
0x69: {  	_ =	shalt  }
0x6a: {  	_ =	shalt  }
0x6b: {  	_ =	shalt  }
0x6c: {  	_ =	shalt  }
0x6d: {  	_ =	shalt  }
0x6e: {  	_ =	shalt  }
0x6f: {  	_ =	shalt  }
0x70: {  	_ =	shalt  }
0x71: {  	_ =	shalt  }
0x72: {  	_ =	shalt  }
0x73: {  	_ =	shalt  }
0x74: {  	_ =	shalt  }
0x75: {  	_ =	shalt  }
0x76: {  	_ =	shalt  }
0x77: {  	_ =	shalt  }
0x78: {  	_ =	shalt  }
0x79: {  	_ =	shalt  }
0x7a: {  	_ =	shalt  }
0x7b: {  	_ =	shalt  }
0x7c: {  	_ =	shalt  }
0x7d: {  	_ =	shalt  }
0x7e: {  	_ =	shalt  }
0x7f: {  	_ =	shalt  }
0x80: {  	_ =	shalt  }
0x81: {  	_ =	shalt  }
0x82: {  	_ =	shalt  }
0x83: {  	_ =	shalt  }
0x84: {  	_ =	shalt  }
0x85: {  	_ =	shalt  }
0x86: {  	_ =	shalt  }
0x87: {  	_ =	shalt  }
.Lfunc_end0:
.L_simem_size_0:
called_computation_lowered:
.L_overlay_start_0:
0x88: {  	s2 =	sld [smem:$0x3FD9]  }
0x89: {  	s3 =	sld [smem:$0x3FFE];
	_ =	sdelay $0x1  }
0x8a: {  	s1 =	srdreg.scid  }
0x8b: {  	s0 =	sand.u32 $0x1, s1  }
0x8c: {  	s17 =	sshll.u32 s0, $0xA;
	s2 =	sadd.s32 s3, s2  }
0x8d: {  	s2 =	sadd.s32 s2, s17  }
0x8e: {  	[smem:$0x3FB9] =	sst s2  }
0x8f: {  	_ = 	snop  }
0x90: {  	s2 =	sld [smem:$0x3FD0];
	(tm) =	ssettm $0x1  }
0x91: {  	s18 =	sld [smem:$0x3FFB];
	_ =	sdelay $0x3  }
0x92: {  	_ =	strace s18  }
0x93: {  	s3 =	sld [smem:$0x3FFC];
	_ =	sdelay $0x3  }
0x94: {  	_ =	strace s3  }
0x95: {  	s3 =	sld [smem:$0x3FFD];
	_ =	sdelay $0x3  }
0x96: {  	_ =	strace s3  }
0x97: {  	_ =	strace $0x8FFFFFFF  }
0x98: {  	s19 =	sld [smem:$0x3FDB];
	_ =	sdelay $0x1  }
0x99: {  	s4 =	simm.s32 $_scs_section_size  }
0x9a: {  	s5 =	simm.s32 $_size__tile_overlayer_lowered;
	s6 =	simm.s32 $_tile_overlayer_lowered  }
0x9b: {  	s22 =	simm.s32 $0x1BFF;
	s21 =	sshll.u32 s6, $0x1;
	s3 =	sadd.s32 s4, s19  }
0x9c: {  	s7 =	simm.s32 $0x0;
	s20 =	sshll.u32 s5, $0x1;
	s5 =	sadd.s32 s21, s3  }
0x9d: {  	[timem:s7], [sflag:s22] =	dma.local [hbm:s5], s20  }
0x9e: {  	_ =	swait.ge [sflag:s22], s20  }
0x9f: {  	s4 =	ssub.s32 $0x0, s20;
	[sflag:s22] =	ssyncset.done $0x0  }
0xa0: {  	[sflag:s22] =	ssyncadd.s32 s4;
	_ =	sdelay $0x1  }
0xa1: {  	s23 =	simm.s32 $0x1B8B  }
0xa2: {  	_ =	swait.ge [sflag:s23], $0x1  }
0xa3: {  	[sflag:s23] =	ssyncset.done $0x0  }
0xa4: {  	s25 =	simm.s32 $0x1B8E;
	s24 =	sld [smem:$0x3FFE];
	[sflag:s23] =	ssyncadd.s32 $0xFFFFFFFF  }
0xa5: {  	s26 =	simm.s32 $execute0_lowered;
	[smem:$0x3FD2] =	sst s25  }
0xa6: {  	s5 =	sshll.u32 s26, $0x1;
	_ =	strace $0x80000046;
	[dreg:$0x1] =	wrdreg $0xFFFFFFFF  }
0xa7: {  	s28 =	simm.s32 $_size_execute0_lowered;
	s3 =	sadd.s32 s3, s5;
	[dreg:$0x0] =	wrdreg $0x0  }
0xa8: {  	s5 =	sshll.u32 s28, $0x1;
	[dreg:$0x2] =	wrdreg s3  }
0xa9: {  	[dreg:$0x3] =	wrdreg s5  }
0xaa: {  	[dreg:$0x4] =	wrdreg $0xC0  }
0xab: {  	_ =	task [dreg:s7], $0x5FFFF  }
0xac: {  	[dreg:$0x1] =	wrdreg $0xFFFFFFFF  }
0xad: {  	[dreg:$0x0] =	wrdreg $0x60  }
0xae: {  	[dreg:$0x2] =	wrdreg s24  }
0xaf: {  	[dreg:$0x3] =	wrdreg s2  }
0xb0: {  	[dreg:$0x4] =	wrdreg $0x9  }
0xb1: {  	_ =	task.clear_ibuf [dreg:s7], $0x5FFFF;
	_ =	strace $0x90000046  }
0xb2: {  	s29 =	simm.s32 $0x9;
	_ =	strace $0x80000048  }
0xb3: {  	_ =	swait.ge [sflag:s29], $0x1  }
0xb4: {  	[sflag:s29] =	ssyncadd.s32 $0xFFFFFFFF  }
0xb5: {  	_ =	strace $0x90000048  }
0xb6: {  	_ =	sfence  }
0xb7: {  	s30 =	sld [smem:$0x0];
	_ =	sdelay $0x2  }
0xb8: {  	s31 =	sshll.u32 s1, $0xD;
	s1 =	sshrl.u32 s1, $0x2  }
0xb9: {  	s3 =	sand.u32 $0x4000, s31;
	s1 =	sadd.s32 s1, s30  }
0xba: {  	s0 =	sor.u32 s3, s0;
	s1 =	sshll.u32 s1, $0x11  }
0xbb: {  	s0 =	sor.u32 s1, s0  }
0xbc: {  	s0 =	sadd.s32 $0x8F2B, s0  }
0xbd: {  	[sflag:s0] =	ssyncadd.remote.s32 $0x1  }
0xbe: {  	_ =	sfence.sel $0xFFFF  }
0xbf: {  	[dreg:$0x0] =	wrdreg $0xFFFFFFFF;
	(pc) =	sbr.abs _section_cstart, $3  }
0xc0: {  	[dreg:$0x1] =	wrdreg $0xFFFFFFFF  }
0xc1: {  	_ =	task.clear_ibuf [dreg:s7], $0x2FFFF;
	_ =	strace $0x9FFFFFFF  }
0xc2: {  	(tm) =	ssettm $0x7FFFFFFF  }
0xc3: {  	_ =	shalt  }
tec
execute0_lowered:
.L_overlay_start_1:
0x0: {  	(tag) =	ssettag $0x1  }
0x1: {  	s0 =	srdreg.scid;
	s7 =	rddreg [dreg:$0x0]  }
0x2: {  	s2 =	rddreg [dreg:$0x1];
	s3 =	simm.s32 $0x0;
	s13 =	simm.s32 $0x5800  }
0x3: {  	s14 =	simm.s32 $0xF480;
	s15 =	simm.s32 $0x19100;
	s16 =	simm.s32 $0x19300  }
0x4: {  	s17 =	simm.s32 $0x0;
	s6 =	sand.u32 $0x1, s0;
	s0 =	stileid.u32  }
0x5: {  	[smem:$0x7FF] =	sst s3;
	s5 =	sadd.s32 $0x1D200, s7;
	s1 =	sshll.u32 s6, $0x4  }
0x6: {  	s10 =	ssub.s32 $0x2, s6;
	s11 =	smul.u32 $0x28800, s6;
	s6 =	sadd.s32 $0x1E600, s7  }
0x7: {  	s12 =	smul.u32 $0x2880, s0;
	s9 =	sor.u32 s0, s1;
	s1 =	rddreg [dreg:$0x2]  }
0x8: {  	_ =	strace $0x80000047;
	s31 =	sshrl.u32 s10, $0x1;
	s4 =	smul.u32 $0x580, s9  }
0x9: {  	s10 =	ssub.s32 s10, s31;
	s9 =	smul.u32 $0x51, s9;
	s11 =	sadd.s32 s12, s11  }
0xa: {  	s12 =	simm.s32 $0x1;
	s10 =	smax.u32 s10, $0x1;
	s8 =	sadd.s32 s4, s7  }
0xb: {  	s4 =	sadd.s32 $0x1BE00, s7;
	s7 =	sadd.s32 $0x5E00, s8;
	s8 =	sadd.s32 $0x10E00, s8  }
.LBB2_1:
0xc: {  	[tilespmem:s3], [sflag:$0x1] =	stream.linear.gather [hbm4b:s7+s3], $0x2880, $0x38;
	[tilespmem:$0x19500] =	vst v63  }
0xd: {  	_ =	swait.ge [sflag:s12], $0x2880  }
0xe: {  	[sflag:s12] =	ssyncset.done $0x0  }
0xf: {  	s18 =	simm.s32 $0x2C00;
	[sflag:s12] =	ssyncadd.s32 $0xFFFFD780  }
0x10: {  	[tilespmem:s18], [sflag:$0x1] =	stream.linear.gather [hbm4b:s8+s3], $0x2880, $0x38;
	[tilespmem:$0x19500] =	vst v63  }
0x11: {  	_ =	swait.ge [sflag:s12], $0x2880  }
0x12: {  	[sflag:s12] =	ssyncset.done $0x0  }
0x13: {  	[sflag:s12] =	ssyncadd.s32 $0xFFFFD780  }
0x14: {  	[tilespmem:s13], [sflag:$0x1] =	stream.linear.gather [hbm4b:s4+s3], $0x9C80, $0x38;
	[tilespmem:$0x19500] =	vst v63  }
0x15: {  	_ =	swait.ge [sflag:s12], $0x9C80  }
0x16: {  	[sflag:s12] =	ssyncset.done $0x0  }
0x17: {  	[sflag:s12] =	ssyncadd.s32 $0xFFFF6380  }
0x18: {  	[tilespmem:s14], [sflag:$0x1] =	stream.linear.gather [hbm4b:s5+s3], $0x9C80, $0x38;
	[tilespmem:$0x19500] =	vst v63  }
0x19: {  	_ =	swait.ge [sflag:s12], $0x9C80  }
0x1a: {  	[sflag:s12] =	ssyncset.done $0x0  }
0x1b: {  	[sflag:s12] =	ssyncadd.s32 $0xFFFF6380  }
0x1c: {  	[tilespmem:s15], [sflag:$0x1] =	stream.linear.gather [hbm4b:s2+s3], $0x200, $0x38;
	[tilespmem:$0x19500] =	vst v63  }
0x1d: {  	_ =	swait.ge [sflag:s12], $0x200  }
0x1e: {  	s19 =	simm.s32 $0x0;
	[sflag:s12] =	ssyncset.done $0x0  }
0x1f: {  	s20 =	smov.u32 s11;
	s21 =	simm.s32 $0x0;
	[sflag:s12] =	ssyncadd.s32 $0xFFFFFE00  }
.LBB2_2:
0x20: {  	v0 =	vmov s19  }
0x21: {  	v1 =	vmov s18;
	_ =	sdelay $0x2  }
0x22: {  	s22 =	simm.s32 $0x0  }
0x23: {  	v2 =	vld.idx.msk [tilespmem:v0+s22+$0x0 ss:$0x1], $0xffff  }
0x24: {  	v3 =	vld.idx.msk [tilespmem:v1+s22+$0x0 ss:$0x1], $0xffff;
	_ =	sdelay $0x3  }
0x25: {  	v2 =	vshll.u32 v2, $0x2  }
0x26: {  	v3 =	vshll.u32 v3, $0x2;
	_ =	sdelay $0x2  }
0x27: {  	v6 =	vld [tilespmem:$0x19100]  }
0x28: {  	v4 =	vld.idx.msk [tilespmem:v2+s13+$0x0], $0xffff  }
0x29: {  	v5 =	vld.idx.msk [tilespmem:v3+s14+$0x0], $0xffff;
	_ =	sdelay $0x4  }
0x2a: {  	v4 =	vadd.f32 v5, v4;
	v5 =	vadd.f32 v6, v5;
	_ =	sdelay $0x1  }
0x2b: {  	v51 =	vmin.f32 v4, $0.0e+00;
	v7 =	vmin.f32 v5, $0.0e+00  }
0x2c: {  	v6 =	vmul.f32 $2.000000030e-01, v51;
	v7 =	vmul.f32 $2.000000030e-01, v7  }
0x2d: {  	v4 =	vmax.f32 v4, $0.0e+00;
	v5 =	vmax.f32 v5, $0.0e+00  }
0x2e: {  	v4 =	vadd.f32 v6, v4;
	v5 =	vadd.f32 v7, v5;
	_ =	sdelay $0x1  }
0x2f: {  	v4 =	vsub.f32 v4, v5;
	_ =	sdelay $0x1  }
0x30: {  	v4 =	vmul.f32 $1.442695020e+00, v4;
	_ =	sdelay $0x1  }
0x31: {  	(erf) = vpow2.f32 v4;
	_ =	sdelay $0x6  }
0x32: {  	v52 =	vor.u32 $0x1, v2  }
0x33: {  	v53 =	vor.u32 $0x1, v3  }
0x34: {  	p0 =	slt.u32 s20, $0x50910;
	v54 =	vpop (erf)  }
0x35: {  	v6 =	vpsel !p0, $0x0, v54  }
0x36: {  	[tilespmem:s22+$0x19300] =	vst v6  }
0x37: {  	v4 =	vld.idx.msk [tilespmem:v52+s13+$0x0], $0xffff  }
0x38: {  	v5 =	vld.idx.msk [tilespmem:v53+s14+$0x0], $0xffff  }
0x39: {  	v6 =	vld [tilespmem:$0x19180];
	_ =	sdelay $0x4  }
0x3a: {  	v4 =	vadd.f32 v5, v4;
	v5 =	vadd.f32 v6, v5;
	_ =	sdelay $0x1  }
0x3b: {  	v55 =	vmin.f32 v4, $0.0e+00;
	v56 =	vmin.f32 v5, $0.0e+00  }
0x3c: {  	v6 =	vmul.f32 $2.000000030e-01, v55;
	v7 =	vmul.f32 $2.000000030e-01, v56  }
0x3d: {  	v4 =	vmax.f32 v4, $0.0e+00;
	v5 =	vmax.f32 v5, $0.0e+00  }
0x3e: {  	v4 =	vadd.f32 v6, v4;
	v5 =	vadd.f32 v7, v5;
	_ =	sdelay $0x1  }
0x3f: {  	v4 =	vsub.f32 v4, v5;
	_ =	sdelay $0x1  }
0x40: {  	v4 =	vmul.f32 $1.442695020e+00, v4;
	_ =	sdelay $0x1  }
0x41: {  	(erf) = vpow2.f32 v4;
	_ =	sdelay $0x6  }
0x42: {  	v57 =	vor.u32 $0x2, v2  }
0x43: {  	v58 =	vor.u32 $0x2, v3  }
0x44: {  	v59 =	vpop (erf)  }
0x45: {  	v6 =	vpsel !p0, $0x0, v59  }
0x46: {  	[tilespmem:s22+$0x19380] =	vst v6  }
0x47: {  	v4 =	vld.idx.msk [tilespmem:v57+s13+$0x0], $0xffff  }
0x48: {  	v5 =	vld.idx.msk [tilespmem:v58+s14+$0x0], $0xffff  }
0x49: {  	v6 =	vld [tilespmem:$0x19200];
	_ =	sdelay $0x4  }
0x4a: {  	v4 =	vadd.f32 v5, v4;
	v5 =	vadd.f32 v6, v5;
	_ =	sdelay $0x1  }
0x4b: {  	v60 =	vmin.f32 v4, $0.0e+00;
	v61 =	vmin.f32 v5, $0.0e+00  }
0x4c: {  	v6 =	vmul.f32 $2.000000030e-01, v60;
	v7 =	vmul.f32 $2.000000030e-01, v61  }
0x4d: {  	v4 =	vmax.f32 v4, $0.0e+00;
	v5 =	vmax.f32 v5, $0.0e+00  }
0x4e: {  	v4 =	vadd.f32 v6, v4;
	v5 =	vadd.f32 v7, v5;
	_ =	sdelay $0x1  }
0x4f: {  	v4 =	vsub.f32 v4, v5;
	_ =	sdelay $0x1  }
0x50: {  	v4 =	vmul.f32 $1.442695020e+00, v4;
	_ =	sdelay $0x1  }
0x51: {  	(erf) = vpow2.f32 v4;
	_ =	sdelay $0x6  }
0x52: {  	v2 =	vor.u32 $0x3, v2  }
0x53: {  	v3 =	vor.u32 $0x3, v3  }
0x54: {  	v4 =	vpop (erf)  }
0x55: {  	v4 =	vpsel !p0, $0x0, v4  }
0x56: {  	[tilespmem:s22+$0x19400] =	vst v4  }
0x57: {  	v2 =	vld.idx.msk [tilespmem:v2+s13+$0x0], $0xffff  }
0x58: {  	v3 =	vld.idx.msk [tilespmem:v3+s14+$0x0], $0xffff  }
0x59: {  	v4 =	vld [tilespmem:$0x19280];
	_ =	sdelay $0x4  }
0x5a: {  	v2 =	vadd.f32 v3, v2;
	v3 =	vadd.f32 v4, v3;
	_ =	sdelay $0x1  }
0x5b: {  	v62 =	vmin.f32 v2, $0.0e+00;
	v63 =	vmin.f32 v3, $0.0e+00  }
0x5c: {  	v4 =	vmul.f32 $2.000000030e-01, v62;
	v5 =	vmul.f32 $2.000000030e-01, v63  }
0x5d: {  	v3 =	vmax.f32 v3, $0.0e+00;
	v2 =	vmax.f32 v2, $0.0e+00  }
0x5e: {  	v2 =	vadd.f32 v4, v2;
	v3 =	vadd.f32 v5, v3;
	_ =	sdelay $0x1  }
0x5f: {  	v2 =	vsub.f32 v2, v3;
	_ =	sdelay $0x1  }
0x60: {  	v2 =	vmul.f32 $1.442695020e+00, v2;
	_ =	sdelay $0x1  }
0x61: {  	s23 =	simm.s32 $0x40;
	s24 =	smov.u32 s20;
	(erf) = vpow2.f32 v2  }
.LBB2_3:
0x62: {  	_ =	sdelay $0x3  }
0x63: {  	p1 =	sne.s32 s23, $0x1C0  }
0x64: {  	s24 =	sadd.s32 $0x10, s24;
	s25 =	smov.u32 s23;
	s23 =	sadd.s32 $0x40, s23  }
0x65: {  	_ =	sdelay $0x1  }
0x66: {  	v2 =	vpop (erf)  }
0x67: {  	s25 =	sshra.s32 s25, $0x2;
	v2 =	vpsel !p0, $0x0, v2  }
0x68: {  	[tilespmem:s22+$0x19480] =	vst v2;
	s22 =	smov.u32 s25  }
0x69: {  	v2 =	vld.idx.msk [tilespmem:v0+s22+$0x0 ss:$0x1], $0xffff  }
0x6a: {  	v3 =	vld.idx.msk [tilespmem:v1+s22+$0x0 ss:$0x1], $0xffff;
	_ =	sdelay $0x4  }
0x6b: {  	v2 =	vshll.u32 v2, $0x2  }
0x6c: {  	v3 =	vshll.u32 v3, $0x2;
	_ =	sdelay $0x3  }
0x6d: {  	v4 =	vld.idx.msk [tilespmem:v2+s13+$0x0], $0xffff  }
0x6e: {  	v5 =	vld.idx.msk [tilespmem:v3+s14+$0x0], $0xffff  }
0x6f: {  	v6 =	vld [tilespmem:$0x19100];
	_ =	sdelay $0x4  }
0x70: {  	v4 =	vadd.f32 v5, v4;
	v5 =	vadd.f32 v6, v5;
	_ =	sdelay $0x1  }
0x71: {  	v6 =	vmin.f32 v4, $0.0e+00;
	v7 =	vmin.f32 v5, $0.0e+00  }
0x72: {  	v6 =	vmul.f32 $2.000000030e-01, v6;
	v7 =	vmul.f32 $2.000000030e-01, v7  }
0x73: {  	v4 =	vmax.f32 v4, $0.0e+00;
	v5 =	vmax.f32 v5, $0.0e+00  }
0x74: {  	v4 =	vadd.f32 v6, v4;
	v5 =	vadd.f32 v7, v5;
	_ =	sdelay $0x1  }
0x75: {  	v4 =	vsub.f32 v4, v5;
	_ =	sdelay $0x1  }
0x76: {  	v4 =	vmul.f32 $1.442695020e+00, v4;
	_ =	sdelay $0x1  }
0x77: {  	(erf) = vpow2.f32 v4;
	_ =	sdelay $0x6  }
0x78: {  	v4 =	vor.u32 $0x1, v2  }
0x79: {  	v5 =	vor.u32 $0x1, v3  }
0x7a: {  	p0 =	slt.u32 s24, $0x50910;
	v6 =	vpop (erf)  }
0x7b: {  	v6 =	vpsel !p0, $0x0, v6  }
0x7c: {  	[tilespmem:s22+$0x19300] =	vst v6  }
0x7d: {  	v4 =	vld.idx.msk [tilespmem:v4+s13+$0x0], $0xffff  }
0x7e: {  	v5 =	vld.idx.msk [tilespmem:v5+s14+$0x0], $0xffff  }
0x7f: {  	v6 =	vld [tilespmem:$0x19180];
	_ =	sdelay $0x4  }
0x80: {  	v4 =	vadd.f32 v5, v4;
	v5 =	vadd.f32 v6, v5;
	_ =	sdelay $0x1  }
0x81: {  	v6 =	vmin.f32 v4, $0.0e+00;
	v7 =	vmin.f32 v5, $0.0e+00  }
0x82: {  	v6 =	vmul.f32 $2.000000030e-01, v6;
	v7 =	vmul.f32 $2.000000030e-01, v7  }
0x83: {  	v4 =	vmax.f32 v4, $0.0e+00;
	v5 =	vmax.f32 v5, $0.0e+00  }
0x84: {  	v4 =	vadd.f32 v6, v4;
	v5 =	vadd.f32 v7, v5;
	_ =	sdelay $0x1  }
0x85: {  	v4 =	vsub.f32 v4, v5;
	_ =	sdelay $0x1  }
0x86: {  	v4 =	vmul.f32 $1.442695020e+00, v4;
	_ =	sdelay $0x1  }
0x87: {  	(erf) = vpow2.f32 v4;
	_ =	sdelay $0x6  }
0x88: {  	v4 =	vor.u32 $0x2, v2  }
0x89: {  	v5 =	vor.u32 $0x2, v3  }
0x8a: {  	v6 =	vpop (erf)  }
0x8b: {  	v6 =	vpsel !p0, $0x0, v6  }
0x8c: {  	[tilespmem:s22+$0x19380] =	vst v6  }
0x8d: {  	v4 =	vld.idx.msk [tilespmem:v4+s13+$0x0], $0xffff  }
0x8e: {  	v5 =	vld.idx.msk [tilespmem:v5+s14+$0x0], $0xffff  }
0x8f: {  	v6 =	vld [tilespmem:$0x19200];
	_ =	sdelay $0x4  }
0x90: {  	v4 =	vadd.f32 v5, v4;
	v5 =	vadd.f32 v6, v5;
	_ =	sdelay $0x1  }
0x91: {  	v6 =	vmin.f32 v4, $0.0e+00;
	v7 =	vmin.f32 v5, $0.0e+00  }
0x92: {  	v6 =	vmul.f32 $2.000000030e-01, v6;
	v7 =	vmul.f32 $2.000000030e-01, v7  }
0x93: {  	v4 =	vmax.f32 v4, $0.0e+00;
	v5 =	vmax.f32 v5, $0.0e+00  }
0x94: {  	v4 =	vadd.f32 v6, v4;
	v5 =	vadd.f32 v7, v5;
	_ =	sdelay $0x1  }
0x95: {  	v4 =	vsub.f32 v4, v5;
	_ =	sdelay $0x1  }
0x96: {  	v4 =	vmul.f32 $1.442695020e+00, v4;
	_ =	sdelay $0x1  }
0x97: {  	(erf) = vpow2.f32 v4;
	_ =	sdelay $0x6  }
0x98: {  	v2 =	vor.u32 $0x3, v2  }
0x99: {  	v3 =	vor.u32 $0x3, v3  }
0x9a: {  	v4 =	vpop (erf)  }
0x9b: {  	v4 =	vpsel !p0, $0x0, v4  }
0x9c: {  	[tilespmem:s22+$0x19400] =	vst v4  }
0x9d: {  	v2 =	vld.idx.msk [tilespmem:v2+s13+$0x0], $0xffff  }
0x9e: {  	v3 =	vld.idx.msk [tilespmem:v3+s14+$0x0], $0xffff  }
0x9f: {  	v4 =	vld [tilespmem:$0x19280];
	_ =	sdelay $0x4  }
0xa0: {  	v2 =	vadd.f32 v3, v2;
	v3 =	vadd.f32 v4, v3;
	_ =	sdelay $0x1  }
0xa1: {  	v4 =	vmin.f32 v2, $0.0e+00;
	v5 =	vmax.f32 v3, $0.0e+00;
	v3 =	vmin.f32 v3, $0.0e+00  }
0xa2: {  	v2 =	vmax.f32 v2, $0.0e+00;
	v4 =	vmul.f32 $2.000000030e-01, v4;
	v3 =	vmul.f32 $2.000000030e-01, v3;
	_ =	sdelay $0x1  }
0xa3: {  	v2 =	vadd.f32 v4, v2;
	v3 =	vadd.f32 v3, v5;
	_ =	sdelay $0x1  }
.Ltmp0:
0xa4: {  	v2 =	vsub.f32 v2, v3;
	(pc) =	sbr.rel @p1 .LBB2_3-.Ltmp0, $3  }
0xa5: {  	_ = 	snop  }
0xa6: {  	v2 =	vmul.f32 $1.442695020e+00, v2;
	_ =	sdelay $0x1  }
0xa7: {  	(erf) = vpow2.f32 v2  }
0xa8: {  	_ =	sdelay $0x7  }
0xa9: {  	s23 =	sadd.s32 s9, s21;
	s21 =	sadd.s32 $0x1, s21;
	v0 =	vpop (erf)  }
0xaa: {  	s23 =	sshll.u32 s23, $0x6;
	v0 =	vpsel !p0, $0x0, v0;
	p0 =	sne.s32 s21, $0x51  }
.Ltmp1:
0xab: {  	s31 =	sadd.s32 s6, s23;
	[tilespmem:s22+$0x19480] =	vst v0;
	(pc) =	sbr.rel @p0 .LBB2_2-.Ltmp1, $4  }
0xac: {  	[hbm4b:s31+s3] =	stream.linear.scatter [tilespmem:s16], [sflag:$0x1], $0x200, $0x38;
	[tilespmem:$0x19500] =	vst v63  }
0xad: {  	_ =	swait.ge [sflag:s12], $0x200  }
0xae: {  	s20 =	sadd.s32 $0x80, s20;
	[sflag:s12] =	ssyncset.done $0x0  }
0xaf: {  	s18 =	sadd.s32 $0x80, s18;
	s19 =	sadd.s32 $0x80, s19;
	[sflag:s12] =	ssyncadd.s32 $0xFFFFFE00  }
0xb0: {  	s17 =	sadd.s32 $0x1, s17  }
0xb1: {  	p0 =	sne.s32 s17, s10  }
.Ltmp2:
0xb2: {  	_ = 	snop;
	(pc) =	sbr.rel @p0 .LBB2_1-.Ltmp2, $1  }
0xb3: {  	_ =	sdelay $0x3  }
0xb4: {  	_ =	sfence.sel $0x180000  }
0xb5: {  	[bflag:$0x0] =	sbarrier.arrive $0xFFFF  }
0xb6: {  	p0 =	sne.s32 s0, $0x0;
	_ =	strace $0x90000047  }
0xb7: {  	s0 =	sadd.s32 @!p0 $0x100000, s1;
	[bflag:$0x2] =	sbarrier.arrive $0xFFFF  }
0xb8: {  	[sflag:s0] =	ssyncadd.tile.s32 @!p0 $0x1;
	_ =	shalt  }
.Lfunc_end2:
_tile_overlayer_lowered:
.L_overlay_start_2:
0xb9: {  	(tag) =	ssettag $0x2  }
0xba: {  	s0 =	rddreg [dreg:$0x0];
	s2 =	stileid.u32  }
0xbb: {  	s1 =	rddreg [dreg:$0x1];
	p0 =	sne.s32 s2, $0x0  }
0xbc: {  	s3 =	rddreg [dreg:$0x2];
	[bflag:$0x3] =	sbarrier.arrive $0xFFFF;
	s2 =	simm.s32 @!p0 $0x1C01  }
0xbd: {  	[timem:s3], [sflag:s2] =	dma.local @!p0 [hbm:s0], s1  }
0xbe: {  	s0 =	simm.s32 @!p0 $0x1  }
0xbf: {  	_ =	swait.ge @!p0 [sflag:s0], s1  }
0xc0: {  	s1 =	ssub.s32 @!p0 $0x0, s1;
	[sflag:s0] =	ssyncset.done @!p0 $0x0  }
0xc1: {  	[sflag:s0] =	ssyncadd.s32 @!p0 s1  }
0xc2: {  	[bflag:$0x3] =	sbarrier.arrive $0xFFFF  }
0xc3: {  	_ =	shalt  }

// kernel: kernel.17.cloned.1.call-start
scs
__scs_entry_jumppad:
0x0: {  	(pc) =	sbr.rel $0x88, $3  }
0x1: {  	(tag) =	ssettag $0x0;
	lr =	simm.s32 $0x1  }
0x2: {  	[smem:$0x3F92] =	sst lr;
	_ =	strace $0xD0000000  }
0x3: {  	_ = 	snop  }
0x4: {  	_ = 	snop  }
0x5: {  	_ = 	snop  }
0x6: {  	_ = 	snop  }
0x7: {  	_ = 	snop  }
__scs_overlays_trampoline_lowered:
0x8: {  	[smem:$0x3FA1] =	sst s0  }
0x9: {  	[smem:$0x3FA2] =	sst s1  }
0xa: {  	[smem:$0x3FA3] =	sst s2  }
0xb: {  	[smem:$0x3FA4] =	sst s3  }
0xc: {  	[smem:$0x3FA5] =	sst s4  }
0xd: {  	[smem:$0x3FA6] =	sst s5  }
0xe: {  	[smem:$0x3FA7] =	sst s6  }
0xf: {  	[smem:$0x3FA8] =	sst s7  }
0x10: {  	[smem:$0x3FA9] =	sst s8  }
0x11: {  	[smem:$0x3FAA] =	sst s9;
	s0 =	simm.s32 @!p0 $0x0  }
0x12: {  	s1 =	sld [smem:$0x3F90];
	s0 =	simm.s32 @p0 $0x1  }
0x13: {  	[smem:$0x3FAB] =	sst s0;
	s0 =	simm.s32 @!p1 $0x0  }
0x14: {  	s2 =	sld [smem:$0x3F8F];
	s0 =	simm.s32 @p1 $0x1  }
0x15: {  	[smem:$0x3FAC] =	sst s0;
	s0 =	simm.s32 @!p2 $0x0  }
0x16: {  	s3 =	sld [smem:$0x3FDB];
	s0 =	simm.s32 @p2 $0x1  }
0x17: {  	s4 =	simm.s32 $0x1BF5;
	[smem:$0x3FAE] =	sst s0  }
0x18: {  	s0 =	sld [smem:$0x3F91];
	_ =	swait.ge [sflag:s4], $0x0  }
0x19: {  	s7 =	sld [smem:$0x3F92]  }
0x1a: {  	s8 =	sadd.s32 $0xFFFFE003, lr  }
0x1b: {  	s9 =	sadd.s32 $0xFFFFFEF7, lr;
	s5 =	simm.s32 $0xFFFFFFFF;
	p2 =	slt.u32 s8, $0xFFFFF086  }
0x1c: {  	p1 =	slt.u32 s9, $0xF7A;
	s5 =	simm.s32 @!p2 $0x0  }
0x1d: {  	s5 =	simm.s32 @p1 $0x1;
	p0 =	seq.s32 s7, s2  }
0x1e: {  	s7 =	smul.u32 @!p0 $0xF7A, s2;
	p2 =	seq.s32 @!p0 s5, $0x0  }
0x1f: {  	s9 =	smul.u32 $0xF7A, s1;
	s8 =	simm.s32 @!p0 $0x1BF5;
	p2 =	por !p2, p0  }
0x20: {  	[sflag:s8] =	ssyncset.s32 @!p0 $0xFFFFF086;
	s6 =	sadd.s32 @!p0 s3, s7;
	s7 =	simm.s32 @!p0 $0x108  }
0x21: {  	s3 =	sadd.s32 s3, s9;
	s6 =	sadd.s32 @!p0 $0x88, s6;
	s7 =	simm.s32 @p2 $0x1082  }
0x22: {  	[simem:s7], [sflag:s8] =	dma.local @!p0 [hbm:s6], $0xF7A  }
0x23: {  	s9 =	sor.u32 $0xD0000000, s2;
	s6 =	simm.s32 $0x108;
	_ =	swait.ge @!p0 [sflag:s8], $0x0  }
0x24: {  	s3 =	sadd.s32 $0x88, s3;
	s6 =	simm.s32 @!p1 $0x1082;
	[sflag:s4] =	ssyncset.s32 $0xFFFFF086  }
0x25: {  	[simem:s6], [sflag:s4] =	dma.local [hbm:s3], $0xF7A  }
0x26: {  	[smem:$0x3F92] =	sst s1;
	(tag) =	ssettag s2;
	_ =	strace s9  }
0x27: {  	s1 =	sld [smem:$0x3FA2]  }
0x28: {  	s2 =	sld [smem:$0x3FA3]  }
0x29: {  	s4 =	sld [smem:$0x3FA5]  }
0x2a: {  	p0 =	seq.s32 s5, $0x0;
	s5 =	sld [smem:$0x3FA6]  }
0x2b: {  	s6 =	sld [smem:$0x3FA7]  }
0x2c: {  	s7 =	sld [smem:$0x3FA8]  }
0x2d: {  	s3 =	simm.s32 $0x108;
	s8 =	sld [smem:$0x3FA9]  }
0x2e: {  	s3 =	simm.s32 @!p0 $0x1082;
	s9 =	sld [smem:$0x3FAA]  }
0x2f: {  	lr =	sadd.s32 s0, s3;
	s0 =	sld [smem:$0x3FA1]  }
0x30: {  	s3 =	sld [smem:$0x3FA4]  }
0x31: {  	[smem:$0x3FAD] =	sst s10  }
0x32: {  	s10 =	sld [smem:$0x3FAB];
	_ =	sdelay $0x3  }
0x33: {  	p0 =	seq.s32 s10, $0x1;
	s10 =	sld [smem:$0x3FAD];
	_ =	sdelay $0x3  }
0x34: {  	[smem:$0x3FAD] =	sst s10  }
0x35: {  	s10 =	sld [smem:$0x3FAC];
	_ =	sdelay $0x3  }
0x36: {  	p1 =	seq.s32 s10, $0x1;
	s10 =	sld [smem:$0x3FAD];
	_ =	sdelay $0x3  }
0x37: {  	[smem:$0x3FAD] =	sst s10  }
0x38: {  	s10 =	sld [smem:$0x3FAE]  }
0x39: {  	_ = 	snop;
	(pc) =	sbr.ind lr, $3  }
0x3a: {  	_ = 	snop  }
0x3b: {  	_ = 	snop  }
0x3c: {  	p2 =	seq.s32 s10, $0x1;
	s10 =	sld [smem:$0x3FAD]  }
0x3d: {  	_ =	shalt  }
0x3e: {  	_ =	shalt  }
0x3f: {  	_ =	shalt  }
0x40: {  	_ =	shalt  }
0x41: {  	_ =	shalt  }
0x42: {  	_ =	shalt  }
0x43: {  	_ =	shalt  }
0x44: {  	_ =	shalt  }
0x45: {  	_ =	shalt  }
0x46: {  	_ =	shalt  }
0x47: {  	_ =	shalt  }
0x48: {  	_ =	shalt  }
0x49: {  	_ =	shalt  }
0x4a: {  	_ =	shalt  }
0x4b: {  	_ =	shalt  }
0x4c: {  	_ =	shalt  }
0x4d: {  	_ =	shalt  }
0x4e: {  	_ =	shalt  }
0x4f: {  	_ =	shalt  }
0x50: {  	_ =	shalt  }
0x51: {  	_ =	shalt  }
0x52: {  	_ =	shalt  }
0x53: {  	_ =	shalt  }
0x54: {  	_ =	shalt  }
0x55: {  	_ =	shalt  }
0x56: {  	_ =	shalt  }
0x57: {  	_ =	shalt  }
0x58: {  	_ =	shalt  }
0x59: {  	_ =	shalt  }
0x5a: {  	_ =	shalt  }
0x5b: {  	_ =	shalt  }
0x5c: {  	_ =	shalt  }
0x5d: {  	_ =	shalt  }
0x5e: {  	_ =	shalt  }
0x5f: {  	_ =	shalt  }
0x60: {  	_ =	shalt  }
0x61: {  	_ =	shalt  }
0x62: {  	_ =	shalt  }
0x63: {  	_ =	shalt  }
0x64: {  	_ =	shalt  }
0x65: {  	_ =	shalt  }
0x66: {  	_ =	shalt  }
0x67: {  	_ =	shalt  }
0x68: {  	_ =	shalt  }
0x69: {  	_ =	shalt  }
0x6a: {  	_ =	shalt  }
0x6b: {  	_ =	shalt  }
0x6c: {  	_ =	shalt  }
0x6d: {  	_ =	shalt  }
0x6e: {  	_ =	shalt  }
0x6f: {  	_ =	shalt  }
0x70: {  	_ =	shalt  }
0x71: {  	_ =	shalt  }
0x72: {  	_ =	shalt  }
0x73: {  	_ =	shalt  }
0x74: {  	_ =	shalt  }
0x75: {  	_ =	shalt  }
0x76: {  	_ =	shalt  }
0x77: {  	_ =	shalt  }
0x78: {  	_ =	shalt  }
0x79: {  	_ =	shalt  }
0x7a: {  	_ =	shalt  }
0x7b: {  	_ =	shalt  }
0x7c: {  	_ =	shalt  }
0x7d: {  	_ =	shalt  }
0x7e: {  	_ =	shalt  }
0x7f: {  	_ =	shalt  }
0x80: {  	_ =	shalt  }
0x81: {  	_ =	shalt  }
0x82: {  	_ =	shalt  }
0x83: {  	_ =	shalt  }
0x84: {  	_ =	shalt  }
0x85: {  	_ =	shalt  }
0x86: {  	_ =	shalt  }
0x87: {  	_ =	shalt  }
.Lfunc_end0:
.L_simem_size_0:
called_computation.1_lowered:
.L_overlay_start_0:
0x88: {  	s2 =	sld [smem:$0x3FD9]  }
0x89: {  	s3 =	sld [smem:$0x3FFE];
	_ =	sdelay $0x1  }
0x8a: {  	s1 =	srdreg.scid  }
0x8b: {  	s0 =	sand.u32 $0x1, s1  }
0x8c: {  	s16 =	sshll.u32 s0, $0xA;
	s2 =	sadd.s32 s3, s2  }
0x8d: {  	s2 =	sadd.s32 s2, s16  }
0x8e: {  	[smem:$0x3FB9] =	sst s2  }
0x8f: {  	_ = 	snop  }
0x90: {  	(tm) =	ssettm $0x1  }
0x91: {  	s17 =	sld [smem:$0x3FFB];
	_ =	sdelay $0x3  }
0x92: {  	_ =	strace s17  }
0x93: {  	s2 =	sld [smem:$0x3FFC];
	_ =	sdelay $0x3  }
0x94: {  	_ =	strace s2  }
0x95: {  	s2 =	sld [smem:$0x3FFD];
	_ =	sdelay $0x3  }
0x96: {  	_ =	strace s2  }
0x97: {  	_ =	strace $0x8FFFFFFF  }
0x98: {  	s18 =	sld [smem:$0x3FDB];
	_ =	sdelay $0x1  }
0x99: {  	s19 =	simm.s32 $_scs_section_size  }
0x9a: {  	s4 =	simm.s32 $_size__tile_overlayer_lowered;
	s5 =	simm.s32 $_tile_overlayer_lowered  }
0x9b: {  	s22 =	simm.s32 $0x1BFF;
	s21 =	sshll.u32 s5, $0x1;
	s2 =	sadd.s32 s19, s18  }
0x9c: {  	s6 =	simm.s32 $0x0;
	s20 =	sshll.u32 s4, $0x1;
	s4 =	sadd.s32 s21, s2  }
0x9d: {  	[timem:s6], [sflag:s22] =	dma.local [hbm:s4], s20  }
0x9e: {  	_ =	swait.ge [sflag:s22], s20  }
0x9f: {  	s3 =	ssub.s32 $0x0, s20;
	[sflag:s22] =	ssyncset.done $0x0  }
0xa0: {  	[sflag:s22] =	ssyncadd.s32 s3;
	_ =	sdelay $0x1  }
0xa1: {  	s23 =	simm.s32 $0x1B8B  }
0xa2: {  	_ =	swait.ge [sflag:s23], $0x1  }
0xa3: {  	[sflag:s23] =	ssyncset.done $0x0  }
0xa4: {  	s25 =	simm.s32 $0x1B8E;
	s24 =	sld [smem:$0x3FFE];
	[sflag:s23] =	ssyncadd.s32 $0xFFFFFFFF  }
0xa5: {  	s26 =	simm.s32 $execute0_lowered;
	[smem:$0x3FD2] =	sst s25  }
0xa6: {  	s4 =	sshll.u32 s26, $0x1;
	_ =	strace $0x80000049;
	[dreg:$0x1] =	wrdreg $0xFFFFFFFF  }
0xa7: {  	s28 =	simm.s32 $_size_execute0_lowered;
	s2 =	sadd.s32 s2, s4;
	[dreg:$0x0] =	wrdreg $0x0  }
0xa8: {  	s4 =	sshll.u32 s28, $0x1;
	[dreg:$0x2] =	wrdreg s2  }
0xa9: {  	[dreg:$0x3] =	wrdreg s4  }
0xaa: {  	[dreg:$0x4] =	wrdreg $0xC0  }
0xab: {  	_ =	task [dreg:s6], $0x5FFFF  }
0xac: {  	[dreg:$0x1] =	wrdreg $0xFFFFFFFF  }
0xad: {  	[dreg:$0x0] =	wrdreg $0x60  }
0xae: {  	[dreg:$0x2] =	wrdreg s24  }
0xaf: {  	[dreg:$0x3] =	wrdreg $0x9A000  }
0xb0: {  	[dreg:$0x4] =	wrdreg $0x9  }
0xb1: {  	_ =	task.clear_ibuf [dreg:s6], $0x5FFFF;
	_ =	strace $0x90000049  }
0xb2: {  	s29 =	simm.s32 $0x9;
	_ =	strace $0x8000004B  }
0xb3: {  	_ =	swait.ge [sflag:s29], $0x1  }
0xb4: {  	[sflag:s29] =	ssyncadd.s32 $0xFFFFFFFF  }
0xb5: {  	_ =	strace $0x9000004B  }
0xb6: {  	_ =	sfence  }
0xb7: {  	s30 =	sld [smem:$0x0];
	_ =	sdelay $0x2  }
0xb8: {  	s31 =	sshll.u32 s1, $0xD;
	s1 =	sshrl.u32 s1, $0x2  }
0xb9: {  	s3 =	sand.u32 $0x4000, s31;
	s1 =	sadd.s32 s1, s30  }
0xba: {  	s0 =	sor.u32 s3, s0;
	s1 =	sshll.u32 s1, $0x11  }
0xbb: {  	s0 =	sor.u32 s1, s0  }
0xbc: {  	s0 =	sadd.s32 $0x8F2B, s0  }
0xbd: {  	[sflag:s0] =	ssyncadd.remote.s32 $0x1  }
0xbe: {  	_ =	sfence.sel $0xFFFF  }
0xbf: {  	[dreg:$0x0] =	wrdreg $0xFFFFFFFF;
	(pc) =	sbr.abs _section_cstart, $3  }
0xc0: {  	[dreg:$0x1] =	wrdreg $0xFFFFFFFF  }
0xc1: {  	_ =	task.clear_ibuf [dreg:s6], $0x2FFFF;
	_ =	strace $0x9FFFFFFF  }
0xc2: {  	(tm) =	ssettm $0x7FFFFFFF  }
0xc3: {  	_ =	shalt  }
tec
execute0_lowered:
.L_overlay_start_1:
0x0: {  	(tag) =	ssettag $0x1  }
0x1: {  	s0 =	srdreg.scid;
	s7 =	rddreg [dreg:$0x0]  }
0x2: {  	s2 =	rddreg [dreg:$0x1];
	s3 =	simm.s32 $0x0;
	s16 =	simm.s32 $0x2  }
0x3: {  	s17 =	simm.s32 $0x2C00;
	s18 =	simm.s32 $0x5800;
	s19 =	simm.s32 $0x80  }
0x4: {  	s20 =	simm.s32 $0x1;
	s21 =	simm.s32 $0x9800;
	s6 =	sand.u32 $0x1, s0  }
0x5: {  	s23 =	simm.s32 $0x0;
	s0 =	stileid.u32;
	s8 =	smul.u32 $0x140000, s6  }
0x6: {  	[smem:$0x7FF] =	sst s3;
	s5 =	sadd.s32 $0x1E600, s7;
	s9 =	smul.u32 $0x14000, s0  }
0x7: {  	s1 =	sshll.u32 s6, $0x4;
	s11 =	smul.u32 $0x50000, s0;
	s6 =	ssub.s32 $0x2, s6  }
0x8: {  	s22 =	sshll.u32 s0, $0x6;
	s13 =	sor.u32 s0, s1;
	s1 =	rddreg [dreg:$0x2]  }
0x9: {  	_ =	strace $0x8000004A;
	s31 =	sshrl.u32 s6, $0x1;
	s22 =	sor.u32 $0x1C02, s22  }
0xa: {  	s4 =	smul.u32 $0x580, s13;
	s8 =	sadd.s32 s9, s8;
	s11 =	sshrl.u32 s11, $0x2  }
0xb: {  	s15 =	ssub.s32 s6, s31;
	s13 =	smul.u32 $0x51, s13;
	s8 =	sshrl.u32 s8, $0x3  }
0xc: {  	s6 =	sadd.s32 s11, s2;
	s15 =	smax.u32 s15, $0x1;
	s10 =	sadd.s32 s4, s7  }
0xd: {  	v0 =	vlaneseq.u32;
	s4 =	sadd.s32 $0x46E00, s7;
	s14 =	sadd.s32 s8, s7;
	s9 =	sadd.s32 $0x4000, s6  }
0xe: {  	v1 =	vand.u32 $0x3, v0;
	s11 =	sadd.s32 $0xC000, s6;
	s12 =	sadd.s32 $0x10000, s6;
	s7 =	sadd.s32 $0x5E00, s10  }
0xf: {  	v0 =	vimm.f32 $0.0e+00;
	v1 =	vmul.u32 $0x80, v1;
	s8 =	sadd.s32 $0x10E00, s10;
	s10 =	sadd.s32 $0x8000, s6;
	s14 =	sadd.s32 $0x6E000, s14  }
.LBB2_1:
0x10: {  	[tilespmem:s3], [sflag:$0x2] =	stream.linear.gather [hbm4b:s7+s3], $0x2880, $0x38;
	[tilespmem:$0x1DA00] =	vst v63  }
0x11: {  	_ =	swait.ge [sflag:s16], $0x2880  }
0x12: {  	[sflag:s16] =	ssyncset.done $0x0  }
0x13: {  	[sflag:s16] =	ssyncadd.s32 $0xFFFFD780  }
0x14: {  	[tilespmem:s17], [sflag:$0x2] =	stream.linear.gather [hbm4b:s8+s3], $0x2880, $0x38;
	[tilespmem:$0x1DA00] =	vst v63  }
0x15: {  	_ =	swait.ge [sflag:s16], $0x2880  }
0x16: {  	[sflag:s16] =	ssyncset.done $0x0  }
0x17: {  	s24 =	simm.s32 $0x0;
	s25 =	simm.s32 $0x200;
	[sflag:s16] =	ssyncadd.s32 $0xFFFFD780  }
.LBB2_2:
0x18: {  	p0 =	sne.s32 s25, $0xFE00;
	[tilespmem:s24+$0x5870] =	vst v0  }
0x19: {  	[tilespmem:s24+$0x5800] =	vst v0  }
0x1a: {  	[tilespmem:s24+$0x5810] =	vst v0  }
.Ltmp0:
0x1b: {  	[tilespmem:s24+$0x5820] =	vst v0;
	(pc) =	sbr.rel @p0 .LBB2_2-.Ltmp0, $4  }
0x1c: {  	[tilespmem:s24+$0x5830] =	vst v0  }
0x1d: {  	[tilespmem:s24+$0x5840] =	vst v0  }
0x1e: {  	[tilespmem:s24+$0x5850] =	vst v0  }
0x1f: {  	[tilespmem:s24+$0x5860] =	vst v0;
	s24 =	sshra.s32 s25, $0x2;
	s25 =	sadd.s32 $0x200, s25  }
0x20: {  	[tilespmem:s24+$0x5870] =	vst v0  }
0x21: {  	[tilespmem:s24+$0x5800] =	vst v0  }
0x22: {  	[tilespmem:s24+$0x5810] =	vst v0  }
0x23: {  	[tilespmem:s24+$0x5820] =	vst v0  }
0x24: {  	[tilespmem:s24+$0x5830] =	vst v0  }
0x25: {  	[tilespmem:s24+$0x5840] =	vst v0  }
0x26: {  	[tilespmem:s24+$0x5850] =	vst v0  }
0x27: {  	[tilespmem:s24+$0x5860] =	vst v0  }
0x28: {  	[spmem:s6] =	stream.linear.scatter [tilespmem:s18], [sflag:$0x2], $0x4000, $0x38;
	[tilespmem:$0x1DA00] =	vst v63  }
0x29: {  	_ =	swait.ge [sflag:s16], $0x4000  }
0x2a: {  	[sflag:s16] =	ssyncset.done $0x0  }
0x2b: {  	[sflag:s16] =	ssyncadd.s32 $0xFFFFC000  }
0x2c: {  	[spmem:s9] =	stream.linear.scatter [tilespmem:s18], [sflag:$0x2], $0x4000, $0x38;
	[tilespmem:$0x1DA00] =	vst v63  }
0x2d: {  	_ =	swait.ge [sflag:s16], $0x4000  }
0x2e: {  	[sflag:s16] =	ssyncset.done $0x0  }
0x2f: {  	[sflag:s16] =	ssyncadd.s32 $0xFFFFC000  }
0x30: {  	[spmem:s10] =	stream.linear.scatter [tilespmem:s18], [sflag:$0x2], $0x4000, $0x38;
	[tilespmem:$0x1DA00] =	vst v63  }
0x31: {  	_ =	swait.ge [sflag:s16], $0x4000  }
0x32: {  	[sflag:s16] =	ssyncset.done $0x0  }
0x33: {  	[sflag:s16] =	ssyncadd.s32 $0xFFFFC000  }
0x34: {  	[spmem:s11] =	stream.linear.scatter [tilespmem:s18], [sflag:$0x2], $0x4000, $0x38;
	[tilespmem:$0x1DA00] =	vst v63  }
0x35: {  	_ =	swait.ge [sflag:s16], $0x4000  }
0x36: {  	[sflag:s16] =	ssyncset.done $0x0  }
0x37: {  	[sflag:s16] =	ssyncadd.s32 $0xFFFFC000  }
0x38: {  	[spmem:s12] =	stream.linear.scatter [tilespmem:s18], [sflag:$0x2], $0x4000, $0x38;
	[tilespmem:$0x1DA00] =	vst v63  }
0x39: {  	_ =	swait.ge [sflag:s16], $0x4000  }
0x3a: {  	[sflag:s16] =	ssyncset.done $0x0  }
0x3b: {  	[sflag:s16] =	ssyncadd.s32 $0xFFFFC000  }
0x3c: {  	s24 =	simm.s32 $0x0;
	s25 =	simm.s32 $0x0;
	[bflag:$0x0] =	sbarrier.arrive $0xFFFF  }
.LBB2_4:
0x3d: {  	s26 =	sshll.u32 s25, $0x7  }
0x3e: {  	[tilespmem:s18], [sflag:$0x1] =	stream.indirect.gather [hbm4b:s4+s19], $0x80, s26, s19, $0xb8;
	[tilespmem:$0x1DA00] =	vst v63  }
0x3f: {  	s28 =	sadd.s32 s13, s25;
	_ =	swait.ge [sflag:s20], $0x4000  }
0x40: {  	s28 =	sshll.u32 s28, $0x6;
	[sflag:s20] =	ssyncset.done $0x0  }
0x41: {  	v2 =	vmov s24;
	s28 =	sadd.s32 s5, s28;
	[sflag:s20] =	ssyncadd.s32 $0xFFFFC000  }
0x42: {  	[tilespmem:s21], [sflag:$0x2] =	stream.linear.gather [hbm4b:s28+s24], $0x200, $0x38;
	[tilespmem:$0x1DA00] =	vst v63  }
0x43: {  	_ =	swait.ge [sflag:s16], $0x200  }
0x44: {  	[sflag:s16] =	ssyncset.done $0x0  }
0x45: {  	[sflag:s16] =	ssyncadd.s32 $0xFFFFFE00  }
0x46: {  	s28 =	simm.s32 $0x5820;
	v2 =	vld.idx.msk [tilespmem:v2+s21+$0x0], $0xffff  }
0x47: {  	v3 =	vld [tilespmem:s28+$0xFFFFFFE0];
	_ =	sdelay $0x1  }
0x48: {  	s29 =	simm.s32 $0x80  }
0x49: {  	v4 =	vmov s29;
	_ =	sdelay $0x1  }
0x4a: {  	v2 =	vmul.f32 v3, v2;
	_ =	sdelay $0x1  }
0x4b: {  	v3 =	vld [tilespmem:s28+$0xFFFFFFF0];
	[tilespmem:s28+$0xFFFFFFE0] =	vst v2  }
0x4c: {  	v2 =	vld.idx.msk [tilespmem:v4+s21+$0x0], $0xffff;
	_ =	sdelay $0x1  }
0x4d: {  	s29 =	simm.s32 $0x100  }
0x4e: {  	v4 =	vmov s29;
	_ =	sdelay $0x1  }
0x4f: {  	v2 =	vmul.f32 v3, v2;
	_ =	sdelay $0x1  }
0x50: {  	v3 =	vld [tilespmem:s28+$0x0];
	[tilespmem:s28+$0xFFFFFFF0] =	vst v2  }
0x51: {  	v2 =	vld.idx.msk [tilespmem:v4+s21+$0x0], $0xffff;
	_ =	sdelay $0x1  }
0x52: {  	s29 =	simm.s32 $0x180  }
0x53: {  	v4 =	vmov s29;
	_ =	sdelay $0x1  }
0x54: {  	v2 =	vmul.f32 v3, v2;
	_ =	sdelay $0x1  }
0x55: {  	v3 =	vld [tilespmem:s28+$0x10];
	[tilespmem:s28+$0x0] =	vst v2  }
0x56: {  	v2 =	vld.idx.msk [tilespmem:v4+s21+$0x0], $0xffff;
	_ =	sdelay $0x2  }
0x57: {  	v4 =	vor.u32 s24, v1;
	_ =	sdelay $0x1  }
0x58: {  	v2 =	vmul.f32 v3, v2;
	_ =	sdelay $0x1  }
0x59: {  	[tilespmem:s28+$0x10] =	vst v2  }
0x5a: {  	v2 =	vld.idx.msk [tilespmem:v4+s21+$0x0], $0xffff  }
0x5b: {  	v4 =	vld [tilespmem:s28+$0x20];
	_ =	sdelay $0x1  }
0x5c: {  	s29 =	simm.s32 $0x1  }
0x5d: {  	s30 =	simm.s32 $0x2;
	v3 =	vmov s29  }
.LBB2_5:
0x5e: {  	p0 =	sne.s32 s30, $0x7F  }
0x5f: {  	v2 =	vmul.f32 v4, v2;
	_ =	sdelay $0x1  }
0x60: {  	[tilespmem:s28+$0x20] =	vst v2  }
0x61: {  	s28 =	sadd.s32 $0x80, s28;
	v2 =	vld.idx.msk [tilespmem:v3+s21+$0x0], $0xffff  }
0x62: {  	v3 =	vld [tilespmem:s28+$0xFFFFFFE0];
	_ =	sdelay $0x1  }
0x63: {  	s31 =	sadd.s32 $0x80, s29  }
0x64: {  	v4 =	vmov s31;
	_ =	sdelay $0x1  }
0x65: {  	v2 =	vmul.f32 v3, v2;
	_ =	sdelay $0x1  }
0x66: {  	[tilespmem:s28+$0xFFFFFFE0] =	vst v2  }
0x67: {  	v2 =	vld.idx.msk [tilespmem:v4+s21+$0x0], $0xffff  }
0x68: {  	v3 =	vld [tilespmem:s28+$0xFFFFFFF0];
	_ =	sdelay $0x1  }
0x69: {  	s31 =	sadd.s32 $0x100, s29  }
0x6a: {  	v4 =	vmov s31;
	_ =	sdelay $0x1  }
0x6b: {  	v2 =	vmul.f32 v3, v2;
	_ =	sdelay $0x1  }
0x6c: {  	[tilespmem:s28+$0xFFFFFFF0] =	vst v2  }
0x6d: {  	v2 =	vld.idx.msk [tilespmem:v4+s21+$0x0], $0xffff  }
0x6e: {  	v3 =	vld [tilespmem:s28+$0x0];
	_ =	sdelay $0x1  }
0x6f: {  	s31 =	sadd.s32 $0x180, s29  }
0x70: {  	v4 =	vmov s31;
	_ =	sdelay $0x1  }
0x71: {  	v2 =	vmul.f32 v3, v2;
	_ =	sdelay $0x1  }
0x72: {  	[tilespmem:s28+$0x0] =	vst v2  }
0x73: {  	v2 =	vld.idx.msk [tilespmem:v4+s21+$0x0], $0xffff  }
0x74: {  	v3 =	vld [tilespmem:s28+$0x10];
	_ =	sdelay $0x2  }
0x75: {  	v4 =	vor.u32 s29, v1;
	s29 =	smov.u32 s30;
	_ =	sdelay $0x1  }
0x76: {  	v2 =	vmul.f32 v3, v2;
	_ =	sdelay $0x1  }
0x77: {  	[tilespmem:s28+$0x10] =	vst v2  }
.Ltmp1:
0x78: {  	v2 =	vld.idx.msk [tilespmem:v4+s21+$0x0], $0xffff;
	(pc) =	sbr.rel @p0 .LBB2_5-.Ltmp1, $2  }
0x79: {  	v4 =	vld [tilespmem:s28+$0x20];
	_ =	sdelay $0x2  }
0x7a: {  	s30 =	sadd.s32 $0x1, s30;
	v3 =	vmov s29  }
0x7b: {  	_ = 	snop  }
0x7c: {  	v2 =	vmul.f32 v4, v2;
	_ =	sdelay $0x1  }
0x7d: {  	[tilespmem:s28+$0x20] =	vst v2  }
0x7e: {  	s28 =	sadd.s32 $0x80, s28;
	v2 =	vld.idx.msk [tilespmem:v3+s21+$0x0], $0xffff  }
0x7f: {  	v3 =	vld [tilespmem:s28+$0xFFFFFFE0];
	_ =	sdelay $0x1  }
0x80: {  	s30 =	sadd.s32 $0x80, s29  }
0x81: {  	v60 =	vmov s30;
	_ =	sdelay $0x1  }
0x82: {  	v2 =	vmul.f32 v3, v2;
	_ =	sdelay $0x1  }
0x83: {  	v3 =	vld [tilespmem:s28+$0xFFFFFFF0];
	[tilespmem:s28+$0xFFFFFFE0] =	vst v2  }
0x84: {  	v2 =	vld.idx.msk [tilespmem:v60+s21+$0x0], $0xffff;
	_ =	sdelay $0x1  }
0x85: {  	s31 =	sadd.s32 $0x100, s29  }
0x86: {  	v61 =	vmov s31;
	_ =	sdelay $0x1  }
0x87: {  	v2 =	vmul.f32 v3, v2;
	_ =	sdelay $0x1  }
0x88: {  	v3 =	vld [tilespmem:s28+$0x0];
	[tilespmem:s28+$0xFFFFFFF0] =	vst v2  }
0x89: {  	v2 =	vld.idx.msk [tilespmem:v61+s21+$0x0], $0xffff;
	_ =	sdelay $0x1  }
0x8a: {  	s31 =	sadd.s32 $0x180, s29  }
0x8b: {  	v62 =	vmov s31;
	_ =	sdelay $0x1  }
0x8c: {  	v2 =	vmul.f32 v3, v2;
	_ =	sdelay $0x1  }
0x8d: {  	v3 =	vld [tilespmem:s28+$0x10];
	[tilespmem:s28+$0x0] =	vst v2  }
0x8e: {  	v2 =	vld.idx.msk [tilespmem:v62+s21+$0x0], $0xffff;
	_ =	sdelay $0x2  }
0x8f: {  	v63 =	vor.u32 s29, v1;
	_ =	sdelay $0x1  }
0x90: {  	v2 =	vmul.f32 v3, v2;
	_ =	sdelay $0x1  }
0x91: {  	v3 =	vld [tilespmem:s28+$0x20];
	[tilespmem:s28+$0x10] =	vst v2  }
0x92: {  	v2 =	vld.idx.msk [tilespmem:v63+s21+$0x0], $0xffff;
	_ =	sdelay $0x4  }
0x93: {  	s25 =	sadd.s32 $0x1, s25;
	v2 =	vmul.f32 v3, v2  }
0x94: {  	p0 =	sne.s32 s25, $0x51  }
.Ltmp2:
0x95: {  	s26 =	sadd.s32 $0x2C00, s26;
	[tilespmem:s28+$0x20] =	vst v2;
	(pc) =	sbr.rel @p0 .LBB2_4-.Ltmp2, $4  }
0x96: {  	[spmem:s2] =	stream.indirect.scatter.add.f32 [tilespmem:s18], [sflag:$0x2], $0x80, s26, s19, $0xb8;
	[tilespmem:$0x1DA00] =	vst v63  }
0x97: {  	_ =	swait.ge [sflag:s16], $0x4000  }
0x98: {  	[sflag:s16] =	ssyncset.done $0x0  }
0x99: {  	[sflag:s16] =	ssyncadd.s32 $0xFFFFC000  }
0x9a: {  	s23 =	sadd.s32 $0x1, s23  }
0x9b: {  	p0 =	sne.s32 s23, s15  }
.Ltmp3:
0x9c: {  	[bflag:$0x0] =	sbarrier.arrive $0xFFFF;
	s24 =	sshrl.u32 s6, $0x3;
	(pc) =	sbr.rel @p0 .LBB2_1-.Ltmp3, $4  }
0x9d: {  	[hbm:s14], [sflag:s22] =	dma.local [spmem:s24], $0x2800  }
0x9e: {  	_ =	swait.ge [sflag:s16], $0x2800  }
0x9f: {  	[sflag:s16] =	ssyncset.done $0x0  }
0xa0: {  	[sflag:s16] =	ssyncadd.s32 $0xFFFFD800  }
0xa1: {  	_ =	sfence.sel $0x180000  }
0xa2: {  	[bflag:$0x0] =	sbarrier.arrive $0xFFFF  }
0xa3: {  	p0 =	sne.s32 s0, $0x0;
	_ =	strace $0x9000004A  }
0xa4: {  	s0 =	sadd.s32 @!p0 $0x100000, s1;
	[bflag:$0x2] =	sbarrier.arrive $0xFFFF  }
0xa5: {  	[sflag:s0] =	ssyncadd.tile.s32 @!p0 $0x1;
	_ =	shalt  }
.Lfunc_end2:
_tile_overlayer_lowered:
.L_overlay_start_2:
0xa6: {  	(tag) =	ssettag $0x2  }
0xa7: {  	s0 =	rddreg [dreg:$0x0];
	s2 =	stileid.u32  }
0xa8: {  	s1 =	rddreg [dreg:$0x1];
	p0 =	sne.s32 s2, $0x0  }
0xa9: {  	s3 =	rddreg [dreg:$0x2];
	[bflag:$0x3] =	sbarrier.arrive $0xFFFF;
	s2 =	simm.s32 @!p0 $0x1C02  }
0xaa: {  	[timem:s3], [sflag:s2] =	dma.local @!p0 [hbm:s0], s1  }
0xab: {  	s0 =	simm.s32 @!p0 $0x2  }
0xac: {  	_ =	swait.ge @!p0 [sflag:s0], s1  }
0xad: {  	s1 =	ssub.s32 @!p0 $0x0, s1;
	[sflag:s0] =	ssyncset.done @!p0 $0x0  }
0xae: {  	[sflag:s0] =	ssyncadd.s32 @!p0 s1  }
0xaf: {  	[bflag:$0x3] =	sbarrier.arrive $0xFFFF  }
0xb0: {  	_ =	shalt  }

// kernel: kernel.20.cloned.1.call-start
scs
__scs_entry_jumppad:
0x0: {  	(pc) =	sbr.rel $0x88, $3  }
0x1: {  	(tag) =	ssettag $0x0;
	lr =	simm.s32 $0x1  }
0x2: {  	[smem:$0x3F92] =	sst lr;
	_ =	strace $0xD0000000  }
0x3: {  	_ = 	snop  }
0x4: {  	_ = 	snop  }
0x5: {  	_ = 	snop  }
0x6: {  	_ = 	snop  }
0x7: {  	_ = 	snop  }
__scs_overlays_trampoline_lowered:
0x8: {  	[smem:$0x3FA1] =	sst s0  }
0x9: {  	[smem:$0x3FA2] =	sst s1  }
0xa: {  	[smem:$0x3FA3] =	sst s2  }
0xb: {  	[smem:$0x3FA4] =	sst s3  }
0xc: {  	[smem:$0x3FA5] =	sst s4  }
0xd: {  	[smem:$0x3FA6] =	sst s5  }
0xe: {  	[smem:$0x3FA7] =	sst s6  }
0xf: {  	[smem:$0x3FA8] =	sst s7  }
0x10: {  	[smem:$0x3FA9] =	sst s8  }
0x11: {  	[smem:$0x3FAA] =	sst s9;
	s0 =	simm.s32 @!p0 $0x0  }
0x12: {  	s1 =	sld [smem:$0x3F90];
	s0 =	simm.s32 @p0 $0x1  }
0x13: {  	[smem:$0x3FAB] =	sst s0;
	s0 =	simm.s32 @!p1 $0x0  }
0x14: {  	s2 =	sld [smem:$0x3F8F];
	s0 =	simm.s32 @p1 $0x1  }
0x15: {  	[smem:$0x3FAC] =	sst s0;
	s0 =	simm.s32 @!p2 $0x0  }
0x16: {  	s3 =	sld [smem:$0x3FDB];
	s0 =	simm.s32 @p2 $0x1  }
0x17: {  	s4 =	simm.s32 $0x1BF5;
	[smem:$0x3FAE] =	sst s0  }
0x18: {  	s0 =	sld [smem:$0x3F91];
	_ =	swait.ge [sflag:s4], $0x0  }
0x19: {  	s7 =	sld [smem:$0x3F92]  }
0x1a: {  	s8 =	sadd.s32 $0xFFFFE003, lr  }
0x1b: {  	s9 =	sadd.s32 $0xFFFFFEF7, lr;
	s5 =	simm.s32 $0xFFFFFFFF;
	p2 =	slt.u32 s8, $0xFFFFF086  }
0x1c: {  	p1 =	slt.u32 s9, $0xF7A;
	s5 =	simm.s32 @!p2 $0x0  }
0x1d: {  	s5 =	simm.s32 @p1 $0x1;
	p0 =	seq.s32 s7, s2  }
0x1e: {  	s7 =	smul.u32 @!p0 $0xF7A, s2;
	p2 =	seq.s32 @!p0 s5, $0x0  }
0x1f: {  	s9 =	smul.u32 $0xF7A, s1;
	s8 =	simm.s32 @!p0 $0x1BF5;
	p2 =	por !p2, p0  }
0x20: {  	[sflag:s8] =	ssyncset.s32 @!p0 $0xFFFFF086;
	s6 =	sadd.s32 @!p0 s3, s7;
	s7 =	simm.s32 @!p0 $0x108  }
0x21: {  	s3 =	sadd.s32 s3, s9;
	s6 =	sadd.s32 @!p0 $0x88, s6;
	s7 =	simm.s32 @p2 $0x1082  }
0x22: {  	[simem:s7], [sflag:s8] =	dma.local @!p0 [hbm:s6], $0xF7A  }
0x23: {  	s9 =	sor.u32 $0xD0000000, s2;
	s6 =	simm.s32 $0x108;
	_ =	swait.ge @!p0 [sflag:s8], $0x0  }
0x24: {  	s3 =	sadd.s32 $0x88, s3;
	s6 =	simm.s32 @!p1 $0x1082;
	[sflag:s4] =	ssyncset.s32 $0xFFFFF086  }
0x25: {  	[simem:s6], [sflag:s4] =	dma.local [hbm:s3], $0xF7A  }
0x26: {  	[smem:$0x3F92] =	sst s1;
	(tag) =	ssettag s2;
	_ =	strace s9  }
0x27: {  	s1 =	sld [smem:$0x3FA2]  }
0x28: {  	s2 =	sld [smem:$0x3FA3]  }
0x29: {  	s4 =	sld [smem:$0x3FA5]  }
0x2a: {  	p0 =	seq.s32 s5, $0x0;
	s5 =	sld [smem:$0x3FA6]  }
0x2b: {  	s6 =	sld [smem:$0x3FA7]  }
0x2c: {  	s7 =	sld [smem:$0x3FA8]  }
0x2d: {  	s3 =	simm.s32 $0x108;
	s8 =	sld [smem:$0x3FA9]  }
0x2e: {  	s3 =	simm.s32 @!p0 $0x1082;
	s9 =	sld [smem:$0x3FAA]  }
0x2f: {  	lr =	sadd.s32 s0, s3;
	s0 =	sld [smem:$0x3FA1]  }
0x30: {  	s3 =	sld [smem:$0x3FA4]  }
0x31: {  	[smem:$0x3FAD] =	sst s10  }
0x32: {  	s10 =	sld [smem:$0x3FAB];
	_ =	sdelay $0x3  }
0x33: {  	p0 =	seq.s32 s10, $0x1;
	s10 =	sld [smem:$0x3FAD];
	_ =	sdelay $0x3  }
0x34: {  	[smem:$0x3FAD] =	sst s10  }
0x35: {  	s10 =	sld [smem:$0x3FAC];
	_ =	sdelay $0x3  }
0x36: {  	p1 =	seq.s32 s10, $0x1;
	s10 =	sld [smem:$0x3FAD];
	_ =	sdelay $0x3  }
0x37: {  	[smem:$0x3FAD] =	sst s10  }
0x38: {  	s10 =	sld [smem:$0x3FAE]  }
0x39: {  	_ = 	snop;
	(pc) =	sbr.ind lr, $3  }
0x3a: {  	_ = 	snop  }
0x3b: {  	_ = 	snop  }
0x3c: {  	p2 =	seq.s32 s10, $0x1;
	s10 =	sld [smem:$0x3FAD]  }
0x3d: {  	_ =	shalt  }
0x3e: {  	_ =	shalt  }
0x3f: {  	_ =	shalt  }
0x40: {  	_ =	shalt  }
0x41: {  	_ =	shalt  }
0x42: {  	_ =	shalt  }
0x43: {  	_ =	shalt  }
0x44: {  	_ =	shalt  }
0x45: {  	_ =	shalt  }
0x46: {  	_ =	shalt  }
0x47: {  	_ =	shalt  }
0x48: {  	_ =	shalt  }
0x49: {  	_ =	shalt  }
0x4a: {  	_ =	shalt  }
0x4b: {  	_ =	shalt  }
0x4c: {  	_ =	shalt  }
0x4d: {  	_ =	shalt  }
0x4e: {  	_ =	shalt  }
0x4f: {  	_ =	shalt  }
0x50: {  	_ =	shalt  }
0x51: {  	_ =	shalt  }
0x52: {  	_ =	shalt  }
0x53: {  	_ =	shalt  }
0x54: {  	_ =	shalt  }
0x55: {  	_ =	shalt  }
0x56: {  	_ =	shalt  }
0x57: {  	_ =	shalt  }
0x58: {  	_ =	shalt  }
0x59: {  	_ =	shalt  }
0x5a: {  	_ =	shalt  }
0x5b: {  	_ =	shalt  }
0x5c: {  	_ =	shalt  }
0x5d: {  	_ =	shalt  }
0x5e: {  	_ =	shalt  }
0x5f: {  	_ =	shalt  }
0x60: {  	_ =	shalt  }
0x61: {  	_ =	shalt  }
0x62: {  	_ =	shalt  }
0x63: {  	_ =	shalt  }
0x64: {  	_ =	shalt  }
0x65: {  	_ =	shalt  }
0x66: {  	_ =	shalt  }
0x67: {  	_ =	shalt  }
0x68: {  	_ =	shalt  }
0x69: {  	_ =	shalt  }
0x6a: {  	_ =	shalt  }
0x6b: {  	_ =	shalt  }
0x6c: {  	_ =	shalt  }
0x6d: {  	_ =	shalt  }
0x6e: {  	_ =	shalt  }
0x6f: {  	_ =	shalt  }
0x70: {  	_ =	shalt  }
0x71: {  	_ =	shalt  }
0x72: {  	_ =	shalt  }
0x73: {  	_ =	shalt  }
0x74: {  	_ =	shalt  }
0x75: {  	_ =	shalt  }
0x76: {  	_ =	shalt  }
0x77: {  	_ =	shalt  }
0x78: {  	_ =	shalt  }
0x79: {  	_ =	shalt  }
0x7a: {  	_ =	shalt  }
0x7b: {  	_ =	shalt  }
0x7c: {  	_ =	shalt  }
0x7d: {  	_ =	shalt  }
0x7e: {  	_ =	shalt  }
0x7f: {  	_ =	shalt  }
0x80: {  	_ =	shalt  }
0x81: {  	_ =	shalt  }
0x82: {  	_ =	shalt  }
0x83: {  	_ =	shalt  }
0x84: {  	_ =	shalt  }
0x85: {  	_ =	shalt  }
0x86: {  	_ =	shalt  }
0x87: {  	_ =	shalt  }
.Lfunc_end0:
.L_simem_size_0:
called_computation.2_lowered:
.L_overlay_start_0:
0x88: {  	s2 =	sld [smem:$0x3FD9]  }
0x89: {  	s3 =	sld [smem:$0x3FFE];
	_ =	sdelay $0x1  }
0x8a: {  	s1 =	srdreg.scid  }
0x8b: {  	s0 =	sand.u32 $0x1, s1  }
0x8c: {  	s17 =	sshll.u32 s0, $0xA;
	s2 =	sadd.s32 s3, s2  }
0x8d: {  	s2 =	sadd.s32 s2, s17  }
0x8e: {  	[smem:$0x3FB9] =	sst s2  }
0x8f: {  	_ = 	snop  }
0x90: {  	s2 =	sld [smem:$0x3FD0];
	(tm) =	ssettm $0x1  }
0x91: {  	s18 =	sld [smem:$0x3FFB];
	_ =	sdelay $0x3  }
0x92: {  	_ =	strace s18  }
0x93: {  	s3 =	sld [smem:$0x3FFC];
	_ =	sdelay $0x3  }
0x94: {  	_ =	strace s3  }
0x95: {  	s3 =	sld [smem:$0x3FFD];
	_ =	sdelay $0x3  }
0x96: {  	_ =	strace s3  }
0x97: {  	_ =	strace $0x8FFFFFFF  }
0x98: {  	s19 =	sld [smem:$0x3FDB];
	_ =	sdelay $0x1  }
0x99: {  	s4 =	simm.s32 $_scs_section_size  }
0x9a: {  	s5 =	simm.s32 $_size__tile_overlayer_lowered;
	s6 =	simm.s32 $_tile_overlayer_lowered  }
0x9b: {  	s22 =	simm.s32 $0x1BFF;
	s21 =	sshll.u32 s6, $0x1;
	s3 =	sadd.s32 s4, s19  }
0x9c: {  	s7 =	simm.s32 $0x0;
	s20 =	sshll.u32 s5, $0x1;
	s5 =	sadd.s32 s21, s3  }
0x9d: {  	[timem:s7], [sflag:s22] =	dma.local [hbm:s5], s20  }
0x9e: {  	_ =	swait.ge [sflag:s22], s20  }
0x9f: {  	s4 =	ssub.s32 $0x0, s20;
	[sflag:s22] =	ssyncset.done $0x0  }
0xa0: {  	[sflag:s22] =	ssyncadd.s32 s4;
	_ =	sdelay $0x1  }
0xa1: {  	s23 =	simm.s32 $0x1B8B  }
0xa2: {  	_ =	swait.ge [sflag:s23], $0x1  }
0xa3: {  	[sflag:s23] =	ssyncset.done $0x0  }
0xa4: {  	s25 =	simm.s32 $0x1B8E;
	s24 =	sld [smem:$0x3FFE];
	[sflag:s23] =	ssyncadd.s32 $0xFFFFFFFF  }
0xa5: {  	s26 =	simm.s32 $execute0_lowered;
	[smem:$0x3FD2] =	sst s25  }
0xa6: {  	s5 =	sshll.u32 s26, $0x1;
	_ =	strace $0x8000004C;
	[dreg:$0x1] =	wrdreg $0xFFFFFFFF  }
0xa7: {  	s28 =	simm.s32 $_size_execute0_lowered;
	s3 =	sadd.s32 s3, s5;
	[dreg:$0x0] =	wrdreg $0x0  }
0xa8: {  	s5 =	sshll.u32 s28, $0x1;
	[dreg:$0x2] =	wrdreg s3  }
0xa9: {  	[dreg:$0x3] =	wrdreg s5  }
0xaa: {  	[dreg:$0x4] =	wrdreg $0xC0  }
0xab: {  	_ =	task [dreg:s7], $0x5FFFF  }
0xac: {  	[dreg:$0x1] =	wrdreg $0xFFFFFFFF  }
0xad: {  	[dreg:$0x0] =	wrdreg $0x60  }
0xae: {  	[dreg:$0x2] =	wrdreg s24  }
0xaf: {  	[dreg:$0x3] =	wrdreg s2  }
0xb0: {  	[dreg:$0x4] =	wrdreg $0x9  }
0xb1: {  	_ =	task.clear_ibuf [dreg:s7], $0x5FFFF;
	_ =	strace $0x9000004C  }
0xb2: {  	s29 =	simm.s32 $0x9;
	_ =	strace $0x8000004E  }
0xb3: {  	_ =	swait.ge [sflag:s29], $0x1  }
0xb4: {  	[sflag:s29] =	ssyncadd.s32 $0xFFFFFFFF  }
0xb5: {  	_ =	strace $0x9000004E  }
0xb6: {  	_ =	sfence  }
0xb7: {  	s30 =	sld [smem:$0x0];
	_ =	sdelay $0x2  }
0xb8: {  	s31 =	sshll.u32 s1, $0xD;
	s1 =	sshrl.u32 s1, $0x2  }
0xb9: {  	s3 =	sand.u32 $0x4000, s31;
	s1 =	sadd.s32 s1, s30  }
0xba: {  	s0 =	sor.u32 s3, s0;
	s1 =	sshll.u32 s1, $0x11  }
0xbb: {  	s0 =	sor.u32 s1, s0  }
0xbc: {  	s0 =	sadd.s32 $0x8F2B, s0  }
0xbd: {  	[sflag:s0] =	ssyncadd.remote.s32 $0x1  }
0xbe: {  	_ =	sfence.sel $0xFFFF  }
0xbf: {  	[dreg:$0x0] =	wrdreg $0xFFFFFFFF;
	(pc) =	sbr.abs _section_cstart, $3  }
0xc0: {  	[dreg:$0x1] =	wrdreg $0xFFFFFFFF  }
0xc1: {  	_ =	task.clear_ibuf [dreg:s7], $0x2FFFF;
	_ =	strace $0x9FFFFFFF  }
0xc2: {  	(tm) =	ssettm $0x7FFFFFFF  }
0xc3: {  	_ =	shalt  }
tec
execute0_lowered:
.L_overlay_start_1:
0x0: {  	(tag) =	ssettag $0x1  }
0x1: {  	s0 =	srdreg.scid;
	s7 =	rddreg [dreg:$0x0]  }
0x2: {  	s2 =	rddreg [dreg:$0x1];
	s3 =	simm.s32 $0x0;
	s13 =	simm.s32 $0x5800  }
0x3: {  	s14 =	simm.s32 $0xF480;
	s15 =	simm.s32 $0x19100;
	s16 =	simm.s32 $0x19300  }
0x4: {  	s17 =	simm.s32 $0x0;
	s6 =	sand.u32 $0x1, s0;
	s0 =	stileid.u32  }
0x5: {  	[smem:$0x7FF] =	sst s3;
	s5 =	sadd.s32 $0x1D200, s7;
	s1 =	sshll.u32 s6, $0x4  }
0x6: {  	s10 =	ssub.s32 $0x2, s6;
	s11 =	smul.u32 $0x28800, s6;
	s6 =	sadd.s32 $0x1E600, s7  }
0x7: {  	s12 =	smul.u32 $0x2880, s0;
	s9 =	sor.u32 s0, s1;
	s1 =	rddreg [dreg:$0x2]  }
0x8: {  	_ =	strace $0x8000004D;
	s31 =	sshrl.u32 s10, $0x1;
	s4 =	smul.u32 $0x580, s9  }
0x9: {  	s10 =	ssub.s32 s10, s31;
	s9 =	smul.u32 $0x51, s9;
	s11 =	sadd.s32 s12, s11  }
0xa: {  	s12 =	simm.s32 $0x1;
	s10 =	smax.u32 s10, $0x1;
	s8 =	sadd.s32 s4, s7  }
0xb: {  	s4 =	sadd.s32 $0x1BE00, s7;
	s7 =	sadd.s32 $0x5E00, s8;
	s8 =	sadd.s32 $0x10E00, s8  }
.LBB2_1:
0xc: {  	[tilespmem:s3], [sflag:$0x1] =	stream.linear.gather [hbm4b:s7+s3], $0x2880, $0x38;
	[tilespmem:$0x19500] =	vst v63  }
0xd: {  	_ =	swait.ge [sflag:s12], $0x2880  }
0xe: {  	[sflag:s12] =	ssyncset.done $0x0  }
0xf: {  	s18 =	simm.s32 $0x2C00;
	[sflag:s12] =	ssyncadd.s32 $0xFFFFD780  }
0x10: {  	[tilespmem:s18], [sflag:$0x1] =	stream.linear.gather [hbm4b:s8+s3], $0x2880, $0x38;
	[tilespmem:$0x19500] =	vst v63  }
0x11: {  	_ =	swait.ge [sflag:s12], $0x2880  }
0x12: {  	[sflag:s12] =	ssyncset.done $0x0  }
0x13: {  	[sflag:s12] =	ssyncadd.s32 $0xFFFFD780  }
0x14: {  	[tilespmem:s13], [sflag:$0x1] =	stream.linear.gather [hbm4b:s4+s3], $0x9C80, $0x38;
	[tilespmem:$0x19500] =	vst v63  }
0x15: {  	_ =	swait.ge [sflag:s12], $0x9C80  }
0x16: {  	[sflag:s12] =	ssyncset.done $0x0  }
0x17: {  	[sflag:s12] =	ssyncadd.s32 $0xFFFF6380  }
0x18: {  	[tilespmem:s14], [sflag:$0x1] =	stream.linear.gather [hbm4b:s5+s3], $0x9C80, $0x38;
	[tilespmem:$0x19500] =	vst v63  }
0x19: {  	_ =	swait.ge [sflag:s12], $0x9C80  }
0x1a: {  	[sflag:s12] =	ssyncset.done $0x0  }
0x1b: {  	[sflag:s12] =	ssyncadd.s32 $0xFFFF6380  }
0x1c: {  	[tilespmem:s15], [sflag:$0x1] =	stream.linear.gather [hbm4b:s2+s3], $0x200, $0x38;
	[tilespmem:$0x19500] =	vst v63  }
0x1d: {  	_ =	swait.ge [sflag:s12], $0x200  }
0x1e: {  	s19 =	simm.s32 $0x0;
	[sflag:s12] =	ssyncset.done $0x0  }
0x1f: {  	s20 =	smov.u32 s11;
	s21 =	simm.s32 $0x0;
	[sflag:s12] =	ssyncadd.s32 $0xFFFFFE00  }
.LBB2_2:
0x20: {  	v0 =	vmov s19  }
0x21: {  	v1 =	vmov s18;
	_ =	sdelay $0x2  }
0x22: {  	s22 =	simm.s32 $0x0  }
0x23: {  	v2 =	vld.idx.msk [tilespmem:v0+s22+$0x0 ss:$0x1], $0xffff  }
0x24: {  	v3 =	vld.idx.msk [tilespmem:v1+s22+$0x0 ss:$0x1], $0xffff;
	_ =	sdelay $0x3  }
0x25: {  	v2 =	vshll.u32 v2, $0x2  }
0x26: {  	v3 =	vshll.u32 v3, $0x2;
	_ =	sdelay $0x2  }
0x27: {  	v6 =	vld [tilespmem:$0x19100]  }
0x28: {  	v4 =	vld.idx.msk [tilespmem:v2+s13+$0x0], $0xffff  }
0x29: {  	v5 =	vld.idx.msk [tilespmem:v3+s14+$0x0], $0xffff;
	_ =	sdelay $0x4  }
0x2a: {  	v4 =	vadd.f32 v5, v4;
	v5 =	vadd.f32 v6, v5;
	_ =	sdelay $0x1  }
0x2b: {  	v51 =	vmin.f32 v4, $0.0e+00;
	v7 =	vmin.f32 v5, $0.0e+00  }
0x2c: {  	v6 =	vmul.f32 $2.000000030e-01, v51;
	v7 =	vmul.f32 $2.000000030e-01, v7  }
0x2d: {  	v4 =	vmax.f32 v4, $0.0e+00;
	v5 =	vmax.f32 v5, $0.0e+00  }
0x2e: {  	v4 =	vadd.f32 v6, v4;
	v5 =	vadd.f32 v7, v5;
	_ =	sdelay $0x1  }
0x2f: {  	v4 =	vsub.f32 v4, v5;
	_ =	sdelay $0x1  }
0x30: {  	v4 =	vmul.f32 $1.442695020e+00, v4;
	_ =	sdelay $0x1  }
0x31: {  	(erf) = vpow2.f32 v4;
	_ =	sdelay $0x6  }
0x32: {  	v52 =	vor.u32 $0x1, v2  }
0x33: {  	v53 =	vor.u32 $0x1, v3  }
0x34: {  	p0 =	slt.u32 s20, $0x50910;
	v54 =	vpop (erf)  }
0x35: {  	v6 =	vpsel !p0, $0x0, v54  }
0x36: {  	[tilespmem:s22+$0x19300] =	vst v6  }
0x37: {  	v4 =	vld.idx.msk [tilespmem:v52+s13+$0x0], $0xffff  }
0x38: {  	v5 =	vld.idx.msk [tilespmem:v53+s14+$0x0], $0xffff  }
0x39: {  	v6 =	vld [tilespmem:$0x19180];
	_ =	sdelay $0x4  }
0x3a: {  	v4 =	vadd.f32 v5, v4;
	v5 =	vadd.f32 v6, v5;
	_ =	sdelay $0x1  }
0x3b: {  	v55 =	vmin.f32 v4, $0.0e+00;
	v56 =	vmin.f32 v5, $0.0e+00  }
0x3c: {  	v6 =	vmul.f32 $2.000000030e-01, v55;
	v7 =	vmul.f32 $2.000000030e-01, v56  }
0x3d: {  	v4 =	vmax.f32 v4, $0.0e+00;
	v5 =	vmax.f32 v5, $0.0e+00  }
0x3e: {  	v4 =	vadd.f32 v6, v4;
	v5 =	vadd.f32 v7, v5;
	_ =	sdelay $0x1  }
0x3f: {  	v4 =	vsub.f32 v4, v5;
	_ =	sdelay $0x1  }
0x40: {  	v4 =	vmul.f32 $1.442695020e+00, v4;
	_ =	sdelay $0x1  }
0x41: {  	(erf) = vpow2.f32 v4;
	_ =	sdelay $0x6  }
0x42: {  	v57 =	vor.u32 $0x2, v2  }
0x43: {  	v58 =	vor.u32 $0x2, v3  }
0x44: {  	v59 =	vpop (erf)  }
0x45: {  	v6 =	vpsel !p0, $0x0, v59  }
0x46: {  	[tilespmem:s22+$0x19380] =	vst v6  }
0x47: {  	v4 =	vld.idx.msk [tilespmem:v57+s13+$0x0], $0xffff  }
0x48: {  	v5 =	vld.idx.msk [tilespmem:v58+s14+$0x0], $0xffff  }
0x49: {  	v6 =	vld [tilespmem:$0x19200];
	_ =	sdelay $0x4  }
0x4a: {  	v4 =	vadd.f32 v5, v4;
	v5 =	vadd.f32 v6, v5;
	_ =	sdelay $0x1  }
0x4b: {  	v60 =	vmin.f32 v4, $0.0e+00;
	v61 =	vmin.f32 v5, $0.0e+00  }
0x4c: {  	v6 =	vmul.f32 $2.000000030e-01, v60;
	v7 =	vmul.f32 $2.000000030e-01, v61  }
0x4d: {  	v4 =	vmax.f32 v4, $0.0e+00;
	v5 =	vmax.f32 v5, $0.0e+00  }
0x4e: {  	v4 =	vadd.f32 v6, v4;
	v5 =	vadd.f32 v7, v5;
	_ =	sdelay $0x1  }
0x4f: {  	v4 =	vsub.f32 v4, v5;
	_ =	sdelay $0x1  }
0x50: {  	v4 =	vmul.f32 $1.442695020e+00, v4;
	_ =	sdelay $0x1  }
0x51: {  	(erf) = vpow2.f32 v4;
	_ =	sdelay $0x6  }
0x52: {  	v2 =	vor.u32 $0x3, v2  }
0x53: {  	v3 =	vor.u32 $0x3, v3  }
0x54: {  	v4 =	vpop (erf)  }
0x55: {  	v4 =	vpsel !p0, $0x0, v4  }
0x56: {  	[tilespmem:s22+$0x19400] =	vst v4  }
0x57: {  	v2 =	vld.idx.msk [tilespmem:v2+s13+$0x0], $0xffff  }
0x58: {  	v3 =	vld.idx.msk [tilespmem:v3+s14+$0x0], $0xffff  }
0x59: {  	v4 =	vld [tilespmem:$0x19280];
	_ =	sdelay $0x4  }
0x5a: {  	v2 =	vadd.f32 v3, v2;
	v3 =	vadd.f32 v4, v3;
	_ =	sdelay $0x1  }
0x5b: {  	v62 =	vmin.f32 v2, $0.0e+00;
	v63 =	vmin.f32 v3, $0.0e+00  }
0x5c: {  	v4 =	vmul.f32 $2.000000030e-01, v62;
	v5 =	vmul.f32 $2.000000030e-01, v63  }
0x5d: {  	v3 =	vmax.f32 v3, $0.0e+00;
	v2 =	vmax.f32 v2, $0.0e+00  }
0x5e: {  	v2 =	vadd.f32 v4, v2;
	v3 =	vadd.f32 v5, v3;
	_ =	sdelay $0x1  }
0x5f: {  	v2 =	vsub.f32 v2, v3;
	_ =	sdelay $0x1  }
0x60: {  	v2 =	vmul.f32 $1.442695020e+00, v2;
	_ =	sdelay $0x1  }
0x61: {  	s23 =	simm.s32 $0x40;
	s24 =	smov.u32 s20;
	(erf) = vpow2.f32 v2  }
.LBB2_3:
0x62: {  	_ =	sdelay $0x3  }
0x63: {  	p1 =	sne.s32 s23, $0x1C0  }
0x64: {  	s24 =	sadd.s32 $0x10, s24;
	s25 =	smov.u32 s23;
	s23 =	sadd.s32 $0x40, s23  }
0x65: {  	_ =	sdelay $0x1  }
0x66: {  	v2 =	vpop (erf)  }
0x67: {  	s25 =	sshra.s32 s25, $0x2;
	v2 =	vpsel !p0, $0x0, v2  }
0x68: {  	[tilespmem:s22+$0x19480] =	vst v2;
	s22 =	smov.u32 s25  }
0x69: {  	v2 =	vld.idx.msk [tilespmem:v0+s22+$0x0 ss:$0x1], $0xffff  }
0x6a: {  	v3 =	vld.idx.msk [tilespmem:v1+s22+$0x0 ss:$0x1], $0xffff;
	_ =	sdelay $0x4  }
0x6b: {  	v2 =	vshll.u32 v2, $0x2  }
0x6c: {  	v3 =	vshll.u32 v3, $0x2;
	_ =	sdelay $0x3  }
0x6d: {  	v4 =	vld.idx.msk [tilespmem:v2+s13+$0x0], $0xffff  }
0x6e: {  	v5 =	vld.idx.msk [tilespmem:v3+s14+$0x0], $0xffff  }
0x6f: {  	v6 =	vld [tilespmem:$0x19100];
	_ =	sdelay $0x4  }
0x70: {  	v4 =	vadd.f32 v5, v4;
	v5 =	vadd.f32 v6, v5;
	_ =	sdelay $0x1  }
0x71: {  	v6 =	vmin.f32 v4, $0.0e+00;
	v7 =	vmin.f32 v5, $0.0e+00  }
0x72: {  	v6 =	vmul.f32 $2.000000030e-01, v6;
	v7 =	vmul.f32 $2.000000030e-01, v7  }
0x73: {  	v4 =	vmax.f32 v4, $0.0e+00;
	v5 =	vmax.f32 v5, $0.0e+00  }
0x74: {  	v4 =	vadd.f32 v6, v4;
	v5 =	vadd.f32 v7, v5;
	_ =	sdelay $0x1  }
0x75: {  	v4 =	vsub.f32 v4, v5;
	_ =	sdelay $0x1  }
0x76: {  	v4 =	vmul.f32 $1.442695020e+00, v4;
	_ =	sdelay $0x1  }
0x77: {  	(erf) = vpow2.f32 v4;
	_ =	sdelay $0x6  }
0x78: {  	v4 =	vor.u32 $0x1, v2  }
0x79: {  	v5 =	vor.u32 $0x1, v3  }
0x7a: {  	p0 =	slt.u32 s24, $0x50910;
	v6 =	vpop (erf)  }
0x7b: {  	v6 =	vpsel !p0, $0x0, v6  }
0x7c: {  	[tilespmem:s22+$0x19300] =	vst v6  }
0x7d: {  	v4 =	vld.idx.msk [tilespmem:v4+s13+$0x0], $0xffff  }
0x7e: {  	v5 =	vld.idx.msk [tilespmem:v5+s14+$0x0], $0xffff  }
0x7f: {  	v6 =	vld [tilespmem:$0x19180];
	_ =	sdelay $0x4  }
0x80: {  	v4 =	vadd.f32 v5, v4;
	v5 =	vadd.f32 v6, v5;
	_ =	sdelay $0x1  }
0x81: {  	v6 =	vmin.f32 v4, $0.0e+00;
	v7 =	vmin.f32 v5, $0.0e+00  }
0x82: {  	v6 =	vmul.f32 $2.000000030e-01, v6;
	v7 =	vmul.f32 $2.000000030e-01, v7  }
0x83: {  	v4 =	vmax.f32 v4, $0.0e+00;
	v5 =	vmax.f32 v5, $0.0e+00  }
0x84: {  	v4 =	vadd.f32 v6, v4;
	v5 =	vadd.f32 v7, v5;
	_ =	sdelay $0x1  }
0x85: {  	v4 =	vsub.f32 v4, v5;
	_ =	sdelay $0x1  }
0x86: {  	v4 =	vmul.f32 $1.442695020e+00, v4;
	_ =	sdelay $0x1  }
0x87: {  	(erf) = vpow2.f32 v4;
	_ =	sdelay $0x6  }
0x88: {  	v4 =	vor.u32 $0x2, v2  }
0x89: {  	v5 =	vor.u32 $0x2, v3  }
0x8a: {  	v6 =	vpop (erf)  }
0x8b: {  	v6 =	vpsel !p0, $0x0, v6  }
0x8c: {  	[tilespmem:s22+$0x19380] =	vst v6  }
0x8d: {  	v4 =	vld.idx.msk [tilespmem:v4+s13+$0x0], $0xffff  }
0x8e: {  	v5 =	vld.idx.msk [tilespmem:v5+s14+$0x0], $0xffff  }
0x8f: {  	v6 =	vld [tilespmem:$0x19200];
	_ =	sdelay $0x4  }
0x90: {  	v4 =	vadd.f32 v5, v4;
	v5 =	vadd.f32 v6, v5;
	_ =	sdelay $0x1  }
0x91: {  	v6 =	vmin.f32 v4, $0.0e+00;
	v7 =	vmin.f32 v5, $0.0e+00  }
0x92: {  	v6 =	vmul.f32 $2.000000030e-01, v6;
	v7 =	vmul.f32 $2.000000030e-01, v7  }
0x93: {  	v4 =	vmax.f32 v4, $0.0e+00;
	v5 =	vmax.f32 v5, $0.0e+00  }
0x94: {  	v4 =	vadd.f32 v6, v4;
	v5 =	vadd.f32 v7, v5;
	_ =	sdelay $0x1  }
0x95: {  	v4 =	vsub.f32 v4, v5;
	_ =	sdelay $0x1  }
0x96: {  	v4 =	vmul.f32 $1.442695020e+00, v4;
	_ =	sdelay $0x1  }
0x97: {  	(erf) = vpow2.f32 v4;
	_ =	sdelay $0x6  }
0x98: {  	v2 =	vor.u32 $0x3, v2  }
0x99: {  	v3 =	vor.u32 $0x3, v3  }
0x9a: {  	v4 =	vpop (erf)  }
0x9b: {  	v4 =	vpsel !p0, $0x0, v4  }
0x9c: {  	[tilespmem:s22+$0x19400] =	vst v4  }
0x9d: {  	v2 =	vld.idx.msk [tilespmem:v2+s13+$0x0], $0xffff  }
0x9e: {  	v3 =	vld.idx.msk [tilespmem:v3+s14+$0x0], $0xffff  }
0x9f: {  	v4 =	vld [tilespmem:$0x19280];
	_ =	sdelay $0x4  }
0xa0: {  	v2 =	vadd.f32 v3, v2;
	v3 =	vadd.f32 v4, v3;
	_ =	sdelay $0x1  }
0xa1: {  	v4 =	vmin.f32 v2, $0.0e+00;
	v5 =	vmax.f32 v3, $0.0e+00;
	v3 =	vmin.f32 v3, $0.0e+00  }
0xa2: {  	v2 =	vmax.f32 v2, $0.0e+00;
	v4 =	vmul.f32 $2.000000030e-01, v4;
	v3 =	vmul.f32 $2.000000030e-01, v3;
	_ =	sdelay $0x1  }
0xa3: {  	v2 =	vadd.f32 v4, v2;
	v3 =	vadd.f32 v3, v5;
	_ =	sdelay $0x1  }
.Ltmp0:
0xa4: {  	v2 =	vsub.f32 v2, v3;
	(pc) =	sbr.rel @p1 .LBB2_3-.Ltmp0, $3  }
0xa5: {  	_ = 	snop  }
0xa6: {  	v2 =	vmul.f32 $1.442695020e+00, v2;
	_ =	sdelay $0x1  }
0xa7: {  	(erf) = vpow2.f32 v2  }
0xa8: {  	_ =	sdelay $0x7  }
0xa9: {  	s23 =	sadd.s32 s9, s21;
	s21 =	sadd.s32 $0x1, s21;
	v0 =	vpop (erf)  }
0xaa: {  	s23 =	sshll.u32 s23, $0x6;
	v0 =	vpsel !p0, $0x0, v0;
	p0 =	sne.s32 s21, $0x51  }
.Ltmp1:
0xab: {  	s31 =	sadd.s32 s6, s23;
	[tilespmem:s22+$0x19480] =	vst v0;
	(pc) =	sbr.rel @p0 .LBB2_2-.Ltmp1, $4  }
0xac: {  	[hbm4b:s31+s3] =	stream.linear.scatter [tilespmem:s16], [sflag:$0x1], $0x200, $0x38;
	[tilespmem:$0x19500] =	vst v63  }
0xad: {  	_ =	swait.ge [sflag:s12], $0x200  }
0xae: {  	s20 =	sadd.s32 $0x80, s20;
	[sflag:s12] =	ssyncset.done $0x0  }
0xaf: {  	s18 =	sadd.s32 $0x80, s18;
	s19 =	sadd.s32 $0x80, s19;
	[sflag:s12] =	ssyncadd.s32 $0xFFFFFE00  }
0xb0: {  	s17 =	sadd.s32 $0x1, s17  }
0xb1: {  	p0 =	sne.s32 s17, s10  }
.Ltmp2:
0xb2: {  	_ = 	snop;
	(pc) =	sbr.rel @p0 .LBB2_1-.Ltmp2, $1  }
0xb3: {  	_ =	sdelay $0x3  }
0xb4: {  	_ =	sfence.sel $0x180000  }
0xb5: {  	[bflag:$0x0] =	sbarrier.arrive $0xFFFF  }
0xb6: {  	p0 =	sne.s32 s0, $0x0;
	_ =	strace $0x9000004D  }
0xb7: {  	s0 =	sadd.s32 @!p0 $0x100000, s1;
	[bflag:$0x2] =	sbarrier.arrive $0xFFFF  }
0xb8: {  	[sflag:s0] =	ssyncadd.tile.s32 @!p0 $0x1;
	_ =	shalt  }
.Lfunc_end2:
_tile_overlayer_lowered:
.L_overlay_start_2:
0xb9: {  	(tag) =	ssettag $0x2  }
0xba: {  	s0 =	rddreg [dreg:$0x0];
	s2 =	stileid.u32  }
0xbb: {  	s1 =	rddreg [dreg:$0x1];
	p0 =	sne.s32 s2, $0x0  }
0xbc: {  	s3 =	rddreg [dreg:$0x2];
	[bflag:$0x3] =	sbarrier.arrive $0xFFFF;
	s2 =	simm.s32 @!p0 $0x1C01  }
0xbd: {  	[timem:s3], [sflag:s2] =	dma.local @!p0 [hbm:s0], s1  }
0xbe: {  	s0 =	simm.s32 @!p0 $0x1  }
0xbf: {  	_ =	swait.ge @!p0 [sflag:s0], s1  }
0xc0: {  	s1 =	ssub.s32 @!p0 $0x0, s1;
	[sflag:s0] =	ssyncset.done @!p0 $0x0  }
0xc1: {  	[sflag:s0] =	ssyncadd.s32 @!p0 s1  }
0xc2: {  	[bflag:$0x3] =	sbarrier.arrive $0xFFFF  }
0xc3: {  	_ =	shalt  }

// kernel: kernel.23.cloned.1.call-start
scs
__scs_entry_jumppad:
0x0: {  	(pc) =	sbr.rel $0x88, $3  }
0x1: {  	(tag) =	ssettag $0x0;
	lr =	simm.s32 $0x1  }
0x2: {  	[smem:$0x3F92] =	sst lr;
	_ =	strace $0xD0000000  }
0x3: {  	_ = 	snop  }
0x4: {  	_ = 	snop  }
0x5: {  	_ = 	snop  }
0x6: {  	_ = 	snop  }
0x7: {  	_ = 	snop  }
__scs_overlays_trampoline_lowered:
0x8: {  	[smem:$0x3FA1] =	sst s0  }
0x9: {  	[smem:$0x3FA2] =	sst s1  }
0xa: {  	[smem:$0x3FA3] =	sst s2  }
0xb: {  	[smem:$0x3FA4] =	sst s3  }
0xc: {  	[smem:$0x3FA5] =	sst s4  }
0xd: {  	[smem:$0x3FA6] =	sst s5  }
0xe: {  	[smem:$0x3FA7] =	sst s6  }
0xf: {  	[smem:$0x3FA8] =	sst s7  }
0x10: {  	[smem:$0x3FA9] =	sst s8  }
0x11: {  	[smem:$0x3FAA] =	sst s9;
	s0 =	simm.s32 @!p0 $0x0  }
0x12: {  	s1 =	sld [smem:$0x3F90];
	s0 =	simm.s32 @p0 $0x1  }
0x13: {  	[smem:$0x3FAB] =	sst s0;
	s0 =	simm.s32 @!p1 $0x0  }
0x14: {  	s2 =	sld [smem:$0x3F8F];
	s0 =	simm.s32 @p1 $0x1  }
0x15: {  	[smem:$0x3FAC] =	sst s0;
	s0 =	simm.s32 @!p2 $0x0  }
0x16: {  	s3 =	sld [smem:$0x3FDB];
	s0 =	simm.s32 @p2 $0x1  }
0x17: {  	s4 =	simm.s32 $0x1BF5;
	[smem:$0x3FAE] =	sst s0  }
0x18: {  	s0 =	sld [smem:$0x3F91];
	_ =	swait.ge [sflag:s4], $0x0  }
0x19: {  	s7 =	sld [smem:$0x3F92]  }
0x1a: {  	s8 =	sadd.s32 $0xFFFFE003, lr  }
0x1b: {  	s9 =	sadd.s32 $0xFFFFFEF7, lr;
	s5 =	simm.s32 $0xFFFFFFFF;
	p2 =	slt.u32 s8, $0xFFFFF086  }
0x1c: {  	p1 =	slt.u32 s9, $0xF7A;
	s5 =	simm.s32 @!p2 $0x0  }
0x1d: {  	s5 =	simm.s32 @p1 $0x1;
	p0 =	seq.s32 s7, s2  }
0x1e: {  	s7 =	smul.u32 @!p0 $0xF7A, s2;
	p2 =	seq.s32 @!p0 s5, $0x0  }
0x1f: {  	s9 =	smul.u32 $0xF7A, s1;
	s8 =	simm.s32 @!p0 $0x1BF5;
	p2 =	por !p2, p0  }
0x20: {  	[sflag:s8] =	ssyncset.s32 @!p0 $0xFFFFF086;
	s6 =	sadd.s32 @!p0 s3, s7;
	s7 =	simm.s32 @!p0 $0x108  }
0x21: {  	s3 =	sadd.s32 s3, s9;
	s6 =	sadd.s32 @!p0 $0x88, s6;
	s7 =	simm.s32 @p2 $0x1082  }
0x22: {  	[simem:s7], [sflag:s8] =	dma.local @!p0 [hbm:s6], $0xF7A  }
0x23: {  	s9 =	sor.u32 $0xD0000000, s2;
	s6 =	simm.s32 $0x108;
	_ =	swait.ge @!p0 [sflag:s8], $0x0  }
0x24: {  	s3 =	sadd.s32 $0x88, s3;
	s6 =	simm.s32 @!p1 $0x1082;
	[sflag:s4] =	ssyncset.s32 $0xFFFFF086  }
0x25: {  	[simem:s6], [sflag:s4] =	dma.local [hbm:s3], $0xF7A  }
0x26: {  	[smem:$0x3F92] =	sst s1;
	(tag) =	ssettag s2;
	_ =	strace s9  }
0x27: {  	s1 =	sld [smem:$0x3FA2]  }
0x28: {  	s2 =	sld [smem:$0x3FA3]  }
0x29: {  	s4 =	sld [smem:$0x3FA5]  }
0x2a: {  	p0 =	seq.s32 s5, $0x0;
	s5 =	sld [smem:$0x3FA6]  }
0x2b: {  	s6 =	sld [smem:$0x3FA7]  }
0x2c: {  	s7 =	sld [smem:$0x3FA8]  }
0x2d: {  	s3 =	simm.s32 $0x108;
	s8 =	sld [smem:$0x3FA9]  }
0x2e: {  	s3 =	simm.s32 @!p0 $0x1082;
	s9 =	sld [smem:$0x3FAA]  }
0x2f: {  	lr =	sadd.s32 s0, s3;
	s0 =	sld [smem:$0x3FA1]  }
0x30: {  	s3 =	sld [smem:$0x3FA4]  }
0x31: {  	[smem:$0x3FAD] =	sst s10  }
0x32: {  	s10 =	sld [smem:$0x3FAB];
	_ =	sdelay $0x3  }
0x33: {  	p0 =	seq.s32 s10, $0x1;
	s10 =	sld [smem:$0x3FAD];
	_ =	sdelay $0x3  }
0x34: {  	[smem:$0x3FAD] =	sst s10  }
0x35: {  	s10 =	sld [smem:$0x3FAC];
	_ =	sdelay $0x3  }
0x36: {  	p1 =	seq.s32 s10, $0x1;
	s10 =	sld [smem:$0x3FAD];
	_ =	sdelay $0x3  }
0x37: {  	[smem:$0x3FAD] =	sst s10  }
0x38: {  	s10 =	sld [smem:$0x3FAE]  }
0x39: {  	_ = 	snop;
	(pc) =	sbr.ind lr, $3  }
0x3a: {  	_ = 	snop  }
0x3b: {  	_ = 	snop  }
0x3c: {  	p2 =	seq.s32 s10, $0x1;
	s10 =	sld [smem:$0x3FAD]  }
0x3d: {  	_ =	shalt  }
0x3e: {  	_ =	shalt  }
0x3f: {  	_ =	shalt  }
0x40: {  	_ =	shalt  }
0x41: {  	_ =	shalt  }
0x42: {  	_ =	shalt  }
0x43: {  	_ =	shalt  }
0x44: {  	_ =	shalt  }
0x45: {  	_ =	shalt  }
0x46: {  	_ =	shalt  }
0x47: {  	_ =	shalt  }
0x48: {  	_ =	shalt  }
0x49: {  	_ =	shalt  }
0x4a: {  	_ =	shalt  }
0x4b: {  	_ =	shalt  }
0x4c: {  	_ =	shalt  }
0x4d: {  	_ =	shalt  }
0x4e: {  	_ =	shalt  }
0x4f: {  	_ =	shalt  }
0x50: {  	_ =	shalt  }
0x51: {  	_ =	shalt  }
0x52: {  	_ =	shalt  }
0x53: {  	_ =	shalt  }
0x54: {  	_ =	shalt  }
0x55: {  	_ =	shalt  }
0x56: {  	_ =	shalt  }
0x57: {  	_ =	shalt  }
0x58: {  	_ =	shalt  }
0x59: {  	_ =	shalt  }
0x5a: {  	_ =	shalt  }
0x5b: {  	_ =	shalt  }
0x5c: {  	_ =	shalt  }
0x5d: {  	_ =	shalt  }
0x5e: {  	_ =	shalt  }
0x5f: {  	_ =	shalt  }
0x60: {  	_ =	shalt  }
0x61: {  	_ =	shalt  }
0x62: {  	_ =	shalt  }
0x63: {  	_ =	shalt  }
0x64: {  	_ =	shalt  }
0x65: {  	_ =	shalt  }
0x66: {  	_ =	shalt  }
0x67: {  	_ =	shalt  }
0x68: {  	_ =	shalt  }
0x69: {  	_ =	shalt  }
0x6a: {  	_ =	shalt  }
0x6b: {  	_ =	shalt  }
0x6c: {  	_ =	shalt  }
0x6d: {  	_ =	shalt  }
0x6e: {  	_ =	shalt  }
0x6f: {  	_ =	shalt  }
0x70: {  	_ =	shalt  }
0x71: {  	_ =	shalt  }
0x72: {  	_ =	shalt  }
0x73: {  	_ =	shalt  }
0x74: {  	_ =	shalt  }
0x75: {  	_ =	shalt  }
0x76: {  	_ =	shalt  }
0x77: {  	_ =	shalt  }
0x78: {  	_ =	shalt  }
0x79: {  	_ =	shalt  }
0x7a: {  	_ =	shalt  }
0x7b: {  	_ =	shalt  }
0x7c: {  	_ =	shalt  }
0x7d: {  	_ =	shalt  }
0x7e: {  	_ =	shalt  }
0x7f: {  	_ =	shalt  }
0x80: {  	_ =	shalt  }
0x81: {  	_ =	shalt  }
0x82: {  	_ =	shalt  }
0x83: {  	_ =	shalt  }
0x84: {  	_ =	shalt  }
0x85: {  	_ =	shalt  }
0x86: {  	_ =	shalt  }
0x87: {  	_ =	shalt  }
.Lfunc_end0:
.L_simem_size_0:
called_computation.3_lowered:
.L_overlay_start_0:
0x88: {  	s2 =	sld [smem:$0x3FD9]  }
0x89: {  	s3 =	sld [smem:$0x3FFE];
	_ =	sdelay $0x1  }
0x8a: {  	s1 =	srdreg.scid  }
0x8b: {  	s0 =	sand.u32 $0x1, s1  }
0x8c: {  	s16 =	sshll.u32 s0, $0xA;
	s2 =	sadd.s32 s3, s2  }
0x8d: {  	s2 =	sadd.s32 s2, s16  }
0x8e: {  	[smem:$0x3FB9] =	sst s2  }
0x8f: {  	_ = 	snop  }
0x90: {  	(tm) =	ssettm $0x1  }
0x91: {  	s17 =	sld [smem:$0x3FFB];
	_ =	sdelay $0x3  }
0x92: {  	_ =	strace s17  }
0x93: {  	s2 =	sld [smem:$0x3FFC];
	_ =	sdelay $0x3  }
0x94: {  	_ =	strace s2  }
0x95: {  	s2 =	sld [smem:$0x3FFD];
	_ =	sdelay $0x3  }
0x96: {  	_ =	strace s2  }
0x97: {  	_ =	strace $0x8FFFFFFF  }
0x98: {  	s18 =	sld [smem:$0x3FDB];
	_ =	sdelay $0x1  }
0x99: {  	s19 =	simm.s32 $_scs_section_size  }
0x9a: {  	s4 =	simm.s32 $_size__tile_overlayer_lowered;
	s5 =	simm.s32 $_tile_overlayer_lowered  }
0x9b: {  	s22 =	simm.s32 $0x1BFF;
	s21 =	sshll.u32 s5, $0x1;
	s2 =	sadd.s32 s19, s18  }
0x9c: {  	s6 =	simm.s32 $0x0;
	s20 =	sshll.u32 s4, $0x1;
	s4 =	sadd.s32 s21, s2  }
0x9d: {  	[timem:s6], [sflag:s22] =	dma.local [hbm:s4], s20  }
0x9e: {  	_ =	swait.ge [sflag:s22], s20  }
0x9f: {  	s3 =	ssub.s32 $0x0, s20;
	[sflag:s22] =	ssyncset.done $0x0  }
0xa0: {  	[sflag:s22] =	ssyncadd.s32 s3;
	_ =	sdelay $0x1  }
0xa1: {  	s23 =	simm.s32 $0x1B8B  }
0xa2: {  	_ =	swait.ge [sflag:s23], $0x1  }
0xa3: {  	[sflag:s23] =	ssyncset.done $0x0  }
0xa4: {  	s25 =	simm.s32 $0x1B8E;
	s24 =	sld [smem:$0x3FFE];
	[sflag:s23] =	ssyncadd.s32 $0xFFFFFFFF  }
0xa5: {  	s26 =	simm.s32 $execute0_lowered;
	[smem:$0x3FD2] =	sst s25  }
0xa6: {  	s4 =	sshll.u32 s26, $0x1;
	_ =	strace $0x8000004F;
	[dreg:$0x1] =	wrdreg $0xFFFFFFFF  }
0xa7: {  	s28 =	simm.s32 $_size_execute0_lowered;
	s2 =	sadd.s32 s2, s4;
	[dreg:$0x0] =	wrdreg $0x0  }
0xa8: {  	s4 =	sshll.u32 s28, $0x1;
	[dreg:$0x2] =	wrdreg s2  }
0xa9: {  	[dreg:$0x3] =	wrdreg s4  }
0xaa: {  	[dreg:$0x4] =	wrdreg $0xC0  }
0xab: {  	_ =	task [dreg:s6], $0x5FFFF  }
0xac: {  	[dreg:$0x1] =	wrdreg $0xFFFFFFFF  }
0xad: {  	[dreg:$0x0] =	wrdreg $0x60  }
0xae: {  	[dreg:$0x2] =	wrdreg s24  }
0xaf: {  	[dreg:$0x3] =	wrdreg $0x9A000  }
0xb0: {  	[dreg:$0x4] =	wrdreg $0x9  }
0xb1: {  	_ =	task.clear_ibuf [dreg:s6], $0x5FFFF;
	_ =	strace $0x9000004F  }
0xb2: {  	s29 =	simm.s32 $0x9;
	_ =	strace $0x80000051  }
0xb3: {  	_ =	swait.ge [sflag:s29], $0x1  }
0xb4: {  	[sflag:s29] =	ssyncadd.s32 $0xFFFFFFFF  }
0xb5: {  	_ =	strace $0x90000051  }
0xb6: {  	_ =	sfence  }
0xb7: {  	s30 =	sld [smem:$0x0];
	_ =	sdelay $0x2  }
0xb8: {  	s31 =	sshll.u32 s1, $0xD;
	s1 =	sshrl.u32 s1, $0x2  }
0xb9: {  	s3 =	sand.u32 $0x4000, s31;
	s1 =	sadd.s32 s1, s30  }
0xba: {  	s0 =	sor.u32 s3, s0;
	s1 =	sshll.u32 s1, $0x11  }
0xbb: {  	s0 =	sor.u32 s1, s0  }
0xbc: {  	s0 =	sadd.s32 $0x8F2B, s0  }
0xbd: {  	[sflag:s0] =	ssyncadd.remote.s32 $0x1  }
0xbe: {  	_ =	sfence.sel $0xFFFF  }
0xbf: {  	[dreg:$0x0] =	wrdreg $0xFFFFFFFF;
	(pc) =	sbr.abs _section_cstart, $3  }
0xc0: {  	[dreg:$0x1] =	wrdreg $0xFFFFFFFF  }
0xc1: {  	_ =	task.clear_ibuf [dreg:s6], $0x2FFFF;
	_ =	strace $0x9FFFFFFF  }
0xc2: {  	(tm) =	ssettm $0x7FFFFFFF  }
0xc3: {  	_ =	shalt  }
tec
execute0_lowered:
.L_overlay_start_1:
0x0: {  	(tag) =	ssettag $0x1  }
0x1: {  	s0 =	srdreg.scid;
	s7 =	rddreg [dreg:$0x0]  }
0x2: {  	s2 =	rddreg [dreg:$0x1];
	s3 =	simm.s32 $0x0;
	s16 =	simm.s32 $0x2  }
0x3: {  	s17 =	simm.s32 $0x2C00;
	s18 =	simm.s32 $0x5800;
	s19 =	simm.s32 $0x80  }
0x4: {  	s20 =	simm.s32 $0x1;
	s21 =	simm.s32 $0x9800;
	s6 =	sand.u32 $0x1, s0  }
0x5: {  	s23 =	simm.s32 $0x0;
	s0 =	stileid.u32;
	s8 =	smul.u32 $0x140000, s6  }
0x6: {  	[smem:$0x7FF] =	sst s3;
	s5 =	sadd.s32 $0x1E600, s7;
	s9 =	smul.u32 $0x14000, s0  }
0x7: {  	s1 =	sshll.u32 s6, $0x4;
	s11 =	smul.u32 $0x50000, s0;
	s6 =	ssub.s32 $0x2, s6  }
0x8: {  	s22 =	sshll.u32 s0, $0x6;
	s13 =	sor.u32 s0, s1;
	s1 =	rddreg [dreg:$0x2]  }
0x9: {  	_ =	strace $0x80000050;
	s31 =	sshrl.u32 s6, $0x1;
	s22 =	sor.u32 $0x1C02, s22  }
0xa: {  	s4 =	smul.u32 $0x580, s13;
	s8 =	sadd.s32 s9, s8;
	s11 =	sshrl.u32 s11, $0x2  }
0xb: {  	s15 =	ssub.s32 s6, s31;
	s13 =	smul.u32 $0x51, s13;
	s8 =	sshrl.u32 s8, $0x3  }
0xc: {  	s6 =	sadd.s32 s11, s2;
	s15 =	smax.u32 s15, $0x1;
	s10 =	sadd.s32 s4, s7  }
0xd: {  	v0 =	vlaneseq.u32;
	s4 =	sadd.s32 $0x46E00, s7;
	s14 =	sadd.s32 s8, s7;
	s9 =	sadd.s32 $0x4000, s6  }
0xe: {  	v1 =	vand.u32 $0x3, v0;
	s11 =	sadd.s32 $0xC000, s6;
	s12 =	sadd.s32 $0x10000, s6;
	s7 =	sadd.s32 $0x5E00, s10  }
0xf: {  	v0 =	vimm.f32 $0.0e+00;
	v1 =	vmul.u32 $0x80, v1;
	s8 =	sadd.s32 $0x10E00, s10;
	s10 =	sadd.s32 $0x8000, s6;
	s14 =	sadd.s32 $0x6E000, s14  }
.LBB2_1:
0x10: {  	[tilespmem:s3], [sflag:$0x2] =	stream.linear.gather [hbm4b:s7+s3], $0x2880, $0x38;
	[tilespmem:$0x1DA00] =	vst v63  }
0x11: {  	_ =	swait.ge [sflag:s16], $0x2880  }
0x12: {  	[sflag:s16] =	ssyncset.done $0x0  }
0x13: {  	[sflag:s16] =	ssyncadd.s32 $0xFFFFD780  }
0x14: {  	[tilespmem:s17], [sflag:$0x2] =	stream.linear.gather [hbm4b:s8+s3], $0x2880, $0x38;
	[tilespmem:$0x1DA00] =	vst v63  }
0x15: {  	_ =	swait.ge [sflag:s16], $0x2880  }
0x16: {  	[sflag:s16] =	ssyncset.done $0x0  }
0x17: {  	s24 =	simm.s32 $0x0;
	s25 =	simm.s32 $0x200;
	[sflag:s16] =	ssyncadd.s32 $0xFFFFD780  }
.LBB2_2:
0x18: {  	p0 =	sne.s32 s25, $0xFE00;
	[tilespmem:s24+$0x5870] =	vst v0  }
0x19: {  	[tilespmem:s24+$0x5800] =	vst v0  }
0x1a: {  	[tilespmem:s24+$0x5810] =	vst v0  }
.Ltmp0:
0x1b: {  	[tilespmem:s24+$0x5820] =	vst v0;
	(pc) =	sbr.rel @p0 .LBB2_2-.Ltmp0, $4  }
0x1c: {  	[tilespmem:s24+$0x5830] =	vst v0  }
0x1d: {  	[tilespmem:s24+$0x5840] =	vst v0  }
0x1e: {  	[tilespmem:s24+$0x5850] =	vst v0  }
0x1f: {  	[tilespmem:s24+$0x5860] =	vst v0;
	s24 =	sshra.s32 s25, $0x2;
	s25 =	sadd.s32 $0x200, s25  }
0x20: {  	[tilespmem:s24+$0x5870] =	vst v0  }
0x21: {  	[tilespmem:s24+$0x5800] =	vst v0  }
0x22: {  	[tilespmem:s24+$0x5810] =	vst v0  }
0x23: {  	[tilespmem:s24+$0x5820] =	vst v0  }
0x24: {  	[tilespmem:s24+$0x5830] =	vst v0  }
0x25: {  	[tilespmem:s24+$0x5840] =	vst v0  }
0x26: {  	[tilespmem:s24+$0x5850] =	vst v0  }
0x27: {  	[tilespmem:s24+$0x5860] =	vst v0  }
0x28: {  	[spmem:s6] =	stream.linear.scatter [tilespmem:s18], [sflag:$0x2], $0x4000, $0x38;
	[tilespmem:$0x1DA00] =	vst v63  }
0x29: {  	_ =	swait.ge [sflag:s16], $0x4000  }
0x2a: {  	[sflag:s16] =	ssyncset.done $0x0  }
0x2b: {  	[sflag:s16] =	ssyncadd.s32 $0xFFFFC000  }
0x2c: {  	[spmem:s9] =	stream.linear.scatter [tilespmem:s18], [sflag:$0x2], $0x4000, $0x38;
	[tilespmem:$0x1DA00] =	vst v63  }
0x2d: {  	_ =	swait.ge [sflag:s16], $0x4000  }
0x2e: {  	[sflag:s16] =	ssyncset.done $0x0  }
0x2f: {  	[sflag:s16] =	ssyncadd.s32 $0xFFFFC000  }
0x30: {  	[spmem:s10] =	stream.linear.scatter [tilespmem:s18], [sflag:$0x2], $0x4000, $0x38;
	[tilespmem:$0x1DA00] =	vst v63  }
0x31: {  	_ =	swait.ge [sflag:s16], $0x4000  }
0x32: {  	[sflag:s16] =	ssyncset.done $0x0  }
0x33: {  	[sflag:s16] =	ssyncadd.s32 $0xFFFFC000  }
0x34: {  	[spmem:s11] =	stream.linear.scatter [tilespmem:s18], [sflag:$0x2], $0x4000, $0x38;
	[tilespmem:$0x1DA00] =	vst v63  }
0x35: {  	_ =	swait.ge [sflag:s16], $0x4000  }
0x36: {  	[sflag:s16] =	ssyncset.done $0x0  }
0x37: {  	[sflag:s16] =	ssyncadd.s32 $0xFFFFC000  }
0x38: {  	[spmem:s12] =	stream.linear.scatter [tilespmem:s18], [sflag:$0x2], $0x4000, $0x38;
	[tilespmem:$0x1DA00] =	vst v63  }
0x39: {  	_ =	swait.ge [sflag:s16], $0x4000  }
0x3a: {  	[sflag:s16] =	ssyncset.done $0x0  }
0x3b: {  	[sflag:s16] =	ssyncadd.s32 $0xFFFFC000  }
0x3c: {  	s24 =	simm.s32 $0x0;
	s25 =	simm.s32 $0x0;
	[bflag:$0x0] =	sbarrier.arrive $0xFFFF  }
.LBB2_4:
0x3d: {  	s26 =	sshll.u32 s25, $0x7  }
0x3e: {  	[tilespmem:s18], [sflag:$0x1] =	stream.indirect.gather [hbm4b:s4+s19], $0x80, s26, s19, $0xb8;
	[tilespmem:$0x1DA00] =	vst v63  }
0x3f: {  	s28 =	sadd.s32 s13, s25;
	_ =	swait.ge [sflag:s20], $0x4000  }
0x40: {  	s28 =	sshll.u32 s28, $0x6;
	[sflag:s20] =	ssyncset.done $0x0  }
0x41: {  	v2 =	vmov s24;
	s28 =	sadd.s32 s5, s28;
	[sflag:s20] =	ssyncadd.s32 $0xFFFFC000  }
0x42: {  	[tilespmem:s21], [sflag:$0x2] =	stream.linear.gather [hbm4b:s28+s24], $0x200, $0x38;
	[tilespmem:$0x1DA00] =	vst v63  }
0x43: {  	_ =	swait.ge [sflag:s16], $0x200  }
0x44: {  	[sflag:s16] =	ssyncset.done $0x0  }
0x45: {  	[sflag:s16] =	ssyncadd.s32 $0xFFFFFE00  }
0x46: {  	s28 =	simm.s32 $0x5820;
	v3 =	vld.idx.msk [tilespmem:v2+s21+$0x0], $0xffff  }
0x47: {  	v4 =	vld [tilespmem:s28+$0xFFFFFFE0];
	_ =	sdelay $0x4  }
0x48: {  	v3 =	vmul.f32 v4, v3;
	_ =	sdelay $0x1  }
0x49: {  	[tilespmem:s28+$0xFFFFFFE0] =	vst v3;
	v3 =	vld [tilespmem:s28+$0xFFFFFFF0]  }
0x4a: {  	v2 =	vld.idx.msk [tilespmem:v2+s21+$0x0], $0xffff;
	_ =	sdelay $0x1  }
0x4b: {  	s29 =	simm.s32 $0x80  }
0x4c: {  	v4 =	vmov s29;
	_ =	sdelay $0x1  }
0x4d: {  	v2 =	vmul.f32 v3, v2;
	_ =	sdelay $0x1  }
0x4e: {  	v3 =	vld [tilespmem:s28+$0x0];
	[tilespmem:s28+$0xFFFFFFF0] =	vst v2  }
0x4f: {  	v2 =	vld.idx.msk [tilespmem:v4+s21+$0x0], $0xffff;
	_ =	sdelay $0x4  }
0x50: {  	v2 =	vmul.f32 v3, v2;
	_ =	sdelay $0x1  }
0x51: {  	v3 =	vld [tilespmem:s28+$0x10];
	[tilespmem:s28+$0x0] =	vst v2  }
0x52: {  	v2 =	vld.idx.msk [tilespmem:v4+s21+$0x0], $0xffff;
	_ =	sdelay $0x2  }
0x53: {  	v4 =	vor.u32 s24, v1;
	_ =	sdelay $0x1  }
0x54: {  	v2 =	vmul.f32 v3, v2;
	_ =	sdelay $0x1  }
0x55: {  	[tilespmem:s28+$0x10] =	vst v2  }
0x56: {  	v3 =	vld.idx.msk [tilespmem:v4+s21+$0x0], $0xffff  }
0x57: {  	v4 =	vld [tilespmem:s28+$0x20];
	_ =	sdelay $0x1  }
0x58: {  	s29 =	simm.s32 $0x1  }
0x59: {  	s30 =	simm.s32 $0x2;
	v2 =	vmov s29  }
.LBB2_5:
0x5a: {  	p0 =	sne.s32 s30, $0x7F  }
0x5b: {  	v3 =	vmul.f32 v4, v3;
	_ =	sdelay $0x1  }
0x5c: {  	[tilespmem:s28+$0x20] =	vst v3  }
0x5d: {  	s28 =	sadd.s32 $0x80, s28;
	v3 =	vld.idx.msk [tilespmem:v2+s21+$0x0], $0xffff  }
0x5e: {  	v4 =	vld [tilespmem:s28+$0xFFFFFFE0];
	_ =	sdelay $0x4  }
0x5f: {  	v3 =	vmul.f32 v4, v3;
	_ =	sdelay $0x1  }
0x60: {  	[tilespmem:s28+$0xFFFFFFE0] =	vst v3  }
0x61: {  	v2 =	vld.idx.msk [tilespmem:v2+s21+$0x0], $0xffff  }
0x62: {  	v3 =	vld [tilespmem:s28+$0xFFFFFFF0];
	_ =	sdelay $0x1  }
0x63: {  	s31 =	sadd.s32 $0x80, s29  }
0x64: {  	v4 =	vmov s31;
	_ =	sdelay $0x1  }
0x65: {  	v2 =	vmul.f32 v3, v2;
	_ =	sdelay $0x1  }
0x66: {  	[tilespmem:s28+$0xFFFFFFF0] =	vst v2  }
0x67: {  	v2 =	vld.idx.msk [tilespmem:v4+s21+$0x0], $0xffff  }
0x68: {  	v3 =	vld [tilespmem:s28+$0x0];
	_ =	sdelay $0x4  }
0x69: {  	v2 =	vmul.f32 v3, v2;
	_ =	sdelay $0x1  }
0x6a: {  	[tilespmem:s28+$0x0] =	vst v2  }
0x6b: {  	v2 =	vld.idx.msk [tilespmem:v4+s21+$0x0], $0xffff  }
0x6c: {  	v3 =	vld [tilespmem:s28+$0x10];
	_ =	sdelay $0x2  }
0x6d: {  	v4 =	vor.u32 s29, v1;
	s29 =	smov.u32 s30;
	_ =	sdelay $0x1  }
0x6e: {  	v2 =	vmul.f32 v3, v2;
	_ =	sdelay $0x1  }
0x6f: {  	[tilespmem:s28+$0x10] =	vst v2  }
.Ltmp1:
0x70: {  	v3 =	vld.idx.msk [tilespmem:v4+s21+$0x0], $0xffff;
	(pc) =	sbr.rel @p0 .LBB2_5-.Ltmp1, $2  }
0x71: {  	v4 =	vld [tilespmem:s28+$0x20];
	_ =	sdelay $0x2  }
0x72: {  	s30 =	sadd.s32 $0x1, s30;
	v2 =	vmov s29  }
0x73: {  	_ = 	snop  }
0x74: {  	v3 =	vmul.f32 v4, v3  }
0x75: {  	s31 =	sadd.s32 $0x80, s28  }
0x76: {  	v61 =	vld [tilespmem:s31+$0xFFFFFFE0];
	[tilespmem:s28+$0x20] =	vst v3  }
0x77: {  	v3 =	vld.idx.msk [tilespmem:v2+s21+$0x0], $0xffff;
	_ =	sdelay $0x4  }
0x78: {  	v3 =	vmul.f32 v61, v3;
	_ =	sdelay $0x1  }
0x79: {  	[tilespmem:s31+$0xFFFFFFE0] =	vst v3;
	v3 =	vld [tilespmem:s31+$0xFFFFFFF0]  }
0x7a: {  	v2 =	vld.idx.msk [tilespmem:v2+s21+$0x0], $0xffff;
	_ =	sdelay $0x1  }
0x7b: {  	s30 =	sadd.s32 $0x80, s29  }
0x7c: {  	v62 =	vmov s30;
	_ =	sdelay $0x1  }
0x7d: {  	v2 =	vmul.f32 v3, v2;
	_ =	sdelay $0x1  }
0x7e: {  	v3 =	vld [tilespmem:s31+$0x0];
	[tilespmem:s31+$0xFFFFFFF0] =	vst v2  }
0x7f: {  	v2 =	vld.idx.msk [tilespmem:v62+s21+$0x0], $0xffff;
	_ =	sdelay $0x4  }
0x80: {  	v2 =	vmul.f32 v3, v2;
	_ =	sdelay $0x1  }
0x81: {  	v3 =	vld [tilespmem:s31+$0x10];
	[tilespmem:s31+$0x0] =	vst v2  }
0x82: {  	v2 =	vld.idx.msk [tilespmem:v62+s21+$0x0], $0xffff;
	_ =	sdelay $0x2  }
0x83: {  	v63 =	vor.u32 s29, v1;
	_ =	sdelay $0x1  }
0x84: {  	v2 =	vmul.f32 v3, v2;
	_ =	sdelay $0x1  }
0x85: {  	v3 =	vld [tilespmem:s31+$0x20];
	[tilespmem:s31+$0x10] =	vst v2  }
0x86: {  	v2 =	vld.idx.msk [tilespmem:v63+s21+$0x0], $0xffff;
	_ =	sdelay $0x4  }
0x87: {  	s25 =	sadd.s32 $0x1, s25;
	v2 =	vmul.f32 v3, v2  }
0x88: {  	p0 =	sne.s32 s25, $0x51  }
.Ltmp2:
0x89: {  	s26 =	sadd.s32 $0x2C00, s26;
	[tilespmem:s31+$0x20] =	vst v2;
	(pc) =	sbr.rel @p0 .LBB2_4-.Ltmp2, $4  }
0x8a: {  	[spmem:s2] =	stream.indirect.scatter.add.f32 [tilespmem:s18], [sflag:$0x2], $0x80, s26, s19, $0xb8;
	[tilespmem:$0x1DA00] =	vst v63  }
0x8b: {  	_ =	swait.ge [sflag:s16], $0x4000  }
0x8c: {  	[sflag:s16] =	ssyncset.done $0x0  }
0x8d: {  	[sflag:s16] =	ssyncadd.s32 $0xFFFFC000  }
0x8e: {  	s23 =	sadd.s32 $0x1, s23  }
0x8f: {  	p0 =	sne.s32 s23, s15  }
.Ltmp3:
0x90: {  	[bflag:$0x0] =	sbarrier.arrive $0xFFFF;
	s24 =	sshrl.u32 s6, $0x3;
	(pc) =	sbr.rel @p0 .LBB2_1-.Ltmp3, $4  }
0x91: {  	[hbm:s14], [sflag:s22] =	dma.local [spmem:s24], $0x2800  }
0x92: {  	_ =	swait.ge [sflag:s16], $0x2800  }
0x93: {  	[sflag:s16] =	ssyncset.done $0x0  }
0x94: {  	[sflag:s16] =	ssyncadd.s32 $0xFFFFD800  }
0x95: {  	_ =	sfence.sel $0x180000  }
0x96: {  	[bflag:$0x0] =	sbarrier.arrive $0xFFFF  }
0x97: {  	p0 =	sne.s32 s0, $0x0;
	_ =	strace $0x90000050  }
0x98: {  	s0 =	sadd.s32 @!p0 $0x100000, s1;
	[bflag:$0x2] =	sbarrier.arrive $0xFFFF  }
0x99: {  	[sflag:s0] =	ssyncadd.tile.s32 @!p0 $0x1;
	_ =	shalt  }
.Lfunc_end2:
_tile_overlayer_lowered:
.L_overlay_start_2:
0x9a: {  	(tag) =	ssettag $0x2  }
0x9b: {  	s0 =	rddreg [dreg:$0x0];
	s2 =	stileid.u32  }
0x9c: {  	s1 =	rddreg [dreg:$0x1];
	p0 =	sne.s32 s2, $0x0  }
0x9d: {  	s3 =	rddreg [dreg:$0x2];
	[bflag:$0x3] =	sbarrier.arrive $0xFFFF;
	s2 =	simm.s32 @!p0 $0x1C02  }
0x9e: {  	[timem:s3], [sflag:s2] =	dma.local @!p0 [hbm:s0], s1  }
0x9f: {  	s0 =	simm.s32 @!p0 $0x2  }
0xa0: {  	_ =	swait.ge @!p0 [sflag:s0], s1  }
0xa1: {  	s1 =	ssub.s32 @!p0 $0x0, s1;
	[sflag:s0] =	ssyncset.done @!p0 $0x0  }
0xa2: {  	[sflag:s0] =	ssyncadd.s32 @!p0 s1  }
0xa3: {  	[bflag:$0x3] =	sbarrier.arrive $0xFFFF  }
0xa4: {  	_ =	shalt  }

// kernel: kernel.26.cloned.1.call-start
scs
__scs_entry_jumppad:
0x0: {  	(pc) =	sbr.rel $0x88, $3  }
0x1: {  	(tag) =	ssettag $0x0;
	lr =	simm.s32 $0x1  }
0x2: {  	[smem:$0x3F92] =	sst lr;
	_ =	strace $0xD0000000  }
0x3: {  	_ = 	snop  }
0x4: {  	_ = 	snop  }
0x5: {  	_ = 	snop  }
0x6: {  	_ = 	snop  }
0x7: {  	_ = 	snop  }
__scs_overlays_trampoline_lowered:
0x8: {  	[smem:$0x3FA1] =	sst s0  }
0x9: {  	[smem:$0x3FA2] =	sst s1  }
0xa: {  	[smem:$0x3FA3] =	sst s2  }
0xb: {  	[smem:$0x3FA4] =	sst s3  }
0xc: {  	[smem:$0x3FA5] =	sst s4  }
0xd: {  	[smem:$0x3FA6] =	sst s5  }
0xe: {  	[smem:$0x3FA7] =	sst s6  }
0xf: {  	[smem:$0x3FA8] =	sst s7  }
0x10: {  	[smem:$0x3FA9] =	sst s8  }
0x11: {  	[smem:$0x3FAA] =	sst s9;
	s0 =	simm.s32 @!p0 $0x0  }
0x12: {  	s1 =	sld [smem:$0x3F90];
	s0 =	simm.s32 @p0 $0x1  }
0x13: {  	[smem:$0x3FAB] =	sst s0;
	s0 =	simm.s32 @!p1 $0x0  }
0x14: {  	s2 =	sld [smem:$0x3F8F];
	s0 =	simm.s32 @p1 $0x1  }
0x15: {  	[smem:$0x3FAC] =	sst s0;
	s0 =	simm.s32 @!p2 $0x0  }
0x16: {  	s3 =	sld [smem:$0x3FDB];
	s0 =	simm.s32 @p2 $0x1  }
0x17: {  	s4 =	simm.s32 $0x1BF5;
	[smem:$0x3FAE] =	sst s0  }
0x18: {  	s0 =	sld [smem:$0x3F91];
	_ =	swait.ge [sflag:s4], $0x0  }
0x19: {  	s7 =	sld [smem:$0x3F92]  }
0x1a: {  	s8 =	sadd.s32 $0xFFFFE003, lr  }
0x1b: {  	s9 =	sadd.s32 $0xFFFFFEF7, lr;
	s5 =	simm.s32 $0xFFFFFFFF;
	p2 =	slt.u32 s8, $0xFFFFF086  }
0x1c: {  	p1 =	slt.u32 s9, $0xF7A;
	s5 =	simm.s32 @!p2 $0x0  }
0x1d: {  	s5 =	simm.s32 @p1 $0x1;
	p0 =	seq.s32 s7, s2  }
0x1e: {  	s7 =	smul.u32 @!p0 $0xF7A, s2;
	p2 =	seq.s32 @!p0 s5, $0x0  }
0x1f: {  	s9 =	smul.u32 $0xF7A, s1;
	s8 =	simm.s32 @!p0 $0x1BF5;
	p2 =	por !p2, p0  }
0x20: {  	[sflag:s8] =	ssyncset.s32 @!p0 $0xFFFFF086;
	s6 =	sadd.s32 @!p0 s3, s7;
	s7 =	simm.s32 @!p0 $0x108  }
0x21: {  	s3 =	sadd.s32 s3, s9;
	s6 =	sadd.s32 @!p0 $0x88, s6;
	s7 =	simm.s32 @p2 $0x1082  }
0x22: {  	[simem:s7], [sflag:s8] =	dma.local @!p0 [hbm:s6], $0xF7A  }
0x23: {  	s9 =	sor.u32 $0xD0000000, s2;
	s6 =	simm.s32 $0x108;
	_ =	swait.ge @!p0 [sflag:s8], $0x0  }
0x24: {  	s3 =	sadd.s32 $0x88, s3;
	s6 =	simm.s32 @!p1 $0x1082;
	[sflag:s4] =	ssyncset.s32 $0xFFFFF086  }
0x25: {  	[simem:s6], [sflag:s4] =	dma.local [hbm:s3], $0xF7A  }
0x26: {  	[smem:$0x3F92] =	sst s1;
	(tag) =	ssettag s2;
	_ =	strace s9  }
0x27: {  	s1 =	sld [smem:$0x3FA2]  }
0x28: {  	s2 =	sld [smem:$0x3FA3]  }
0x29: {  	s4 =	sld [smem:$0x3FA5]  }
0x2a: {  	p0 =	seq.s32 s5, $0x0;
	s5 =	sld [smem:$0x3FA6]  }
0x2b: {  	s6 =	sld [smem:$0x3FA7]  }
0x2c: {  	s7 =	sld [smem:$0x3FA8]  }
0x2d: {  	s3 =	simm.s32 $0x108;
	s8 =	sld [smem:$0x3FA9]  }
0x2e: {  	s3 =	simm.s32 @!p0 $0x1082;
	s9 =	sld [smem:$0x3FAA]  }
0x2f: {  	lr =	sadd.s32 s0, s3;
	s0 =	sld [smem:$0x3FA1]  }
0x30: {  	s3 =	sld [smem:$0x3FA4]  }
0x31: {  	[smem:$0x3FAD] =	sst s10  }
0x32: {  	s10 =	sld [smem:$0x3FAB];
	_ =	sdelay $0x3  }
0x33: {  	p0 =	seq.s32 s10, $0x1;
	s10 =	sld [smem:$0x3FAD];
	_ =	sdelay $0x3  }
0x34: {  	[smem:$0x3FAD] =	sst s10  }
0x35: {  	s10 =	sld [smem:$0x3FAC];
	_ =	sdelay $0x3  }
0x36: {  	p1 =	seq.s32 s10, $0x1;
	s10 =	sld [smem:$0x3FAD];
	_ =	sdelay $0x3  }
0x37: {  	[smem:$0x3FAD] =	sst s10  }
0x38: {  	s10 =	sld [smem:$0x3FAE]  }
0x39: {  	_ = 	snop;
	(pc) =	sbr.ind lr, $3  }
0x3a: {  	_ = 	snop  }
0x3b: {  	_ = 	snop  }
0x3c: {  	p2 =	seq.s32 s10, $0x1;
	s10 =	sld [smem:$0x3FAD]  }
0x3d: {  	_ =	shalt  }
0x3e: {  	_ =	shalt  }
0x3f: {  	_ =	shalt  }
0x40: {  	_ =	shalt  }
0x41: {  	_ =	shalt  }
0x42: {  	_ =	shalt  }
0x43: {  	_ =	shalt  }
0x44: {  	_ =	shalt  }
0x45: {  	_ =	shalt  }
0x46: {  	_ =	shalt  }
0x47: {  	_ =	shalt  }
0x48: {  	_ =	shalt  }
0x49: {  	_ =	shalt  }
0x4a: {  	_ =	shalt  }
0x4b: {  	_ =	shalt  }
0x4c: {  	_ =	shalt  }
0x4d: {  	_ =	shalt  }
0x4e: {  	_ =	shalt  }
0x4f: {  	_ =	shalt  }
0x50: {  	_ =	shalt  }
0x51: {  	_ =	shalt  }
0x52: {  	_ =	shalt  }
0x53: {  	_ =	shalt  }
0x54: {  	_ =	shalt  }
0x55: {  	_ =	shalt  }
0x56: {  	_ =	shalt  }
0x57: {  	_ =	shalt  }
0x58: {  	_ =	shalt  }
0x59: {  	_ =	shalt  }
0x5a: {  	_ =	shalt  }
0x5b: {  	_ =	shalt  }
0x5c: {  	_ =	shalt  }
0x5d: {  	_ =	shalt  }
0x5e: {  	_ =	shalt  }
0x5f: {  	_ =	shalt  }
0x60: {  	_ =	shalt  }
0x61: {  	_ =	shalt  }
0x62: {  	_ =	shalt  }
0x63: {  	_ =	shalt  }
0x64: {  	_ =	shalt  }
0x65: {  	_ =	shalt  }
0x66: {  	_ =	shalt  }
0x67: {  	_ =	shalt  }
0x68: {  	_ =	shalt  }
0x69: {  	_ =	shalt  }
0x6a: {  	_ =	shalt  }
0x6b: {  	_ =	shalt  }
0x6c: {  	_ =	shalt  }
0x6d: {  	_ =	shalt  }
0x6e: {  	_ =	shalt  }
0x6f: {  	_ =	shalt  }
0x70: {  	_ =	shalt  }
0x71: {  	_ =	shalt  }
0x72: {  	_ =	shalt  }
0x73: {  	_ =	shalt  }
0x74: {  	_ =	shalt  }
0x75: {  	_ =	shalt  }
0x76: {  	_ =	shalt  }
0x77: {  	_ =	shalt  }
0x78: {  	_ =	shalt  }
0x79: {  	_ =	shalt  }
0x7a: {  	_ =	shalt  }
0x7b: {  	_ =	shalt  }
0x7c: {  	_ =	shalt  }
0x7d: {  	_ =	shalt  }
0x7e: {  	_ =	shalt  }
0x7f: {  	_ =	shalt  }
0x80: {  	_ =	shalt  }
0x81: {  	_ =	shalt  }
0x82: {  	_ =	shalt  }
0x83: {  	_ =	shalt  }
0x84: {  	_ =	shalt  }
0x85: {  	_ =	shalt  }
0x86: {  	_ =	shalt  }
0x87: {  	_ =	shalt  }
.Lfunc_end0:
.L_simem_size_0:
called_computation.4_lowered:
.L_overlay_start_0:
0x88: {  	s2 =	sld [smem:$0x3FD9]  }
0x89: {  	s3 =	sld [smem:$0x3FFE];
	_ =	sdelay $0x1  }
0x8a: {  	s1 =	srdreg.scid  }
0x8b: {  	s0 =	sand.u32 $0x1, s1  }
0x8c: {  	s16 =	sshll.u32 s0, $0xA;
	s2 =	sadd.s32 s3, s2  }
0x8d: {  	s2 =	sadd.s32 s2, s16  }
0x8e: {  	[smem:$0x3FB9] =	sst s2  }
0x8f: {  	_ = 	snop  }
0x90: {  	(tm) =	ssettm $0x1  }
0x91: {  	s17 =	sld [smem:$0x3FFB];
	_ =	sdelay $0x3  }
0x92: {  	_ =	strace s17  }
0x93: {  	s2 =	sld [smem:$0x3FFC];
	_ =	sdelay $0x3  }
0x94: {  	_ =	strace s2  }
0x95: {  	s2 =	sld [smem:$0x3FFD];
	_ =	sdelay $0x3  }
0x96: {  	_ =	strace s2  }
0x97: {  	_ =	strace $0x8FFFFFFF  }
0x98: {  	s18 =	sld [smem:$0x3FDB];
	_ =	sdelay $0x1  }
0x99: {  	s19 =	simm.s32 $_scs_section_size  }
0x9a: {  	s4 =	simm.s32 $_size__tile_overlayer_lowered;
	s5 =	simm.s32 $_tile_overlayer_lowered  }
0x9b: {  	s22 =	simm.s32 $0x1BFF;
	s21 =	sshll.u32 s5, $0x1;
	s2 =	sadd.s32 s19, s18  }
0x9c: {  	s6 =	simm.s32 $0x0;
	s20 =	sshll.u32 s4, $0x1;
	s4 =	sadd.s32 s21, s2  }
0x9d: {  	[timem:s6], [sflag:s22] =	dma.local [hbm:s4], s20  }
0x9e: {  	_ =	swait.ge [sflag:s22], s20  }
0x9f: {  	s3 =	ssub.s32 $0x0, s20;
	[sflag:s22] =	ssyncset.done $0x0  }
0xa0: {  	[sflag:s22] =	ssyncadd.s32 s3;
	_ =	sdelay $0x1  }
0xa1: {  	s23 =	simm.s32 $0x1B8B  }
0xa2: {  	_ =	swait.ge [sflag:s23], $0x1  }
0xa3: {  	[sflag:s23] =	ssyncset.done $0x0  }
0xa4: {  	s25 =	simm.s32 $0x1B8E;
	s24 =	sld [smem:$0x3FFE];
	[sflag:s23] =	ssyncadd.s32 $0xFFFFFFFF  }
0xa5: {  	s26 =	simm.s32 $execute0_lowered;
	[smem:$0x3FD2] =	sst s25  }
0xa6: {  	s4 =	sshll.u32 s26, $0x1;
	_ =	strace $0x80000052;
	[dreg:$0x1] =	wrdreg $0xFFFFFFFF  }
0xa7: {  	s28 =	simm.s32 $_size_execute0_lowered;
	s2 =	sadd.s32 s2, s4;
	[dreg:$0x0] =	wrdreg $0x0  }
0xa8: {  	s4 =	sshll.u32 s28, $0x1;
	[dreg:$0x2] =	wrdreg s2  }
0xa9: {  	[dreg:$0x3] =	wrdreg s4  }
0xaa: {  	[dreg:$0x4] =	wrdreg $0xC0  }
0xab: {  	_ =	task [dreg:s6], $0x5FFFF  }
0xac: {  	[dreg:$0x1] =	wrdreg $0xFFFFFFFF  }
0xad: {  	[dreg:$0x0] =	wrdreg $0x60  }
0xae: {  	[dreg:$0x2] =	wrdreg s24  }
0xaf: {  	[dreg:$0x3] =	wrdreg $0x9A000  }
0xb0: {  	[dreg:$0x4] =	wrdreg $0x9  }
0xb1: {  	_ =	task.clear_ibuf [dreg:s6], $0x5FFFF;
	_ =	strace $0x90000052  }
0xb2: {  	s29 =	simm.s32 $0x9;
	_ =	strace $0x80000054  }
0xb3: {  	_ =	swait.ge [sflag:s29], $0x1  }
0xb4: {  	[sflag:s29] =	ssyncadd.s32 $0xFFFFFFFF  }
0xb5: {  	_ =	strace $0x90000054  }
0xb6: {  	_ =	sfence  }
0xb7: {  	s30 =	sld [smem:$0x0];
	_ =	sdelay $0x2  }
0xb8: {  	s31 =	sshll.u32 s1, $0xD;
	s1 =	sshrl.u32 s1, $0x2  }
0xb9: {  	s3 =	sand.u32 $0x4000, s31;
	s1 =	sadd.s32 s1, s30  }
0xba: {  	s0 =	sor.u32 s3, s0;
	s1 =	sshll.u32 s1, $0x11  }
0xbb: {  	s0 =	sor.u32 s1, s0  }
0xbc: {  	s0 =	sadd.s32 $0x8F2B, s0  }
0xbd: {  	[sflag:s0] =	ssyncadd.remote.s32 $0x1  }
0xbe: {  	_ =	sfence.sel $0xFFFF  }
0xbf: {  	[dreg:$0x0] =	wrdreg $0xFFFFFFFF;
	(pc) =	sbr.abs _section_cstart, $3  }
0xc0: {  	[dreg:$0x1] =	wrdreg $0xFFFFFFFF  }
0xc1: {  	_ =	task.clear_ibuf [dreg:s6], $0x2FFFF;
	_ =	strace $0x9FFFFFFF  }
0xc2: {  	(tm) =	ssettm $0x7FFFFFFF  }
0xc3: {  	_ =	shalt  }
tec
execute0_lowered:
.L_overlay_start_1:
0x0: {  	(tag) =	ssettag $0x1  }
0x1: {  	s0 =	srdreg.scid;
	s7 =	rddreg [dreg:$0x0]  }
0x2: {  	s2 =	rddreg [dreg:$0x1];
	s3 =	simm.s32 $0x0;
	s16 =	simm.s32 $0x2  }
0x3: {  	s17 =	simm.s32 $0x2C00;
	s18 =	simm.s32 $0x5800;
	s19 =	simm.s32 $0x80  }
0x4: {  	s20 =	simm.s32 $0x1;
	s21 =	simm.s32 $0x9800;
	s6 =	sand.u32 $0x1, s0  }
0x5: {  	s23 =	simm.s32 $0x0;
	s0 =	stileid.u32;
	s8 =	smul.u32 $0x140000, s6  }
0x6: {  	[smem:$0x7FF] =	sst s3;
	s5 =	sadd.s32 $0x1BE00, s7;
	s9 =	smul.u32 $0x14000, s0  }
0x7: {  	s1 =	sshll.u32 s6, $0x4;
	s11 =	smul.u32 $0x50000, s0;
	s6 =	ssub.s32 $0x2, s6  }
0x8: {  	s22 =	sshll.u32 s0, $0x6;
	s13 =	sor.u32 s0, s1;
	s1 =	rddreg [dreg:$0x2]  }
0x9: {  	_ =	strace $0x80000053;
	s31 =	sshrl.u32 s6, $0x1;
	s22 =	sor.u32 $0x1C02, s22  }
0xa: {  	s4 =	smul.u32 $0x580, s13;
	s8 =	sadd.s32 s9, s8;
	s11 =	sshrl.u32 s11, $0x2  }
0xb: {  	s15 =	ssub.s32 s6, s31;
	s13 =	smul.u32 $0x51, s13;
	s8 =	sshrl.u32 s8, $0x3  }
0xc: {  	s6 =	sadd.s32 s11, s2;
	s15 =	smax.u32 s15, $0x1;
	s10 =	sadd.s32 s4, s7  }
0xd: {  	s4 =	sadd.s32 $0xBE000, s7;
	s14 =	sadd.s32 s8, s7;
	s9 =	sadd.s32 $0x4000, s6  }
0xe: {  	s11 =	sadd.s32 $0xC000, s6;
	s12 =	sadd.s32 $0x10000, s6;
	s7 =	sadd.s32 $0x5E00, s10  }
0xf: {  	v0 =	vimm.f32 $0.0e+00;
	s8 =	sadd.s32 $0x10E00, s10;
	s10 =	sadd.s32 $0x8000, s6;
	s14 =	sadd.s32 $0xE5200, s14  }
.LBB2_1:
0x10: {  	[tilespmem:s3], [sflag:$0x2] =	stream.linear.gather [hbm4b:s7+s3], $0x2880, $0x38;
	[tilespmem:$0x1DA00] =	vst v63  }
0x11: {  	_ =	swait.ge [sflag:s16], $0x2880  }
0x12: {  	[sflag:s16] =	ssyncset.done $0x0  }
0x13: {  	[sflag:s16] =	ssyncadd.s32 $0xFFFFD780  }
0x14: {  	[tilespmem:s17], [sflag:$0x2] =	stream.linear.gather [hbm4b:s8+s3], $0x2880, $0x38;
	[tilespmem:$0x1DA00] =	vst v63  }
0x15: {  	_ =	swait.ge [sflag:s16], $0x2880  }
0x16: {  	[sflag:s16] =	ssyncset.done $0x0  }
0x17: {  	s24 =	simm.s32 $0x0;
	s25 =	simm.s32 $0x200;
	[sflag:s16] =	ssyncadd.s32 $0xFFFFD780  }
.LBB2_2:
0x18: {  	p0 =	sne.s32 s25, $0xFE00;
	[tilespmem:s24+$0x5870] =	vst v0  }
0x19: {  	[tilespmem:s24+$0x5800] =	vst v0  }
0x1a: {  	[tilespmem:s24+$0x5810] =	vst v0  }
.Ltmp0:
0x1b: {  	[tilespmem:s24+$0x5820] =	vst v0;
	(pc) =	sbr.rel @p0 .LBB2_2-.Ltmp0, $4  }
0x1c: {  	[tilespmem:s24+$0x5830] =	vst v0  }
0x1d: {  	[tilespmem:s24+$0x5840] =	vst v0  }
0x1e: {  	[tilespmem:s24+$0x5850] =	vst v0  }
0x1f: {  	[tilespmem:s24+$0x5860] =	vst v0;
	s24 =	sshra.s32 s25, $0x2;
	s25 =	sadd.s32 $0x200, s25  }
0x20: {  	[tilespmem:s24+$0x5870] =	vst v0  }
0x21: {  	[tilespmem:s24+$0x5800] =	vst v0  }
0x22: {  	[tilespmem:s24+$0x5810] =	vst v0  }
0x23: {  	[tilespmem:s24+$0x5820] =	vst v0  }
0x24: {  	[tilespmem:s24+$0x5830] =	vst v0  }
0x25: {  	[tilespmem:s24+$0x5840] =	vst v0  }
0x26: {  	[tilespmem:s24+$0x5850] =	vst v0  }
0x27: {  	[tilespmem:s24+$0x5860] =	vst v0  }
0x28: {  	[spmem:s6] =	stream.linear.scatter [tilespmem:s18], [sflag:$0x2], $0x4000, $0x38;
	[tilespmem:$0x1DA00] =	vst v63  }
0x29: {  	_ =	swait.ge [sflag:s16], $0x4000  }
0x2a: {  	[sflag:s16] =	ssyncset.done $0x0  }
0x2b: {  	[sflag:s16] =	ssyncadd.s32 $0xFFFFC000  }
0x2c: {  	[spmem:s9] =	stream.linear.scatter [tilespmem:s18], [sflag:$0x2], $0x4000, $0x38;
	[tilespmem:$0x1DA00] =	vst v63  }
0x2d: {  	_ =	swait.ge [sflag:s16], $0x4000  }
0x2e: {  	[sflag:s16] =	ssyncset.done $0x0  }
0x2f: {  	[sflag:s16] =	ssyncadd.s32 $0xFFFFC000  }
0x30: {  	[spmem:s10] =	stream.linear.scatter [tilespmem:s18], [sflag:$0x2], $0x4000, $0x38;
	[tilespmem:$0x1DA00] =	vst v63  }
0x31: {  	_ =	swait.ge [sflag:s16], $0x4000  }
0x32: {  	[sflag:s16] =	ssyncset.done $0x0  }
0x33: {  	[sflag:s16] =	ssyncadd.s32 $0xFFFFC000  }
0x34: {  	[spmem:s11] =	stream.linear.scatter [tilespmem:s18], [sflag:$0x2], $0x4000, $0x38;
	[tilespmem:$0x1DA00] =	vst v63  }
0x35: {  	_ =	swait.ge [sflag:s16], $0x4000  }
0x36: {  	[sflag:s16] =	ssyncset.done $0x0  }
0x37: {  	[sflag:s16] =	ssyncadd.s32 $0xFFFFC000  }
0x38: {  	[spmem:s12] =	stream.linear.scatter [tilespmem:s18], [sflag:$0x2], $0x4000, $0x38;
	[tilespmem:$0x1DA00] =	vst v63  }
0x39: {  	_ =	swait.ge [sflag:s16], $0x4000  }
0x3a: {  	[sflag:s16] =	ssyncset.done $0x0  }
0x3b: {  	[sflag:s16] =	ssyncadd.s32 $0xFFFFC000  }
0x3c: {  	s24 =	simm.s32 $0x0;
	[bflag:$0x0] =	sbarrier.arrive $0xFFFF  }
.LBB2_4:
0x3d: {  	s25 =	sshll.u32 s24, $0x7  }
0x3e: {  	[tilespmem:s18], [sflag:$0x1] =	stream.indirect.gather [hbm4b:s4+s19], $0x80, s25, s19, $0xb8;
	[tilespmem:$0x1DA00] =	vst v63  }
0x3f: {  	s26 =	sadd.s32 s13, s24;
	_ =	swait.ge [sflag:s20], $0x4000  }
0x40: {  	s28 =	simm.s32 $0x100;
	s26 =	sshll.u32 s26, $0x6;
	[sflag:s20] =	ssyncset.done $0x0  }
0x41: {  	v1 =	vmov s28;
	s26 =	sadd.s32 s5, s26;
	[sflag:s20] =	ssyncadd.s32 $0xFFFFC000  }
0x42: {  	[tilespmem:s21], [sflag:$0x2] =	stream.linear.gather [hbm4b:s26+s3], $0x200, $0x38;
	[tilespmem:$0x1DA00] =	vst v63  }
0x43: {  	_ =	swait.ge [sflag:s16], $0x200  }
0x44: {  	[sflag:s16] =	ssyncset.done $0x0  }
0x45: {  	[sflag:s16] =	ssyncadd.s32 $0xFFFFFE00  }
0x46: {  	s26 =	simm.s32 $0x5820;
	v2 =	vld.idx.msk [tilespmem:v1+s21+$0x0], $0xffff  }
0x47: {  	v3 =	vld [tilespmem:s26+$0xFFFFFFE0];
	_ =	sdelay $0x4  }
0x48: {  	v2 =	vmul.f32 v3, v2;
	_ =	sdelay $0x1  }
0x49: {  	[tilespmem:s26+$0xFFFFFFE0] =	vst v2;
	v2 =	vld [tilespmem:s26+$0xFFFFFFF0]  }
0x4a: {  	v1 =	vld.idx.msk [tilespmem:v1+s21+$0x0], $0xffff;
	_ =	sdelay $0x1  }
0x4b: {  	s28 =	simm.s32 $0x180  }
0x4c: {  	v3 =	vmov s28;
	_ =	sdelay $0x1  }
0x4d: {  	v1 =	vmul.f32 v2, v1;
	_ =	sdelay $0x1  }
0x4e: {  	v2 =	vld [tilespmem:s26+$0x0];
	[tilespmem:s26+$0xFFFFFFF0] =	vst v1  }
0x4f: {  	v1 =	vld.idx.msk [tilespmem:v3+s21+$0x0], $0xffff;
	_ =	sdelay $0x4  }
0x50: {  	v1 =	vmul.f32 v2, v1;
	_ =	sdelay $0x1  }
0x51: {  	[tilespmem:s26+$0x0] =	vst v1  }
0x52: {  	v2 =	vld.idx.msk [tilespmem:v3+s21+$0x0], $0xffff  }
0x53: {  	v3 =	vld [tilespmem:s26+$0x10];
	_ =	sdelay $0x1  }
0x54: {  	s28 =	simm.s32 $0x101  }
0x55: {  	s29 =	simm.s32 $0x102;
	v1 =	vmov s28  }
.LBB2_5:
0x56: {  	p0 =	sne.s32 s29, $0x17F  }
0x57: {  	v2 =	vmul.f32 v3, v2;
	_ =	sdelay $0x1  }
0x58: {  	[tilespmem:s26+$0x10] =	vst v2  }
0x59: {  	s26 =	sadd.s32 $0x80, s26;
	v2 =	vld.idx.msk [tilespmem:v1+s21+$0x0], $0xffff  }
0x5a: {  	v3 =	vld [tilespmem:s26+$0xFFFFFFE0];
	_ =	sdelay $0x4  }
0x5b: {  	v2 =	vmul.f32 v3, v2;
	_ =	sdelay $0x1  }
0x5c: {  	[tilespmem:s26+$0xFFFFFFE0] =	vst v2  }
0x5d: {  	v1 =	vld.idx.msk [tilespmem:v1+s21+$0x0], $0xffff  }
0x5e: {  	v2 =	vld [tilespmem:s26+$0xFFFFFFF0];
	_ =	sdelay $0x1  }
0x5f: {  	s30 =	sadd.s32 $0x80, s28;
	s28 =	smov.u32 s29  }
0x60: {  	v3 =	vmov s30;
	_ =	sdelay $0x1  }
0x61: {  	v1 =	vmul.f32 v2, v1;
	_ =	sdelay $0x1  }
0x62: {  	[tilespmem:s26+$0xFFFFFFF0] =	vst v1  }
0x63: {  	v1 =	vld.idx.msk [tilespmem:v3+s21+$0x0], $0xffff  }
0x64: {  	v2 =	vld [tilespmem:s26+$0x0];
	_ =	sdelay $0x4  }
0x65: {  	v1 =	vmul.f32 v2, v1;
	_ =	sdelay $0x1  }
0x66: {  	[tilespmem:s26+$0x0] =	vst v1  }
.Ltmp1:
0x67: {  	v2 =	vld.idx.msk [tilespmem:v3+s21+$0x0], $0xffff;
	(pc) =	sbr.rel @p0 .LBB2_5-.Ltmp1, $2  }
0x68: {  	v3 =	vld [tilespmem:s26+$0x10];
	_ =	sdelay $0x2  }
0x69: {  	s29 =	sadd.s32 $0x1, s29;
	v1 =	vmov s28  }
0x6a: {  	_ = 	snop  }
0x6b: {  	v2 =	vmul.f32 v3, v2;
	_ =	sdelay $0x1  }
0x6c: {  	[tilespmem:s26+$0x10] =	vst v2  }
0x6d: {  	s31 =	sadd.s32 $0x80, s26;
	v2 =	vld.idx.msk [tilespmem:v1+s21+$0x0], $0xffff  }
0x6e: {  	v3 =	vld [tilespmem:s31+$0xFFFFFFE0];
	_ =	sdelay $0x4  }
0x6f: {  	v2 =	vmul.f32 v3, v2;
	_ =	sdelay $0x1  }
0x70: {  	[tilespmem:s31+$0xFFFFFFE0] =	vst v2;
	v2 =	vld [tilespmem:s31+$0xFFFFFFF0]  }
0x71: {  	v1 =	vld.idx.msk [tilespmem:v1+s21+$0x0], $0xffff;
	_ =	sdelay $0x1  }
0x72: {  	s28 =	sadd.s32 $0x80, s28  }
0x73: {  	v3 =	vmov s28;
	_ =	sdelay $0x1  }
0x74: {  	v1 =	vmul.f32 v2, v1;
	_ =	sdelay $0x1  }
0x75: {  	v2 =	vld [tilespmem:s31+$0x0];
	[tilespmem:s31+$0xFFFFFFF0] =	vst v1  }
0x76: {  	v1 =	vld.idx.msk [tilespmem:v3+s21+$0x0], $0xffff;
	_ =	sdelay $0x4  }
0x77: {  	v1 =	vmul.f32 v2, v1;
	_ =	sdelay $0x1  }
0x78: {  	v2 =	vld [tilespmem:s31+$0x10];
	[tilespmem:s31+$0x0] =	vst v1  }
0x79: {  	v1 =	vld.idx.msk [tilespmem:v3+s21+$0x0], $0xffff;
	_ =	sdelay $0x4  }
0x7a: {  	s24 =	sadd.s32 $0x1, s24;
	v1 =	vmul.f32 v2, v1  }
0x7b: {  	p0 =	sne.s32 s24, $0x51  }
.Ltmp2:
0x7c: {  	s25 =	sadd.s32 $0x2C00, s25;
	[tilespmem:s31+$0x10] =	vst v1;
	(pc) =	sbr.rel @p0 .LBB2_4-.Ltmp2, $4  }
0x7d: {  	[spmem:s2] =	stream.indirect.scatter.add.f32 [tilespmem:s18], [sflag:$0x2], $0x80, s25, s19, $0xb8;
	[tilespmem:$0x1DA00] =	vst v63  }
0x7e: {  	_ =	swait.ge [sflag:s16], $0x4000  }
0x7f: {  	[sflag:s16] =	ssyncset.done $0x0  }
0x80: {  	[sflag:s16] =	ssyncadd.s32 $0xFFFFC000  }
0x81: {  	s23 =	sadd.s32 $0x1, s23  }
0x82: {  	p0 =	sne.s32 s23, s15  }
.Ltmp3:
0x83: {  	[bflag:$0x0] =	sbarrier.arrive $0xFFFF;
	s24 =	sshrl.u32 s6, $0x3;
	(pc) =	sbr.rel @p0 .LBB2_1-.Ltmp3, $4  }
0x84: {  	[hbm:s14], [sflag:s22] =	dma.local [spmem:s24], $0x2800  }
0x85: {  	_ =	swait.ge [sflag:s16], $0x2800  }
0x86: {  	[sflag:s16] =	ssyncset.done $0x0  }
0x87: {  	[sflag:s16] =	ssyncadd.s32 $0xFFFFD800  }
0x88: {  	_ =	sfence.sel $0x180000  }
0x89: {  	[bflag:$0x0] =	sbarrier.arrive $0xFFFF  }
0x8a: {  	p0 =	sne.s32 s0, $0x0;
	_ =	strace $0x90000053  }
0x8b: {  	s0 =	sadd.s32 @!p0 $0x100000, s1;
	[bflag:$0x2] =	sbarrier.arrive $0xFFFF  }
0x8c: {  	[sflag:s0] =	ssyncadd.tile.s32 @!p0 $0x1;
	_ =	shalt  }
.Lfunc_end2:
_tile_overlayer_lowered:
.L_overlay_start_2:
0x8d: {  	(tag) =	ssettag $0x2  }
0x8e: {  	s0 =	rddreg [dreg:$0x0];
	s2 =	stileid.u32  }
0x8f: {  	s1 =	rddreg [dreg:$0x1];
	p0 =	sne.s32 s2, $0x0  }
0x90: {  	s3 =	rddreg [dreg:$0x2];
	[bflag:$0x3] =	sbarrier.arrive $0xFFFF;
	s2 =	simm.s32 @!p0 $0x1C02  }
0x91: {  	[timem:s3], [sflag:s2] =	dma.local @!p0 [hbm:s0], s1  }
0x92: {  	s0 =	simm.s32 @!p0 $0x2  }
0x93: {  	_ =	swait.ge @!p0 [sflag:s0], s1  }
0x94: {  	s1 =	ssub.s32 @!p0 $0x0, s1;
	[sflag:s0] =	ssyncset.done @!p0 $0x0  }
0x95: {  	[sflag:s0] =	ssyncadd.s32 @!p0 s1  }
0x96: {  	[bflag:$0x3] =	sbarrier.arrive $0xFFFF  }
0x97: {  	_ =	shalt  }

// kernel: kernel.29.cloned.1.call-start
scs
__scs_entry_jumppad:
0x0: {  	(pc) =	sbr.rel $0x88, $3  }
0x1: {  	(tag) =	ssettag $0x0;
	lr =	simm.s32 $0x1  }
0x2: {  	[smem:$0x3F92] =	sst lr;
	_ =	strace $0xD0000000  }
0x3: {  	_ = 	snop  }
0x4: {  	_ = 	snop  }
0x5: {  	_ = 	snop  }
0x6: {  	_ = 	snop  }
0x7: {  	_ = 	snop  }
__scs_overlays_trampoline_lowered:
0x8: {  	[smem:$0x3FA1] =	sst s0  }
0x9: {  	[smem:$0x3FA2] =	sst s1  }
0xa: {  	[smem:$0x3FA3] =	sst s2  }
0xb: {  	[smem:$0x3FA4] =	sst s3  }
0xc: {  	[smem:$0x3FA5] =	sst s4  }
0xd: {  	[smem:$0x3FA6] =	sst s5  }
0xe: {  	[smem:$0x3FA7] =	sst s6  }
0xf: {  	[smem:$0x3FA8] =	sst s7  }
0x10: {  	[smem:$0x3FA9] =	sst s8  }
0x11: {  	[smem:$0x3FAA] =	sst s9;
	s0 =	simm.s32 @!p0 $0x0  }
0x12: {  	s1 =	sld [smem:$0x3F90];
	s0 =	simm.s32 @p0 $0x1  }
0x13: {  	[smem:$0x3FAB] =	sst s0;
	s0 =	simm.s32 @!p1 $0x0  }
0x14: {  	s2 =	sld [smem:$0x3F8F];
	s0 =	simm.s32 @p1 $0x1  }
0x15: {  	[smem:$0x3FAC] =	sst s0;
	s0 =	simm.s32 @!p2 $0x0  }
0x16: {  	s3 =	sld [smem:$0x3FDB];
	s0 =	simm.s32 @p2 $0x1  }
0x17: {  	s4 =	simm.s32 $0x1BF5;
	[smem:$0x3FAE] =	sst s0  }
0x18: {  	s0 =	sld [smem:$0x3F91];
	_ =	swait.ge [sflag:s4], $0x0  }
0x19: {  	s7 =	sld [smem:$0x3F92]  }
0x1a: {  	s8 =	sadd.s32 $0xFFFFE003, lr  }
0x1b: {  	s9 =	sadd.s32 $0xFFFFFEF7, lr;
	s5 =	simm.s32 $0xFFFFFFFF;
	p2 =	slt.u32 s8, $0xFFFFF086  }
0x1c: {  	p1 =	slt.u32 s9, $0xF7A;
	s5 =	simm.s32 @!p2 $0x0  }
0x1d: {  	s5 =	simm.s32 @p1 $0x1;
	p0 =	seq.s32 s7, s2  }
0x1e: {  	s7 =	smul.u32 @!p0 $0xF7A, s2;
	p2 =	seq.s32 @!p0 s5, $0x0  }
0x1f: {  	s9 =	smul.u32 $0xF7A, s1;
	s8 =	simm.s32 @!p0 $0x1BF5;
	p2 =	por !p2, p0  }
0x20: {  	[sflag:s8] =	ssyncset.s32 @!p0 $0xFFFFF086;
	s6 =	sadd.s32 @!p0 s3, s7;
	s7 =	simm.s32 @!p0 $0x108  }
0x21: {  	s3 =	sadd.s32 s3, s9;
	s6 =	sadd.s32 @!p0 $0x88, s6;
	s7 =	simm.s32 @p2 $0x1082  }
0x22: {  	[simem:s7], [sflag:s8] =	dma.local @!p0 [hbm:s6], $0xF7A  }
0x23: {  	s9 =	sor.u32 $0xD0000000, s2;
	s6 =	simm.s32 $0x108;
	_ =	swait.ge @!p0 [sflag:s8], $0x0  }
0x24: {  	s3 =	sadd.s32 $0x88, s3;
	s6 =	simm.s32 @!p1 $0x1082;
	[sflag:s4] =	ssyncset.s32 $0xFFFFF086  }
0x25: {  	[simem:s6], [sflag:s4] =	dma.local [hbm:s3], $0xF7A  }
0x26: {  	[smem:$0x3F92] =	sst s1;
	(tag) =	ssettag s2;
	_ =	strace s9  }
0x27: {  	s1 =	sld [smem:$0x3FA2]  }
0x28: {  	s2 =	sld [smem:$0x3FA3]  }
0x29: {  	s4 =	sld [smem:$0x3FA5]  }
0x2a: {  	p0 =	seq.s32 s5, $0x0;
	s5 =	sld [smem:$0x3FA6]  }
0x2b: {  	s6 =	sld [smem:$0x3FA7]  }
0x2c: {  	s7 =	sld [smem:$0x3FA8]  }
0x2d: {  	s3 =	simm.s32 $0x108;
	s8 =	sld [smem:$0x3FA9]  }
0x2e: {  	s3 =	simm.s32 @!p0 $0x1082;
	s9 =	sld [smem:$0x3FAA]  }
0x2f: {  	lr =	sadd.s32 s0, s3;
	s0 =	sld [smem:$0x3FA1]  }
0x30: {  	s3 =	sld [smem:$0x3FA4]  }
0x31: {  	[smem:$0x3FAD] =	sst s10  }
0x32: {  	s10 =	sld [smem:$0x3FAB];
	_ =	sdelay $0x3  }
0x33: {  	p0 =	seq.s32 s10, $0x1;
	s10 =	sld [smem:$0x3FAD];
	_ =	sdelay $0x3  }
0x34: {  	[smem:$0x3FAD] =	sst s10  }
0x35: {  	s10 =	sld [smem:$0x3FAC];
	_ =	sdelay $0x3  }
0x36: {  	p1 =	seq.s32 s10, $0x1;
	s10 =	sld [smem:$0x3FAD];
	_ =	sdelay $0x3  }
0x37: {  	[smem:$0x3FAD] =	sst s10  }
0x38: {  	s10 =	sld [smem:$0x3FAE]  }
0x39: {  	_ = 	snop;
	(pc) =	sbr.ind lr, $3  }
0x3a: {  	_ = 	snop  }
0x3b: {  	_ = 	snop  }
0x3c: {  	p2 =	seq.s32 s10, $0x1;
	s10 =	sld [smem:$0x3FAD]  }
0x3d: {  	_ =	shalt  }
0x3e: {  	_ =	shalt  }
0x3f: {  	_ =	shalt  }
0x40: {  	_ =	shalt  }
0x41: {  	_ =	shalt  }
0x42: {  	_ =	shalt  }
0x43: {  	_ =	shalt  }
0x44: {  	_ =	shalt  }
0x45: {  	_ =	shalt  }
0x46: {  	_ =	shalt  }
0x47: {  	_ =	shalt  }
0x48: {  	_ =	shalt  }
0x49: {  	_ =	shalt  }
0x4a: {  	_ =	shalt  }
0x4b: {  	_ =	shalt  }
0x4c: {  	_ =	shalt  }
0x4d: {  	_ =	shalt  }
0x4e: {  	_ =	shalt  }
0x4f: {  	_ =	shalt  }
0x50: {  	_ =	shalt  }
0x51: {  	_ =	shalt  }
0x52: {  	_ =	shalt  }
0x53: {  	_ =	shalt  }
0x54: {  	_ =	shalt  }
0x55: {  	_ =	shalt  }
0x56: {  	_ =	shalt  }
0x57: {  	_ =	shalt  }
0x58: {  	_ =	shalt  }
0x59: {  	_ =	shalt  }
0x5a: {  	_ =	shalt  }
0x5b: {  	_ =	shalt  }
0x5c: {  	_ =	shalt  }
0x5d: {  	_ =	shalt  }
0x5e: {  	_ =	shalt  }
0x5f: {  	_ =	shalt  }
0x60: {  	_ =	shalt  }
0x61: {  	_ =	shalt  }
0x62: {  	_ =	shalt  }
0x63: {  	_ =	shalt  }
0x64: {  	_ =	shalt  }
0x65: {  	_ =	shalt  }
0x66: {  	_ =	shalt  }
0x67: {  	_ =	shalt  }
0x68: {  	_ =	shalt  }
0x69: {  	_ =	shalt  }
0x6a: {  	_ =	shalt  }
0x6b: {  	_ =	shalt  }
0x6c: {  	_ =	shalt  }
0x6d: {  	_ =	shalt  }
0x6e: {  	_ =	shalt  }
0x6f: {  	_ =	shalt  }
0x70: {  	_ =	shalt  }
0x71: {  	_ =	shalt  }
0x72: {  	_ =	shalt  }
0x73: {  	_ =	shalt  }
0x74: {  	_ =	shalt  }
0x75: {  	_ =	shalt  }
0x76: {  	_ =	shalt  }
0x77: {  	_ =	shalt  }
0x78: {  	_ =	shalt  }
0x79: {  	_ =	shalt  }
0x7a: {  	_ =	shalt  }
0x7b: {  	_ =	shalt  }
0x7c: {  	_ =	shalt  }
0x7d: {  	_ =	shalt  }
0x7e: {  	_ =	shalt  }
0x7f: {  	_ =	shalt  }
0x80: {  	_ =	shalt  }
0x81: {  	_ =	shalt  }
0x82: {  	_ =	shalt  }
0x83: {  	_ =	shalt  }
0x84: {  	_ =	shalt  }
0x85: {  	_ =	shalt  }
0x86: {  	_ =	shalt  }
0x87: {  	_ =	shalt  }
.Lfunc_end0:
.L_simem_size_0:
called_computation.5_lowered:
.L_overlay_start_0:
0x88: {  	s2 =	sld [smem:$0x3FD9]  }
0x89: {  	s3 =	sld [smem:$0x3FFE];
	_ =	sdelay $0x1  }
0x8a: {  	s1 =	srdreg.scid  }
0x8b: {  	s0 =	sand.u32 $0x1, s1  }
0x8c: {  	s16 =	sshll.u32 s0, $0xA;
	s2 =	sadd.s32 s3, s2  }
0x8d: {  	s2 =	sadd.s32 s2, s16  }
0x8e: {  	[smem:$0x3FB9] =	sst s2  }
0x8f: {  	_ = 	snop  }
0x90: {  	(tm) =	ssettm $0x1  }
0x91: {  	s17 =	sld [smem:$0x3FFB];
	_ =	sdelay $0x3  }
0x92: {  	_ =	strace s17  }
0x93: {  	s2 =	sld [smem:$0x3FFC];
	_ =	sdelay $0x3  }
0x94: {  	_ =	strace s2  }
0x95: {  	s2 =	sld [smem:$0x3FFD];
	_ =	sdelay $0x3  }
0x96: {  	_ =	strace s2  }
0x97: {  	_ =	strace $0x8FFFFFFF  }
0x98: {  	s18 =	sld [smem:$0x3FDB];
	_ =	sdelay $0x1  }
0x99: {  	s19 =	simm.s32 $_scs_section_size  }
0x9a: {  	s4 =	simm.s32 $_size__tile_overlayer_lowered;
	s5 =	simm.s32 $_tile_overlayer_lowered  }
0x9b: {  	s22 =	simm.s32 $0x1BFF;
	s21 =	sshll.u32 s5, $0x1;
	s2 =	sadd.s32 s19, s18  }
0x9c: {  	s6 =	simm.s32 $0x0;
	s20 =	sshll.u32 s4, $0x1;
	s4 =	sadd.s32 s21, s2  }
0x9d: {  	[timem:s6], [sflag:s22] =	dma.local [hbm:s4], s20  }
0x9e: {  	_ =	swait.ge [sflag:s22], s20  }
0x9f: {  	s3 =	ssub.s32 $0x0, s20;
	[sflag:s22] =	ssyncset.done $0x0  }
0xa0: {  	[sflag:s22] =	ssyncadd.s32 s3;
	_ =	sdelay $0x1  }
0xa1: {  	s23 =	simm.s32 $0x1B8B  }
0xa2: {  	_ =	swait.ge [sflag:s23], $0x1  }
0xa3: {  	[sflag:s23] =	ssyncset.done $0x0  }
0xa4: {  	s25 =	simm.s32 $0x1B8E;
	s24 =	sld [smem:$0x3FFE];
	[sflag:s23] =	ssyncadd.s32 $0xFFFFFFFF  }
0xa5: {  	s26 =	simm.s32 $execute0_lowered;
	[smem:$0x3FD2] =	sst s25  }
0xa6: {  	s4 =	sshll.u32 s26, $0x1;
	_ =	strace $0x80000055;
	[dreg:$0x1] =	wrdreg $0xFFFFFFFF  }
0xa7: {  	s28 =	simm.s32 $_size_execute0_lowered;
	s2 =	sadd.s32 s2, s4;
	[dreg:$0x0] =	wrdreg $0x0  }
0xa8: {  	s4 =	sshll.u32 s28, $0x1;
	[dreg:$0x2] =	wrdreg s2  }
0xa9: {  	[dreg:$0x3] =	wrdreg s4  }
0xaa: {  	[dreg:$0x4] =	wrdreg $0xC0  }
0xab: {  	_ =	task [dreg:s6], $0x5FFFF  }
0xac: {  	[dreg:$0x1] =	wrdreg $0xFFFFFFFF  }
0xad: {  	[dreg:$0x0] =	wrdreg $0x60  }
0xae: {  	[dreg:$0x2] =	wrdreg s24  }
0xaf: {  	[dreg:$0x3] =	wrdreg $0x9  }
0xb0: {  	_ =	task.clear_ibuf [dreg:s6], $0x4FFFF;
	_ =	strace $0x90000055  }
0xb1: {  	s29 =	simm.s32 $0x9;
	_ =	strace $0x80000057  }
0xb2: {  	_ =	swait.ge [sflag:s29], $0x1  }
0xb3: {  	[sflag:s29] =	ssyncadd.s32 $0xFFFFFFFF  }
0xb4: {  	_ =	strace $0x90000057  }
0xb5: {  	_ =	sfence  }
0xb6: {  	s30 =	sld [smem:$0x0];
	_ =	sdelay $0x2  }
0xb7: {  	s31 =	sshll.u32 s1, $0xD;
	s1 =	sshrl.u32 s1, $0x2  }
0xb8: {  	s3 =	sand.u32 $0x4000, s31;
	s1 =	sadd.s32 s1, s30  }
0xb9: {  	s0 =	sor.u32 s3, s0;
	s1 =	sshll.u32 s1, $0x11  }
0xba: {  	s0 =	sor.u32 s1, s0  }
0xbb: {  	s0 =	sadd.s32 $0x8F2B, s0  }
0xbc: {  	[sflag:s0] =	ssyncadd.remote.s32 $0x1  }
0xbd: {  	_ =	sfence.sel $0xFFFF  }
0xbe: {  	[dreg:$0x0] =	wrdreg $0xFFFFFFFF;
	(pc) =	sbr.abs _section_cstart, $3  }
0xbf: {  	[dreg:$0x1] =	wrdreg $0xFFFFFFFF  }
0xc0: {  	_ =	task.clear_ibuf [dreg:s6], $0x2FFFF;
	_ =	strace $0x9FFFFFFF  }
0xc1: {  	(tm) =	ssettm $0x7FFFFFFF  }
tec
execute0_lowered:
.L_overlay_start_1:
0x0: {  	(tag) =	ssettag $0x1  }
0x1: {  	s0 =	srdreg.scid;
	s7 =	rddreg [dreg:$0x0]  }
0x2: {  	s1 =	stileid.u32;
	s2 =	simm.s32 $0x0;
	s13 =	simm.s32 $0x5800  }
0x3: {  	s14 =	simm.s32 $0x7F80;
	s15 =	simm.s32 $0xA700;
	s16 =	simm.s32 $0xA780  }
0x4: {  	s17 =	simm.s32 $0x0;
	s6 =	sand.u32 $0x1, s0;
	s0 =	rddreg [dreg:$0x1]  }
0x5: {  	[smem:$0x7FF] =	sst s2;
	s4 =	sadd.s32 $0x1BE00, s7;
	s5 =	sadd.s32 $0x1CA00, s7  }
0x6: {  	s12 =	smul.u32 $0x2880, s1;
	s3 =	sshll.u32 s6, $0x4;
	_ =	strace $0x80000056  }
0x7: {  	s10 =	ssub.s32 $0x2, s6;
	s11 =	smul.u32 $0x28800, s6;
	s9 =	sor.u32 s1, s3  }
0x8: {  	s6 =	sadd.s32 $0x1CC00, s7;
	s31 =	sshrl.u32 s10, $0x1;
	s3 =	smul.u32 $0x580, s9  }
0x9: {  	s10 =	ssub.s32 s10, s31;
	s9 =	smul.u32 $0x51, s9;
	s11 =	sadd.s32 s12, s11  }
0xa: {  	s12 =	simm.s32 $0x1;
	s10 =	smax.u32 s10, $0x1;
	s8 =	sadd.s32 s3, s7  }
0xb: {  	s3 =	sadd.s32 $0x1C400, s7;
	s7 =	sadd.s32 $0x5E00, s8;
	s8 =	sadd.s32 $0x10E00, s8  }
.LBB2_1:
0xc: {  	[tilespmem:s2], [sflag:$0x1] =	stream.linear.gather [hbm4b:s7+s2], $0x2880, $0x38;
	[tilespmem:$0xA800] =	vst v63  }
0xd: {  	_ =	swait.ge [sflag:s12], $0x2880  }
0xe: {  	[sflag:s12] =	ssyncset.done $0x0  }
0xf: {  	s18 =	simm.s32 $0x2C00;
	[sflag:s12] =	ssyncadd.s32 $0xFFFFD780  }
0x10: {  	[tilespmem:s18], [sflag:$0x1] =	stream.linear.gather [hbm4b:s8+s2], $0x2880, $0x38;
	[tilespmem:$0xA800] =	vst v63  }
0x11: {  	_ =	swait.ge [sflag:s12], $0x2880  }
0x12: {  	[sflag:s12] =	ssyncset.done $0x0  }
0x13: {  	[sflag:s12] =	ssyncadd.s32 $0xFFFFD780  }
0x14: {  	[tilespmem:s13], [sflag:$0x1] =	stream.linear.gather [hbm4b:s3+s2], $0x2780, $0x38;
	[tilespmem:$0xA800] =	vst v63  }
0x15: {  	_ =	swait.ge [sflag:s12], $0x2780  }
0x16: {  	[sflag:s12] =	ssyncset.done $0x0  }
0x17: {  	[sflag:s12] =	ssyncadd.s32 $0xFFFFD880  }
0x18: {  	[tilespmem:s14], [sflag:$0x1] =	stream.linear.gather [hbm4b:s4+s2], $0x2780, $0x38;
	[tilespmem:$0xA800] =	vst v63  }
0x19: {  	_ =	swait.ge [sflag:s12], $0x2780  }
0x1a: {  	[sflag:s12] =	ssyncset.done $0x0  }
0x1b: {  	[sflag:s12] =	ssyncadd.s32 $0xFFFFD880  }
0x1c: {  	[tilespmem:s15], [sflag:$0x1] =	stream.linear.gather [hbm4b:s5+s2], $0x80, $0x38;
	[tilespmem:$0xA800] =	vst v63  }
0x1d: {  	_ =	swait.ge [sflag:s12], $0x80  }
0x1e: {  	s19 =	simm.s32 $0x0;
	[sflag:s12] =	ssyncset.done $0x0  }
0x1f: {  	s20 =	smov.u32 s11;
	s21 =	simm.s32 $0x0;
	[sflag:s12] =	ssyncadd.s32 $0xFFFFFF80  }
.LBB2_2:
0x20: {  	v1 =	vmov s19  }
0x21: {  	v0 =	vmov s18;
	_ =	sdelay $0x2  }
0x22: {  	s23 =	simm.s32 $0x0  }
0x23: {  	v2 =	vld.idx.msk [tilespmem:v1+s23+$0x0 ss:$0x1], $0xffff  }
0x24: {  	v3 =	vld.idx.msk [tilespmem:v0+s23+$0x0 ss:$0x1], $0xffff;
	_ =	sdelay $0x5  }
0x25: {  	v4 =	vld [tilespmem:$0xA700]  }
0x26: {  	v2 =	vld.idx.msk [tilespmem:v2+s13+$0x0], $0xffff  }
0x27: {  	v3 =	vld.idx.msk [tilespmem:v3+s14+$0x0], $0xffff;
	_ =	sdelay $0x4  }
0x28: {  	v2 =	vadd.f32 v3, v2;
	v3 =	vadd.f32 v4, v3;
	_ =	sdelay $0x1  }
0x29: {  	v63 =	vmin.f32 v2, $0.0e+00;
	v5 =	vmin.f32 v3, $0.0e+00  }
0x2a: {  	v4 =	vmul.f32 $2.000000030e-01, v63;
	v5 =	vmul.f32 $2.000000030e-01, v5  }
0x2b: {  	v2 =	vmax.f32 v2, $0.0e+00;
	v3 =	vmax.f32 v3, $0.0e+00  }
0x2c: {  	v2 =	vadd.f32 v4, v2;
	v3 =	vadd.f32 v5, v3;
	_ =	sdelay $0x1  }
0x2d: {  	v2 =	vsub.f32 v2, v3;
	_ =	sdelay $0x1  }
0x2e: {  	v2 =	vmul.f32 $1.442695020e+00, v2;
	_ =	sdelay $0x1  }
0x2f: {  	(erf) = vpow2.f32 v2;
	_ =	sdelay $0x8  }
0x30: {  	p0 =	slt.u32 s20, $0x50910;
	v2 =	vpop (erf)  }
0x31: {  	v2 =	vpsel !p0, $0x0, v2  }
0x32: {  	s22 =	simm.s32 $0x10;
	[tilespmem:s23+$0xA780] =	vst v2  }
0x33: {  	s24 =	simm.s32 $0x80;
	s23 =	smov.u32 s20;
	v2 =	vld.idx.msk [tilespmem:v1+s22+$0x0 ss:$0x1], $0xffff  }
.LBB2_3:
0x34: {  	p0 =	sne.s32 s24, $0x1C0;
	v3 =	vld.idx.msk [tilespmem:v0+s22+$0x0 ss:$0x1], $0xffff;
	_ =	sdelay $0x6  }
0x35: {  	v2 =	vld.idx.msk [tilespmem:v2+s13+$0x0], $0xffff  }
0x36: {  	v3 =	vld.idx.msk [tilespmem:v3+s14+$0x0], $0xffff  }
0x37: {  	v4 =	vld [tilespmem:$0xA700];
	_ =	sdelay $0x4  }
0x38: {  	v2 =	vadd.f32 v3, v2;
	v3 =	vadd.f32 v4, v3;
	_ =	sdelay $0x1  }
0x39: {  	v4 =	vmin.f32 v2, $0.0e+00;
	v5 =	vmin.f32 v3, $0.0e+00  }
0x3a: {  	v4 =	vmul.f32 $2.000000030e-01, v4;
	v5 =	vmul.f32 $2.000000030e-01, v5  }
0x3b: {  	v2 =	vmax.f32 v2, $0.0e+00;
	v3 =	vmax.f32 v3, $0.0e+00  }
0x3c: {  	v2 =	vadd.f32 v4, v2;
	v3 =	vadd.f32 v5, v3;
	_ =	sdelay $0x1  }
0x3d: {  	v2 =	vsub.f32 v2, v3;
	_ =	sdelay $0x1  }
0x3e: {  	v2 =	vmul.f32 $1.442695020e+00, v2;
	_ =	sdelay $0x1  }
0x3f: {  	(erf) = vpow2.f32 v2;
	_ =	sdelay $0x7  }
.Ltmp0:
0x40: {  	s23 =	sadd.s32 $0x10, s23;
	(pc) =	sbr.rel @p0 .LBB2_3-.Ltmp0, $4  }
0x41: {  	p1 =	slt.u32 s23, $0x50910;
	v2 =	vpop (erf)  }
0x42: {  	v2 =	vpsel !p1, $0x0, v2  }
0x43: {  	[tilespmem:s22+$0xA780] =	vst v2;
	s22 =	sshra.s32 s24, $0x2  }
0x44: {  	s24 =	sadd.s32 $0x40, s24;
	v2 =	vld.idx.msk [tilespmem:v1+s22+$0x0 ss:$0x1], $0xffff  }
0x45: {  	_ =	sdelay $0x3  }
0x46: {  	v0 =	vld.idx.msk [tilespmem:v0+s22+$0x0 ss:$0x1], $0xffff;
	_ =	sdelay $0x5  }
0x47: {  	v62 =	vld [tilespmem:$0xA700]  }
0x48: {  	v1 =	vld.idx.msk [tilespmem:v2+s13+$0x0], $0xffff  }
0x49: {  	v0 =	vld.idx.msk [tilespmem:v0+s14+$0x0], $0xffff;
	_ =	sdelay $0x4  }
0x4a: {  	v1 =	vadd.f32 v0, v1;
	v0 =	vadd.f32 v62, v0;
	_ =	sdelay $0x1  }
0x4b: {  	v63 =	vmin.f32 v1, $0.0e+00;
	v3 =	vmin.f32 v0, $0.0e+00  }
0x4c: {  	v2 =	vmul.f32 $2.000000030e-01, v63;
	v3 =	vmul.f32 $2.000000030e-01, v3  }
0x4d: {  	v1 =	vmax.f32 v1, $0.0e+00;
	v0 =	vmax.f32 v0, $0.0e+00  }
0x4e: {  	v1 =	vadd.f32 v2, v1;
	v0 =	vadd.f32 v3, v0;
	_ =	sdelay $0x1  }
0x4f: {  	v0 =	vsub.f32 v1, v0;
	_ =	sdelay $0x1  }
0x50: {  	v0 =	vmul.f32 $1.442695020e+00, v0;
	_ =	sdelay $0x1  }
0x51: {  	(erf) = vpow2.f32 v0;
	_ =	sdelay $0x7  }
0x52: {  	s23 =	sadd.s32 $0x10, s23  }
0x53: {  	s30 =	sadd.s32 s9, s21;
	s21 =	sadd.s32 $0x1, s21;
	p0 =	slt.u32 s23, $0x50910;
	v0 =	vpop (erf)  }
0x54: {  	s23 =	sshll.u32 s30, $0x4;
	v0 =	vpsel !p0, $0x0, v0;
	p0 =	sne.s32 s21, $0x51  }
.Ltmp1:
0x55: {  	s31 =	sadd.s32 s6, s23;
	[tilespmem:s22+$0xA780] =	vst v0;
	(pc) =	sbr.rel @p0 .LBB2_2-.Ltmp1, $4  }
0x56: {  	[hbm4b:s31+s2] =	stream.linear.scatter [tilespmem:s16], [sflag:$0x1], $0x80, $0x38;
	[tilespmem:$0xA800] =	vst v63  }
0x57: {  	_ =	swait.ge [sflag:s12], $0x80  }
0x58: {  	s20 =	sadd.s32 $0x80, s20;
	[sflag:s12] =	ssyncset.done $0x0  }
0x59: {  	s19 =	sadd.s32 $0x80, s19;
	s18 =	sadd.s32 $0x80, s18;
	[sflag:s12] =	ssyncadd.s32 $0xFFFFFF80  }
0x5a: {  	s17 =	sadd.s32 $0x1, s17  }
0x5b: {  	p0 =	sne.s32 s17, s10  }
.Ltmp2:
0x5c: {  	_ = 	snop;
	(pc) =	sbr.rel @p0 .LBB2_1-.Ltmp2, $1  }
0x5d: {  	_ =	sdelay $0x3  }
0x5e: {  	_ =	sfence.sel $0x180000  }
0x5f: {  	[bflag:$0x0] =	sbarrier.arrive $0xFFFF  }
0x60: {  	p0 =	sne.s32 s1, $0x0;
	_ =	strace $0x90000056  }
0x61: {  	s0 =	sadd.s32 @!p0 $0x100000, s0;
	[bflag:$0x2] =	sbarrier.arrive $0xFFFF  }
0x62: {  	[sflag:s0] =	ssyncadd.tile.s32 @!p0 $0x1;
	_ =	shalt  }
.Lfunc_end2:
_tile_overlayer_lowered:
.L_overlay_start_2:
0x63: {  	(tag) =	ssettag $0x2  }
0x64: {  	s0 =	rddreg [dreg:$0x0];
	s2 =	stileid.u32  }
0x65: {  	s1 =	rddreg [dreg:$0x1];
	p0 =	sne.s32 s2, $0x0  }
0x66: {  	s3 =	rddreg [dreg:$0x2];
	[bflag:$0x3] =	sbarrier.arrive $0xFFFF;
	s2 =	simm.s32 @!p0 $0x1C01  }
0x67: {  	[timem:s3], [sflag:s2] =	dma.local @!p0 [hbm:s0], s1  }
0x68: {  	s0 =	simm.s32 @!p0 $0x1  }
0x69: {  	_ =	swait.ge @!p0 [sflag:s0], s1  }
0x6a: {  	s1 =	ssub.s32 @!p0 $0x0, s1;
	[sflag:s0] =	ssyncset.done @!p0 $0x0  }
0x6b: {  	[sflag:s0] =	ssyncadd.s32 @!p0 s1  }
0x6c: {  	[bflag:$0x3] =	sbarrier.arrive $0xFFFF  }
0x6d: {  	_ =	shalt  }

// kernel: kernel.32.cloned.1.call-start
scs
__scs_entry_jumppad:
0x0: {  	(pc) =	sbr.rel $0x88, $3  }
0x1: {  	(tag) =	ssettag $0x0;
	lr =	simm.s32 $0x1  }
0x2: {  	[smem:$0x3F92] =	sst lr;
	_ =	strace $0xD0000000  }
0x3: {  	_ = 	snop  }
0x4: {  	_ = 	snop  }
0x5: {  	_ = 	snop  }
0x6: {  	_ = 	snop  }
0x7: {  	_ = 	snop  }
__scs_overlays_trampoline_lowered:
0x8: {  	[smem:$0x3FA1] =	sst s0  }
0x9: {  	[smem:$0x3FA2] =	sst s1  }
0xa: {  	[smem:$0x3FA3] =	sst s2  }
0xb: {  	[smem:$0x3FA4] =	sst s3  }
0xc: {  	[smem:$0x3FA5] =	sst s4  }
0xd: {  	[smem:$0x3FA6] =	sst s5  }
0xe: {  	[smem:$0x3FA7] =	sst s6  }
0xf: {  	[smem:$0x3FA8] =	sst s7  }
0x10: {  	[smem:$0x3FA9] =	sst s8  }
0x11: {  	[smem:$0x3FAA] =	sst s9;
	s0 =	simm.s32 @!p0 $0x0  }
0x12: {  	s1 =	sld [smem:$0x3F90];
	s0 =	simm.s32 @p0 $0x1  }
0x13: {  	[smem:$0x3FAB] =	sst s0;
	s0 =	simm.s32 @!p1 $0x0  }
0x14: {  	s2 =	sld [smem:$0x3F8F];
	s0 =	simm.s32 @p1 $0x1  }
0x15: {  	[smem:$0x3FAC] =	sst s0;
	s0 =	simm.s32 @!p2 $0x0  }
0x16: {  	s3 =	sld [smem:$0x3FDB];
	s0 =	simm.s32 @p2 $0x1  }
0x17: {  	s4 =	simm.s32 $0x1BF5;
	[smem:$0x3FAE] =	sst s0  }
0x18: {  	s0 =	sld [smem:$0x3F91];
	_ =	swait.ge [sflag:s4], $0x0  }
0x19: {  	s7 =	sld [smem:$0x3F92]  }
0x1a: {  	s8 =	sadd.s32 $0xFFFFE003, lr  }
0x1b: {  	s9 =	sadd.s32 $0xFFFFFEF7, lr;
	s5 =	simm.s32 $0xFFFFFFFF;
	p2 =	slt.u32 s8, $0xFFFFF086  }
0x1c: {  	p1 =	slt.u32 s9, $0xF7A;
	s5 =	simm.s32 @!p2 $0x0  }
0x1d: {  	s5 =	simm.s32 @p1 $0x1;
	p0 =	seq.s32 s7, s2  }
0x1e: {  	s7 =	smul.u32 @!p0 $0xF7A, s2;
	p2 =	seq.s32 @!p0 s5, $0x0  }
0x1f: {  	s9 =	smul.u32 $0xF7A, s1;
	s8 =	simm.s32 @!p0 $0x1BF5;
	p2 =	por !p2, p0  }
0x20: {  	[sflag:s8] =	ssyncset.s32 @!p0 $0xFFFFF086;
	s6 =	sadd.s32 @!p0 s3, s7;
	s7 =	simm.s32 @!p0 $0x108  }
0x21: {  	s3 =	sadd.s32 s3, s9;
	s6 =	sadd.s32 @!p0 $0x88, s6;
	s7 =	simm.s32 @p2 $0x1082  }
0x22: {  	[simem:s7], [sflag:s8] =	dma.local @!p0 [hbm:s6], $0xF7A  }
0x23: {  	s9 =	sor.u32 $0xD0000000, s2;
	s6 =	simm.s32 $0x108;
	_ =	swait.ge @!p0 [sflag:s8], $0x0  }
0x24: {  	s3 =	sadd.s32 $0x88, s3;
	s6 =	simm.s32 @!p1 $0x1082;
	[sflag:s4] =	ssyncset.s32 $0xFFFFF086  }
0x25: {  	[simem:s6], [sflag:s4] =	dma.local [hbm:s3], $0xF7A  }
0x26: {  	[smem:$0x3F92] =	sst s1;
	(tag) =	ssettag s2;
	_ =	strace s9  }
0x27: {  	s1 =	sld [smem:$0x3FA2]  }
0x28: {  	s2 =	sld [smem:$0x3FA3]  }
0x29: {  	s4 =	sld [smem:$0x3FA5]  }
0x2a: {  	p0 =	seq.s32 s5, $0x0;
	s5 =	sld [smem:$0x3FA6]  }
0x2b: {  	s6 =	sld [smem:$0x3FA7]  }
0x2c: {  	s7 =	sld [smem:$0x3FA8]  }
0x2d: {  	s3 =	simm.s32 $0x108;
	s8 =	sld [smem:$0x3FA9]  }
0x2e: {  	s3 =	simm.s32 @!p0 $0x1082;
	s9 =	sld [smem:$0x3FAA]  }
0x2f: {  	lr =	sadd.s32 s0, s3;
	s0 =	sld [smem:$0x3FA1]  }
0x30: {  	s3 =	sld [smem:$0x3FA4]  }
0x31: {  	[smem:$0x3FAD] =	sst s10  }
0x32: {  	s10 =	sld [smem:$0x3FAB];
	_ =	sdelay $0x3  }
0x33: {  	p0 =	seq.s32 s10, $0x1;
	s10 =	sld [smem:$0x3FAD];
	_ =	sdelay $0x3  }
0x34: {  	[smem:$0x3FAD] =	sst s10  }
0x35: {  	s10 =	sld [smem:$0x3FAC];
	_ =	sdelay $0x3  }
0x36: {  	p1 =	seq.s32 s10, $0x1;
	s10 =	sld [smem:$0x3FAD];
	_ =	sdelay $0x3  }
0x37: {  	[smem:$0x3FAD] =	sst s10  }
0x38: {  	s10 =	sld [smem:$0x3FAE]  }
0x39: {  	_ = 	snop;
	(pc) =	sbr.ind lr, $3  }
0x3a: {  	_ = 	snop  }
0x3b: {  	_ = 	snop  }
0x3c: {  	p2 =	seq.s32 s10, $0x1;
	s10 =	sld [smem:$0x3FAD]  }
0x3d: {  	_ =	shalt  }
0x3e: {  	_ =	shalt  }
0x3f: {  	_ =	shalt  }
0x40: {  	_ =	shalt  }
0x41: {  	_ =	shalt  }
0x42: {  	_ =	shalt  }
0x43: {  	_ =	shalt  }
0x44: {  	_ =	shalt  }
0x45: {  	_ =	shalt  }
0x46: {  	_ =	shalt  }
0x47: {  	_ =	shalt  }
0x48: {  	_ =	shalt  }
0x49: {  	_ =	shalt  }
0x4a: {  	_ =	shalt  }
0x4b: {  	_ =	shalt  }
0x4c: {  	_ =	shalt  }
0x4d: {  	_ =	shalt  }
0x4e: {  	_ =	shalt  }
0x4f: {  	_ =	shalt  }
0x50: {  	_ =	shalt  }
0x51: {  	_ =	shalt  }
0x52: {  	_ =	shalt  }
0x53: {  	_ =	shalt  }
0x54: {  	_ =	shalt  }
0x55: {  	_ =	shalt  }
0x56: {  	_ =	shalt  }
0x57: {  	_ =	shalt  }
0x58: {  	_ =	shalt  }
0x59: {  	_ =	shalt  }
0x5a: {  	_ =	shalt  }
0x5b: {  	_ =	shalt  }
0x5c: {  	_ =	shalt  }
0x5d: {  	_ =	shalt  }
0x5e: {  	_ =	shalt  }
0x5f: {  	_ =	shalt  }
0x60: {  	_ =	shalt  }
0x61: {  	_ =	shalt  }
0x62: {  	_ =	shalt  }
0x63: {  	_ =	shalt  }
0x64: {  	_ =	shalt  }
0x65: {  	_ =	shalt  }
0x66: {  	_ =	shalt  }
0x67: {  	_ =	shalt  }
0x68: {  	_ =	shalt  }
0x69: {  	_ =	shalt  }
0x6a: {  	_ =	shalt  }
0x6b: {  	_ =	shalt  }
0x6c: {  	_ =	shalt  }
0x6d: {  	_ =	shalt  }
0x6e: {  	_ =	shalt  }
0x6f: {  	_ =	shalt  }
0x70: {  	_ =	shalt  }
0x71: {  	_ =	shalt  }
0x72: {  	_ =	shalt  }
0x73: {  	_ =	shalt  }
0x74: {  	_ =	shalt  }
0x75: {  	_ =	shalt  }
0x76: {  	_ =	shalt  }
0x77: {  	_ =	shalt  }
0x78: {  	_ =	shalt  }
0x79: {  	_ =	shalt  }
0x7a: {  	_ =	shalt  }
0x7b: {  	_ =	shalt  }
0x7c: {  	_ =	shalt  }
0x7d: {  	_ =	shalt  }
0x7e: {  	_ =	shalt  }
0x7f: {  	_ =	shalt  }
0x80: {  	_ =	shalt  }
0x81: {  	_ =	shalt  }
0x82: {  	_ =	shalt  }
0x83: {  	_ =	shalt  }
0x84: {  	_ =	shalt  }
0x85: {  	_ =	shalt  }
0x86: {  	_ =	shalt  }
0x87: {  	_ =	shalt  }
.Lfunc_end0:
.L_simem_size_0:
called_computation.6_lowered:
.L_overlay_start_0:
0x88: {  	s2 =	sld [smem:$0x3FD9]  }
0x89: {  	s3 =	sld [smem:$0x3FFE];
	_ =	sdelay $0x1  }
0x8a: {  	s1 =	srdreg.scid  }
0x8b: {  	s0 =	sand.u32 $0x1, s1  }
0x8c: {  	s16 =	sshll.u32 s0, $0xA;
	s2 =	sadd.s32 s3, s2  }
0x8d: {  	s2 =	sadd.s32 s2, s16  }
0x8e: {  	[smem:$0x3FB9] =	sst s2  }
0x8f: {  	_ = 	snop  }
0x90: {  	(tm) =	ssettm $0x1  }
0x91: {  	s17 =	sld [smem:$0x3FFB];
	_ =	sdelay $0x3  }
0x92: {  	_ =	strace s17  }
0x93: {  	s2 =	sld [smem:$0x3FFC];
	_ =	sdelay $0x3  }
0x94: {  	_ =	strace s2  }
0x95: {  	s2 =	sld [smem:$0x3FFD];
	_ =	sdelay $0x3  }
0x96: {  	_ =	strace s2  }
0x97: {  	_ =	strace $0x8FFFFFFF  }
0x98: {  	s18 =	sld [smem:$0x3FDB];
	_ =	sdelay $0x1  }
0x99: {  	s19 =	simm.s32 $_scs_section_size  }
0x9a: {  	s4 =	simm.s32 $_size__tile_overlayer_lowered;
	s5 =	simm.s32 $_tile_overlayer_lowered  }
0x9b: {  	s22 =	simm.s32 $0x1BFF;
	s21 =	sshll.u32 s5, $0x1;
	s2 =	sadd.s32 s19, s18  }
0x9c: {  	s6 =	simm.s32 $0x0;
	s20 =	sshll.u32 s4, $0x1;
	s4 =	sadd.s32 s21, s2  }
0x9d: {  	[timem:s6], [sflag:s22] =	dma.local [hbm:s4], s20  }
0x9e: {  	_ =	swait.ge [sflag:s22], s20  }
0x9f: {  	s3 =	ssub.s32 $0x0, s20;
	[sflag:s22] =	ssyncset.done $0x0  }
0xa0: {  	[sflag:s22] =	ssyncadd.s32 s3;
	_ =	sdelay $0x1  }
0xa1: {  	s23 =	simm.s32 $0x1B8B  }
0xa2: {  	_ =	swait.ge [sflag:s23], $0x1  }
0xa3: {  	[sflag:s23] =	ssyncset.done $0x0  }
0xa4: {  	s25 =	simm.s32 $0x1B8E;
	s24 =	sld [smem:$0x3FFE];
	[sflag:s23] =	ssyncadd.s32 $0xFFFFFFFF  }
0xa5: {  	s26 =	simm.s32 $execute0_lowered;
	[smem:$0x3FD2] =	sst s25  }
0xa6: {  	s4 =	sshll.u32 s26, $0x1;
	_ =	strace $0x80000058;
	[dreg:$0x1] =	wrdreg $0xFFFFFFFF  }
0xa7: {  	s28 =	simm.s32 $_size_execute0_lowered;
	s2 =	sadd.s32 s2, s4;
	[dreg:$0x0] =	wrdreg $0x0  }
0xa8: {  	s4 =	sshll.u32 s28, $0x1;
	[dreg:$0x2] =	wrdreg s2  }
0xa9: {  	[dreg:$0x3] =	wrdreg s4  }
0xaa: {  	[dreg:$0x4] =	wrdreg $0xC0  }
0xab: {  	_ =	task [dreg:s6], $0x5FFFF  }
0xac: {  	[dreg:$0x1] =	wrdreg $0xFFFFFFFF  }
0xad: {  	[dreg:$0x0] =	wrdreg $0x60  }
0xae: {  	[dreg:$0x2] =	wrdreg s24  }
0xaf: {  	[dreg:$0x3] =	wrdreg $0x98800  }
0xb0: {  	[dreg:$0x4] =	wrdreg $0x9  }
0xb1: {  	_ =	task.clear_ibuf [dreg:s6], $0x5FFFF;
	_ =	strace $0x90000058  }
0xb2: {  	s29 =	simm.s32 $0x9;
	_ =	strace $0x8000005A  }
0xb3: {  	_ =	swait.ge [sflag:s29], $0x1  }
0xb4: {  	[sflag:s29] =	ssyncadd.s32 $0xFFFFFFFF  }
0xb5: {  	_ =	strace $0x9000005A  }
0xb6: {  	_ =	sfence  }
0xb7: {  	s30 =	sld [smem:$0x0];
	_ =	sdelay $0x2  }
0xb8: {  	s31 =	sshll.u32 s1, $0xD;
	s1 =	sshrl.u32 s1, $0x2  }
0xb9: {  	s3 =	sand.u32 $0x4000, s31;
	s1 =	sadd.s32 s1, s30  }
0xba: {  	s0 =	sor.u32 s3, s0;
	s1 =	sshll.u32 s1, $0x11  }
0xbb: {  	s0 =	sor.u32 s1, s0  }
0xbc: {  	s0 =	sadd.s32 $0x8F2B, s0  }
0xbd: {  	[sflag:s0] =	ssyncadd.remote.s32 $0x1  }
0xbe: {  	_ =	sfence.sel $0xFFFF  }
0xbf: {  	[dreg:$0x0] =	wrdreg $0xFFFFFFFF;
	(pc) =	sbr.abs _section_cstart, $3  }
0xc0: {  	[dreg:$0x1] =	wrdreg $0xFFFFFFFF  }
0xc1: {  	_ =	task.clear_ibuf [dreg:s6], $0x2FFFF;
	_ =	strace $0x9FFFFFFF  }
0xc2: {  	(tm) =	ssettm $0x7FFFFFFF  }
0xc3: {  	_ =	shalt  }
tec
execute0_lowered:
.L_overlay_start_1:
0x0: {  	(tag) =	ssettag $0x1  }
0x1: {  	s0 =	srdreg.scid;
	s7 =	rddreg [dreg:$0x0]  }
0x2: {  	s2 =	rddreg [dreg:$0x1];
	s3 =	simm.s32 $0x0;
	s16 =	simm.s32 $0x2  }
0x3: {  	s17 =	simm.s32 $0x2C00;
	s18 =	simm.s32 $0x5800;
	s19 =	simm.s32 $0x80  }
0x4: {  	s20 =	simm.s32 $0x1;
	s21 =	simm.s32 $0x9800;
	s6 =	sand.u32 $0x1, s0  }
0x5: {  	s23 =	simm.s32 $0x0;
	s0 =	stileid.u32;
	s8 =	smul.u32 $0x140000, s6  }
0x6: {  	[smem:$0x7FF] =	sst s3;
	s5 =	sadd.s32 $0x1CC00, s7;
	s9 =	smul.u32 $0x14000, s0  }
0x7: {  	s1 =	sshll.u32 s6, $0x4;
	s11 =	smul.u32 $0x50000, s0;
	s6 =	ssub.s32 $0x2, s6  }
0x8: {  	s22 =	sshll.u32 s0, $0x6;
	s13 =	sor.u32 s0, s1;
	s1 =	rddreg [dreg:$0x2]  }
0x9: {  	_ =	strace $0x80000059;
	s31 =	sshrl.u32 s6, $0x1;
	s22 =	sor.u32 $0x1C02, s22  }
0xa: {  	s4 =	smul.u32 $0x580, s13;
	s8 =	sadd.s32 s9, s8;
	s11 =	sshrl.u32 s11, $0x2  }
0xb: {  	s15 =	ssub.s32 s6, s31;
	s13 =	smul.u32 $0x51, s13;
	s8 =	sshrl.u32 s8, $0x3  }
0xc: {  	s6 =	sadd.s32 s11, s2;
	s15 =	smax.u32 s15, $0x1;
	s10 =	sadd.s32 s4, s7  }
0xd: {  	s4 =	sadd.s32 $0x26E00, s7;
	s14 =	sadd.s32 s8, s7;
	s9 =	sadd.s32 $0x4000, s6  }
0xe: {  	s11 =	sadd.s32 $0xC000, s6;
	s12 =	sadd.s32 $0x10000, s6;
	s7 =	sadd.s32 $0x5E00, s10  }
0xf: {  	v0 =	vimm.f32 $0.0e+00;
	s8 =	sadd.s32 $0x10E00, s10;
	s10 =	sadd.s32 $0x8000, s6;
	s14 =	sadd.s32 $0x4E000, s14  }
.LBB2_1:
0x10: {  	[tilespmem:s3], [sflag:$0x2] =	stream.linear.gather [hbm4b:s7+s3], $0x2880, $0x38;
	[tilespmem:$0x1D880] =	vst v63  }
0x11: {  	_ =	swait.ge [sflag:s16], $0x2880  }
0x12: {  	[sflag:s16] =	ssyncset.done $0x0  }
0x13: {  	[sflag:s16] =	ssyncadd.s32 $0xFFFFD780  }
0x14: {  	[tilespmem:s17], [sflag:$0x2] =	stream.linear.gather [hbm4b:s8+s3], $0x2880, $0x38;
	[tilespmem:$0x1D880] =	vst v63  }
0x15: {  	_ =	swait.ge [sflag:s16], $0x2880  }
0x16: {  	[sflag:s16] =	ssyncset.done $0x0  }
0x17: {  	s24 =	simm.s32 $0x0;
	s25 =	simm.s32 $0x200;
	[sflag:s16] =	ssyncadd.s32 $0xFFFFD780  }
.LBB2_2:
0x18: {  	p0 =	sne.s32 s25, $0xFE00;
	[tilespmem:s24+$0x5870] =	vst v0  }
0x19: {  	[tilespmem:s24+$0x5800] =	vst v0  }
0x1a: {  	[tilespmem:s24+$0x5810] =	vst v0  }
.Ltmp0:
0x1b: {  	[tilespmem:s24+$0x5820] =	vst v0;
	(pc) =	sbr.rel @p0 .LBB2_2-.Ltmp0, $4  }
0x1c: {  	[tilespmem:s24+$0x5830] =	vst v0  }
0x1d: {  	[tilespmem:s24+$0x5840] =	vst v0  }
0x1e: {  	[tilespmem:s24+$0x5850] =	vst v0  }
0x1f: {  	[tilespmem:s24+$0x5860] =	vst v0;
	s24 =	sshra.s32 s25, $0x2;
	s25 =	sadd.s32 $0x200, s25  }
0x20: {  	[tilespmem:s24+$0x5870] =	vst v0  }
0x21: {  	[tilespmem:s24+$0x5800] =	vst v0  }
0x22: {  	[tilespmem:s24+$0x5810] =	vst v0  }
0x23: {  	[tilespmem:s24+$0x5820] =	vst v0  }
0x24: {  	[tilespmem:s24+$0x5830] =	vst v0  }
0x25: {  	[tilespmem:s24+$0x5840] =	vst v0  }
0x26: {  	[tilespmem:s24+$0x5850] =	vst v0  }
0x27: {  	[tilespmem:s24+$0x5860] =	vst v0  }
0x28: {  	[spmem:s6] =	stream.linear.scatter [tilespmem:s18], [sflag:$0x2], $0x4000, $0x38;
	[tilespmem:$0x1D880] =	vst v63  }
0x29: {  	_ =	swait.ge [sflag:s16], $0x4000  }
0x2a: {  	[sflag:s16] =	ssyncset.done $0x0  }
0x2b: {  	[sflag:s16] =	ssyncadd.s32 $0xFFFFC000  }
0x2c: {  	[spmem:s9] =	stream.linear.scatter [tilespmem:s18], [sflag:$0x2], $0x4000, $0x38;
	[tilespmem:$0x1D880] =	vst v63  }
0x2d: {  	_ =	swait.ge [sflag:s16], $0x4000  }
0x2e: {  	[sflag:s16] =	ssyncset.done $0x0  }
0x2f: {  	[sflag:s16] =	ssyncadd.s32 $0xFFFFC000  }
0x30: {  	[spmem:s10] =	stream.linear.scatter [tilespmem:s18], [sflag:$0x2], $0x4000, $0x38;
	[tilespmem:$0x1D880] =	vst v63  }
0x31: {  	_ =	swait.ge [sflag:s16], $0x4000  }
0x32: {  	[sflag:s16] =	ssyncset.done $0x0  }
0x33: {  	[sflag:s16] =	ssyncadd.s32 $0xFFFFC000  }
0x34: {  	[spmem:s11] =	stream.linear.scatter [tilespmem:s18], [sflag:$0x2], $0x4000, $0x38;
	[tilespmem:$0x1D880] =	vst v63  }
0x35: {  	_ =	swait.ge [sflag:s16], $0x4000  }
0x36: {  	[sflag:s16] =	ssyncset.done $0x0  }
0x37: {  	[sflag:s16] =	ssyncadd.s32 $0xFFFFC000  }
0x38: {  	[spmem:s12] =	stream.linear.scatter [tilespmem:s18], [sflag:$0x2], $0x4000, $0x38;
	[tilespmem:$0x1D880] =	vst v63  }
0x39: {  	_ =	swait.ge [sflag:s16], $0x4000  }
0x3a: {  	[sflag:s16] =	ssyncset.done $0x0  }
0x3b: {  	[sflag:s16] =	ssyncadd.s32 $0xFFFFC000  }
0x3c: {  	s24 =	simm.s32 $0x0;
	s25 =	simm.s32 $0x0;
	[bflag:$0x0] =	sbarrier.arrive $0xFFFF  }
.LBB2_4:
0x3d: {  	s26 =	sshll.u32 s25, $0x7  }
0x3e: {  	[tilespmem:s18], [sflag:$0x1] =	stream.indirect.gather [hbm4b:s4+s19], $0x80, s26, s19, $0xb8;
	[tilespmem:$0x1D880] =	vst v63  }
0x3f: {  	s28 =	sadd.s32 s13, s25;
	_ =	swait.ge [sflag:s20], $0x4000  }
0x40: {  	s28 =	sshll.u32 s28, $0x4;
	[sflag:s20] =	ssyncset.done $0x0  }
0x41: {  	v1 =	vmov s24;
	s28 =	sadd.s32 s5, s28;
	[sflag:s20] =	ssyncadd.s32 $0xFFFFC000  }
0x42: {  	[tilespmem:s21], [sflag:$0x2] =	stream.linear.gather [hbm4b:s28+s24], $0x80, $0x38;
	[tilespmem:$0x1D880] =	vst v63  }
0x43: {  	_ =	swait.ge [sflag:s16], $0x80  }
0x44: {  	[sflag:s16] =	ssyncset.done $0x0  }
0x45: {  	[sflag:s16] =	ssyncadd.s32 $0xFFFFFF80  }
0x46: {  	s28 =	simm.s32 $0x5820;
	v2 =	vld.idx.msk [tilespmem:v1+s21+$0x0], $0xffff  }
0x47: {  	v3 =	vld [tilespmem:s28+$0xFFFFFFE0];
	_ =	sdelay $0x4  }
0x48: {  	v2 =	vmul.f32 v3, v2;
	_ =	sdelay $0x1  }
0x49: {  	v3 =	vld [tilespmem:s28+$0xFFFFFFF0];
	[tilespmem:s28+$0xFFFFFFE0] =	vst v2  }
0x4a: {  	v2 =	vld.idx.msk [tilespmem:v1+s21+$0x0], $0xffff;
	_ =	sdelay $0x4  }
0x4b: {  	v2 =	vmul.f32 v3, v2;
	_ =	sdelay $0x1  }
0x4c: {  	v3 =	vld [tilespmem:s28+$0x0];
	[tilespmem:s28+$0xFFFFFFF0] =	vst v2  }
0x4d: {  	v2 =	vld.idx.msk [tilespmem:v1+s21+$0x0], $0xffff;
	_ =	sdelay $0x4  }
0x4e: {  	v2 =	vmul.f32 v3, v2;
	_ =	sdelay $0x1  }
0x4f: {  	v3 =	vld [tilespmem:s28+$0x10];
	[tilespmem:s28+$0x0] =	vst v2  }
0x50: {  	v2 =	vld.idx.msk [tilespmem:v1+s21+$0x0], $0xffff;
	_ =	sdelay $0x4  }
0x51: {  	v2 =	vmul.f32 v3, v2;
	_ =	sdelay $0x1  }
0x52: {  	v3 =	vld [tilespmem:s28+$0x20];
	[tilespmem:s28+$0x10] =	vst v2  }
0x53: {  	v2 =	vld.idx.msk [tilespmem:v1+s21+$0x0], $0xffff;
	_ =	sdelay $0x1  }
0x54: {  	s29 =	simm.s32 $0x1  }
0x55: {  	v1 =	vmov s29;
	s29 =	simm.s32 $0x2  }
.LBB2_5:
0x56: {  	p0 =	sne.s32 s29, $0x7F  }
0x57: {  	v2 =	vmul.f32 v3, v2;
	_ =	sdelay $0x1  }
0x58: {  	[tilespmem:s28+$0x20] =	vst v2  }
0x59: {  	s28 =	sadd.s32 $0x80, s28;
	v2 =	vld.idx.msk [tilespmem:v1+s21+$0x0], $0xffff  }
0x5a: {  	v3 =	vld [tilespmem:s28+$0xFFFFFFE0];
	_ =	sdelay $0x4  }
0x5b: {  	v2 =	vmul.f32 v3, v2;
	_ =	sdelay $0x1  }
0x5c: {  	[tilespmem:s28+$0xFFFFFFE0] =	vst v2  }
0x5d: {  	v2 =	vld.idx.msk [tilespmem:v1+s21+$0x0], $0xffff  }
0x5e: {  	v3 =	vld [tilespmem:s28+$0xFFFFFFF0];
	_ =	sdelay $0x4  }
0x5f: {  	v2 =	vmul.f32 v3, v2;
	_ =	sdelay $0x1  }
0x60: {  	[tilespmem:s28+$0xFFFFFFF0] =	vst v2  }
0x61: {  	v2 =	vld.idx.msk [tilespmem:v1+s21+$0x0], $0xffff  }
0x62: {  	v3 =	vld [tilespmem:s28+$0x0];
	_ =	sdelay $0x4  }
0x63: {  	v2 =	vmul.f32 v3, v2;
	_ =	sdelay $0x1  }
0x64: {  	[tilespmem:s28+$0x0] =	vst v2  }
0x65: {  	v2 =	vld.idx.msk [tilespmem:v1+s21+$0x0], $0xffff  }
0x66: {  	v3 =	vld [tilespmem:s28+$0x10];
	_ =	sdelay $0x4  }
0x67: {  	v2 =	vmul.f32 v3, v2;
	_ =	sdelay $0x1  }
0x68: {  	[tilespmem:s28+$0x10] =	vst v2  }
.Ltmp1:
0x69: {  	v2 =	vld.idx.msk [tilespmem:v1+s21+$0x0], $0xffff;
	(pc) =	sbr.rel @p0 .LBB2_5-.Ltmp1, $2  }
0x6a: {  	v3 =	vld [tilespmem:s28+$0x20];
	_ =	sdelay $0x2  }
0x6b: {  	v1 =	vmov s29;
	s29 =	sadd.s32 $0x1, s29  }
0x6c: {  	_ = 	snop  }
0x6d: {  	v2 =	vmul.f32 v3, v2  }
0x6e: {  	s31 =	sadd.s32 $0x80, s28  }
0x6f: {  	v3 =	vld [tilespmem:s31+$0xFFFFFFE0];
	[tilespmem:s28+$0x20] =	vst v2  }
0x70: {  	v2 =	vld.idx.msk [tilespmem:v1+s21+$0x0], $0xffff;
	_ =	sdelay $0x4  }
0x71: {  	v2 =	vmul.f32 v3, v2;
	_ =	sdelay $0x1  }
0x72: {  	v3 =	vld [tilespmem:s31+$0xFFFFFFF0];
	[tilespmem:s31+$0xFFFFFFE0] =	vst v2  }
0x73: {  	v2 =	vld.idx.msk [tilespmem:v1+s21+$0x0], $0xffff;
	_ =	sdelay $0x4  }
0x74: {  	v2 =	vmul.f32 v3, v2;
	_ =	sdelay $0x1  }
0x75: {  	v3 =	vld [tilespmem:s31+$0x0];
	[tilespmem:s31+$0xFFFFFFF0] =	vst v2  }
0x76: {  	v2 =	vld.idx.msk [tilespmem:v1+s21+$0x0], $0xffff;
	_ =	sdelay $0x4  }
0x77: {  	v2 =	vmul.f32 v3, v2;
	_ =	sdelay $0x1  }
0x78: {  	v3 =	vld [tilespmem:s31+$0x10];
	[tilespmem:s31+$0x0] =	vst v2  }
0x79: {  	v2 =	vld.idx.msk [tilespmem:v1+s21+$0x0], $0xffff;
	_ =	sdelay $0x4  }
0x7a: {  	v2 =	vmul.f32 v3, v2;
	_ =	sdelay $0x1  }
0x7b: {  	[tilespmem:s31+$0x10] =	vst v2;
	v2 =	vld [tilespmem:s31+$0x20]  }
0x7c: {  	v1 =	vld.idx.msk [tilespmem:v1+s21+$0x0], $0xffff;
	_ =	sdelay $0x4  }
0x7d: {  	s25 =	sadd.s32 $0x1, s25;
	v1 =	vmul.f32 v2, v1  }
0x7e: {  	p0 =	sne.s32 s25, $0x51  }
.Ltmp2:
0x7f: {  	s26 =	sadd.s32 $0x2C00, s26;
	[tilespmem:s31+$0x20] =	vst v1;
	(pc) =	sbr.rel @p0 .LBB2_4-.Ltmp2, $4  }
0x80: {  	[spmem:s2] =	stream.indirect.scatter.add.f32 [tilespmem:s18], [sflag:$0x2], $0x80, s26, s19, $0xb8;
	[tilespmem:$0x1D880] =	vst v63  }
0x81: {  	_ =	swait.ge [sflag:s16], $0x4000  }
0x82: {  	[sflag:s16] =	ssyncset.done $0x0  }
0x83: {  	[sflag:s16] =	ssyncadd.s32 $0xFFFFC000  }
0x84: {  	s23 =	sadd.s32 $0x1, s23  }
0x85: {  	p0 =	sne.s32 s23, s15  }
.Ltmp3:
0x86: {  	[bflag:$0x0] =	sbarrier.arrive $0xFFFF;
	s24 =	sshrl.u32 s6, $0x3;
	(pc) =	sbr.rel @p0 .LBB2_1-.Ltmp3, $4  }
0x87: {  	[hbm:s14], [sflag:s22] =	dma.local [spmem:s24], $0x2800  }
0x88: {  	_ =	swait.ge [sflag:s16], $0x2800  }
0x89: {  	[sflag:s16] =	ssyncset.done $0x0  }
0x8a: {  	[sflag:s16] =	ssyncadd.s32 $0xFFFFD800  }
0x8b: {  	_ =	sfence.sel $0x180000  }
0x8c: {  	[bflag:$0x0] =	sbarrier.arrive $0xFFFF  }
0x8d: {  	p0 =	sne.s32 s0, $0x0;
	_ =	strace $0x90000059  }
0x8e: {  	s0 =	sadd.s32 @!p0 $0x100000, s1;
	[bflag:$0x2] =	sbarrier.arrive $0xFFFF  }
0x8f: {  	[sflag:s0] =	ssyncadd.tile.s32 @!p0 $0x1;
	_ =	shalt  }
.Lfunc_end2:
_tile_overlayer_lowered:
.L_overlay_start_2:
0x90: {  	(tag) =	ssettag $0x2  }
0x91: {  	s0 =	rddreg [dreg:$0x0];
	s2 =	stileid.u32  }
0x92: {  	s1 =	rddreg [dreg:$0x1];
	p0 =	sne.s32 s2, $0x0  }
0x93: {  	s3 =	rddreg [dreg:$0x2];
	[bflag:$0x3] =	sbarrier.arrive $0xFFFF;
	s2 =	simm.s32 @!p0 $0x1C02  }
0x94: {  	[timem:s3], [sflag:s2] =	dma.local @!p0 [hbm:s0], s1  }
0x95: {  	s0 =	simm.s32 @!p0 $0x2  }
0x96: {  	_ =	swait.ge @!p0 [sflag:s0], s1  }
0x97: {  	s1 =	ssub.s32 @!p0 $0x0, s1;
	[sflag:s0] =	ssyncset.done @!p0 $0x0  }
0x98: {  	[sflag:s0] =	ssyncadd.s32 @!p0 s1  }
0x99: {  	[bflag:$0x3] =	sbarrier.arrive $0xFFFF  }
0x9a: {  	_ =	shalt  }

// kernel: kernel.35.cloned.1.call-start
scs
__scs_entry_jumppad:
0x0: {  	(pc) =	sbr.rel $0x88, $3  }
0x1: {  	(tag) =	ssettag $0x0;
	lr =	simm.s32 $0x1  }
0x2: {  	[smem:$0x3F92] =	sst lr;
	_ =	strace $0xD0000000  }
0x3: {  	_ = 	snop  }
0x4: {  	_ = 	snop  }
0x5: {  	_ = 	snop  }
0x6: {  	_ = 	snop  }
0x7: {  	_ = 	snop  }
__scs_overlays_trampoline_lowered:
0x8: {  	[smem:$0x3FA1] =	sst s0  }
0x9: {  	[smem:$0x3FA2] =	sst s1  }
0xa: {  	[smem:$0x3FA3] =	sst s2  }
0xb: {  	[smem:$0x3FA4] =	sst s3  }
0xc: {  	[smem:$0x3FA5] =	sst s4  }
0xd: {  	[smem:$0x3FA6] =	sst s5  }
0xe: {  	[smem:$0x3FA7] =	sst s6  }
0xf: {  	[smem:$0x3FA8] =	sst s7  }
0x10: {  	[smem:$0x3FA9] =	sst s8  }
0x11: {  	[smem:$0x3FAA] =	sst s9;
	s0 =	simm.s32 @!p0 $0x0  }
0x12: {  	s1 =	sld [smem:$0x3F90];
	s0 =	simm.s32 @p0 $0x1  }
0x13: {  	[smem:$0x3FAB] =	sst s0;
	s0 =	simm.s32 @!p1 $0x0  }
0x14: {  	s2 =	sld [smem:$0x3F8F];
	s0 =	simm.s32 @p1 $0x1  }
0x15: {  	[smem:$0x3FAC] =	sst s0;
	s0 =	simm.s32 @!p2 $0x0  }
0x16: {  	s3 =	sld [smem:$0x3FDB];
	s0 =	simm.s32 @p2 $0x1  }
0x17: {  	s4 =	simm.s32 $0x1BF5;
	[smem:$0x3FAE] =	sst s0  }
0x18: {  	s0 =	sld [smem:$0x3F91];
	_ =	swait.ge [sflag:s4], $0x0  }
0x19: {  	s7 =	sld [smem:$0x3F92]  }
0x1a: {  	s8 =	sadd.s32 $0xFFFFE003, lr  }
0x1b: {  	s9 =	sadd.s32 $0xFFFFFEF7, lr;
	s5 =	simm.s32 $0xFFFFFFFF;
	p2 =	slt.u32 s8, $0xFFFFF086  }
0x1c: {  	p1 =	slt.u32 s9, $0xF7A;
	s5 =	simm.s32 @!p2 $0x0  }
0x1d: {  	s5 =	simm.s32 @p1 $0x1;
	p0 =	seq.s32 s7, s2  }
0x1e: {  	s7 =	smul.u32 @!p0 $0xF7A, s2;
	p2 =	seq.s32 @!p0 s5, $0x0  }
0x1f: {  	s9 =	smul.u32 $0xF7A, s1;
	s8 =	simm.s32 @!p0 $0x1BF5;
	p2 =	por !p2, p0  }
0x20: {  	[sflag:s8] =	ssyncset.s32 @!p0 $0xFFFFF086;
	s6 =	sadd.s32 @!p0 s3, s7;
	s7 =	simm.s32 @!p0 $0x108  }
0x21: {  	s3 =	sadd.s32 s3, s9;
	s6 =	sadd.s32 @!p0 $0x88, s6;
	s7 =	simm.s32 @p2 $0x1082  }
0x22: {  	[simem:s7], [sflag:s8] =	dma.local @!p0 [hbm:s6], $0xF7A  }
0x23: {  	s9 =	sor.u32 $0xD0000000, s2;
	s6 =	simm.s32 $0x108;
	_ =	swait.ge @!p0 [sflag:s8], $0x0  }
0x24: {  	s3 =	sadd.s32 $0x88, s3;
	s6 =	simm.s32 @!p1 $0x1082;
	[sflag:s4] =	ssyncset.s32 $0xFFFFF086  }
0x25: {  	[simem:s6], [sflag:s4] =	dma.local [hbm:s3], $0xF7A  }
0x26: {  	[smem:$0x3F92] =	sst s1;
	(tag) =	ssettag s2;
	_ =	strace s9  }
0x27: {  	s1 =	sld [smem:$0x3FA2]  }
0x28: {  	s2 =	sld [smem:$0x3FA3]  }
0x29: {  	s4 =	sld [smem:$0x3FA5]  }
0x2a: {  	p0 =	seq.s32 s5, $0x0;
	s5 =	sld [smem:$0x3FA6]  }
0x2b: {  	s6 =	sld [smem:$0x3FA7]  }
0x2c: {  	s7 =	sld [smem:$0x3FA8]  }
0x2d: {  	s3 =	simm.s32 $0x108;
	s8 =	sld [smem:$0x3FA9]  }
0x2e: {  	s3 =	simm.s32 @!p0 $0x1082;
	s9 =	sld [smem:$0x3FAA]  }
0x2f: {  	lr =	sadd.s32 s0, s3;
	s0 =	sld [smem:$0x3FA1]  }
0x30: {  	s3 =	sld [smem:$0x3FA4]  }
0x31: {  	[smem:$0x3FAD] =	sst s10  }
0x32: {  	s10 =	sld [smem:$0x3FAB];
	_ =	sdelay $0x3  }
0x33: {  	p0 =	seq.s32 s10, $0x1;
	s10 =	sld [smem:$0x3FAD];
	_ =	sdelay $0x3  }
0x34: {  	[smem:$0x3FAD] =	sst s10  }
0x35: {  	s10 =	sld [smem:$0x3FAC];
	_ =	sdelay $0x3  }
0x36: {  	p1 =	seq.s32 s10, $0x1;
	s10 =	sld [smem:$0x3FAD];
	_ =	sdelay $0x3  }
0x37: {  	[smem:$0x3FAD] =	sst s10  }
0x38: {  	s10 =	sld [smem:$0x3FAE]  }
0x39: {  	_ = 	snop;
	(pc) =	sbr.ind lr, $3  }
0x3a: {  	_ = 	snop  }
0x3b: {  	_ = 	snop  }
0x3c: {  	p2 =	seq.s32 s10, $0x1;
	s10 =	sld [smem:$0x3FAD]  }
0x3d: {  	_ =	shalt  }
0x3e: {  	_ =	shalt  }
0x3f: {  	_ =	shalt  }
0x40: {  	_ =	shalt  }
0x41: {  	_ =	shalt  }
0x42: {  	_ =	shalt  }
0x43: {  	_ =	shalt  }
0x44: {  	_ =	shalt  }
0x45: {  	_ =	shalt  }
0x46: {  	_ =	shalt  }
0x47: {  	_ =	shalt  }
0x48: {  	_ =	shalt  }
0x49: {  	_ =	shalt  }
0x4a: {  	_ =	shalt  }
0x4b: {  	_ =	shalt  }
0x4c: {  	_ =	shalt  }
0x4d: {  	_ =	shalt  }
0x4e: {  	_ =	shalt  }
0x4f: {  	_ =	shalt  }
0x50: {  	_ =	shalt  }
0x51: {  	_ =	shalt  }
0x52: {  	_ =	shalt  }
0x53: {  	_ =	shalt  }
0x54: {  	_ =	shalt  }
0x55: {  	_ =	shalt  }
0x56: {  	_ =	shalt  }
0x57: {  	_ =	shalt  }
0x58: {  	_ =	shalt  }
0x59: {  	_ =	shalt  }
0x5a: {  	_ =	shalt  }
0x5b: {  	_ =	shalt  }
0x5c: {  	_ =	shalt  }
0x5d: {  	_ =	shalt  }
0x5e: {  	_ =	shalt  }
0x5f: {  	_ =	shalt  }
0x60: {  	_ =	shalt  }
0x61: {  	_ =	shalt  }
0x62: {  	_ =	shalt  }
0x63: {  	_ =	shalt  }
0x64: {  	_ =	shalt  }
0x65: {  	_ =	shalt  }
0x66: {  	_ =	shalt  }
0x67: {  	_ =	shalt  }
0x68: {  	_ =	shalt  }
0x69: {  	_ =	shalt  }
0x6a: {  	_ =	shalt  }
0x6b: {  	_ =	shalt  }
0x6c: {  	_ =	shalt  }
0x6d: {  	_ =	shalt  }
0x6e: {  	_ =	shalt  }
0x6f: {  	_ =	shalt  }
0x70: {  	_ =	shalt  }
0x71: {  	_ =	shalt  }
0x72: {  	_ =	shalt  }
0x73: {  	_ =	shalt  }
0x74: {  	_ =	shalt  }
0x75: {  	_ =	shalt  }
0x76: {  	_ =	shalt  }
0x77: {  	_ =	shalt  }
0x78: {  	_ =	shalt  }
0x79: {  	_ =	shalt  }
0x7a: {  	_ =	shalt  }
0x7b: {  	_ =	shalt  }
0x7c: {  	_ =	shalt  }
0x7d: {  	_ =	shalt  }
0x7e: {  	_ =	shalt  }
0x7f: {  	_ =	shalt  }
0x80: {  	_ =	shalt  }
0x81: {  	_ =	shalt  }
0x82: {  	_ =	shalt  }
0x83: {  	_ =	shalt  }
0x84: {  	_ =	shalt  }
0x85: {  	_ =	shalt  }
0x86: {  	_ =	shalt  }
0x87: {  	_ =	shalt  }
.Lfunc_end0:
.L_simem_size_0:
called_computation.7_lowered:
.L_overlay_start_0:
0x88: {  	s2 =	sld [smem:$0x3FD9]  }
0x89: {  	s3 =	sld [smem:$0x3FFE];
	_ =	sdelay $0x1  }
0x8a: {  	s1 =	srdreg.scid  }
0x8b: {  	s0 =	sand.u32 $0x1, s1  }
0x8c: {  	s16 =	sshll.u32 s0, $0xA;
	s2 =	sadd.s32 s3, s2  }
0x8d: {  	s2 =	sadd.s32 s2, s16  }
0x8e: {  	[smem:$0x3FB9] =	sst s2  }
0x8f: {  	_ = 	snop  }
0x90: {  	(tm) =	ssettm $0x1  }
0x91: {  	s17 =	sld [smem:$0x3FFB];
	_ =	sdelay $0x3  }
0x92: {  	_ =	strace s17  }
0x93: {  	s2 =	sld [smem:$0x3FFC];
	_ =	sdelay $0x3  }
0x94: {  	_ =	strace s2  }
0x95: {  	s2 =	sld [smem:$0x3FFD];
	_ =	sdelay $0x3  }
0x96: {  	_ =	strace s2  }
0x97: {  	_ =	strace $0x8FFFFFFF  }
0x98: {  	s18 =	sld [smem:$0x3FDB];
	_ =	sdelay $0x1  }
0x99: {  	s19 =	simm.s32 $_scs_section_size  }
0x9a: {  	s4 =	simm.s32 $_size__tile_overlayer_lowered;
	s5 =	simm.s32 $_tile_overlayer_lowered  }
0x9b: {  	s22 =	simm.s32 $0x1BFF;
	s21 =	sshll.u32 s5, $0x1;
	s2 =	sadd.s32 s19, s18  }
0x9c: {  	s6 =	simm.s32 $0x0;
	s20 =	sshll.u32 s4, $0x1;
	s4 =	sadd.s32 s21, s2  }
0x9d: {  	[timem:s6], [sflag:s22] =	dma.local [hbm:s4], s20  }
0x9e: {  	_ =	swait.ge [sflag:s22], s20  }
0x9f: {  	s3 =	ssub.s32 $0x0, s20;
	[sflag:s22] =	ssyncset.done $0x0  }
0xa0: {  	[sflag:s22] =	ssyncadd.s32 s3;
	_ =	sdelay $0x1  }
0xa1: {  	s23 =	simm.s32 $0x1B8B  }
0xa2: {  	_ =	swait.ge [sflag:s23], $0x1  }
0xa3: {  	[sflag:s23] =	ssyncset.done $0x0  }
0xa4: {  	s25 =	simm.s32 $0x1B8E;
	s24 =	sld [smem:$0x3FFE];
	[sflag:s23] =	ssyncadd.s32 $0xFFFFFFFF  }
0xa5: {  	s26 =	simm.s32 $execute0_lowered;
	[smem:$0x3FD2] =	sst s25  }
0xa6: {  	s4 =	sshll.u32 s26, $0x1;
	_ =	strace $0x8000005B;
	[dreg:$0x1] =	wrdreg $0xFFFFFFFF  }
0xa7: {  	s28 =	simm.s32 $_size_execute0_lowered;
	s2 =	sadd.s32 s2, s4;
	[dreg:$0x0] =	wrdreg $0x0  }
0xa8: {  	s4 =	sshll.u32 s28, $0x1;
	[dreg:$0x2] =	wrdreg s2  }
0xa9: {  	[dreg:$0x3] =	wrdreg s4  }
0xaa: {  	[dreg:$0x4] =	wrdreg $0xC0  }
0xab: {  	_ =	task [dreg:s6], $0x5FFFF  }
0xac: {  	[dreg:$0x1] =	wrdreg $0xFFFFFFFF  }
0xad: {  	[dreg:$0x0] =	wrdreg $0x60  }
0xae: {  	[dreg:$0x2] =	wrdreg s24  }
0xaf: {  	[dreg:$0x3] =	wrdreg $0x98800  }
0xb0: {  	[dreg:$0x4] =	wrdreg $0x9  }
0xb1: {  	_ =	task.clear_ibuf [dreg:s6], $0x5FFFF;
	_ =	strace $0x9000005B  }
0xb2: {  	s29 =	simm.s32 $0x9;
	_ =	strace $0x8000005D  }
0xb3: {  	_ =	swait.ge [sflag:s29], $0x1  }
0xb4: {  	[sflag:s29] =	ssyncadd.s32 $0xFFFFFFFF  }
0xb5: {  	_ =	strace $0x9000005D  }
0xb6: {  	_ =	sfence  }
0xb7: {  	s30 =	sld [smem:$0x0];
	_ =	sdelay $0x2  }
0xb8: {  	s31 =	sshll.u32 s1, $0xD;
	s1 =	sshrl.u32 s1, $0x2  }
0xb9: {  	s3 =	sand.u32 $0x4000, s31;
	s1 =	sadd.s32 s1, s30  }
0xba: {  	s0 =	sor.u32 s3, s0;
	s1 =	sshll.u32 s1, $0x11  }
0xbb: {  	s0 =	sor.u32 s1, s0  }
0xbc: {  	s0 =	sadd.s32 $0x8F2B, s0  }
0xbd: {  	[sflag:s0] =	ssyncadd.remote.s32 $0x1  }
0xbe: {  	_ =	sfence.sel $0xFFFF  }
0xbf: {  	[dreg:$0x0] =	wrdreg $0xFFFFFFFF;
	(pc) =	sbr.abs _section_cstart, $3  }
0xc0: {  	[dreg:$0x1] =	wrdreg $0xFFFFFFFF  }
0xc1: {  	_ =	task.clear_ibuf [dreg:s6], $0x2FFFF;
	_ =	strace $0x9FFFFFFF  }
0xc2: {  	(tm) =	ssettm $0x7FFFFFFF  }
0xc3: {  	_ =	shalt  }
tec
execute0_lowered:
.L_overlay_start_1:
0x0: {  	(tag) =	ssettag $0x1  }
0x1: {  	s0 =	srdreg.scid;
	s7 =	rddreg [dreg:$0x0]  }
0x2: {  	s2 =	rddreg [dreg:$0x1];
	s3 =	simm.s32 $0x0;
	s16 =	simm.s32 $0x2  }
0x3: {  	s17 =	simm.s32 $0x2C00;
	s18 =	simm.s32 $0x5800;
	s19 =	simm.s32 $0x80  }
0x4: {  	s20 =	simm.s32 $0x1;
	s21 =	simm.s32 $0x9800;
	s6 =	sand.u32 $0x1, s0  }
0x5: {  	s23 =	simm.s32 $0x0;
	s0 =	stileid.u32;
	s8 =	smul.u32 $0x140000, s6  }
0x6: {  	[smem:$0x7FF] =	sst s3;
	s5 =	sadd.s32 $0x1BE00, s7;
	s9 =	smul.u32 $0x14000, s0  }
0x7: {  	s1 =	sshll.u32 s6, $0x4;
	s11 =	smul.u32 $0x50000, s0;
	s6 =	ssub.s32 $0x2, s6  }
0x8: {  	s22 =	sshll.u32 s0, $0x6;
	s13 =	sor.u32 s0, s1;
	s1 =	rddreg [dreg:$0x2]  }
0x9: {  	_ =	strace $0x8000005C;
	s31 =	sshrl.u32 s6, $0x1;
	s22 =	sor.u32 $0x1C02, s22  }
0xa: {  	s4 =	smul.u32 $0x580, s13;
	s8 =	sadd.s32 s9, s8;
	s11 =	sshrl.u32 s11, $0x2  }
0xb: {  	s15 =	ssub.s32 s6, s31;
	s13 =	smul.u32 $0x51, s13;
	s8 =	sshrl.u32 s8, $0x3  }
0xc: {  	s6 =	sadd.s32 s11, s2;
	s15 =	smax.u32 s15, $0x1;
	s10 =	sadd.s32 s4, s7  }
0xd: {  	s4 =	sadd.s32 $0x9E000, s7;
	s14 =	sadd.s32 s8, s7;
	s9 =	sadd.s32 $0x4000, s6  }
0xe: {  	s11 =	sadd.s32 $0xC000, s6;
	s12 =	sadd.s32 $0x10000, s6;
	s7 =	sadd.s32 $0x5E00, s10  }
0xf: {  	v0 =	vimm.f32 $0.0e+00;
	s8 =	sadd.s32 $0x10E00, s10;
	s10 =	sadd.s32 $0x8000, s6;
	s14 =	sadd.s32 $0xC5200, s14  }
.LBB2_1:
0x10: {  	[tilespmem:s3], [sflag:$0x2] =	stream.linear.gather [hbm4b:s7+s3], $0x2880, $0x38;
	[tilespmem:$0x1D880] =	vst v63  }
0x11: {  	_ =	swait.ge [sflag:s16], $0x2880  }
0x12: {  	[sflag:s16] =	ssyncset.done $0x0  }
0x13: {  	[sflag:s16] =	ssyncadd.s32 $0xFFFFD780  }
0x14: {  	[tilespmem:s17], [sflag:$0x2] =	stream.linear.gather [hbm4b:s8+s3], $0x2880, $0x38;
	[tilespmem:$0x1D880] =	vst v63  }
0x15: {  	_ =	swait.ge [sflag:s16], $0x2880  }
0x16: {  	[sflag:s16] =	ssyncset.done $0x0  }
0x17: {  	s24 =	simm.s32 $0x0;
	s25 =	simm.s32 $0x200;
	[sflag:s16] =	ssyncadd.s32 $0xFFFFD780  }
.LBB2_2:
0x18: {  	p0 =	sne.s32 s25, $0xFE00;
	[tilespmem:s24+$0x5870] =	vst v0  }
0x19: {  	[tilespmem:s24+$0x5800] =	vst v0  }
0x1a: {  	[tilespmem:s24+$0x5810] =	vst v0  }
.Ltmp0:
0x1b: {  	[tilespmem:s24+$0x5820] =	vst v0;
	(pc) =	sbr.rel @p0 .LBB2_2-.Ltmp0, $4  }
0x1c: {  	[tilespmem:s24+$0x5830] =	vst v0  }
0x1d: {  	[tilespmem:s24+$0x5840] =	vst v0  }
0x1e: {  	[tilespmem:s24+$0x5850] =	vst v0  }
0x1f: {  	[tilespmem:s24+$0x5860] =	vst v0;
	s24 =	sshra.s32 s25, $0x2;
	s25 =	sadd.s32 $0x200, s25  }
0x20: {  	[tilespmem:s24+$0x5870] =	vst v0  }
0x21: {  	[tilespmem:s24+$0x5800] =	vst v0  }
0x22: {  	[tilespmem:s24+$0x5810] =	vst v0  }
0x23: {  	[tilespmem:s24+$0x5820] =	vst v0  }
0x24: {  	[tilespmem:s24+$0x5830] =	vst v0  }
0x25: {  	[tilespmem:s24+$0x5840] =	vst v0  }
0x26: {  	[tilespmem:s24+$0x5850] =	vst v0  }
0x27: {  	[tilespmem:s24+$0x5860] =	vst v0  }
0x28: {  	[spmem:s6] =	stream.linear.scatter [tilespmem:s18], [sflag:$0x2], $0x4000, $0x38;
	[tilespmem:$0x1D880] =	vst v63  }
0x29: {  	_ =	swait.ge [sflag:s16], $0x4000  }
0x2a: {  	[sflag:s16] =	ssyncset.done $0x0  }
0x2b: {  	[sflag:s16] =	ssyncadd.s32 $0xFFFFC000  }
0x2c: {  	[spmem:s9] =	stream.linear.scatter [tilespmem:s18], [sflag:$0x2], $0x4000, $0x38;
	[tilespmem:$0x1D880] =	vst v63  }
0x2d: {  	_ =	swait.ge [sflag:s16], $0x4000  }
0x2e: {  	[sflag:s16] =	ssyncset.done $0x0  }
0x2f: {  	[sflag:s16] =	ssyncadd.s32 $0xFFFFC000  }
0x30: {  	[spmem:s10] =	stream.linear.scatter [tilespmem:s18], [sflag:$0x2], $0x4000, $0x38;
	[tilespmem:$0x1D880] =	vst v63  }
0x31: {  	_ =	swait.ge [sflag:s16], $0x4000  }
0x32: {  	[sflag:s16] =	ssyncset.done $0x0  }
0x33: {  	[sflag:s16] =	ssyncadd.s32 $0xFFFFC000  }
0x34: {  	[spmem:s11] =	stream.linear.scatter [tilespmem:s18], [sflag:$0x2], $0x4000, $0x38;
	[tilespmem:$0x1D880] =	vst v63  }
0x35: {  	_ =	swait.ge [sflag:s16], $0x4000  }
0x36: {  	[sflag:s16] =	ssyncset.done $0x0  }
0x37: {  	[sflag:s16] =	ssyncadd.s32 $0xFFFFC000  }
0x38: {  	[spmem:s12] =	stream.linear.scatter [tilespmem:s18], [sflag:$0x2], $0x4000, $0x38;
	[tilespmem:$0x1D880] =	vst v63  }
0x39: {  	_ =	swait.ge [sflag:s16], $0x4000  }
0x3a: {  	[sflag:s16] =	ssyncset.done $0x0  }
0x3b: {  	[sflag:s16] =	ssyncadd.s32 $0xFFFFC000  }
0x3c: {  	s24 =	simm.s32 $0x0;
	s25 =	simm.s32 $0x0;
	[bflag:$0x0] =	sbarrier.arrive $0xFFFF  }
.LBB2_4:
0x3d: {  	s26 =	sshll.u32 s25, $0x7  }
0x3e: {  	[tilespmem:s18], [sflag:$0x1] =	stream.indirect.gather [hbm4b:s4+s19], $0x80, s26, s19, $0xb8;
	[tilespmem:$0x1D880] =	vst v63  }
0x3f: {  	s28 =	sadd.s32 s13, s25;
	_ =	swait.ge [sflag:s20], $0x4000  }
0x40: {  	s28 =	sshll.u32 s28, $0x4;
	[sflag:s20] =	ssyncset.done $0x0  }
0x41: {  	v1 =	vmov s24;
	s28 =	sadd.s32 s5, s28;
	[sflag:s20] =	ssyncadd.s32 $0xFFFFC000  }
0x42: {  	[tilespmem:s21], [sflag:$0x2] =	stream.linear.gather [hbm4b:s28+s24], $0x80, $0x38;
	[tilespmem:$0x1D880] =	vst v63  }
0x43: {  	_ =	swait.ge [sflag:s16], $0x80  }
0x44: {  	[sflag:s16] =	ssyncset.done $0x0  }
0x45: {  	[sflag:s16] =	ssyncadd.s32 $0xFFFFFF80  }
0x46: {  	s28 =	simm.s32 $0x5820;
	v2 =	vld.idx.msk [tilespmem:v1+s21+$0x0], $0xffff  }
0x47: {  	v3 =	vld [tilespmem:s28+$0xFFFFFFE0];
	_ =	sdelay $0x4  }
0x48: {  	v2 =	vmul.f32 v3, v2;
	_ =	sdelay $0x1  }
0x49: {  	v3 =	vld [tilespmem:s28+$0xFFFFFFF0];
	[tilespmem:s28+$0xFFFFFFE0] =	vst v2  }
0x4a: {  	v2 =	vld.idx.msk [tilespmem:v1+s21+$0x0], $0xffff;
	_ =	sdelay $0x4  }
0x4b: {  	v2 =	vmul.f32 v3, v2;
	_ =	sdelay $0x1  }
0x4c: {  	v3 =	vld [tilespmem:s28+$0x0];
	[tilespmem:s28+$0xFFFFFFF0] =	vst v2  }
0x4d: {  	v2 =	vld.idx.msk [tilespmem:v1+s21+$0x0], $0xffff;
	_ =	sdelay $0x4  }
0x4e: {  	v2 =	vmul.f32 v3, v2;
	_ =	sdelay $0x1  }
0x4f: {  	v3 =	vld [tilespmem:s28+$0x10];
	[tilespmem:s28+$0x0] =	vst v2  }
0x50: {  	v2 =	vld.idx.msk [tilespmem:v1+s21+$0x0], $0xffff;
	_ =	sdelay $0x1  }
0x51: {  	s29 =	simm.s32 $0x1  }
0x52: {  	v1 =	vmov s29;
	s29 =	simm.s32 $0x2  }
.LBB2_5:
0x53: {  	p0 =	sne.s32 s29, $0x7F  }
0x54: {  	v2 =	vmul.f32 v3, v2;
	_ =	sdelay $0x1  }
0x55: {  	[tilespmem:s28+$0x10] =	vst v2  }
0x56: {  	s28 =	sadd.s32 $0x80, s28;
	v2 =	vld.idx.msk [tilespmem:v1+s21+$0x0], $0xffff  }
0x57: {  	v3 =	vld [tilespmem:s28+$0xFFFFFFE0];
	_ =	sdelay $0x4  }
0x58: {  	v2 =	vmul.f32 v3, v2;
	_ =	sdelay $0x1  }
0x59: {  	[tilespmem:s28+$0xFFFFFFE0] =	vst v2  }
0x5a: {  	v2 =	vld.idx.msk [tilespmem:v1+s21+$0x0], $0xffff  }
0x5b: {  	v3 =	vld [tilespmem:s28+$0xFFFFFFF0];
	_ =	sdelay $0x4  }
0x5c: {  	v2 =	vmul.f32 v3, v2;
	_ =	sdelay $0x1  }
0x5d: {  	[tilespmem:s28+$0xFFFFFFF0] =	vst v2  }
0x5e: {  	v2 =	vld.idx.msk [tilespmem:v1+s21+$0x0], $0xffff  }
0x5f: {  	v3 =	vld [tilespmem:s28+$0x0];
	_ =	sdelay $0x4  }
0x60: {  	v2 =	vmul.f32 v3, v2;
	_ =	sdelay $0x1  }
0x61: {  	[tilespmem:s28+$0x0] =	vst v2  }
.Ltmp1:
0x62: {  	v2 =	vld.idx.msk [tilespmem:v1+s21+$0x0], $0xffff;
	(pc) =	sbr.rel @p0 .LBB2_5-.Ltmp1, $2  }
0x63: {  	v3 =	vld [tilespmem:s28+$0x10];
	_ =	sdelay $0x2  }
0x64: {  	v1 =	vmov s29;
	s29 =	sadd.s32 $0x1, s29  }
0x65: {  	_ = 	snop  }
0x66: {  	v2 =	vmul.f32 v3, v2;
	_ =	sdelay $0x1  }
0x67: {  	[tilespmem:s28+$0x10] =	vst v2  }
0x68: {  	s31 =	sadd.s32 $0x80, s28;
	v2 =	vld.idx.msk [tilespmem:v1+s21+$0x0], $0xffff  }
0x69: {  	v3 =	vld [tilespmem:s31+$0xFFFFFFE0];
	_ =	sdelay $0x4  }
0x6a: {  	v2 =	vmul.f32 v3, v2;
	_ =	sdelay $0x1  }
0x6b: {  	v3 =	vld [tilespmem:s31+$0xFFFFFFF0];
	[tilespmem:s31+$0xFFFFFFE0] =	vst v2  }
0x6c: {  	v2 =	vld.idx.msk [tilespmem:v1+s21+$0x0], $0xffff;
	_ =	sdelay $0x4  }
0x6d: {  	v2 =	vmul.f32 v3, v2;
	_ =	sdelay $0x1  }
0x6e: {  	v3 =	vld [tilespmem:s31+$0x0];
	[tilespmem:s31+$0xFFFFFFF0] =	vst v2  }
0x6f: {  	v2 =	vld.idx.msk [tilespmem:v1+s21+$0x0], $0xffff;
	_ =	sdelay $0x4  }
0x70: {  	v2 =	vmul.f32 v3, v2;
	_ =	sdelay $0x1  }
0x71: {  	[tilespmem:s31+$0x0] =	vst v2;
	v2 =	vld [tilespmem:s31+$0x10]  }
0x72: {  	v1 =	vld.idx.msk [tilespmem:v1+s21+$0x0], $0xffff;
	_ =	sdelay $0x4  }
0x73: {  	s25 =	sadd.s32 $0x1, s25;
	v1 =	vmul.f32 v2, v1  }
0x74: {  	p0 =	sne.s32 s25, $0x51  }
.Ltmp2:
0x75: {  	s26 =	sadd.s32 $0x2C00, s26;
	[tilespmem:s31+$0x10] =	vst v1;
	(pc) =	sbr.rel @p0 .LBB2_4-.Ltmp2, $4  }
0x76: {  	[spmem:s2] =	stream.indirect.scatter.add.f32 [tilespmem:s18], [sflag:$0x2], $0x80, s26, s19, $0xb8;
	[tilespmem:$0x1D880] =	vst v63  }
0x77: {  	_ =	swait.ge [sflag:s16], $0x4000  }
0x78: {  	[sflag:s16] =	ssyncset.done $0x0  }
0x79: {  	[sflag:s16] =	ssyncadd.s32 $0xFFFFC000  }
0x7a: {  	s23 =	sadd.s32 $0x1, s23  }
0x7b: {  	p0 =	sne.s32 s23, s15  }
.Ltmp3:
0x7c: {  	[bflag:$0x0] =	sbarrier.arrive $0xFFFF;
	s24 =	sshrl.u32 s6, $0x3;
	(pc) =	sbr.rel @p0 .LBB2_1-.Ltmp3, $4  }
0x7d: {  	[hbm:s14], [sflag:s22] =	dma.local [spmem:s24], $0x2800  }
0x7e: {  	_ =	swait.ge [sflag:s16], $0x2800  }
0x7f: {  	[sflag:s16] =	ssyncset.done $0x0  }
0x80: {  	[sflag:s16] =	ssyncadd.s32 $0xFFFFD800  }
0x81: {  	_ =	sfence.sel $0x180000  }
0x82: {  	[bflag:$0x0] =	sbarrier.arrive $0xFFFF  }
0x83: {  	p0 =	sne.s32 s0, $0x0;
	_ =	strace $0x9000005C  }
0x84: {  	s0 =	sadd.s32 @!p0 $0x100000, s1;
	[bflag:$0x2] =	sbarrier.arrive $0xFFFF  }
0x85: {  	[sflag:s0] =	ssyncadd.tile.s32 @!p0 $0x1;
	_ =	shalt  }
.Lfunc_end2:
_tile_overlayer_lowered:
.L_overlay_start_2:
0x86: {  	(tag) =	ssettag $0x2  }
0x87: {  	s0 =	rddreg [dreg:$0x0];
	s2 =	stileid.u32  }
0x88: {  	s1 =	rddreg [dreg:$0x1];
	p0 =	sne.s32 s2, $0x0  }
0x89: {  	s3 =	rddreg [dreg:$0x2];
	[bflag:$0x3] =	sbarrier.arrive $0xFFFF;
	s2 =	simm.s32 @!p0 $0x1C02  }
0x8a: {  	[timem:s3], [sflag:s2] =	dma.local @!p0 [hbm:s0], s1  }
0x8b: {  	s0 =	simm.s32 @!p0 $0x2  }
0x8c: {  	_ =	swait.ge @!p0 [sflag:s0], s1  }
0x8d: {  	s1 =	ssub.s32 @!p0 $0x0, s1;
	[sflag:s0] =	ssyncset.done @!p0 $0x0  }
0x8e: {  	[sflag:s0] =	ssyncadd.s32 @!p0 s1  }
0x8f: {  	[bflag:$0x3] =	sbarrier.arrive $0xFFFF  }
0x90: {  	_ =	shalt  }

</sc_bundles>
